<compile_context>
chip_gen: v7x
topology: tpu7x:2x2x1
jax: 0.10.2.dev20260603
libtpu: 0.0.44.dev20260713+nightly
codegen_flags: <defaults>
</compile_context>

<pallas_src>
import jax
import jax.numpy as jnp
from jax import lax
from jax.experimental import pallas as pl
from jax.experimental.pallas import tpu as pltpu
from jax.experimental.pallas import tpu_sc as plsc

B = 32
V = 1_000_000
BLK = 8192
CHUNK = 1024
VM = 745_472
S = V - VM
SC_NCH = 2
SC_CH = S // SC_NCH
SC_CH_VREGS = SC_CH // 16

_ROTS_EVEN = (13, 15, 26, 6)
_ROTS_ODD = (17, 29, 16, 24)
_K0 = 0
_K1 = 42
_K2 = _K0 ^ _K1 ^ 0x1BD11BDA
_KS = (_K0, _K1, _K2)
_TINY = float(jnp.finfo(jnp.float32).tiny)
_NEG_INF = float("-inf")


def _rotl(x, r):
    return (x << jnp.uint32(r)) + (x >> jnp.uint32(32 - r))


def _rotl_i32(x, r):
    return (x << jnp.int32(r)) + lax.shift_right_logical(x, jnp.int32(32 - r))


def _threefry_bits(x1, rotl, const):
    x0 = x1
    x1 = rotl(x1, _ROTS_EVEN[0]) ^ x0
    for r in _ROTS_EVEN[1:]:
        x0 = x0 + x1
        x1 = rotl(x1, r) ^ x0
    x0 = x0 + const(_KS[1])
    x1 = x1 + const(_KS[2] + 1)
    for g in range(1, 5):
        rots = _ROTS_EVEN if g % 2 == 0 else _ROTS_ODD
        for r in rots:
            x0 = x0 + x1
            x1 = rotl(x1, r) ^ x0
        x0 = x0 + const((_KS[(g + 1) % 3]) & 0xFFFFFFFF)
        x1 = x1 + const((_KS[(g + 2) % 3] + (g + 1)) & 0xFFFFFFFF)
    return x0 ^ x1


def _u32c(v):
    return jnp.uint32(v & 0xFFFFFFFF)


def _i32c(v):
    v &= 0xFFFFFFFF
    return jnp.int32(v - (1 << 32) if v >= (1 << 31) else v)


def _gumbel_from_bits_u32(bits):
    tiny = jnp.float32(_TINY)
    fb = (bits >> jnp.uint32(9)) | jnp.uint32(0x3F800000)
    floats = lax.bitcast_convert_type(fb, jnp.float32) - jnp.float32(1.0)
    u = jnp.maximum(tiny, floats + tiny)
    return -jnp.log(-jnp.log(u))


def _gumbel_from_bits_i32(bits):
    tiny = jnp.float32(_TINY)
    fb = lax.shift_right_logical(bits, jnp.int32(9)) | jnp.int32(0x3F800000)
    floats = lax.bitcast_convert_type(fb, jnp.float32) - jnp.float32(1.0)
    u = jnp.maximum(tiny, floats + tiny)
    return -jnp.log(-jnp.log(u))



def _sc_bits_body(iota_hbm, out_hbm, jv_ref, buf_ref):
    c = lax.axis_index("c")
    s = lax.axis_index("s")
    wid = s * 2 + c
    pltpu.sync_copy(iota_hbm, jv_ref)
    j0 = jv_ref[...] + (wid * V + VM + _K1)

    for ch in range(SC_NCH):
        @pl.loop(0, SC_CH_VREGS, init_carry=j0, unroll=4)
        def _body(t, j):
            bits = _threefry_bits(j, _rotl_i32, _i32c)
            buf_ref[pl.ds(t * 16, 16)] = bits
            return j + 16

        j0 = _body
        pltpu.sync_copy(buf_ref, out_hbm.at[pl.ds(wid * S + ch * SC_CH, SC_CH)])


def _sc_bits(iota16):
    return pl.kernel(
        _sc_bits_body,
        out_type=jax.ShapeDtypeStruct((B * S,), jnp.int32),
        mesh=plsc.VectorSubcoreMesh(core_axis_name="c", subcore_axis_name="s"),
        scratch_types=[
            pltpu.VMEM((16,), jnp.int32),
            pltpu.VMEM((SC_CH,), jnp.int32),
        ],
    )(iota16)



def _main_kernel(logits_ref, maxv_ref, idx_ref, accv_ref, accj_ref, base_ref):
    i = pl.program_id(0)
    nsteps = pl.num_programs(0)
    neg_inf = jnp.float32(_NEG_INF)

    @pl.when(i == 0)
    def _init():
        accv_ref[...] = jnp.full((B, CHUNK), neg_inf, jnp.float32)
        accj_ref[...] = jnp.zeros((B, CHUNK), jnp.uint32)
        row = lax.broadcasted_iota(jnp.int32, (B, CHUNK), 0)
        chunk_col = lax.broadcasted_iota(jnp.int32, (B, CHUNK), 1)
        base_ref[...] = (row * V + chunk_col + _K1).astype(jnp.uint32)

    c0 = i * BLK
    base = base_ref[...]
    accv = accv_ref[...]
    accj = accj_ref[...]
    for k in range(BLK // CHUNK):
        off = c0 + k * CHUNK
        jp = base + off.astype(jnp.uint32)
        v = _gumbel_from_bits_u32(_threefry_bits(jp, _rotl, _u32c)) + \
            logits_ref[:, k * CHUNK:(k + 1) * CHUNK]
        better = v > accv
        accv = jnp.maximum(accv, v)
        accj = jnp.where(better, jp, accj)
    accv_ref[...] = accv
    accj_ref[...] = accj

    @pl.when(i == nsteps - 1)
    def _done():
        accv = accv_ref[...]
        m = jnp.max(accv, axis=1, keepdims=True)
        accj_i = accj_ref[...].astype(jnp.int32)
        jbest = jnp.min(
            jnp.where(accv == m, accj_i, jnp.int32(2**31 - 1)),
            axis=1, keepdims=True)
        row = lax.broadcasted_iota(jnp.int32, (B, 1), 0)
        maxv_ref[...] = m
        idx_ref[...] = jbest - _K1 - row * V



_TBLK = 8192
_TSTEPS = pl.cdiv(S, _TBLK)


def _tail_kernel(bits_ref, logits_ref, mmax_ref, midx_ref, out_ref,
                 accv_ref, accc_ref):
    i = pl.program_id(0)
    neg_inf = jnp.float32(_NEG_INF)

    @pl.when(i == 0)
    def _init():
        accv_ref[...] = jnp.full((B, CHUNK), neg_inf, jnp.float32)
        accc_ref[...] = jnp.zeros((B, CHUNK), jnp.int32)

    chunk_col = lax.broadcasted_iota(jnp.int32, (B, CHUNK), 1)
    accv = accv_ref[...]
    accc = accc_ref[...]
    for k in range(_TBLK // CHUNK):
        off = i * _TBLK + k * CHUNK
        v = _gumbel_from_bits_i32(bits_ref[:, k * CHUNK:(k + 1) * CHUNK]) + \
            logits_ref[:, k * CHUNK:(k + 1) * CHUNK]
        v = jnp.where(chunk_col < S - off, v, neg_inf)
        col = chunk_col + off
        better = v > accv
        accv = jnp.maximum(accv, v)
        accc = jnp.where(better, col, accc)
    accv_ref[...] = accv
    accc_ref[...] = accc

    @pl.when(i == _TSTEPS - 1)
    def _done():
        accv = accv_ref[...]
        m = jnp.max(accv, axis=1, keepdims=True)
        cbest = jnp.min(
            jnp.where(accv == m, accc_ref[...], jnp.int32(2**31 - 1)),
            axis=1, keepdims=True)
        use_tail = m > mmax_ref[...]
        out_ref[...] = jnp.where(use_tail, cbest + VM, midx_ref[...])


@jax.jit
def kernel(logits):
    iota16 = jnp.arange(16, dtype=jnp.int32)
    bits = _sc_bits(iota16).reshape(B, S)

    maxv, midx = pl.pallas_call(
        _main_kernel,
        grid=(VM // BLK,),
        in_specs=[pl.BlockSpec((B, BLK), lambda i: (0, i))],
        out_specs=[pl.BlockSpec((B, 1), lambda i: (0, 0)),
                   pl.BlockSpec((B, 1), lambda i: (0, 0))],
        out_shape=[jax.ShapeDtypeStruct((B, 1), jnp.float32),
                   jax.ShapeDtypeStruct((B, 1), jnp.int32)],
        scratch_shapes=[
            pltpu.VMEM((B, CHUNK), jnp.float32),
            pltpu.VMEM((B, CHUNK), jnp.uint32),
            pltpu.VMEM((B, CHUNK), jnp.uint32),
        ],
    )(logits)

    out = pl.pallas_call(
        _tail_kernel,
        grid=(_TSTEPS,),
        in_specs=[pl.BlockSpec((B, _TBLK), lambda i: (0, i)),
                  pl.BlockSpec((B, _TBLK), lambda i: (0, i + VM // _TBLK)),
                  pl.BlockSpec((B, 1), lambda i: (0, 0)),
                  pl.BlockSpec((B, 1), lambda i: (0, 0))],
        out_specs=pl.BlockSpec((B, 1), lambda i: (0, 0)),
        out_shape=jax.ShapeDtypeStruct((B, 1), jnp.int32),
        scratch_shapes=[
            pltpu.VMEM((B, CHUNK), jnp.float32),
            pltpu.VMEM((B, CHUNK), jnp.int32),
        ],
    )(bits, logits, maxv, midx)
    return out[:, 0].astype(jnp.int64)

# --- scband reference (transcript-rebuilt; emitter-appended) ---
"""Pipeline reference for scband-probability-distribution-10084583211532 (READ-ONLY COPY).

The authoritative reference and input builder live on the scoring server;
editing this copy changes nothing except your own understanding.
"""

import jax, jax.numpy as jnp
import numpy as np


def setup_inputs(seed: int = 0) -> dict:
    key = jax.random.key(seed)
    logits = jax.random.normal(key, (32, 1000000), dtype=jnp.float32)
    return {"logits": logits}


def reference(logits):
    # Faithful translation of tf.squeeze(tf.random.categorical(logits, 1), axis=-1):
    # sample one class index per row from the categorical distribution defined by logits.
    # jax.random.categorical implements Gumbel-max sampling over the last axis and
    # returns shape [B] directly (equivalent to num_samples=1 + squeeze).
    key = jax.random.key(42)
    samples = jax.random.categorical(key, logits, axis=-1)
    return samples.astype(jnp.int64)

if __name__ == "__main__":
    import jax
    _d = setup_inputs()
    print(jax.jit(kernel)(*tuple(_d.values())))

</pallas_src>

<mosaic_0001>
#map = affine_map<(d0, d1) -> (0)>
module attributes {stable_mosaic.version = 14 : i64} {
  func.func @_sc_bits_body(%arg0: i32, %arg1: i32, %arg2: memref<16xi32, #tpu.memory_space<hbm>>, %arg3: memref<8144896xi32, #tpu.memory_space<hbm>>, %arg4: memref<16xi32, #tpu.memory_space<vmem>>, %arg5: memref<127264xi32, #tpu.memory_space<vmem>>) attributes {dimension_semantics = [#tpu.dimension_semantics<core_parallel>, #tpu.dimension_semantics<subcore_parallel>], iteration_bounds = array<i64: 2, 16>, scalar_prefetch = 0 : i64, scratch_operands = 2 : i64, tpu.core_type = #tpu.core_type<sc_vector_subcore>, window_params = [{transform_indices = #map}, {transform_indices = #map}]} {
    %mul3A = arith.constant 2 : i32
    %mul3A_0 = arith.muli %arg1, %mul3A : i32
    %add3A = arith.addi %mul3A_0, %arg0 : i32
    "tpu.region"() ({
      %run_scoped3A = tpu.sem_alloc : memref<!tpu.dma_semaphore, #tpu.memory_space<semaphore_mem>>
      tpu.enqueue_dma source(%arg2 : memref<16xi32, #tpu.memory_space<hbm>>) target(%arg4 : memref<16xi32, #tpu.memory_space<vmem>>) target_semaphore(%run_scoped3A : memref<!tpu.dma_semaphore, #tpu.memory_space<semaphore_mem>>)
      tpu.wait_dma2 semaphore(%run_scoped3A : memref<!tpu.dma_semaphore, #tpu.memory_space<semaphore_mem>>) src(%arg2 : memref<16xi32, #tpu.memory_space<hbm>>) dst(%arg4 : memref<16xi32, #tpu.memory_space<vmem>>)
      tpu.yield
    }) : () -> ()
    %get3A = arith.constant 0 : index
    %get3A_1 = tpu.vector_load %arg4[%get3A] {strides = array<i32>} : memref<16xi32, #tpu.memory_space<vmem>>, vector<16xi32>,
    %get3A_2 = vector.shape_cast %get3A_1 : vector<16xi32> to vector<16xi32>
    %mul3A_3 = arith.constant 1000000 : i32
    %mul3A_4 = arith.muli %add3A, %mul3A_3 : i32
    %add3A_5 = arith.constant 745472 : i32
    %add3A_6 = arith.addi %mul3A_4, %add3A_5 : i32
    %add3A_7 = arith.constant 42 : i32
    %add3A_8 = arith.addi %add3A_6, %add3A_7 : i32
    %add3A_9 = vector.broadcast %add3A_8 : i32 to vector<16xi32>
    %add3A_10 = arith.addi %get3A_2, %add3A_9 : vector<16xi32>
    %scan3A = arith.constant 0 : i32
    %scan3A_11 = arith.constant 7952 : i32
    %scan3A_12 = arith.addi %scan3A, %scan3A_11 : i32
    %scan3A_13 = arith.constant 4 : i32
    %scan3A_14 = scf.for %scan3A_926 = %scan3A to %scan3A_12 step %scan3A_13 iter_args(%scan3A_927 = %add3A_10) -> (vector<16xi32>)  : i32 {
      %mul3A_928 = arith.constant 1 : i32
      %mul3A_929 = arith.muli %scan3A_926, %mul3A_928 : i32
      %add3A_930 = arith.constant 0 : i32
      %add3A_931 = arith.addi %add3A_930, %mul3A_929 : i32
      %shift_left3A_932 = arith.constant 13 : i32
      %shift_left3A_933 = vector.broadcast %shift_left3A_932 : i32 to vector<16xi32>
      %shift_left3A_934 = arith.shli %scan3A_927, %shift_left3A_933 : vector<16xi32>
      %shift_right_logical3A_935 = arith.constant 19 : i32
      %shift_right_logical3A_936 = vector.broadcast %shift_right_logical3A_935 : i32 to vector<16xi32>
      %shift_right_logical3A_937 = arith.shrui %scan3A_927, %shift_right_logical3A_936 : vector<16xi32>
      %add3A_938 = arith.addi %shift_left3A_934, %shift_right_logical3A_937 : vector<16xi32>
      %xor3A_939 = arith.xori %add3A_938, %scan3A_927 : vector<16xi32>
      %add3A_940 = arith.addi %scan3A_927, %xor3A_939 : vector<16xi32>
      %shift_left3A_941 = arith.constant 15 : i32
      %shift_left3A_942 = vector.broadcast %shift_left3A_941 : i32 to vector<16xi32>
      %shift_left3A_943 = arith.shli %xor3A_939, %shift_left3A_942 : vector<16xi32>
      %shift_right_logical3A_944 = arith.constant 17 : i32
      %shift_right_logical3A_945 = vector.broadcast %shift_right_logical3A_944 : i32 to vector<16xi32>
      %shift_right_logical3A_946 = arith.shrui %xor3A_939, %shift_right_logical3A_945 : vector<16xi32>
      %add3A_947 = arith.addi %shift_left3A_943, %shift_right_logical3A_946 : vector<16xi32>
      %xor3A_948 = arith.xori %add3A_947, %add3A_940 : vector<16xi32>
      %add3A_949 = arith.addi %add3A_940, %xor3A_948 : vector<16xi32>
      %shift_left3A_950 = arith.constant 26 : i32
      %shift_left3A_951 = vector.broadcast %shift_left3A_950 : i32 to vector<16xi32>
      %shift_left3A_952 = arith.shli %xor3A_948, %shift_left3A_951 : vector<16xi32>
      %shift_right_logical3A_953 = arith.constant 6 : i32
      %shift_right_logical3A_954 = vector.broadcast %shift_right_logical3A_953 : i32 to vector<16xi32>
      %shift_right_logical3A_955 = arith.shrui %xor3A_948, %shift_right_logical3A_954 : vector<16xi32>
      %add3A_956 = arith.addi %shift_left3A_952, %shift_right_logical3A_955 : vector<16xi32>
      %xor3A_957 = arith.xori %add3A_956, %add3A_949 : vector<16xi32>
      %add3A_958 = arith.addi %add3A_949, %xor3A_957 : vector<16xi32>
      %shift_left3A_959 = arith.constant 6 : i32
      %shift_left3A_960 = vector.broadcast %shift_left3A_959 : i32 to vector<16xi32>
      %shift_left3A_961 = arith.shli %xor3A_957, %shift_left3A_960 : vector<16xi32>
      %shift_right_logical3A_962 = arith.constant 26 : i32
      %shift_right_logical3A_963 = vector.broadcast %shift_right_logical3A_962 : i32 to vector<16xi32>
      %shift_right_logical3A_964 = arith.shrui %xor3A_957, %shift_right_logical3A_963 : vector<16xi32>
      %add3A_965 = arith.addi %shift_left3A_961, %shift_right_logical3A_964 : vector<16xi32>
      %xor3A_966 = arith.xori %add3A_965, %add3A_958 : vector<16xi32>
      %add3A_967 = arith.constant 42 : i32
      %add3A_968 = vector.broadcast %add3A_967 : i32 to vector<16xi32>
      %add3A_969 = arith.addi %add3A_958, %add3A_968 : vector<16xi32>
      %add3A_970 = arith.constant 466689009 : i32
      %add3A_971 = vector.broadcast %add3A_970 : i32 to vector<16xi32>
      %add3A_972 = arith.addi %xor3A_966, %add3A_971 : vector<16xi32>
      %add3A_973 = arith.addi %add3A_969, %add3A_972 : vector<16xi32>
      %shift_left3A_974 = arith.constant 17 : i32
      %shift_left3A_975 = vector.broadcast %shift_left3A_974 : i32 to vector<16xi32>
      %shift_left3A_976 = arith.shli %add3A_972, %shift_left3A_975 : vector<16xi32>
      %shift_right_logical3A_977 = arith.constant 15 : i32
      %shift_right_logical3A_978 = vector.broadcast %shift_right_logical3A_977 : i32 to vector<16xi32>
      %shift_right_logical3A_979 = arith.shrui %add3A_972, %shift_right_logical3A_978 : vector<16xi32>
      %add3A_980 = arith.addi %shift_left3A_976, %shift_right_logical3A_979 : vector<16xi32>
      %xor3A_981 = arith.xori %add3A_980, %add3A_973 : vector<16xi32>
      %add3A_982 = arith.addi %add3A_973, %xor3A_981 : vector<16xi32>
      %shift_left3A_983 = arith.constant 29 : i32
      %shift_left3A_984 = vector.broadcast %shift_left3A_983 : i32 to vector<16xi32>
      %shift_left3A_985 = arith.shli %xor3A_981, %shift_left3A_984 : vector<16xi32>
      %shift_right_logical3A_986 = arith.constant 3 : i32
      %shift_right_logical3A_987 = vector.broadcast %shift_right_logical3A_986 : i32 to vector<16xi32>
      %shift_right_logical3A_988 = arith.shrui %xor3A_981, %shift_right_logical3A_987 : vector<16xi32>
      %add3A_989 = arith.addi %shift_left3A_985, %shift_right_logical3A_988 : vector<16xi32>
      %xor3A_990 = arith.xori %add3A_989, %add3A_982 : vector<16xi32>
      %add3A_991 = arith.addi %add3A_982, %xor3A_990 : vector<16xi32>
      %shift_left3A_992 = arith.constant 16 : i32
      %shift_left3A_993 = vector.broadcast %shift_left3A_992 : i32 to vector<16xi32>
      %shift_left3A_994 = arith.shli %xor3A_990, %shift_left3A_993 : vector<16xi32>
      %shift_right_logical3A_995 = arith.constant 16 : i32
      %shift_right_logical3A_996 = vector.broadcast %shift_right_logical3A_995 : i32 to vector<16xi32>
      %shift_right_logical3A_997 = arith.shrui %xor3A_990, %shift_right_logical3A_996 : vector<16xi32>
      %add3A_998 = arith.addi %shift_left3A_994, %shift_right_logical3A_997 : vector<16xi32>
      %xor3A_999 = arith.xori %add3A_998, %add3A_991 : vector<16xi32>
      %add3A_1000 = arith.addi %add3A_991, %xor3A_999 : vector<16xi32>
      %shift_left3A_1001 = arith.constant 24 : i32
      %shift_left3A_1002 = vector.broadcast %shift_left3A_1001 : i32 to vector<16xi32>
      %shift_left3A_1003 = arith.shli %xor3A_999, %shift_left3A_1002 : vector<16xi32>
      %shift_right_logical3A_1004 = arith.constant 8 : i32
      %shift_right_logical3A_1005 = vector.broadcast %shift_right_logical3A_1004 : i32 to vector<16xi32>
      %shift_right_logical3A_1006 = arith.shrui %xor3A_999, %shift_right_logical3A_1005 : vector<16xi32>
      %add3A_1007 = arith.addi %shift_left3A_1003, %shift_right_logical3A_1006 : vector<16xi32>
      %xor3A_1008 = arith.xori %add3A_1007, %add3A_1000 : vector<16xi32>
      %add3A_1009 = arith.constant 466689008 : i32
      %add3A_1010 = vector.broadcast %add3A_1009 : i32 to vector<16xi32>
      %add3A_1011 = arith.addi %add3A_1000, %add3A_1010 : vector<16xi32>
      %add3A_1012 = arith.constant 2 : i32
      %add3A_1013 = vector.broadcast %add3A_1012 : i32 to vector<16xi32>
      %add3A_1014 = arith.addi %xor3A_1008, %add3A_1013 : vector<16xi32>
      %add3A_1015 = arith.addi %add3A_1011, %add3A_1014 : vector<16xi32>
      %shift_left3A_1016 = arith.constant 13 : i32
      %shift_left3A_1017 = vector.broadcast %shift_left3A_1016 : i32 to vector<16xi32>
      %shift_left3A_1018 = arith.shli %add3A_1014, %shift_left3A_1017 : vector<16xi32>
      %shift_right_logical3A_1019 = arith.constant 19 : i32
      %shift_right_logical3A_1020 = vector.broadcast %shift_right_logical3A_1019 : i32 to vector<16xi32>
      %shift_right_logical3A_1021 = arith.shrui %add3A_1014, %shift_right_logical3A_1020 : vector<16xi32>
      %add3A_1022 = arith.addi %shift_left3A_1018, %shift_right_logical3A_1021 : vector<16xi32>
      %xor3A_1023 = arith.xori %add3A_1022, %add3A_1015 : vector<16xi32>
      %add3A_1024 = arith.addi %add3A_1015, %xor3A_1023 : vector<16xi32>
      %shift_left3A_1025 = arith.constant 15 : i32
      %shift_left3A_1026 = vector.broadcast %shift_left3A_1025 : i32 to vector<16xi32>
      %shift_left3A_1027 = arith.shli %xor3A_1023, %shift_left3A_1026 : vector<16xi32>
      %shift_right_logical3A_1028 = arith.constant 17 : i32
      %shift_right_logical3A_1029 = vector.broadcast %shift_right_logical3A_1028 : i32 to vector<16xi32>
      %shift_right_logical3A_1030 = arith.shrui %xor3A_1023, %shift_right_logical3A_1029 : vector<16xi32>
      %add3A_1031 = arith.addi %shift_left3A_1027, %shift_right_logical3A_1030 : vector<16xi32>
      %xor3A_1032 = arith.xori %add3A_1031, %add3A_1024 : vector<16xi32>
      %add3A_1033 = arith.addi %add3A_1024, %xor3A_1032 : vector<16xi32>
      %shift_left3A_1034 = arith.constant 26 : i32
      %shift_left3A_1035 = vector.broadcast %shift_left3A_1034 : i32 to vector<16xi32>
      %shift_left3A_1036 = arith.shli %xor3A_1032, %shift_left3A_1035 : vector<16xi32>
      %shift_right_logical3A_1037 = arith.constant 6 : i32
      %shift_right_logical3A_1038 = vector.broadcast %shift_right_logical3A_1037 : i32 to vector<16xi32>
      %shift_right_logical3A_1039 = arith.shrui %xor3A_1032, %shift_right_logical3A_1038 : vector<16xi32>
      %add3A_1040 = arith.addi %shift_left3A_1036, %shift_right_logical3A_1039 : vector<16xi32>
      %xor3A_1041 = arith.xori %add3A_1040, %add3A_1033 : vector<16xi32>
      %add3A_1042 = arith.addi %add3A_1033, %xor3A_1041 : vector<16xi32>
      %shift_left3A_1043 = arith.constant 6 : i32
      %shift_left3A_1044 = vector.broadcast %shift_left3A_1043 : i32 to vector<16xi32>
      %shift_left3A_1045 = arith.shli %xor3A_1041, %shift_left3A_1044 : vector<16xi32>
      %shift_right_logical3A_1046 = arith.constant 26 : i32
      %shift_right_logical3A_1047 = vector.broadcast %shift_right_logical3A_1046 : i32 to vector<16xi32>
      %shift_right_logical3A_1048 = arith.shrui %xor3A_1041, %shift_right_logical3A_1047 : vector<16xi32>
      %add3A_1049 = arith.addi %shift_left3A_1045, %shift_right_logical3A_1048 : vector<16xi32>
      %xor3A_1050 = arith.xori %add3A_1049, %add3A_1042 : vector<16xi32>
      %add3A_1051 = arith.constant 0 : i32
      %add3A_1052 = vector.broadcast %add3A_1051 : i32 to vector<16xi32>
      %add3A_1053 = arith.addi %add3A_1042, %add3A_1052 : vector<16xi32>
      %add3A_1054 = arith.constant 45 : i32
      %add3A_1055 = vector.broadcast %add3A_1054 : i32 to vector<16xi32>
      %add3A_1056 = arith.addi %xor3A_1050, %add3A_1055 : vector<16xi32>
      %add3A_1057 = arith.addi %add3A_1053, %add3A_1056 : vector<16xi32>
      %shift_left3A_1058 = arith.constant 17 : i32
      %shift_left3A_1059 = vector.broadcast %shift_left3A_1058 : i32 to vector<16xi32>
      %shift_left3A_1060 = arith.shli %add3A_1056, %shift_left3A_1059 : vector<16xi32>
      %shift_right_logical3A_1061 = arith.constant 15 : i32
      %shift_right_logical3A_1062 = vector.broadcast %shift_right_logical3A_1061 : i32 to vector<16xi32>
      %shift_right_logical3A_1063 = arith.shrui %add3A_1056, %shift_right_logical3A_1062 : vector<16xi32>
      %add3A_1064 = arith.addi %shift_left3A_1060, %shift_right_logical3A_1063 : vector<16xi32>
      %xor3A_1065 = arith.xori %add3A_1064, %add3A_1057 : vector<16xi32>
      %add3A_1066 = arith.addi %add3A_1057, %xor3A_1065 : vector<16xi32>
      %shift_left3A_1067 = arith.constant 29 : i32
      %shift_left3A_1068 = vector.broadcast %shift_left3A_1067 : i32 to vector<16xi32>
      %shift_left3A_1069 = arith.shli %xor3A_1065, %shift_left3A_1068 : vector<16xi32>
      %shift_right_logical3A_1070 = arith.constant 3 : i32
      %shift_right_logical3A_1071 = vector.broadcast %shift_right_logical3A_1070 : i32 to vector<16xi32>
      %shift_right_logical3A_1072 = arith.shrui %xor3A_1065, %shift_right_logical3A_1071 : vector<16xi32>
      %add3A_1073 = arith.addi %shift_left3A_1069, %shift_right_logical3A_1072 : vector<16xi32>
      %xor3A_1074 = arith.xori %add3A_1073, %add3A_1066 : vector<16xi32>
      %add3A_1075 = arith.addi %add3A_1066, %xor3A_1074 : vector<16xi32>
      %shift_left3A_1076 = arith.constant 16 : i32
      %shift_left3A_1077 = vector.broadcast %shift_left3A_1076 : i32 to vector<16xi32>
      %shift_left3A_1078 = arith.shli %xor3A_1074, %shift_left3A_1077 : vector<16xi32>
      %shift_right_logical3A_1079 = arith.constant 16 : i32
      %shift_right_logical3A_1080 = vector.broadcast %shift_right_logical3A_1079 : i32 to vector<16xi32>
      %shift_right_logical3A_1081 = arith.shrui %xor3A_1074, %shift_right_logical3A_1080 : vector<16xi32>
      %add3A_1082 = arith.addi %shift_left3A_1078, %shift_right_logical3A_1081 : vector<16xi32>
      %xor3A_1083 = arith.xori %add3A_1082, %add3A_1075 : vector<16xi32>
      %add3A_1084 = arith.addi %add3A_1075, %xor3A_1083 : vector<16xi32>
      %shift_left3A_1085 = arith.constant 24 : i32
      %shift_left3A_1086 = vector.broadcast %shift_left3A_1085 : i32 to vector<16xi32>
      %shift_left3A_1087 = arith.shli %xor3A_1083, %shift_left3A_1086 : vector<16xi32>
      %shift_right_logical3A_1088 = arith.constant 8 : i32
      %shift_right_logical3A_1089 = vector.broadcast %shift_right_logical3A_1088 : i32 to vector<16xi32>
      %shift_right_logical3A_1090 = arith.shrui %xor3A_1083, %shift_right_logical3A_1089 : vector<16xi32>
      %add3A_1091 = arith.addi %shift_left3A_1087, %shift_right_logical3A_1090 : vector<16xi32>
      %xor3A_1092 = arith.xori %add3A_1091, %add3A_1084 : vector<16xi32>
      %add3A_1093 = arith.constant 42 : i32
      %add3A_1094 = vector.broadcast %add3A_1093 : i32 to vector<16xi32>
      %add3A_1095 = arith.addi %add3A_1084, %add3A_1094 : vector<16xi32>
      %add3A_1096 = arith.constant 466689012 : i32
      %add3A_1097 = vector.broadcast %add3A_1096 : i32 to vector<16xi32>
      %add3A_1098 = arith.addi %xor3A_1092, %add3A_1097 : vector<16xi32>
      %add3A_1099 = arith.addi %add3A_1095, %add3A_1098 : vector<16xi32>
      %shift_left3A_1100 = arith.constant 13 : i32
      %shift_left3A_1101 = vector.broadcast %shift_left3A_1100 : i32 to vector<16xi32>
      %shift_left3A_1102 = arith.shli %add3A_1098, %shift_left3A_1101 : vector<16xi32>
      %shift_right_logical3A_1103 = arith.constant 19 : i32
      %shift_right_logical3A_1104 = vector.broadcast %shift_right_logical3A_1103 : i32 to vector<16xi32>
      %shift_right_logical3A_1105 = arith.shrui %add3A_1098, %shift_right_logical3A_1104 : vector<16xi32>
      %add3A_1106 = arith.addi %shift_left3A_1102, %shift_right_logical3A_1105 : vector<16xi32>
      %xor3A_1107 = arith.xori %add3A_1106, %add3A_1099 : vector<16xi32>
      %add3A_1108 = arith.addi %add3A_1099, %xor3A_1107 : vector<16xi32>
      %shift_left3A_1109 = arith.constant 15 : i32
      %shift_left3A_1110 = vector.broadcast %shift_left3A_1109 : i32 to vector<16xi32>
      %shift_left3A_1111 = arith.shli %xor3A_1107, %shift_left3A_1110 : vector<16xi32>
      %shift_right_logical3A_1112 = arith.constant 17 : i32
      %shift_right_logical3A_1113 = vector.broadcast %shift_right_logical3A_1112 : i32 to vector<16xi32>
      %shift_right_logical3A_1114 = arith.shrui %xor3A_1107, %shift_right_logical3A_1113 : vector<16xi32>
      %add3A_1115 = arith.addi %shift_left3A_1111, %shift_right_logical3A_1114 : vector<16xi32>
      %xor3A_1116 = arith.xori %add3A_1115, %add3A_1108 : vector<16xi32>
      %add3A_1117 = arith.addi %add3A_1108, %xor3A_1116 : vector<16xi32>
      %shift_left3A_1118 = arith.constant 26 : i32
      %shift_left3A_1119 = vector.broadcast %shift_left3A_1118 : i32 to vector<16xi32>
      %shift_left3A_1120 = arith.shli %xor3A_1116, %shift_left3A_1119 : vector<16xi32>
      %shift_right_logical3A_1121 = arith.constant 6 : i32
      %shift_right_logical3A_1122 = vector.broadcast %shift_right_logical3A_1121 : i32 to vector<16xi32>
      %shift_right_logical3A_1123 = arith.shrui %xor3A_1116, %shift_right_logical3A_1122 : vector<16xi32>
      %add3A_1124 = arith.addi %shift_left3A_1120, %shift_right_logical3A_1123 : vector<16xi32>
      %xor3A_1125 = arith.xori %add3A_1124, %add3A_1117 : vector<16xi32>
      %add3A_1126 = arith.addi %add3A_1117, %xor3A_1125 : vector<16xi32>
      %shift_left3A_1127 = arith.constant 6 : i32
      %shift_left3A_1128 = vector.broadcast %shift_left3A_1127 : i32 to vector<16xi32>
      %shift_left3A_1129 = arith.shli %xor3A_1125, %shift_left3A_1128 : vector<16xi32>
      %shift_right_logical3A_1130 = arith.constant 26 : i32
      %shift_right_logical3A_1131 = vector.broadcast %shift_right_logical3A_1130 : i32 to vector<16xi32>
      %shift_right_logical3A_1132 = arith.shrui %xor3A_1125, %shift_right_logical3A_1131 : vector<16xi32>
      %add3A_1133 = arith.addi %shift_left3A_1129, %shift_right_logical3A_1132 : vector<16xi32>
      %xor3A_1134 = arith.xori %add3A_1133, %add3A_1126 : vector<16xi32>
      %add3A_1135 = arith.constant 466689008 : i32
      %add3A_1136 = vector.broadcast %add3A_1135 : i32 to vector<16xi32>
      %add3A_1137 = arith.addi %add3A_1126, %add3A_1136 : vector<16xi32>
      %add3A_1138 = arith.constant 5 : i32
      %add3A_1139 = vector.broadcast %add3A_1138 : i32 to vector<16xi32>
      %add3A_1140 = arith.addi %xor3A_1134, %add3A_1139 : vector<16xi32>
      %xor3A_1141 = arith.xori %add3A_1137, %add3A_1140 : vector<16xi32>
      %mul3A_1142 = arith.constant 16 : i32
      %mul3A_1143 = arith.muli %add3A_931, %mul3A_1142 : i32
      %swap3A_1144 = arith.index_cast %mul3A_1143 : i32 to index
      %swap3A_1145 = tpu.vector_load %arg5[%swap3A_1144] {strides = array<i32>} : memref<127264xi32, #tpu.memory_space<vmem>>, vector<16xi32>,
      %swap3A_1146 = vector.shape_cast %swap3A_1145 : vector<16xi32> to vector<16xi32>
      %swap3A_1147 = vector.shape_cast %xor3A_1141 : vector<16xi32> to vector<16xi32>
      tpu.vector_store %arg5[%swap3A_1144], %swap3A_1147 {strides = array<i32>} : memref<127264xi32, #tpu.memory_space<vmem>>, vector<16xi32>,
      %add3A_1148 = arith.constant 16 : i32
      %add3A_1149 = vector.broadcast %add3A_1148 : i32 to vector<16xi32>
      %add3A_1150 = arith.addi %scan3A_927, %add3A_1149 : vector<16xi32>
      %scan3A_1151 = arith.constant 1 : i32
      %scan3A_1152 = arith.addi %scan3A_926, %scan3A_1151 : i32
      %mul3A_1153 = arith.constant 1 : i32
      %mul3A_1154 = arith.muli %scan3A_1152, %mul3A_1153 : i32
      %add3A_1155 = arith.constant 0 : i32
      %add3A_1156 = arith.addi %add3A_1155, %mul3A_1154 : i32
      %shift_left3A_1157 = arith.constant 13 : i32
      %shift_left3A_1158 = vector.broadcast %shift_left3A_1157 : i32 to vector<16xi32>
      %shift_left3A_1159 = arith.shli %add3A_1150, %shift_left3A_1158 : vector<16xi32>
      %shift_right_logical3A_1160 = arith.constant 19 : i32
      %shift_right_logical3A_1161 = vector.broadcast %shift_right_logical3A_1160 : i32 to vector<16xi32>
      %shift_right_logical3A_1162 = arith.shrui %add3A_1150, %shift_right_logical3A_1161 : vector<16xi32>
      %add3A_1163 = arith.addi %shift_left3A_1159, %shift_right_logical3A_1162 : vector<16xi32>
      %xor3A_1164 = arith.xori %add3A_1163, %add3A_1150 : vector<16xi32>
      %add3A_1165 = arith.addi %add3A_1150, %xor3A_1164 : vector<16xi32>
      %shift_left3A_1166 = arith.constant 15 : i32
      %shift_left3A_1167 = vector.broadcast %shift_left3A_1166 : i32 to vector<16xi32>
      %shift_left3A_1168 = arith.shli %xor3A_1164, %shift_left3A_1167 : vector<16xi32>
      %shift_right_logical3A_1169 = arith.constant 17 : i32
      %shift_right_logical3A_1170 = vector.broadcast %shift_right_logical3A_1169 : i32 to vector<16xi32>
      %shift_right_logical3A_1171 = arith.shrui %xor3A_1164, %shift_right_logical3A_1170 : vector<16xi32>
      %add3A_1172 = arith.addi %shift_left3A_1168, %shift_right_logical3A_1171 : vector<16xi32>
      %xor3A_1173 = arith.xori %add3A_1172, %add3A_1165 : vector<16xi32>
      %add3A_1174 = arith.addi %add3A_1165, %xor3A_1173 : vector<16xi32>
      %shift_left3A_1175 = arith.constant 26 : i32
      %shift_left3A_1176 = vector.broadcast %shift_left3A_1175 : i32 to vector<16xi32>
      %shift_left3A_1177 = arith.shli %xor3A_1173, %shift_left3A_1176 : vector<16xi32>
      %shift_right_logical3A_1178 = arith.constant 6 : i32
      %shift_right_logical3A_1179 = vector.broadcast %shift_right_logical3A_1178 : i32 to vector<16xi32>
      %shift_right_logical3A_1180 = arith.shrui %xor3A_1173, %shift_right_logical3A_1179 : vector<16xi32>
      %add3A_1181 = arith.addi %shift_left3A_1177, %shift_right_logical3A_1180 : vector<16xi32>
      %xor3A_1182 = arith.xori %add3A_1181, %add3A_1174 : vector<16xi32>
      %add3A_1183 = arith.addi %add3A_1174, %xor3A_1182 : vector<16xi32>
      %shift_left3A_1184 = arith.constant 6 : i32
      %shift_left3A_1185 = vector.broadcast %shift_left3A_1184 : i32 to vector<16xi32>
      %shift_left3A_1186 = arith.shli %xor3A_1182, %shift_left3A_1185 : vector<16xi32>
      %shift_right_logical3A_1187 = arith.constant 26 : i32
      %shift_right_logical3A_1188 = vector.broadcast %shift_right_logical3A_1187 : i32 to vector<16xi32>
      %shift_right_logical3A_1189 = arith.shrui %xor3A_1182, %shift_right_logical3A_1188 : vector<16xi32>
      %add3A_1190 = arith.addi %shift_left3A_1186, %shift_right_logical3A_1189 : vector<16xi32>
      %xor3A_1191 = arith.xori %add3A_1190, %add3A_1183 : vector<16xi32>
      %add3A_1192 = arith.constant 42 : i32
      %add3A_1193 = vector.broadcast %add3A_1192 : i32 to vector<16xi32>
      %add3A_1194 = arith.addi %add3A_1183, %add3A_1193 : vector<16xi32>
      %add3A_1195 = arith.constant 466689009 : i32
      %add3A_1196 = vector.broadcast %add3A_1195 : i32 to vector<16xi32>
      %add3A_1197 = arith.addi %xor3A_1191, %add3A_1196 : vector<16xi32>
      %add3A_1198 = arith.addi %add3A_1194, %add3A_1197 : vector<16xi32>
      %shift_left3A_1199 = arith.constant 17 : i32
      %shift_left3A_1200 = vector.broadcast %shift_left3A_1199 : i32 to vector<16xi32>
      %shift_left3A_1201 = arith.shli %add3A_1197, %shift_left3A_1200 : vector<16xi32>
      %shift_right_logical3A_1202 = arith.constant 15 : i32
      %shift_right_logical3A_1203 = vector.broadcast %shift_right_logical3A_1202 : i32 to vector<16xi32>
      %shift_right_logical3A_1204 = arith.shrui %add3A_1197, %shift_right_logical3A_1203 : vector<16xi32>
      %add3A_1205 = arith.addi %shift_left3A_1201, %shift_right_logical3A_1204 : vector<16xi32>
      %xor3A_1206 = arith.xori %add3A_1205, %add3A_1198 : vector<16xi32>
      %add3A_1207 = arith.addi %add3A_1198, %xor3A_1206 : vector<16xi32>
      %shift_left3A_1208 = arith.constant 29 : i32
      %shift_left3A_1209 = vector.broadcast %shift_left3A_1208 : i32 to vector<16xi32>
      %shift_left3A_1210 = arith.shli %xor3A_1206, %shift_left3A_1209 : vector<16xi32>
      %shift_right_logical3A_1211 = arith.constant 3 : i32
      %shift_right_logical3A_1212 = vector.broadcast %shift_right_logical3A_1211 : i32 to vector<16xi32>
      %shift_right_logical3A_1213 = arith.shrui %xor3A_1206, %shift_right_logical3A_1212 : vector<16xi32>
      %add3A_1214 = arith.addi %shift_left3A_1210, %shift_right_logical3A_1213 : vector<16xi32>
      %xor3A_1215 = arith.xori %add3A_1214, %add3A_1207 : vector<16xi32>
      %add3A_1216 = arith.addi %add3A_1207, %xor3A_1215 : vector<16xi32>
      %shift_left3A_1217 = arith.constant 16 : i32
      %shift_left3A_1218 = vector.broadcast %shift_left3A_1217 : i32 to vector<16xi32>
      %shift_left3A_1219 = arith.shli %xor3A_1215, %shift_left3A_1218 : vector<16xi32>
      %shift_right_logical3A_1220 = arith.constant 16 : i32
      %shift_right_logical3A_1221 = vector.broadcast %shift_right_logical3A_1220 : i32 to vector<16xi32>
      %shift_right_logical3A_1222 = arith.shrui %xor3A_1215, %shift_right_logical3A_1221 : vector<16xi32>
      %add3A_1223 = arith.addi %shift_left3A_1219, %shift_right_logical3A_1222 : vector<16xi32>
      %xor3A_1224 = arith.xori %add3A_1223, %add3A_1216 : vector<16xi32>
      %add3A_1225 = arith.addi %add3A_1216, %xor3A_1224 : vector<16xi32>
      %shift_left3A_1226 = arith.constant 24 : i32
      %shift_left3A_1227 = vector.broadcast %shift_left3A_1226 : i32 to vector<16xi32>
      %shift_left3A_1228 = arith.shli %xor3A_1224, %shift_left3A_1227 : vector<16xi32>
      %shift_right_logical3A_1229 = arith.constant 8 : i32
      %shift_right_logical3A_1230 = vector.broadcast %shift_right_logical3A_1229 : i32 to vector<16xi32>
      %shift_right_logical3A_1231 = arith.shrui %xor3A_1224, %shift_right_logical3A_1230 : vector<16xi32>
      %add3A_1232 = arith.addi %shift_left3A_1228, %shift_right_logical3A_1231 : vector<16xi32>
      %xor3A_1233 = arith.xori %add3A_1232, %add3A_1225 : vector<16xi32>
      %add3A_1234 = arith.constant 466689008 : i32
      %add3A_1235 = vector.broadcast %add3A_1234 : i32 to vector<16xi32>
      %add3A_1236 = arith.addi %add3A_1225, %add3A_1235 : vector<16xi32>
      %add3A_1237 = arith.constant 2 : i32
      %add3A_1238 = vector.broadcast %add3A_1237 : i32 to vector<16xi32>
      %add3A_1239 = arith.addi %xor3A_1233, %add3A_1238 : vector<16xi32>
      %add3A_1240 = arith.addi %add3A_1236, %add3A_1239 : vector<16xi32>
      %shift_left3A_1241 = arith.constant 13 : i32
      %shift_left3A_1242 = vector.broadcast %shift_left3A_1241 : i32 to vector<16xi32>
      %shift_left3A_1243 = arith.shli %add3A_1239, %shift_left3A_1242 : vector<16xi32>
      %shift_right_logical3A_1244 = arith.constant 19 : i32
      %shift_right_logical3A_1245 = vector.broadcast %shift_right_logical3A_1244 : i32 to vector<16xi32>
      %shift_right_logical3A_1246 = arith.shrui %add3A_1239, %shift_right_logical3A_1245 : vector<16xi32>
      %add3A_1247 = arith.addi %shift_left3A_1243, %shift_right_logical3A_1246 : vector<16xi32>
      %xor3A_1248 = arith.xori %add3A_1247, %add3A_1240 : vector<16xi32>
      %add3A_1249 = arith.addi %add3A_1240, %xor3A_1248 : vector<16xi32>
      %shift_left3A_1250 = arith.constant 15 : i32
      %shift_left3A_1251 = vector.broadcast %shift_left3A_1250 : i32 to vector<16xi32>
      %shift_left3A_1252 = arith.shli %xor3A_1248, %shift_left3A_1251 : vector<16xi32>
      %shift_right_logical3A_1253 = arith.constant 17 : i32
      %shift_right_logical3A_1254 = vector.broadcast %shift_right_logical3A_1253 : i32 to vector<16xi32>
      %shift_right_logical3A_1255 = arith.shrui %xor3A_1248, %shift_right_logical3A_1254 : vector<16xi32>
      %add3A_1256 = arith.addi %shift_left3A_1252, %shift_right_logical3A_1255 : vector<16xi32>
      %xor3A_1257 = arith.xori %add3A_1256, %add3A_1249 : vector<16xi32>
      %add3A_1258 = arith.addi %add3A_1249, %xor3A_1257 : vector<16xi32>
      %shift_left3A_1259 = arith.constant 26 : i32
      %shift_left3A_1260 = vector.broadcast %shift_left3A_1259 : i32 to vector<16xi32>
      %shift_left3A_1261 = arith.shli %xor3A_1257, %shift_left3A_1260 : vector<16xi32>
      %shift_right_logical3A_1262 = arith.constant 6 : i32
      %shift_right_logical3A_1263 = vector.broadcast %shift_right_logical3A_1262 : i32 to vector<16xi32>
      %shift_right_logical3A_1264 = arith.shrui %xor3A_1257, %shift_right_logical3A_1263 : vector<16xi32>
      %add3A_1265 = arith.addi %shift_left3A_1261, %shift_right_logical3A_1264 : vector<16xi32>
      %xor3A_1266 = arith.xori %add3A_1265, %add3A_1258 : vector<16xi32>
      %add3A_1267 = arith.addi %add3A_1258, %xor3A_1266 : vector<16xi32>
      %shift_left3A_1268 = arith.constant 6 : i32
      %shift_left3A_1269 = vector.broadcast %shift_left3A_1268 : i32 to vector<16xi32>
      %shift_left3A_1270 = arith.shli %xor3A_1266, %shift_left3A_1269 : vector<16xi32>
      %shift_right_logical3A_1271 = arith.constant 26 : i32
      %shift_right_logical3A_1272 = vector.broadcast %shift_right_logical3A_1271 : i32 to vector<16xi32>
      %shift_right_logical3A_1273 = arith.shrui %xor3A_1266, %shift_right_logical3A_1272 : vector<16xi32>
      %add3A_1274 = arith.addi %shift_left3A_1270, %shift_right_logical3A_1273 : vector<16xi32>
      %xor3A_1275 = arith.xori %add3A_1274, %add3A_1267 : vector<16xi32>
      %add3A_1276 = arith.constant 0 : i32
      %add3A_1277 = vector.broadcast %add3A_1276 : i32 to vector<16xi32>
      %add3A_1278 = arith.addi %add3A_1267, %add3A_1277 : vector<16xi32>
      %add3A_1279 = arith.constant 45 : i32
      %add3A_1280 = vector.broadcast %add3A_1279 : i32 to vector<16xi32>
      %add3A_1281 = arith.addi %xor3A_1275, %add3A_1280 : vector<16xi32>
      %add3A_1282 = arith.addi %add3A_1278, %add3A_1281 : vector<16xi32>
      %shift_left3A_1283 = arith.constant 17 : i32
      %shift_left3A_1284 = vector.broadcast %shift_left3A_1283 : i32 to vector<16xi32>
      %shift_left3A_1285 = arith.shli %add3A_1281, %shift_left3A_1284 : vector<16xi32>
      %shift_right_logical3A_1286 = arith.constant 15 : i32
      %shift_right_logical3A_1287 = vector.broadcast %shift_right_logical3A_1286 : i32 to vector<16xi32>
      %shift_right_logical3A_1288 = arith.shrui %add3A_1281, %shift_right_logical3A_1287 : vector<16xi32>
      %add3A_1289 = arith.addi %shift_left3A_1285, %shift_right_logical3A_1288 : vector<16xi32>
      %xor3A_1290 = arith.xori %add3A_1289, %add3A_1282 : vector<16xi32>
      %add3A_1291 = arith.addi %add3A_1282, %xor3A_1290 : vector<16xi32>
      %shift_left3A_1292 = arith.constant 29 : i32
      %shift_left3A_1293 = vector.broadcast %shift_left3A_1292 : i32 to vector<16xi32>
      %shift_left3A_1294 = arith.shli %xor3A_1290, %shift_left3A_1293 : vector<16xi32>
      %shift_right_logical3A_1295 = arith.constant 3 : i32
      %shift_right_logical3A_1296 = vector.broadcast %shift_right_logical3A_1295 : i32 to vector<16xi32>
      %shift_right_logical3A_1297 = arith.shrui %xor3A_1290, %shift_right_logical3A_1296 : vector<16xi32>
      %add3A_1298 = arith.addi %shift_left3A_1294, %shift_right_logical3A_1297 : vector<16xi32>
      %xor3A_1299 = arith.xori %add3A_1298, %add3A_1291 : vector<16xi32>
      %add3A_1300 = arith.addi %add3A_1291, %xor3A_1299 : vector<16xi32>
      %shift_left3A_1301 = arith.constant 16 : i32
      %shift_left3A_1302 = vector.broadcast %shift_left3A_1301 : i32 to vector<16xi32>
      %shift_left3A_1303 = arith.shli %xor3A_1299, %shift_left3A_1302 : vector<16xi32>
      %shift_right_logical3A_1304 = arith.constant 16 : i32
      %shift_right_logical3A_1305 = vector.broadcast %shift_right_logical3A_1304 : i32 to vector<16xi32>
      %shift_right_logical3A_1306 = arith.shrui %xor3A_1299, %shift_right_logical3A_1305 : vector<16xi32>
      %add3A_1307 = arith.addi %shift_left3A_1303, %shift_right_logical3A_1306 : vector<16xi32>
      %xor3A_1308 = arith.xori %add3A_1307, %add3A_1300 : vector<16xi32>
      %add3A_1309 = arith.addi %add3A_1300, %xor3A_1308 : vector<16xi32>
      %shift_left3A_1310 = arith.constant 24 : i32
      %shift_left3A_1311 = vector.broadcast %shift_left3A_1310 : i32 to vector<16xi32>
      %shift_left3A_1312 = arith.shli %xor3A_1308, %shift_left3A_1311 : vector<16xi32>
      %shift_right_logical3A_1313 = arith.constant 8 : i32
      %shift_right_logical3A_1314 = vector.broadcast %shift_right_logical3A_1313 : i32 to vector<16xi32>
      %shift_right_logical3A_1315 = arith.shrui %xor3A_1308, %shift_right_logical3A_1314 : vector<16xi32>
      %add3A_1316 = arith.addi %shift_left3A_1312, %shift_right_logical3A_1315 : vector<16xi32>
      %xor3A_1317 = arith.xori %add3A_1316, %add3A_1309 : vector<16xi32>
      %add3A_1318 = arith.constant 42 : i32
      %add3A_1319 = vector.broadcast %add3A_1318 : i32 to vector<16xi32>
      %add3A_1320 = arith.addi %add3A_1309, %add3A_1319 : vector<16xi32>
      %add3A_1321 = arith.constant 466689012 : i32
      %add3A_1322 = vector.broadcast %add3A_1321 : i32 to vector<16xi32>
      %add3A_1323 = arith.addi %xor3A_1317, %add3A_1322 : vector<16xi32>
      %add3A_1324 = arith.addi %add3A_1320, %add3A_1323 : vector<16xi32>
      %shift_left3A_1325 = arith.constant 13 : i32
      %shift_left3A_1326 = vector.broadcast %shift_left3A_1325 : i32 to vector<16xi32>
      %shift_left3A_1327 = arith.shli %add3A_1323, %shift_left3A_1326 : vector<16xi32>
      %shift_right_logical3A_1328 = arith.constant 19 : i32
      %shift_right_logical3A_1329 = vector.broadcast %shift_right_logical3A_1328 : i32 to vector<16xi32>
      %shift_right_logical3A_1330 = arith.shrui %add3A_1323, %shift_right_logical3A_1329 : vector<16xi32>
      %add3A_1331 = arith.addi %shift_left3A_1327, %shift_right_logical3A_1330 : vector<16xi32>
      %xor3A_1332 = arith.xori %add3A_1331, %add3A_1324 : vector<16xi32>
      %add3A_1333 = arith.addi %add3A_1324, %xor3A_1332 : vector<16xi32>
      %shift_left3A_1334 = arith.constant 15 : i32
      %shift_left3A_1335 = vector.broadcast %shift_left3A_1334 : i32 to vector<16xi32>
      %shift_left3A_1336 = arith.shli %xor3A_1332, %shift_left3A_1335 : vector<16xi32>
      %shift_right_logical3A_1337 = arith.constant 17 : i32
      %shift_right_logical3A_1338 = vector.broadcast %shift_right_logical3A_1337 : i32 to vector<16xi32>
      %shift_right_logical3A_1339 = arith.shrui %xor3A_1332, %shift_right_logical3A_1338 : vector<16xi32>
      %add3A_1340 = arith.addi %shift_left3A_1336, %shift_right_logical3A_1339 : vector<16xi32>
      %xor3A_1341 = arith.xori %add3A_1340, %add3A_1333 : vector<16xi32>
      %add3A_1342 = arith.addi %add3A_1333, %xor3A_1341 : vector<16xi32>
      %shift_left3A_1343 = arith.constant 26 : i32
      %shift_left3A_1344 = vector.broadcast %shift_left3A_1343 : i32 to vector<16xi32>
      %shift_left3A_1345 = arith.shli %xor3A_1341, %shift_left3A_1344 : vector<16xi32>
      %shift_right_logical3A_1346 = arith.constant 6 : i32
      %shift_right_logical3A_1347 = vector.broadcast %shift_right_logical3A_1346 : i32 to vector<16xi32>
      %shift_right_logical3A_1348 = arith.shrui %xor3A_1341, %shift_right_logical3A_1347 : vector<16xi32>
      %add3A_1349 = arith.addi %shift_left3A_1345, %shift_right_logical3A_1348 : vector<16xi32>
      %xor3A_1350 = arith.xori %add3A_1349, %add3A_1342 : vector<16xi32>
      %add3A_1351 = arith.addi %add3A_1342, %xor3A_1350 : vector<16xi32>
      %shift_left3A_1352 = arith.constant 6 : i32
      %shift_left3A_1353 = vector.broadcast %shift_left3A_1352 : i32 to vector<16xi32>
      %shift_left3A_1354 = arith.shli %xor3A_1350, %shift_left3A_1353 : vector<16xi32>
      %shift_right_logical3A_1355 = arith.constant 26 : i32
      %shift_right_logical3A_1356 = vector.broadcast %shift_right_logical3A_1355 : i32 to vector<16xi32>
      %shift_right_logical3A_1357 = arith.shrui %xor3A_1350, %shift_right_logical3A_1356 : vector<16xi32>
      %add3A_1358 = arith.addi %shift_left3A_1354, %shift_right_logical3A_1357 : vector<16xi32>
      %xor3A_1359 = arith.xori %add3A_1358, %add3A_1351 : vector<16xi32>
      %add3A_1360 = arith.constant 466689008 : i32
      %add3A_1361 = vector.broadcast %add3A_1360 : i32 to vector<16xi32>
      %add3A_1362 = arith.addi %add3A_1351, %add3A_1361 : vector<16xi32>
      %add3A_1363 = arith.constant 5 : i32
      %add3A_1364 = vector.broadcast %add3A_1363 : i32 to vector<16xi32>
      %add3A_1365 = arith.addi %xor3A_1359, %add3A_1364 : vector<16xi32>
      %xor3A_1366 = arith.xori %add3A_1362, %add3A_1365 : vector<16xi32>
      %mul3A_1367 = arith.constant 16 : i32
      %mul3A_1368 = arith.muli %add3A_1156, %mul3A_1367 : i32
      %swap3A_1369 = arith.index_cast %mul3A_1368 : i32 to index
      %swap3A_1370 = tpu.vector_load %arg5[%swap3A_1369] {strides = array<i32>} : memref<127264xi32, #tpu.memory_space<vmem>>, vector<16xi32>,
      %swap3A_1371 = vector.shape_cast %swap3A_1370 : vector<16xi32> to vector<16xi32>
      %swap3A_1372 = vector.shape_cast %xor3A_1366 : vector<16xi32> to vector<16xi32>
      tpu.vector_store %arg5[%swap3A_1369], %swap3A_1372 {strides = array<i32>} : memref<127264xi32, #tpu.memory_space<vmem>>, vector<16xi32>,
      %add3A_1373 = arith.constant 16 : i32
      %add3A_1374 = vector.broadcast %add3A_1373 : i32 to vector<16xi32>
      %add3A_1375 = arith.addi %add3A_1150, %add3A_1374 : vector<16xi32>
      %scan3A_1376 = arith.constant 2 : i32
      %scan3A_1377 = arith.addi %scan3A_926, %scan3A_1376 : i32
      %mul3A_1378 = arith.constant 1 : i32
      %mul3A_1379 = arith.muli %scan3A_1377, %mul3A_1378 : i32
      %add3A_1380 = arith.constant 0 : i32
      %add3A_1381 = arith.addi %add3A_1380, %mul3A_1379 : i32
      %shift_left3A_1382 = arith.constant 13 : i32
      %shift_left3A_1383 = vector.broadcast %shift_left3A_1382 : i32 to vector<16xi32>
      %shift_left3A_1384 = arith.shli %add3A_1375, %shift_left3A_1383 : vector<16xi32>
      %shift_right_logical3A_1385 = arith.constant 19 : i32
      %shift_right_logical3A_1386 = vector.broadcast %shift_right_logical3A_1385 : i32 to vector<16xi32>
      %shift_right_logical3A_1387 = arith.shrui %add3A_1375, %shift_right_logical3A_1386 : vector<16xi32>
      %add3A_1388 = arith.addi %shift_left3A_1384, %shift_right_logical3A_1387 : vector<16xi32>
      %xor3A_1389 = arith.xori %add3A_1388, %add3A_1375 : vector<16xi32>
      %add3A_1390 = arith.addi %add3A_1375, %xor3A_1389 : vector<16xi32>
      %shift_left3A_1391 = arith.constant 15 : i32
      %shift_left3A_1392 = vector.broadcast %shift_left3A_1391 : i32 to vector<16xi32>
      %shift_left3A_1393 = arith.shli %xor3A_1389, %shift_left3A_1392 : vector<16xi32>
      %shift_right_logical3A_1394 = arith.constant 17 : i32
      %shift_right_logical3A_1395 = vector.broadcast %shift_right_logical3A_1394 : i32 to vector<16xi32>
      %shift_right_logical3A_1396 = arith.shrui %xor3A_1389, %shift_right_logical3A_1395 : vector<16xi32>
      %add3A_1397 = arith.addi %shift_left3A_1393, %shift_right_logical3A_1396 : vector<16xi32>
      %xor3A_1398 = arith.xori %add3A_1397, %add3A_1390 : vector<16xi32>
      %add3A_1399 = arith.addi %add3A_1390, %xor3A_1398 : vector<16xi32>
      %shift_left3A_1400 = arith.constant 26 : i32
      %shift_left3A_1401 = vector.broadcast %shift_left3A_1400 : i32 to vector<16xi32>
      %shift_left3A_1402 = arith.shli %xor3A_1398, %shift_left3A_1401 : vector<16xi32>
      %shift_right_logical3A_1403 = arith.constant 6 : i32
      %shift_right_logical3A_1404 = vector.broadcast %shift_right_logical3A_1403 : i32 to vector<16xi32>
      %shift_right_logical3A_1405 = arith.shrui %xor3A_1398, %shift_right_logical3A_1404 : vector<16xi32>
      %add3A_1406 = arith.addi %shift_left3A_1402, %shift_right_logical3A_1405 : vector<16xi32>
      %xor3A_1407 = arith.xori %add3A_1406, %add3A_1399 : vector<16xi32>
      %add3A_1408 = arith.addi %add3A_1399, %xor3A_1407 : vector<16xi32>
      %shift_left3A_1409 = arith.constant 6 : i32
      %shift_left3A_1410 = vector.broadcast %shift_left3A_1409 : i32 to vector<16xi32>
      %shift_left3A_1411 = arith.shli %xor3A_1407, %shift_left3A_1410 : vector<16xi32>
      %shift_right_logical3A_1412 = arith.constant 26 : i32
      %shift_right_logical3A_1413 = vector.broadcast %shift_right_logical3A_1412 : i32 to vector<16xi32>
      %shift_right_logical3A_1414 = arith.shrui %xor3A_1407, %shift_right_logical3A_1413 : vector<16xi32>
      %add3A_1415 = arith.addi %shift_left3A_1411, %shift_right_logical3A_1414 : vector<16xi32>
      %xor3A_1416 = arith.xori %add3A_1415, %add3A_1408 : vector<16xi32>
      %add3A_1417 = arith.constant 42 : i32
      %add3A_1418 = vector.broadcast %add3A_1417 : i32 to vector<16xi32>
      %add3A_1419 = arith.addi %add3A_1408, %add3A_1418 : vector<16xi32>
      %add3A_1420 = arith.constant 466689009 : i32
      %add3A_1421 = vector.broadcast %add3A_1420 : i32 to vector<16xi32>
      %add3A_1422 = arith.addi %xor3A_1416, %add3A_1421 : vector<16xi32>
      %add3A_1423 = arith.addi %add3A_1419, %add3A_1422 : vector<16xi32>
      %shift_left3A_1424 = arith.constant 17 : i32
      %shift_left3A_1425 = vector.broadcast %shift_left3A_1424 : i32 to vector<16xi32>
      %shift_left3A_1426 = arith.shli %add3A_1422, %shift_left3A_1425 : vector<16xi32>
      %shift_right_logical3A_1427 = arith.constant 15 : i32
      %shift_right_logical3A_1428 = vector.broadcast %shift_right_logical3A_1427 : i32 to vector<16xi32>
      %shift_right_logical3A_1429 = arith.shrui %add3A_1422, %shift_right_logical3A_1428 : vector<16xi32>
      %add3A_1430 = arith.addi %shift_left3A_1426, %shift_right_logical3A_1429 : vector<16xi32>
      %xor3A_1431 = arith.xori %add3A_1430, %add3A_1423 : vector<16xi32>
      %add3A_1432 = arith.addi %add3A_1423, %xor3A_1431 : vector<16xi32>
      %shift_left3A_1433 = arith.constant 29 : i32
      %shift_left3A_1434 = vector.broadcast %shift_left3A_1433 : i32 to vector<16xi32>
      %shift_left3A_1435 = arith.shli %xor3A_1431, %shift_left3A_1434 : vector<16xi32>
      %shift_right_logical3A_1436 = arith.constant 3 : i32
      %shift_right_logical3A_1437 = vector.broadcast %shift_right_logical3A_1436 : i32 to vector<16xi32>
      %shift_right_logical3A_1438 = arith.shrui %xor3A_1431, %shift_right_logical3A_1437 : vector<16xi32>
      %add3A_1439 = arith.addi %shift_left3A_1435, %shift_right_logical3A_1438 : vector<16xi32>
      %xor3A_1440 = arith.xori %add3A_1439, %add3A_1432 : vector<16xi32>
      %add3A_1441 = arith.addi %add3A_1432, %xor3A_1440 : vector<16xi32>
      %shift_left3A_1442 = arith.constant 16 : i32
      %shift_left3A_1443 = vector.broadcast %shift_left3A_1442 : i32 to vector<16xi32>
      %shift_left3A_1444 = arith.shli %xor3A_1440, %shift_left3A_1443 : vector<16xi32>
      %shift_right_logical3A_1445 = arith.constant 16 : i32
      %shift_right_logical3A_1446 = vector.broadcast %shift_right_logical3A_1445 : i32 to vector<16xi32>
      %shift_right_logical3A_1447 = arith.shrui %xor3A_1440, %shift_right_logical3A_1446 : vector<16xi32>
      %add3A_1448 = arith.addi %shift_left3A_1444, %shift_right_logical3A_1447 : vector<16xi32>
      %xor3A_1449 = arith.xori %add3A_1448, %add3A_1441 : vector<16xi32>
      %add3A_1450 = arith.addi %add3A_1441, %xor3A_1449 : vector<16xi32>
      %shift_left3A_1451 = arith.constant 24 : i32
      %shift_left3A_1452 = vector.broadcast %shift_left3A_1451 : i32 to vector<16xi32>
      %shift_left3A_1453 = arith.shli %xor3A_1449, %shift_left3A_1452 : vector<16xi32>
      %shift_right_logical3A_1454 = arith.constant 8 : i32
      %shift_right_logical3A_1455 = vector.broadcast %shift_right_logical3A_1454 : i32 to vector<16xi32>
      %shift_right_logical3A_1456 = arith.shrui %xor3A_1449, %shift_right_logical3A_1455 : vector<16xi32>
      %add3A_1457 = arith.addi %shift_left3A_1453, %shift_right_logical3A_1456 : vector<16xi32>
      %xor3A_1458 = arith.xori %add3A_1457, %add3A_1450 : vector<16xi32>
      %add3A_1459 = arith.constant 466689008 : i32
      %add3A_1460 = vector.broadcast %add3A_1459 : i32 to vector<16xi32>
      %add3A_1461 = arith.addi %add3A_1450, %add3A_1460 : vector<16xi32>
      %add3A_1462 = arith.constant 2 : i32
      %add3A_1463 = vector.broadcast %add3A_1462 : i32 to vector<16xi32>
      %add3A_1464 = arith.addi %xor3A_1458, %add3A_1463 : vector<16xi32>
      %add3A_1465 = arith.addi %add3A_1461, %add3A_1464 : vector<16xi32>
      %shift_left3A_1466 = arith.constant 13 : i32
      %shift_left3A_1467 = vector.broadcast %shift_left3A_1466 : i32 to vector<16xi32>
      %shift_left3A_1468 = arith.shli %add3A_1464, %shift_left3A_1467 : vector<16xi32>
      %shift_right_logical3A_1469 = arith.constant 19 : i32
      %shift_right_logical3A_1470 = vector.broadcast %shift_right_logical3A_1469 : i32 to vector<16xi32>
      %shift_right_logical3A_1471 = arith.shrui %add3A_1464, %shift_right_logical3A_1470 : vector<16xi32>
      %add3A_1472 = arith.addi %shift_left3A_1468, %shift_right_logical3A_1471 : vector<16xi32>
      %xor3A_1473 = arith.xori %add3A_1472, %add3A_1465 : vector<16xi32>
      %add3A_1474 = arith.addi %add3A_1465, %xor3A_1473 : vector<16xi32>
      %shift_left3A_1475 = arith.constant 15 : i32
      %shift_left3A_1476 = vector.broadcast %shift_left3A_1475 : i32 to vector<16xi32>
      %shift_left3A_1477 = arith.shli %xor3A_1473, %shift_left3A_1476 : vector<16xi32>
      %shift_right_logical3A_1478 = arith.constant 17 : i32
      %shift_right_logical3A_1479 = vector.broadcast %shift_right_logical3A_1478 : i32 to vector<16xi32>
      %shift_right_logical3A_1480 = arith.shrui %xor3A_1473, %shift_right_logical3A_1479 : vector<16xi32>
      %add3A_1481 = arith.addi %shift_left3A_1477, %shift_right_logical3A_1480 : vector<16xi32>
      %xor3A_1482 = arith.xori %add3A_1481, %add3A_1474 : vector<16xi32>
      %add3A_1483 = arith.addi %add3A_1474, %xor3A_1482 : vector<16xi32>
      %shift_left3A_1484 = arith.constant 26 : i32
      %shift_left3A_1485 = vector.broadcast %shift_left3A_1484 : i32 to vector<16xi32>
      %shift_left3A_1486 = arith.shli %xor3A_1482, %shift_left3A_1485 : vector<16xi32>
      %shift_right_logical3A_1487 = arith.constant 6 : i32
      %shift_right_logical3A_1488 = vector.broadcast %shift_right_logical3A_1487 : i32 to vector<16xi32>
      %shift_right_logical3A_1489 = arith.shrui %xor3A_1482, %shift_right_logical3A_1488 : vector<16xi32>
      %add3A_1490 = arith.addi %shift_left3A_1486, %shift_right_logical3A_1489 : vector<16xi32>
      %xor3A_1491 = arith.xori %add3A_1490, %add3A_1483 : vector<16xi32>
      %add3A_1492 = arith.addi %add3A_1483, %xor3A_1491 : vector<16xi32>
      %shift_left3A_1493 = arith.constant 6 : i32
      %shift_left3A_1494 = vector.broadcast %shift_left3A_1493 : i32 to vector<16xi32>
      %shift_left3A_1495 = arith.shli %xor3A_1491, %shift_left3A_1494 : vector<16xi32>
      %shift_right_logical3A_1496 = arith.constant 26 : i32
      %shift_right_logical3A_1497 = vector.broadcast %shift_right_logical3A_1496 : i32 to vector<16xi32>
      %shift_right_logical3A_1498 = arith.shrui %xor3A_1491, %shift_right_logical3A_1497 : vector<16xi32>
      %add3A_1499 = arith.addi %shift_left3A_1495, %shift_right_logical3A_1498 : vector<16xi32>
      %xor3A_1500 = arith.xori %add3A_1499, %add3A_1492 : vector<16xi32>
      %add3A_1501 = arith.constant 0 : i32
      %add3A_1502 = vector.broadcast %add3A_1501 : i32 to vector<16xi32>
      %add3A_1503 = arith.addi %add3A_1492, %add3A_1502 : vector<16xi32>
      %add3A_1504 = arith.constant 45 : i32
      %add3A_1505 = vector.broadcast %add3A_1504 : i32 to vector<16xi32>
      %add3A_1506 = arith.addi %xor3A_1500, %add3A_1505 : vector<16xi32>
      %add3A_1507 = arith.addi %add3A_1503, %add3A_1506 : vector<16xi32>
      %shift_left3A_1508 = arith.constant 17 : i32
      %shift_left3A_1509 = vector.broadcast %shift_left3A_1508 : i32 to vector<16xi32>
      %shift_left3A_1510 = arith.shli %add3A_1506, %shift_left3A_1509 : vector<16xi32>
      %shift_right_logical3A_1511 = arith.constant 15 : i32
      %shift_right_logical3A_1512 = vector.broadcast %shift_right_logical3A_1511 : i32 to vector<16xi32>
      %shift_right_logical3A_1513 = arith.shrui %add3A_1506, %shift_right_logical3A_1512 : vector<16xi32>
      %add3A_1514 = arith.addi %shift_left3A_1510, %shift_right_logical3A_1513 : vector<16xi32>
      %xor3A_1515 = arith.xori %add3A_1514, %add3A_1507 : vector<16xi32>
      %add3A_1516 = arith.addi %add3A_1507, %xor3A_1515 : vector<16xi32>
      %shift_left3A_1517 = arith.constant 29 : i32
      %shift_left3A_1518 = vector.broadcast %shift_left3A_1517 : i32 to vector<16xi32>
      %shift_left3A_1519 = arith.shli %xor3A_1515, %shift_left3A_1518 : vector<16xi32>
      %shift_right_logical3A_1520 = arith.constant 3 : i32
      %shift_right_logical3A_1521 = vector.broadcast %shift_right_logical3A_1520 : i32 to vector<16xi32>
      %shift_right_logical3A_1522 = arith.shrui %xor3A_1515, %shift_right_logical3A_1521 : vector<16xi32>
      %add3A_1523 = arith.addi %shift_left3A_1519, %shift_right_logical3A_1522 : vector<16xi32>
      %xor3A_1524 = arith.xori %add3A_1523, %add3A_1516 : vector<16xi32>
      %add3A_1525 = arith.addi %add3A_1516, %xor3A_1524 : vector<16xi32>
      %shift_left3A_1526 = arith.constant 16 : i32
      %shift_left3A_1527 = vector.broadcast %shift_left3A_1526 : i32 to vector<16xi32>
      %shift_left3A_1528 = arith.shli %xor3A_1524, %shift_left3A_1527 : vector<16xi32>
      %shift_right_logical3A_1529 = arith.constant 16 : i32
      %shift_right_logical3A_1530 = vector.broadcast %shift_right_logical3A_1529 : i32 to vector<16xi32>
      %shift_right_logical3A_1531 = arith.shrui %xor3A_1524, %shift_right_logical3A_1530 : vector<16xi32>
      %add3A_1532 = arith.addi %shift_left3A_1528, %shift_right_logical3A_1531 : vector<16xi32>
      %xor3A_1533 = arith.xori %add3A_1532, %add3A_1525 : vector<16xi32>
      %add3A_1534 = arith.addi %add3A_1525, %xor3A_1533 : vector<16xi32>
      %shift_left3A_1535 = arith.constant 24 : i32
      %shift_left3A_1536 = vector.broadcast %shift_left3A_1535 : i32 to vector<16xi32>
      %shift_left3A_1537 = arith.shli %xor3A_1533, %shift_left3A_1536 : vector<16xi32>
      %shift_right_logical3A_1538 = arith.constant 8 : i32
      %shift_right_logical3A_1539 = vector.broadcast %shift_right_logical3A_1538 : i32 to vector<16xi32>
      %shift_right_logical3A_1540 = arith.shrui %xor3A_1533, %shift_right_logical3A_1539 : vector<16xi32>
      %add3A_1541 = arith.addi %shift_left3A_1537, %shift_right_logical3A_1540 : vector<16xi32>
      %xor3A_1542 = arith.xori %add3A_1541, %add3A_1534 : vector<16xi32>
      %add3A_1543 = arith.constant 42 : i32
      %add3A_1544 = vector.broadcast %add3A_1543 : i32 to vector<16xi32>
      %add3A_1545 = arith.addi %add3A_1534, %add3A_1544 : vector<16xi32>
      %add3A_1546 = arith.constant 466689012 : i32
      %add3A_1547 = vector.broadcast %add3A_1546 : i32 to vector<16xi32>
      %add3A_1548 = arith.addi %xor3A_1542, %add3A_1547 : vector<16xi32>
      %add3A_1549 = arith.addi %add3A_1545, %add3A_1548 : vector<16xi32>
      %shift_left3A_1550 = arith.constant 13 : i32
      %shift_left3A_1551 = vector.broadcast %shift_left3A_1550 : i32 to vector<16xi32>
      %shift_left3A_1552 = arith.shli %add3A_1548, %shift_left3A_1551 : vector<16xi32>
      %shift_right_logical3A_1553 = arith.constant 19 : i32
      %shift_right_logical3A_1554 = vector.broadcast %shift_right_logical3A_1553 : i32 to vector<16xi32>
      %shift_right_logical3A_1555 = arith.shrui %add3A_1548, %shift_right_logical3A_1554 : vector<16xi32>
      %add3A_1556 = arith.addi %shift_left3A_1552, %shift_right_logical3A_1555 : vector<16xi32>
      %xor3A_1557 = arith.xori %add3A_1556, %add3A_1549 : vector<16xi32>
      %add3A_1558 = arith.addi %add3A_1549, %xor3A_1557 : vector<16xi32>
      %shift_left3A_1559 = arith.constant 15 : i32
      %shift_left3A_1560 = vector.broadcast %shift_left3A_1559 : i32 to vector<16xi32>
      %shift_left3A_1561 = arith.shli %xor3A_1557, %shift_left3A_1560 : vector<16xi32>
      %shift_right_logical3A_1562 = arith.constant 17 : i32
      %shift_right_logical3A_1563 = vector.broadcast %shift_right_logical3A_1562 : i32 to vector<16xi32>
      %shift_right_logical3A_1564 = arith.shrui %xor3A_1557, %shift_right_logical3A_1563 : vector<16xi32>
      %add3A_1565 = arith.addi %shift_left3A_1561, %shift_right_logical3A_1564 : vector<16xi32>
      %xor3A_1566 = arith.xori %add3A_1565, %add3A_1558 : vector<16xi32>
      %add3A_1567 = arith.addi %add3A_1558, %xor3A_1566 : vector<16xi32>
      %shift_left3A_1568 = arith.constant 26 : i32
      %shift_left3A_1569 = vector.broadcast %shift_left3A_1568 : i32 to vector<16xi32>
      %shift_left3A_1570 = arith.shli %xor3A_1566, %shift_left3A_1569 : vector<16xi32>
      %shift_right_logical3A_1571 = arith.constant 6 : i32
      %shift_right_logical3A_1572 = vector.broadcast %shift_right_logical3A_1571 : i32 to vector<16xi32>
      %shift_right_logical3A_1573 = arith.shrui %xor3A_1566, %shift_right_logical3A_1572 : vector<16xi32>
      %add3A_1574 = arith.addi %shift_left3A_1570, %shift_right_logical3A_1573 : vector<16xi32>
      %xor3A_1575 = arith.xori %add3A_1574, %add3A_1567 : vector<16xi32>
      %add3A_1576 = arith.addi %add3A_1567, %xor3A_1575 : vector<16xi32>
      %shift_left3A_1577 = arith.constant 6 : i32
      %shift_left3A_1578 = vector.broadcast %shift_left3A_1577 : i32 to vector<16xi32>
      %shift_left3A_1579 = arith.shli %xor3A_1575, %shift_left3A_1578 : vector<16xi32>
      %shift_right_logical3A_1580 = arith.constant 26 : i32
      %shift_right_logical3A_1581 = vector.broadcast %shift_right_logical3A_1580 : i32 to vector<16xi32>
      %shift_right_logical3A_1582 = arith.shrui %xor3A_1575, %shift_right_logical3A_1581 : vector<16xi32>
      %add3A_1583 = arith.addi %shift_left3A_1579, %shift_right_logical3A_1582 : vector<16xi32>
      %xor3A_1584 = arith.xori %add3A_1583, %add3A_1576 : vector<16xi32>
      %add3A_1585 = arith.constant 466689008 : i32
      %add3A_1586 = vector.broadcast %add3A_1585 : i32 to vector<16xi32>
      %add3A_1587 = arith.addi %add3A_1576, %add3A_1586 : vector<16xi32>
      %add3A_1588 = arith.constant 5 : i32
      %add3A_1589 = vector.broadcast %add3A_1588 : i32 to vector<16xi32>
      %add3A_1590 = arith.addi %xor3A_1584, %add3A_1589 : vector<16xi32>
      %xor3A_1591 = arith.xori %add3A_1587, %add3A_1590 : vector<16xi32>
      %mul3A_1592 = arith.constant 16 : i32
      %mul3A_1593 = arith.muli %add3A_1381, %mul3A_1592 : i32
      %swap3A_1594 = arith.index_cast %mul3A_1593 : i32 to index
      %swap3A_1595 = tpu.vector_load %arg5[%swap3A_1594] {strides = array<i32>} : memref<127264xi32, #tpu.memory_space<vmem>>, vector<16xi32>,
      %swap3A_1596 = vector.shape_cast %swap3A_1595 : vector<16xi32> to vector<16xi32>
      %swap3A_1597 = vector.shape_cast %xor3A_1591 : vector<16xi32> to vector<16xi32>
      tpu.vector_store %arg5[%swap3A_1594], %swap3A_1597 {strides = array<i32>} : memref<127264xi32, #tpu.memory_space<vmem>>, vector<16xi32>,
      %add3A_1598 = arith.constant 16 : i32
      %add3A_1599 = vector.broadcast %add3A_1598 : i32 to vector<16xi32>
      %add3A_1600 = arith.addi %add3A_1375, %add3A_1599 : vector<16xi32>
      %scan3A_1601 = arith.constant 3 : i32
      %scan3A_1602 = arith.addi %scan3A_926, %scan3A_1601 : i32
      %mul3A_1603 = arith.constant 1 : i32
      %mul3A_1604 = arith.muli %scan3A_1602, %mul3A_1603 : i32
      %add3A_1605 = arith.constant 0 : i32
      %add3A_1606 = arith.addi %add3A_1605, %mul3A_1604 : i32
      %shift_left3A_1607 = arith.constant 13 : i32
      %shift_left3A_1608 = vector.broadcast %shift_left3A_1607 : i32 to vector<16xi32>
      %shift_left3A_1609 = arith.shli %add3A_1600, %shift_left3A_1608 : vector<16xi32>
      %shift_right_logical3A_1610 = arith.constant 19 : i32
      %shift_right_logical3A_1611 = vector.broadcast %shift_right_logical3A_1610 : i32 to vector<16xi32>
      %shift_right_logical3A_1612 = arith.shrui %add3A_1600, %shift_right_logical3A_1611 : vector<16xi32>
      %add3A_1613 = arith.addi %shift_left3A_1609, %shift_right_logical3A_1612 : vector<16xi32>
      %xor3A_1614 = arith.xori %add3A_1613, %add3A_1600 : vector<16xi32>
      %add3A_1615 = arith.addi %add3A_1600, %xor3A_1614 : vector<16xi32>
      %shift_left3A_1616 = arith.constant 15 : i32
      %shift_left3A_1617 = vector.broadcast %shift_left3A_1616 : i32 to vector<16xi32>
      %shift_left3A_1618 = arith.shli %xor3A_1614, %shift_left3A_1617 : vector<16xi32>
      %shift_right_logical3A_1619 = arith.constant 17 : i32
      %shift_right_logical3A_1620 = vector.broadcast %shift_right_logical3A_1619 : i32 to vector<16xi32>
      %shift_right_logical3A_1621 = arith.shrui %xor3A_1614, %shift_right_logical3A_1620 : vector<16xi32>
      %add3A_1622 = arith.addi %shift_left3A_1618, %shift_right_logical3A_1621 : vector<16xi32>
      %xor3A_1623 = arith.xori %add3A_1622, %add3A_1615 : vector<16xi32>
      %add3A_1624 = arith.addi %add3A_1615, %xor3A_1623 : vector<16xi32>
      %shift_left3A_1625 = arith.constant 26 : i32
      %shift_left3A_1626 = vector.broadcast %shift_left3A_1625 : i32 to vector<16xi32>
      %shift_left3A_1627 = arith.shli %xor3A_1623, %shift_left3A_1626 : vector<16xi32>
      %shift_right_logical3A_1628 = arith.constant 6 : i32
      %shift_right_logical3A_1629 = vector.broadcast %shift_right_logical3A_1628 : i32 to vector<16xi32>
      %shift_right_logical3A_1630 = arith.shrui %xor3A_1623, %shift_right_logical3A_1629 : vector<16xi32>
      %add3A_1631 = arith.addi %shift_left3A_1627, %shift_right_logical3A_1630 : vector<16xi32>
      %xor3A_1632 = arith.xori %add3A_1631, %add3A_1624 : vector<16xi32>
      %add3A_1633 = arith.addi %add3A_1624, %xor3A_1632 : vector<16xi32>
      %shift_left3A_1634 = arith.constant 6 : i32
      %shift_left3A_1635 = vector.broadcast %shift_left3A_1634 : i32 to vector<16xi32>
      %shift_left3A_1636 = arith.shli %xor3A_1632, %shift_left3A_1635 : vector<16xi32>
      %shift_right_logical3A_1637 = arith.constant 26 : i32
      %shift_right_logical3A_1638 = vector.broadcast %shift_right_logical3A_1637 : i32 to vector<16xi32>
      %shift_right_logical3A_1639 = arith.shrui %xor3A_1632, %shift_right_logical3A_1638 : vector<16xi32>
      %add3A_1640 = arith.addi %shift_left3A_1636, %shift_right_logical3A_1639 : vector<16xi32>
      %xor3A_1641 = arith.xori %add3A_1640, %add3A_1633 : vector<16xi32>
      %add3A_1642 = arith.constant 42 : i32
      %add3A_1643 = vector.broadcast %add3A_1642 : i32 to vector<16xi32>
      %add3A_1644 = arith.addi %add3A_1633, %add3A_1643 : vector<16xi32>
      %add3A_1645 = arith.constant 466689009 : i32
      %add3A_1646 = vector.broadcast %add3A_1645 : i32 to vector<16xi32>
      %add3A_1647 = arith.addi %xor3A_1641, %add3A_1646 : vector<16xi32>
      %add3A_1648 = arith.addi %add3A_1644, %add3A_1647 : vector<16xi32>
      %shift_left3A_1649 = arith.constant 17 : i32
      %shift_left3A_1650 = vector.broadcast %shift_left3A_1649 : i32 to vector<16xi32>
      %shift_left3A_1651 = arith.shli %add3A_1647, %shift_left3A_1650 : vector<16xi32>
      %shift_right_logical3A_1652 = arith.constant 15 : i32
      %shift_right_logical3A_1653 = vector.broadcast %shift_right_logical3A_1652 : i32 to vector<16xi32>
      %shift_right_logical3A_1654 = arith.shrui %add3A_1647, %shift_right_logical3A_1653 : vector<16xi32>
      %add3A_1655 = arith.addi %shift_left3A_1651, %shift_right_logical3A_1654 : vector<16xi32>
      %xor3A_1656 = arith.xori %add3A_1655, %add3A_1648 : vector<16xi32>
      %add3A_1657 = arith.addi %add3A_1648, %xor3A_1656 : vector<16xi32>
      %shift_left3A_1658 = arith.constant 29 : i32
      %shift_left3A_1659 = vector.broadcast %shift_left3A_1658 : i32 to vector<16xi32>
      %shift_left3A_1660 = arith.shli %xor3A_1656, %shift_left3A_1659 : vector<16xi32>
      %shift_right_logical3A_1661 = arith.constant 3 : i32
      %shift_right_logical3A_1662 = vector.broadcast %shift_right_logical3A_1661 : i32 to vector<16xi32>
      %shift_right_logical3A_1663 = arith.shrui %xor3A_1656, %shift_right_logical3A_1662 : vector<16xi32>
      %add3A_1664 = arith.addi %shift_left3A_1660, %shift_right_logical3A_1663 : vector<16xi32>
      %xor3A_1665 = arith.xori %add3A_1664, %add3A_1657 : vector<16xi32>
      %add3A_1666 = arith.addi %add3A_1657, %xor3A_1665 : vector<16xi32>
      %shift_left3A_1667 = arith.constant 16 : i32
      %shift_left3A_1668 = vector.broadcast %shift_left3A_1667 : i32 to vector<16xi32>
      %shift_left3A_1669 = arith.shli %xor3A_1665, %shift_left3A_1668 : vector<16xi32>
      %shift_right_logical3A_1670 = arith.constant 16 : i32
      %shift_right_logical3A_1671 = vector.broadcast %shift_right_logical3A_1670 : i32 to vector<16xi32>
      %shift_right_logical3A_1672 = arith.shrui %xor3A_1665, %shift_right_logical3A_1671 : vector<16xi32>
      %add3A_1673 = arith.addi %shift_left3A_1669, %shift_right_logical3A_1672 : vector<16xi32>
      %xor3A_1674 = arith.xori %add3A_1673, %add3A_1666 : vector<16xi32>
      %add3A_1675 = arith.addi %add3A_1666, %xor3A_1674 : vector<16xi32>
      %shift_left3A_1676 = arith.constant 24 : i32
      %shift_left3A_1677 = vector.broadcast %shift_left3A_1676 : i32 to vector<16xi32>
      %shift_left3A_1678 = arith.shli %xor3A_1674, %shift_left3A_1677 : vector<16xi32>
      %shift_right_logical3A_1679 = arith.constant 8 : i32
      %shift_right_logical3A_1680 = vector.broadcast %shift_right_logical3A_1679 : i32 to vector<16xi32>
      %shift_right_logical3A_1681 = arith.shrui %xor3A_1674, %shift_right_logical3A_1680 : vector<16xi32>
      %add3A_1682 = arith.addi %shift_left3A_1678, %shift_right_logical3A_1681 : vector<16xi32>
      %xor3A_1683 = arith.xori %add3A_1682, %add3A_1675 : vector<16xi32>
      %add3A_1684 = arith.constant 466689008 : i32
      %add3A_1685 = vector.broadcast %add3A_1684 : i32 to vector<16xi32>
      %add3A_1686 = arith.addi %add3A_1675, %add3A_1685 : vector<16xi32>
      %add3A_1687 = arith.constant 2 : i32
      %add3A_1688 = vector.broadcast %add3A_1687 : i32 to vector<16xi32>
      %add3A_1689 = arith.addi %xor3A_1683, %add3A_1688 : vector<16xi32>
      %add3A_1690 = arith.addi %add3A_1686, %add3A_1689 : vector<16xi32>
      %shift_left3A_1691 = arith.constant 13 : i32
      %shift_left3A_1692 = vector.broadcast %shift_left3A_1691 : i32 to vector<16xi32>
      %shift_left3A_1693 = arith.shli %add3A_1689, %shift_left3A_1692 : vector<16xi32>
      %shift_right_logical3A_1694 = arith.constant 19 : i32
      %shift_right_logical3A_1695 = vector.broadcast %shift_right_logical3A_1694 : i32 to vector<16xi32>
      %shift_right_logical3A_1696 = arith.shrui %add3A_1689, %shift_right_logical3A_1695 : vector<16xi32>
      %add3A_1697 = arith.addi %shift_left3A_1693, %shift_right_logical3A_1696 : vector<16xi32>
      %xor3A_1698 = arith.xori %add3A_1697, %add3A_1690 : vector<16xi32>
      %add3A_1699 = arith.addi %add3A_1690, %xor3A_1698 : vector<16xi32>
      %shift_left3A_1700 = arith.constant 15 : i32
      %shift_left3A_1701 = vector.broadcast %shift_left3A_1700 : i32 to vector<16xi32>
      %shift_left3A_1702 = arith.shli %xor3A_1698, %shift_left3A_1701 : vector<16xi32>
      %shift_right_logical3A_1703 = arith.constant 17 : i32
      %shift_right_logical3A_1704 = vector.broadcast %shift_right_logical3A_1703 : i32 to vector<16xi32>
      %shift_right_logical3A_1705 = arith.shrui %xor3A_1698, %shift_right_logical3A_1704 : vector<16xi32>
      %add3A_1706 = arith.addi %shift_left3A_1702, %shift_right_logical3A_1705 : vector<16xi32>
      %xor3A_1707 = arith.xori %add3A_1706, %add3A_1699 : vector<16xi32>
      %add3A_1708 = arith.addi %add3A_1699, %xor3A_1707 : vector<16xi32>
      %shift_left3A_1709 = arith.constant 26 : i32
      %shift_left3A_1710 = vector.broadcast %shift_left3A_1709 : i32 to vector<16xi32>
      %shift_left3A_1711 = arith.shli %xor3A_1707, %shift_left3A_1710 : vector<16xi32>
      %shift_right_logical3A_1712 = arith.constant 6 : i32
      %shift_right_logical3A_1713 = vector.broadcast %shift_right_logical3A_1712 : i32 to vector<16xi32>
      %shift_right_logical3A_1714 = arith.shrui %xor3A_1707, %shift_right_logical3A_1713 : vector<16xi32>
      %add3A_1715 = arith.addi %shift_left3A_1711, %shift_right_logical3A_1714 : vector<16xi32>
      %xor3A_1716 = arith.xori %add3A_1715, %add3A_1708 : vector<16xi32>
      %add3A_1717 = arith.addi %add3A_1708, %xor3A_1716 : vector<16xi32>
      %shift_left3A_1718 = arith.constant 6 : i32
      %shift_left3A_1719 = vector.broadcast %shift_left3A_1718 : i32 to vector<16xi32>
      %shift_left3A_1720 = arith.shli %xor3A_1716, %shift_left3A_1719 : vector<16xi32>
      %shift_right_logical3A_1721 = arith.constant 26 : i32
      %shift_right_logical3A_1722 = vector.broadcast %shift_right_logical3A_1721 : i32 to vector<16xi32>
      %shift_right_logical3A_1723 = arith.shrui %xor3A_1716, %shift_right_logical3A_1722 : vector<16xi32>
      %add3A_1724 = arith.addi %shift_left3A_1720, %shift_right_logical3A_1723 : vector<16xi32>
      %xor3A_1725 = arith.xori %add3A_1724, %add3A_1717 : vector<16xi32>
      %add3A_1726 = arith.constant 0 : i32
      %add3A_1727 = vector.broadcast %add3A_1726 : i32 to vector<16xi32>
      %add3A_1728 = arith.addi %add3A_1717, %add3A_1727 : vector<16xi32>
      %add3A_1729 = arith.constant 45 : i32
      %add3A_1730 = vector.broadcast %add3A_1729 : i32 to vector<16xi32>
      %add3A_1731 = arith.addi %xor3A_1725, %add3A_1730 : vector<16xi32>
      %add3A_1732 = arith.addi %add3A_1728, %add3A_1731 : vector<16xi32>
      %shift_left3A_1733 = arith.constant 17 : i32
      %shift_left3A_1734 = vector.broadcast %shift_left3A_1733 : i32 to vector<16xi32>
      %shift_left3A_1735 = arith.shli %add3A_1731, %shift_left3A_1734 : vector<16xi32>
      %shift_right_logical3A_1736 = arith.constant 15 : i32
      %shift_right_logical3A_1737 = vector.broadcast %shift_right_logical3A_1736 : i32 to vector<16xi32>
      %shift_right_logical3A_1738 = arith.shrui %add3A_1731, %shift_right_logical3A_1737 : vector<16xi32>
      %add3A_1739 = arith.addi %shift_left3A_1735, %shift_right_logical3A_1738 : vector<16xi32>
      %xor3A_1740 = arith.xori %add3A_1739, %add3A_1732 : vector<16xi32>
      %add3A_1741 = arith.addi %add3A_1732, %xor3A_1740 : vector<16xi32>
      %shift_left3A_1742 = arith.constant 29 : i32
      %shift_left3A_1743 = vector.broadcast %shift_left3A_1742 : i32 to vector<16xi32>
      %shift_left3A_1744 = arith.shli %xor3A_1740, %shift_left3A_1743 : vector<16xi32>
      %shift_right_logical3A_1745 = arith.constant 3 : i32
      %shift_right_logical3A_1746 = vector.broadcast %shift_right_logical3A_1745 : i32 to vector<16xi32>
      %shift_right_logical3A_1747 = arith.shrui %xor3A_1740, %shift_right_logical3A_1746 : vector<16xi32>
      %add3A_1748 = arith.addi %shift_left3A_1744, %shift_right_logical3A_1747 : vector<16xi32>
      %xor3A_1749 = arith.xori %add3A_1748, %add3A_1741 : vector<16xi32>
      %add3A_1750 = arith.addi %add3A_1741, %xor3A_1749 : vector<16xi32>
      %shift_left3A_1751 = arith.constant 16 : i32
      %shift_left3A_1752 = vector.broadcast %shift_left3A_1751 : i32 to vector<16xi32>
      %shift_left3A_1753 = arith.shli %xor3A_1749, %shift_left3A_1752 : vector<16xi32>
      %shift_right_logical3A_1754 = arith.constant 16 : i32
      %shift_right_logical3A_1755 = vector.broadcast %shift_right_logical3A_1754 : i32 to vector<16xi32>
      %shift_right_logical3A_1756 = arith.shrui %xor3A_1749, %shift_right_logical3A_1755 : vector<16xi32>
      %add3A_1757 = arith.addi %shift_left3A_1753, %shift_right_logical3A_1756 : vector<16xi32>
      %xor3A_1758 = arith.xori %add3A_1757, %add3A_1750 : vector<16xi32>
      %add3A_1759 = arith.addi %add3A_1750, %xor3A_1758 : vector<16xi32>
      %shift_left3A_1760 = arith.constant 24 : i32
      %shift_left3A_1761 = vector.broadcast %shift_left3A_1760 : i32 to vector<16xi32>
      %shift_left3A_1762 = arith.shli %xor3A_1758, %shift_left3A_1761 : vector<16xi32>
      %shift_right_logical3A_1763 = arith.constant 8 : i32
      %shift_right_logical3A_1764 = vector.broadcast %shift_right_logical3A_1763 : i32 to vector<16xi32>
      %shift_right_logical3A_1765 = arith.shrui %xor3A_1758, %shift_right_logical3A_1764 : vector<16xi32>
      %add3A_1766 = arith.addi %shift_left3A_1762, %shift_right_logical3A_1765 : vector<16xi32>
      %xor3A_1767 = arith.xori %add3A_1766, %add3A_1759 : vector<16xi32>
      %add3A_1768 = arith.constant 42 : i32
      %add3A_1769 = vector.broadcast %add3A_1768 : i32 to vector<16xi32>
      %add3A_1770 = arith.addi %add3A_1759, %add3A_1769 : vector<16xi32>
      %add3A_1771 = arith.constant 466689012 : i32
      %add3A_1772 = vector.broadcast %add3A_1771 : i32 to vector<16xi32>
      %add3A_1773 = arith.addi %xor3A_1767, %add3A_1772 : vector<16xi32>
      %add3A_1774 = arith.addi %add3A_1770, %add3A_1773 : vector<16xi32>
      %shift_left3A_1775 = arith.constant 13 : i32
      %shift_left3A_1776 = vector.broadcast %shift_left3A_1775 : i32 to vector<16xi32>
      %shift_left3A_1777 = arith.shli %add3A_1773, %shift_left3A_1776 : vector<16xi32>
      %shift_right_logical3A_1778 = arith.constant 19 : i32
      %shift_right_logical3A_1779 = vector.broadcast %shift_right_logical3A_1778 : i32 to vector<16xi32>
      %shift_right_logical3A_1780 = arith.shrui %add3A_1773, %shift_right_logical3A_1779 : vector<16xi32>
      %add3A_1781 = arith.addi %shift_left3A_1777, %shift_right_logical3A_1780 : vector<16xi32>
      %xor3A_1782 = arith.xori %add3A_1781, %add3A_1774 : vector<16xi32>
      %add3A_1783 = arith.addi %add3A_1774, %xor3A_1782 : vector<16xi32>
      %shift_left3A_1784 = arith.constant 15 : i32
      %shift_left3A_1785 = vector.broadcast %shift_left3A_1784 : i32 to vector<16xi32>
      %shift_left3A_1786 = arith.shli %xor3A_1782, %shift_left3A_1785 : vector<16xi32>
      %shift_right_logical3A_1787 = arith.constant 17 : i32
      %shift_right_logical3A_1788 = vector.broadcast %shift_right_logical3A_1787 : i32 to vector<16xi32>
      %shift_right_logical3A_1789 = arith.shrui %xor3A_1782, %shift_right_logical3A_1788 : vector<16xi32>
      %add3A_1790 = arith.addi %shift_left3A_1786, %shift_right_logical3A_1789 : vector<16xi32>
      %xor3A_1791 = arith.xori %add3A_1790, %add3A_1783 : vector<16xi32>
      %add3A_1792 = arith.addi %add3A_1783, %xor3A_1791 : vector<16xi32>
      %shift_left3A_1793 = arith.constant 26 : i32
      %shift_left3A_1794 = vector.broadcast %shift_left3A_1793 : i32 to vector<16xi32>
      %shift_left3A_1795 = arith.shli %xor3A_1791, %shift_left3A_1794 : vector<16xi32>
      %shift_right_logical3A_1796 = arith.constant 6 : i32
      %shift_right_logical3A_1797 = vector.broadcast %shift_right_logical3A_1796 : i32 to vector<16xi32>
      %shift_right_logical3A_1798 = arith.shrui %xor3A_1791, %shift_right_logical3A_1797 : vector<16xi32>
      %add3A_1799 = arith.addi %shift_left3A_1795, %shift_right_logical3A_1798 : vector<16xi32>
      %xor3A_1800 = arith.xori %add3A_1799, %add3A_1792 : vector<16xi32>
      %add3A_1801 = arith.addi %add3A_1792, %xor3A_1800 : vector<16xi32>
      %shift_left3A_1802 = arith.constant 6 : i32
      %shift_left3A_1803 = vector.broadcast %shift_left3A_1802 : i32 to vector<16xi32>
      %shift_left3A_1804 = arith.shli %xor3A_1800, %shift_left3A_1803 : vector<16xi32>
      %shift_right_logical3A_1805 = arith.constant 26 : i32
      %shift_right_logical3A_1806 = vector.broadcast %shift_right_logical3A_1805 : i32 to vector<16xi32>
      %shift_right_logical3A_1807 = arith.shrui %xor3A_1800, %shift_right_logical3A_1806 : vector<16xi32>
      %add3A_1808 = arith.addi %shift_left3A_1804, %shift_right_logical3A_1807 : vector<16xi32>
      %xor3A_1809 = arith.xori %add3A_1808, %add3A_1801 : vector<16xi32>
      %add3A_1810 = arith.constant 466689008 : i32
      %add3A_1811 = vector.broadcast %add3A_1810 : i32 to vector<16xi32>
      %add3A_1812 = arith.addi %add3A_1801, %add3A_1811 : vector<16xi32>
      %add3A_1813 = arith.constant 5 : i32
      %add3A_1814 = vector.broadcast %add3A_1813 : i32 to vector<16xi32>
      %add3A_1815 = arith.addi %xor3A_1809, %add3A_1814 : vector<16xi32>
      %xor3A_1816 = arith.xori %add3A_1812, %add3A_1815 : vector<16xi32>
      %mul3A_1817 = arith.constant 16 : i32
      %mul3A_1818 = arith.muli %add3A_1606, %mul3A_1817 : i32
      %swap3A_1819 = arith.index_cast %mul3A_1818 : i32 to index
      %swap3A_1820 = tpu.vector_load %arg5[%swap3A_1819] {strides = array<i32>} : memref<127264xi32, #tpu.memory_space<vmem>>, vector<16xi32>,
      %swap3A_1821 = vector.shape_cast %swap3A_1820 : vector<16xi32> to vector<16xi32>
      %swap3A_1822 = vector.shape_cast %xor3A_1816 : vector<16xi32> to vector<16xi32>
      tpu.vector_store %arg5[%swap3A_1819], %swap3A_1822 {strides = array<i32>} : memref<127264xi32, #tpu.memory_space<vmem>>, vector<16xi32>,
      %add3A_1823 = arith.constant 16 : i32
      %add3A_1824 = vector.broadcast %add3A_1823 : i32 to vector<16xi32>
      %add3A_1825 = arith.addi %add3A_1600, %add3A_1824 : vector<16xi32>
      scf.yield %add3A_1825 : vector<16xi32>
    }
    %scan3A_15 = arith.constant 7952 : i32
    %scan3A_16 = arith.addi %scan3A, %scan3A_15 : i32
    %mul3A_17 = arith.constant 1 : i32
    %mul3A_18 = arith.muli %scan3A_16, %mul3A_17 : i32
    %add3A_19 = arith.constant 0 : i32
    %add3A_20 = arith.addi %add3A_19, %mul3A_18 : i32
    %shift_left3A = arith.constant 13 : i32
    %shift_left3A_21 = vector.broadcast %shift_left3A : i32 to vector<16xi32>
    %shift_left3A_22 = arith.shli %scan3A_14, %shift_left3A_21 : vector<16xi32>
    %shift_right_logical3A = arith.constant 19 : i32
    %shift_right_logical3A_23 = vector.broadcast %shift_right_logical3A : i32 to vector<16xi32>
    %shift_right_logical3A_24 = arith.shrui %scan3A_14, %shift_right_logical3A_23 : vector<16xi32>
    %add3A_25 = arith.addi %shift_left3A_22, %shift_right_logical3A_24 : vector<16xi32>
    %xor3A = arith.xori %add3A_25, %scan3A_14 : vector<16xi32>
    %add3A_26 = arith.addi %scan3A_14, %xor3A : vector<16xi32>
    %shift_left3A_27 = arith.constant 15 : i32
    %shift_left3A_28 = vector.broadcast %shift_left3A_27 : i32 to vector<16xi32>
    %shift_left3A_29 = arith.shli %xor3A, %shift_left3A_28 : vector<16xi32>
    %shift_right_logical3A_30 = arith.constant 17 : i32
    %shift_right_logical3A_31 = vector.broadcast %shift_right_logical3A_30 : i32 to vector<16xi32>
    %shift_right_logical3A_32 = arith.shrui %xor3A, %shift_right_logical3A_31 : vector<16xi32>
    %add3A_33 = arith.addi %shift_left3A_29, %shift_right_logical3A_32 : vector<16xi32>
    %xor3A_34 = arith.xori %add3A_33, %add3A_26 : vector<16xi32>
    %add3A_35 = arith.addi %add3A_26, %xor3A_34 : vector<16xi32>
    %shift_left3A_36 = arith.constant 26 : i32
    %shift_left3A_37 = vector.broadcast %shift_left3A_36 : i32 to vector<16xi32>
    %shift_left3A_38 = arith.shli %xor3A_34, %shift_left3A_37 : vector<16xi32>
    %shift_right_logical3A_39 = arith.constant 6 : i32
    %shift_right_logical3A_40 = vector.broadcast %shift_right_logical3A_39 : i32 to vector<16xi32>
    %shift_right_logical3A_41 = arith.shrui %xor3A_34, %shift_right_logical3A_40 : vector<16xi32>
    %add3A_42 = arith.addi %shift_left3A_38, %shift_right_logical3A_41 : vector<16xi32>
    %xor3A_43 = arith.xori %add3A_42, %add3A_35 : vector<16xi32>
    %add3A_44 = arith.addi %add3A_35, %xor3A_43 : vector<16xi32>
    %shift_left3A_45 = arith.constant 6 : i32
    %shift_left3A_46 = vector.broadcast %shift_left3A_45 : i32 to vector<16xi32>
    %shift_left3A_47 = arith.shli %xor3A_43, %shift_left3A_46 : vector<16xi32>
    %shift_right_logical3A_48 = arith.constant 26 : i32
    %shift_right_logical3A_49 = vector.broadcast %shift_right_logical3A_48 : i32 to vector<16xi32>
    %shift_right_logical3A_50 = arith.shrui %xor3A_43, %shift_right_logical3A_49 : vector<16xi32>
    %add3A_51 = arith.addi %shift_left3A_47, %shift_right_logical3A_50 : vector<16xi32>
    %xor3A_52 = arith.xori %add3A_51, %add3A_44 : vector<16xi32>
    %add3A_53 = arith.constant 42 : i32
    %add3A_54 = vector.broadcast %add3A_53 : i32 to vector<16xi32>
    %add3A_55 = arith.addi %add3A_44, %add3A_54 : vector<16xi32>
    %add3A_56 = arith.constant 466689009 : i32
    %add3A_57 = vector.broadcast %add3A_56 : i32 to vector<16xi32>
    %add3A_58 = arith.addi %xor3A_52, %add3A_57 : vector<16xi32>
    %add3A_59 = arith.addi %add3A_55, %add3A_58 : vector<16xi32>
    %shift_left3A_60 = arith.constant 17 : i32
    %shift_left3A_61 = vector.broadcast %shift_left3A_60 : i32 to vector<16xi32>
    %shift_left3A_62 = arith.shli %add3A_58, %shift_left3A_61 : vector<16xi32>
    %shift_right_logical3A_63 = arith.constant 15 : i32
    %shift_right_logical3A_64 = vector.broadcast %shift_right_logical3A_63 : i32 to vector<16xi32>
    %shift_right_logical3A_65 = arith.shrui %add3A_58, %shift_right_logical3A_64 : vector<16xi32>
    %add3A_66 = arith.addi %shift_left3A_62, %shift_right_logical3A_65 : vector<16xi32>
    %xor3A_67 = arith.xori %add3A_66, %add3A_59 : vector<16xi32>
    %add3A_68 = arith.addi %add3A_59, %xor3A_67 : vector<16xi32>
    %shift_left3A_69 = arith.constant 29 : i32
    %shift_left3A_70 = vector.broadcast %shift_left3A_69 : i32 to vector<16xi32>
    %shift_left3A_71 = arith.shli %xor3A_67, %shift_left3A_70 : vector<16xi32>
    %shift_right_logical3A_72 = arith.constant 3 : i32
    %shift_right_logical3A_73 = vector.broadcast %shift_right_logical3A_72 : i32 to vector<16xi32>
    %shift_right_logical3A_74 = arith.shrui %xor3A_67, %shift_right_logical3A_73 : vector<16xi32>
    %add3A_75 = arith.addi %shift_left3A_71, %shift_right_logical3A_74 : vector<16xi32>
    %xor3A_76 = arith.xori %add3A_75, %add3A_68 : vector<16xi32>
    %add3A_77 = arith.addi %add3A_68, %xor3A_76 : vector<16xi32>
    %shift_left3A_78 = arith.constant 16 : i32
    %shift_left3A_79 = vector.broadcast %shift_left3A_78 : i32 to vector<16xi32>
    %shift_left3A_80 = arith.shli %xor3A_76, %shift_left3A_79 : vector<16xi32>
    %shift_right_logical3A_81 = arith.constant 16 : i32
    %shift_right_logical3A_82 = vector.broadcast %shift_right_logical3A_81 : i32 to vector<16xi32>
    %shift_right_logical3A_83 = arith.shrui %xor3A_76, %shift_right_logical3A_82 : vector<16xi32>
    %add3A_84 = arith.addi %shift_left3A_80, %shift_right_logical3A_83 : vector<16xi32>
    %xor3A_85 = arith.xori %add3A_84, %add3A_77 : vector<16xi32>
    %add3A_86 = arith.addi %add3A_77, %xor3A_85 : vector<16xi32>
    %shift_left3A_87 = arith.constant 24 : i32
    %shift_left3A_88 = vector.broadcast %shift_left3A_87 : i32 to vector<16xi32>
    %shift_left3A_89 = arith.shli %xor3A_85, %shift_left3A_88 : vector<16xi32>
    %shift_right_logical3A_90 = arith.constant 8 : i32
    %shift_right_logical3A_91 = vector.broadcast %shift_right_logical3A_90 : i32 to vector<16xi32>
    %shift_right_logical3A_92 = arith.shrui %xor3A_85, %shift_right_logical3A_91 : vector<16xi32>
    %add3A_93 = arith.addi %shift_left3A_89, %shift_right_logical3A_92 : vector<16xi32>
    %xor3A_94 = arith.xori %add3A_93, %add3A_86 : vector<16xi32>
    %add3A_95 = arith.constant 466689008 : i32
    %add3A_96 = vector.broadcast %add3A_95 : i32 to vector<16xi32>
    %add3A_97 = arith.addi %add3A_86, %add3A_96 : vector<16xi32>
    %add3A_98 = arith.constant 2 : i32
    %add3A_99 = vector.broadcast %add3A_98 : i32 to vector<16xi32>
    %add3A_100 = arith.addi %xor3A_94, %add3A_99 : vector<16xi32>
    %add3A_101 = arith.addi %add3A_97, %add3A_100 : vector<16xi32>
    %shift_left3A_102 = arith.constant 13 : i32
    %shift_left3A_103 = vector.broadcast %shift_left3A_102 : i32 to vector<16xi32>
    %shift_left3A_104 = arith.shli %add3A_100, %shift_left3A_103 : vector<16xi32>
    %shift_right_logical3A_105 = arith.constant 19 : i32
    %shift_right_logical3A_106 = vector.broadcast %shift_right_logical3A_105 : i32 to vector<16xi32>
    %shift_right_logical3A_107 = arith.shrui %add3A_100, %shift_right_logical3A_106 : vector<16xi32>
    %add3A_108 = arith.addi %shift_left3A_104, %shift_right_logical3A_107 : vector<16xi32>
    %xor3A_109 = arith.xori %add3A_108, %add3A_101 : vector<16xi32>
    %add3A_110 = arith.addi %add3A_101, %xor3A_109 : vector<16xi32>
    %shift_left3A_111 = arith.constant 15 : i32
    %shift_left3A_112 = vector.broadcast %shift_left3A_111 : i32 to vector<16xi32>
    %shift_left3A_113 = arith.shli %xor3A_109, %shift_left3A_112 : vector<16xi32>
    %shift_right_logical3A_114 = arith.constant 17 : i32
    %shift_right_logical3A_115 = vector.broadcast %shift_right_logical3A_114 : i32 to vector<16xi32>
    %shift_right_logical3A_116 = arith.shrui %xor3A_109, %shift_right_logical3A_115 : vector<16xi32>
    %add3A_117 = arith.addi %shift_left3A_113, %shift_right_logical3A_116 : vector<16xi32>
    %xor3A_118 = arith.xori %add3A_117, %add3A_110 : vector<16xi32>
    %add3A_119 = arith.addi %add3A_110, %xor3A_118 : vector<16xi32>
    %shift_left3A_120 = arith.constant 26 : i32
    %shift_left3A_121 = vector.broadcast %shift_left3A_120 : i32 to vector<16xi32>
    %shift_left3A_122 = arith.shli %xor3A_118, %shift_left3A_121 : vector<16xi32>
    %shift_right_logical3A_123 = arith.constant 6 : i32
    %shift_right_logical3A_124 = vector.broadcast %shift_right_logical3A_123 : i32 to vector<16xi32>
    %shift_right_logical3A_125 = arith.shrui %xor3A_118, %shift_right_logical3A_124 : vector<16xi32>
    %add3A_126 = arith.addi %shift_left3A_122, %shift_right_logical3A_125 : vector<16xi32>
    %xor3A_127 = arith.xori %add3A_126, %add3A_119 : vector<16xi32>
    %add3A_128 = arith.addi %add3A_119, %xor3A_127 : vector<16xi32>
    %shift_left3A_129 = arith.constant 6 : i32
    %shift_left3A_130 = vector.broadcast %shift_left3A_129 : i32 to vector<16xi32>
    %shift_left3A_131 = arith.shli %xor3A_127, %shift_left3A_130 : vector<16xi32>
    %shift_right_logical3A_132 = arith.constant 26 : i32
    %shift_right_logical3A_133 = vector.broadcast %shift_right_logical3A_132 : i32 to vector<16xi32>
    %shift_right_logical3A_134 = arith.shrui %xor3A_127, %shift_right_logical3A_133 : vector<16xi32>
    %add3A_135 = arith.addi %shift_left3A_131, %shift_right_logical3A_134 : vector<16xi32>
    %xor3A_136 = arith.xori %add3A_135, %add3A_128 : vector<16xi32>
    %add3A_137 = arith.constant 0 : i32
    %add3A_138 = vector.broadcast %add3A_137 : i32 to vector<16xi32>
    %add3A_139 = arith.addi %add3A_128, %add3A_138 : vector<16xi32>
    %add3A_140 = arith.constant 45 : i32
    %add3A_141 = vector.broadcast %add3A_140 : i32 to vector<16xi32>
    %add3A_142 = arith.addi %xor3A_136, %add3A_141 : vector<16xi32>
    %add3A_143 = arith.addi %add3A_139, %add3A_142 : vector<16xi32>
    %shift_left3A_144 = arith.constant 17 : i32
    %shift_left3A_145 = vector.broadcast %shift_left3A_144 : i32 to vector<16xi32>
    %shift_left3A_146 = arith.shli %add3A_142, %shift_left3A_145 : vector<16xi32>
    %shift_right_logical3A_147 = arith.constant 15 : i32
    %shift_right_logical3A_148 = vector.broadcast %shift_right_logical3A_147 : i32 to vector<16xi32>
    %shift_right_logical3A_149 = arith.shrui %add3A_142, %shift_right_logical3A_148 : vector<16xi32>
    %add3A_150 = arith.addi %shift_left3A_146, %shift_right_logical3A_149 : vector<16xi32>
    %xor3A_151 = arith.xori %add3A_150, %add3A_143 : vector<16xi32>
    %add3A_152 = arith.addi %add3A_143, %xor3A_151 : vector<16xi32>
    %shift_left3A_153 = arith.constant 29 : i32
    %shift_left3A_154 = vector.broadcast %shift_left3A_153 : i32 to vector<16xi32>
    %shift_left3A_155 = arith.shli %xor3A_151, %shift_left3A_154 : vector<16xi32>
    %shift_right_logical3A_156 = arith.constant 3 : i32
    %shift_right_logical3A_157 = vector.broadcast %shift_right_logical3A_156 : i32 to vector<16xi32>
    %shift_right_logical3A_158 = arith.shrui %xor3A_151, %shift_right_logical3A_157 : vector<16xi32>
    %add3A_159 = arith.addi %shift_left3A_155, %shift_right_logical3A_158 : vector<16xi32>
    %xor3A_160 = arith.xori %add3A_159, %add3A_152 : vector<16xi32>
    %add3A_161 = arith.addi %add3A_152, %xor3A_160 : vector<16xi32>
    %shift_left3A_162 = arith.constant 16 : i32
    %shift_left3A_163 = vector.broadcast %shift_left3A_162 : i32 to vector<16xi32>
    %shift_left3A_164 = arith.shli %xor3A_160, %shift_left3A_163 : vector<16xi32>
    %shift_right_logical3A_165 = arith.constant 16 : i32
    %shift_right_logical3A_166 = vector.broadcast %shift_right_logical3A_165 : i32 to vector<16xi32>
    %shift_right_logical3A_167 = arith.shrui %xor3A_160, %shift_right_logical3A_166 : vector<16xi32>
    %add3A_168 = arith.addi %shift_left3A_164, %shift_right_logical3A_167 : vector<16xi32>
    %xor3A_169 = arith.xori %add3A_168, %add3A_161 : vector<16xi32>
    %add3A_170 = arith.addi %add3A_161, %xor3A_169 : vector<16xi32>
    %shift_left3A_171 = arith.constant 24 : i32
    %shift_left3A_172 = vector.broadcast %shift_left3A_171 : i32 to vector<16xi32>
    %shift_left3A_173 = arith.shli %xor3A_169, %shift_left3A_172 : vector<16xi32>
    %shift_right_logical3A_174 = arith.constant 8 : i32
    %shift_right_logical3A_175 = vector.broadcast %shift_right_logical3A_174 : i32 to vector<16xi32>
    %shift_right_logical3A_176 = arith.shrui %xor3A_169, %shift_right_logical3A_175 : vector<16xi32>
    %add3A_177 = arith.addi %shift_left3A_173, %shift_right_logical3A_176 : vector<16xi32>
    %xor3A_178 = arith.xori %add3A_177, %add3A_170 : vector<16xi32>
    %add3A_179 = arith.constant 42 : i32
    %add3A_180 = vector.broadcast %add3A_179 : i32 to vector<16xi32>
    %add3A_181 = arith.addi %add3A_170, %add3A_180 : vector<16xi32>
    %add3A_182 = arith.constant 466689012 : i32
    %add3A_183 = vector.broadcast %add3A_182 : i32 to vector<16xi32>
    %add3A_184 = arith.addi %xor3A_178, %add3A_183 : vector<16xi32>
    %add3A_185 = arith.addi %add3A_181, %add3A_184 : vector<16xi32>
    %shift_left3A_186 = arith.constant 13 : i32
    %shift_left3A_187 = vector.broadcast %shift_left3A_186 : i32 to vector<16xi32>
    %shift_left3A_188 = arith.shli %add3A_184, %shift_left3A_187 : vector<16xi32>
    %shift_right_logical3A_189 = arith.constant 19 : i32
    %shift_right_logical3A_190 = vector.broadcast %shift_right_logical3A_189 : i32 to vector<16xi32>
    %shift_right_logical3A_191 = arith.shrui %add3A_184, %shift_right_logical3A_190 : vector<16xi32>
    %add3A_192 = arith.addi %shift_left3A_188, %shift_right_logical3A_191 : vector<16xi32>
    %xor3A_193 = arith.xori %add3A_192, %add3A_185 : vector<16xi32>
    %add3A_194 = arith.addi %add3A_185, %xor3A_193 : vector<16xi32>
    %shift_left3A_195 = arith.constant 15 : i32
    %shift_left3A_196 = vector.broadcast %shift_left3A_195 : i32 to vector<16xi32>
    %shift_left3A_197 = arith.shli %xor3A_193, %shift_left3A_196 : vector<16xi32>
    %shift_right_logical3A_198 = arith.constant 17 : i32
    %shift_right_logical3A_199 = vector.broadcast %shift_right_logical3A_198 : i32 to vector<16xi32>
    %shift_right_logical3A_200 = arith.shrui %xor3A_193, %shift_right_logical3A_199 : vector<16xi32>
    %add3A_201 = arith.addi %shift_left3A_197, %shift_right_logical3A_200 : vector<16xi32>
    %xor3A_202 = arith.xori %add3A_201, %add3A_194 : vector<16xi32>
    %add3A_203 = arith.addi %add3A_194, %xor3A_202 : vector<16xi32>
    %shift_left3A_204 = arith.constant 26 : i32
    %shift_left3A_205 = vector.broadcast %shift_left3A_204 : i32 to vector<16xi32>
    %shift_left3A_206 = arith.shli %xor3A_202, %shift_left3A_205 : vector<16xi32>
    %shift_right_logical3A_207 = arith.constant 6 : i32
    %shift_right_logical3A_208 = vector.broadcast %shift_right_logical3A_207 : i32 to vector<16xi32>
    %shift_right_logical3A_209 = arith.shrui %xor3A_202, %shift_right_logical3A_208 : vector<16xi32>
    %add3A_210 = arith.addi %shift_left3A_206, %shift_right_logical3A_209 : vector<16xi32>
    %xor3A_211 = arith.xori %add3A_210, %add3A_203 : vector<16xi32>
    %add3A_212 = arith.addi %add3A_203, %xor3A_211 : vector<16xi32>
    %shift_left3A_213 = arith.constant 6 : i32
    %shift_left3A_214 = vector.broadcast %shift_left3A_213 : i32 to vector<16xi32>
    %shift_left3A_215 = arith.shli %xor3A_211, %shift_left3A_214 : vector<16xi32>
    %shift_right_logical3A_216 = arith.constant 26 : i32
    %shift_right_logical3A_217 = vector.broadcast %shift_right_logical3A_216 : i32 to vector<16xi32>
    %shift_right_logical3A_218 = arith.shrui %xor3A_211, %shift_right_logical3A_217 : vector<16xi32>
    %add3A_219 = arith.addi %shift_left3A_215, %shift_right_logical3A_218 : vector<16xi32>
    %xor3A_220 = arith.xori %add3A_219, %add3A_212 : vector<16xi32>
    %add3A_221 = arith.constant 466689008 : i32
    %add3A_222 = vector.broadcast %add3A_221 : i32 to vector<16xi32>
    %add3A_223 = arith.addi %add3A_212, %add3A_222 : vector<16xi32>
    %add3A_224 = arith.constant 5 : i32
    %add3A_225 = vector.broadcast %add3A_224 : i32 to vector<16xi32>
    %add3A_226 = arith.addi %xor3A_220, %add3A_225 : vector<16xi32>
    %xor3A_227 = arith.xori %add3A_223, %add3A_226 : vector<16xi32>
    %mul3A_228 = arith.constant 16 : i32
    %mul3A_229 = arith.muli %add3A_20, %mul3A_228 : i32
    %swap3A = arith.index_cast %mul3A_229 : i32 to index
    %swap3A_230 = tpu.vector_load %arg5[%swap3A] {strides = array<i32>} : memref<127264xi32, #tpu.memory_space<vmem>>, vector<16xi32>,
    %swap3A_231 = vector.shape_cast %swap3A_230 : vector<16xi32> to vector<16xi32>
    %swap3A_232 = vector.shape_cast %xor3A_227 : vector<16xi32> to vector<16xi32>
    tpu.vector_store %arg5[%swap3A], %swap3A_232 {strides = array<i32>} : memref<127264xi32, #tpu.memory_space<vmem>>, vector<16xi32>,
    %add3A_233 = arith.constant 16 : i32
    %add3A_234 = vector.broadcast %add3A_233 : i32 to vector<16xi32>
    %add3A_235 = arith.addi %scan3A_14, %add3A_234 : vector<16xi32>
    %scan3A_236 = arith.constant 7953 : i32
    %scan3A_237 = arith.addi %scan3A, %scan3A_236 : i32
    %mul3A_238 = arith.constant 1 : i32
    %mul3A_239 = arith.muli %scan3A_237, %mul3A_238 : i32
    %add3A_240 = arith.constant 0 : i32
    %add3A_241 = arith.addi %add3A_240, %mul3A_239 : i32
    %shift_left3A_242 = arith.constant 13 : i32
    %shift_left3A_243 = vector.broadcast %shift_left3A_242 : i32 to vector<16xi32>
    %shift_left3A_244 = arith.shli %add3A_235, %shift_left3A_243 : vector<16xi32>
    %shift_right_logical3A_245 = arith.constant 19 : i32
    %shift_right_logical3A_246 = vector.broadcast %shift_right_logical3A_245 : i32 to vector<16xi32>
    %shift_right_logical3A_247 = arith.shrui %add3A_235, %shift_right_logical3A_246 : vector<16xi32>
    %add3A_248 = arith.addi %shift_left3A_244, %shift_right_logical3A_247 : vector<16xi32>
    %xor3A_249 = arith.xori %add3A_248, %add3A_235 : vector<16xi32>
    %add3A_250 = arith.addi %add3A_235, %xor3A_249 : vector<16xi32>
    %shift_left3A_251 = arith.constant 15 : i32
    %shift_left3A_252 = vector.broadcast %shift_left3A_251 : i32 to vector<16xi32>
    %shift_left3A_253 = arith.shli %xor3A_249, %shift_left3A_252 : vector<16xi32>
    %shift_right_logical3A_254 = arith.constant 17 : i32
    %shift_right_logical3A_255 = vector.broadcast %shift_right_logical3A_254 : i32 to vector<16xi32>
    %shift_right_logical3A_256 = arith.shrui %xor3A_249, %shift_right_logical3A_255 : vector<16xi32>
    %add3A_257 = arith.addi %shift_left3A_253, %shift_right_logical3A_256 : vector<16xi32>
    %xor3A_258 = arith.xori %add3A_257, %add3A_250 : vector<16xi32>
    %add3A_259 = arith.addi %add3A_250, %xor3A_258 : vector<16xi32>
    %shift_left3A_260 = arith.constant 26 : i32
    %shift_left3A_261 = vector.broadcast %shift_left3A_260 : i32 to vector<16xi32>
    %shift_left3A_262 = arith.shli %xor3A_258, %shift_left3A_261 : vector<16xi32>
    %shift_right_logical3A_263 = arith.constant 6 : i32
    %shift_right_logical3A_264 = vector.broadcast %shift_right_logical3A_263 : i32 to vector<16xi32>
    %shift_right_logical3A_265 = arith.shrui %xor3A_258, %shift_right_logical3A_264 : vector<16xi32>
    %add3A_266 = arith.addi %shift_left3A_262, %shift_right_logical3A_265 : vector<16xi32>
    %xor3A_267 = arith.xori %add3A_266, %add3A_259 : vector<16xi32>
    %add3A_268 = arith.addi %add3A_259, %xor3A_267 : vector<16xi32>
    %shift_left3A_269 = arith.constant 6 : i32
    %shift_left3A_270 = vector.broadcast %shift_left3A_269 : i32 to vector<16xi32>
    %shift_left3A_271 = arith.shli %xor3A_267, %shift_left3A_270 : vector<16xi32>
    %shift_right_logical3A_272 = arith.constant 26 : i32
    %shift_right_logical3A_273 = vector.broadcast %shift_right_logical3A_272 : i32 to vector<16xi32>
    %shift_right_logical3A_274 = arith.shrui %xor3A_267, %shift_right_logical3A_273 : vector<16xi32>
    %add3A_275 = arith.addi %shift_left3A_271, %shift_right_logical3A_274 : vector<16xi32>
    %xor3A_276 = arith.xori %add3A_275, %add3A_268 : vector<16xi32>
    %add3A_277 = arith.constant 42 : i32
    %add3A_278 = vector.broadcast %add3A_277 : i32 to vector<16xi32>
    %add3A_279 = arith.addi %add3A_268, %add3A_278 : vector<16xi32>
    %add3A_280 = arith.constant 466689009 : i32
    %add3A_281 = vector.broadcast %add3A_280 : i32 to vector<16xi32>
    %add3A_282 = arith.addi %xor3A_276, %add3A_281 : vector<16xi32>
    %add3A_283 = arith.addi %add3A_279, %add3A_282 : vector<16xi32>
    %shift_left3A_284 = arith.constant 17 : i32
    %shift_left3A_285 = vector.broadcast %shift_left3A_284 : i32 to vector<16xi32>
    %shift_left3A_286 = arith.shli %add3A_282, %shift_left3A_285 : vector<16xi32>
    %shift_right_logical3A_287 = arith.constant 15 : i32
    %shift_right_logical3A_288 = vector.broadcast %shift_right_logical3A_287 : i32 to vector<16xi32>
    %shift_right_logical3A_289 = arith.shrui %add3A_282, %shift_right_logical3A_288 : vector<16xi32>
    %add3A_290 = arith.addi %shift_left3A_286, %shift_right_logical3A_289 : vector<16xi32>
    %xor3A_291 = arith.xori %add3A_290, %add3A_283 : vector<16xi32>
    %add3A_292 = arith.addi %add3A_283, %xor3A_291 : vector<16xi32>
    %shift_left3A_293 = arith.constant 29 : i32
    %shift_left3A_294 = vector.broadcast %shift_left3A_293 : i32 to vector<16xi32>
    %shift_left3A_295 = arith.shli %xor3A_291, %shift_left3A_294 : vector<16xi32>
    %shift_right_logical3A_296 = arith.constant 3 : i32
    %shift_right_logical3A_297 = vector.broadcast %shift_right_logical3A_296 : i32 to vector<16xi32>
    %shift_right_logical3A_298 = arith.shrui %xor3A_291, %shift_right_logical3A_297 : vector<16xi32>
    %add3A_299 = arith.addi %shift_left3A_295, %shift_right_logical3A_298 : vector<16xi32>
    %xor3A_300 = arith.xori %add3A_299, %add3A_292 : vector<16xi32>
    %add3A_301 = arith.addi %add3A_292, %xor3A_300 : vector<16xi32>
    %shift_left3A_302 = arith.constant 16 : i32
    %shift_left3A_303 = vector.broadcast %shift_left3A_302 : i32 to vector<16xi32>
    %shift_left3A_304 = arith.shli %xor3A_300, %shift_left3A_303 : vector<16xi32>
    %shift_right_logical3A_305 = arith.constant 16 : i32
    %shift_right_logical3A_306 = vector.broadcast %shift_right_logical3A_305 : i32 to vector<16xi32>
    %shift_right_logical3A_307 = arith.shrui %xor3A_300, %shift_right_logical3A_306 : vector<16xi32>
    %add3A_308 = arith.addi %shift_left3A_304, %shift_right_logical3A_307 : vector<16xi32>
    %xor3A_309 = arith.xori %add3A_308, %add3A_301 : vector<16xi32>
    %add3A_310 = arith.addi %add3A_301, %xor3A_309 : vector<16xi32>
    %shift_left3A_311 = arith.constant 24 : i32
    %shift_left3A_312 = vector.broadcast %shift_left3A_311 : i32 to vector<16xi32>
    %shift_left3A_313 = arith.shli %xor3A_309, %shift_left3A_312 : vector<16xi32>
    %shift_right_logical3A_314 = arith.constant 8 : i32
    %shift_right_logical3A_315 = vector.broadcast %shift_right_logical3A_314 : i32 to vector<16xi32>
    %shift_right_logical3A_316 = arith.shrui %xor3A_309, %shift_right_logical3A_315 : vector<16xi32>
    %add3A_317 = arith.addi %shift_left3A_313, %shift_right_logical3A_316 : vector<16xi32>
    %xor3A_318 = arith.xori %add3A_317, %add3A_310 : vector<16xi32>
    %add3A_319 = arith.constant 466689008 : i32
    %add3A_320 = vector.broadcast %add3A_319 : i32 to vector<16xi32>
    %add3A_321 = arith.addi %add3A_310, %add3A_320 : vector<16xi32>
    %add3A_322 = arith.constant 2 : i32
    %add3A_323 = vector.broadcast %add3A_322 : i32 to vector<16xi32>
    %add3A_324 = arith.addi %xor3A_318, %add3A_323 : vector<16xi32>
    %add3A_325 = arith.addi %add3A_321, %add3A_324 : vector<16xi32>
    %shift_left3A_326 = arith.constant 13 : i32
    %shift_left3A_327 = vector.broadcast %shift_left3A_326 : i32 to vector<16xi32>
    %shift_left3A_328 = arith.shli %add3A_324, %shift_left3A_327 : vector<16xi32>
    %shift_right_logical3A_329 = arith.constant 19 : i32
    %shift_right_logical3A_330 = vector.broadcast %shift_right_logical3A_329 : i32 to vector<16xi32>
    %shift_right_logical3A_331 = arith.shrui %add3A_324, %shift_right_logical3A_330 : vector<16xi32>
    %add3A_332 = arith.addi %shift_left3A_328, %shift_right_logical3A_331 : vector<16xi32>
    %xor3A_333 = arith.xori %add3A_332, %add3A_325 : vector<16xi32>
    %add3A_334 = arith.addi %add3A_325, %xor3A_333 : vector<16xi32>
    %shift_left3A_335 = arith.constant 15 : i32
    %shift_left3A_336 = vector.broadcast %shift_left3A_335 : i32 to vector<16xi32>
    %shift_left3A_337 = arith.shli %xor3A_333, %shift_left3A_336 : vector<16xi32>
    %shift_right_logical3A_338 = arith.constant 17 : i32
    %shift_right_logical3A_339 = vector.broadcast %shift_right_logical3A_338 : i32 to vector<16xi32>
    %shift_right_logical3A_340 = arith.shrui %xor3A_333, %shift_right_logical3A_339 : vector<16xi32>
    %add3A_341 = arith.addi %shift_left3A_337, %shift_right_logical3A_340 : vector<16xi32>
    %xor3A_342 = arith.xori %add3A_341, %add3A_334 : vector<16xi32>
    %add3A_343 = arith.addi %add3A_334, %xor3A_342 : vector<16xi32>
    %shift_left3A_344 = arith.constant 26 : i32
    %shift_left3A_345 = vector.broadcast %shift_left3A_344 : i32 to vector<16xi32>
    %shift_left3A_346 = arith.shli %xor3A_342, %shift_left3A_345 : vector<16xi32>
    %shift_right_logical3A_347 = arith.constant 6 : i32
    %shift_right_logical3A_348 = vector.broadcast %shift_right_logical3A_347 : i32 to vector<16xi32>
    %shift_right_logical3A_349 = arith.shrui %xor3A_342, %shift_right_logical3A_348 : vector<16xi32>
    %add3A_350 = arith.addi %shift_left3A_346, %shift_right_logical3A_349 : vector<16xi32>
    %xor3A_351 = arith.xori %add3A_350, %add3A_343 : vector<16xi32>
    %add3A_352 = arith.addi %add3A_343, %xor3A_351 : vector<16xi32>
    %shift_left3A_353 = arith.constant 6 : i32
    %shift_left3A_354 = vector.broadcast %shift_left3A_353 : i32 to vector<16xi32>
    %shift_left3A_355 = arith.shli %xor3A_351, %shift_left3A_354 : vector<16xi32>
    %shift_right_logical3A_356 = arith.constant 26 : i32
    %shift_right_logical3A_357 = vector.broadcast %shift_right_logical3A_356 : i32 to vector<16xi32>
    %shift_right_logical3A_358 = arith.shrui %xor3A_351, %shift_right_logical3A_357 : vector<16xi32>
    %add3A_359 = arith.addi %shift_left3A_355, %shift_right_logical3A_358 : vector<16xi32>
    %xor3A_360 = arith.xori %add3A_359, %add3A_352 : vector<16xi32>
    %add3A_361 = arith.constant 0 : i32
    %add3A_362 = vector.broadcast %add3A_361 : i32 to vector<16xi32>
    %add3A_363 = arith.addi %add3A_352, %add3A_362 : vector<16xi32>
    %add3A_364 = arith.constant 45 : i32
    %add3A_365 = vector.broadcast %add3A_364 : i32 to vector<16xi32>
    %add3A_366 = arith.addi %xor3A_360, %add3A_365 : vector<16xi32>
    %add3A_367 = arith.addi %add3A_363, %add3A_366 : vector<16xi32>
    %shift_left3A_368 = arith.constant 17 : i32
    %shift_left3A_369 = vector.broadcast %shift_left3A_368 : i32 to vector<16xi32>
    %shift_left3A_370 = arith.shli %add3A_366, %shift_left3A_369 : vector<16xi32>
    %shift_right_logical3A_371 = arith.constant 15 : i32
    %shift_right_logical3A_372 = vector.broadcast %shift_right_logical3A_371 : i32 to vector<16xi32>
    %shift_right_logical3A_373 = arith.shrui %add3A_366, %shift_right_logical3A_372 : vector<16xi32>
    %add3A_374 = arith.addi %shift_left3A_370, %shift_right_logical3A_373 : vector<16xi32>
    %xor3A_375 = arith.xori %add3A_374, %add3A_367 : vector<16xi32>
    %add3A_376 = arith.addi %add3A_367, %xor3A_375 : vector<16xi32>
    %shift_left3A_377 = arith.constant 29 : i32
    %shift_left3A_378 = vector.broadcast %shift_left3A_377 : i32 to vector<16xi32>
    %shift_left3A_379 = arith.shli %xor3A_375, %shift_left3A_378 : vector<16xi32>
    %shift_right_logical3A_380 = arith.constant 3 : i32
    %shift_right_logical3A_381 = vector.broadcast %shift_right_logical3A_380 : i32 to vector<16xi32>
    %shift_right_logical3A_382 = arith.shrui %xor3A_375, %shift_right_logical3A_381 : vector<16xi32>
    %add3A_383 = arith.addi %shift_left3A_379, %shift_right_logical3A_382 : vector<16xi32>
    %xor3A_384 = arith.xori %add3A_383, %add3A_376 : vector<16xi32>
    %add3A_385 = arith.addi %add3A_376, %xor3A_384 : vector<16xi32>
    %shift_left3A_386 = arith.constant 16 : i32
    %shift_left3A_387 = vector.broadcast %shift_left3A_386 : i32 to vector<16xi32>
    %shift_left3A_388 = arith.shli %xor3A_384, %shift_left3A_387 : vector<16xi32>
    %shift_right_logical3A_389 = arith.constant 16 : i32
    %shift_right_logical3A_390 = vector.broadcast %shift_right_logical3A_389 : i32 to vector<16xi32>
    %shift_right_logical3A_391 = arith.shrui %xor3A_384, %shift_right_logical3A_390 : vector<16xi32>
    %add3A_392 = arith.addi %shift_left3A_388, %shift_right_logical3A_391 : vector<16xi32>
    %xor3A_393 = arith.xori %add3A_392, %add3A_385 : vector<16xi32>
    %add3A_394 = arith.addi %add3A_385, %xor3A_393 : vector<16xi32>
    %shift_left3A_395 = arith.constant 24 : i32
    %shift_left3A_396 = vector.broadcast %shift_left3A_395 : i32 to vector<16xi32>
    %shift_left3A_397 = arith.shli %xor3A_393, %shift_left3A_396 : vector<16xi32>
    %shift_right_logical3A_398 = arith.constant 8 : i32
    %shift_right_logical3A_399 = vector.broadcast %shift_right_logical3A_398 : i32 to vector<16xi32>
    %shift_right_logical3A_400 = arith.shrui %xor3A_393, %shift_right_logical3A_399 : vector<16xi32>
    %add3A_401 = arith.addi %shift_left3A_397, %shift_right_logical3A_400 : vector<16xi32>
    %xor3A_402 = arith.xori %add3A_401, %add3A_394 : vector<16xi32>
    %add3A_403 = arith.constant 42 : i32
    %add3A_404 = vector.broadcast %add3A_403 : i32 to vector<16xi32>
    %add3A_405 = arith.addi %add3A_394, %add3A_404 : vector<16xi32>
    %add3A_406 = arith.constant 466689012 : i32
    %add3A_407 = vector.broadcast %add3A_406 : i32 to vector<16xi32>
    %add3A_408 = arith.addi %xor3A_402, %add3A_407 : vector<16xi32>
    %add3A_409 = arith.addi %add3A_405, %add3A_408 : vector<16xi32>
    %shift_left3A_410 = arith.constant 13 : i32
    %shift_left3A_411 = vector.broadcast %shift_left3A_410 : i32 to vector<16xi32>
    %shift_left3A_412 = arith.shli %add3A_408, %shift_left3A_411 : vector<16xi32>
    %shift_right_logical3A_413 = arith.constant 19 : i32
    %shift_right_logical3A_414 = vector.broadcast %shift_right_logical3A_413 : i32 to vector<16xi32>
    %shift_right_logical3A_415 = arith.shrui %add3A_408, %shift_right_logical3A_414 : vector<16xi32>
    %add3A_416 = arith.addi %shift_left3A_412, %shift_right_logical3A_415 : vector<16xi32>
    %xor3A_417 = arith.xori %add3A_416, %add3A_409 : vector<16xi32>
    %add3A_418 = arith.addi %add3A_409, %xor3A_417 : vector<16xi32>
    %shift_left3A_419 = arith.constant 15 : i32
    %shift_left3A_420 = vector.broadcast %shift_left3A_419 : i32 to vector<16xi32>
    %shift_left3A_421 = arith.shli %xor3A_417, %shift_left3A_420 : vector<16xi32>
    %shift_right_logical3A_422 = arith.constant 17 : i32
    %shift_right_logical3A_423 = vector.broadcast %shift_right_logical3A_422 : i32 to vector<16xi32>
    %shift_right_logical3A_424 = arith.shrui %xor3A_417, %shift_right_logical3A_423 : vector<16xi32>
    %add3A_425 = arith.addi %shift_left3A_421, %shift_right_logical3A_424 : vector<16xi32>
    %xor3A_426 = arith.xori %add3A_425, %add3A_418 : vector<16xi32>
    %add3A_427 = arith.addi %add3A_418, %xor3A_426 : vector<16xi32>
    %shift_left3A_428 = arith.constant 26 : i32
    %shift_left3A_429 = vector.broadcast %shift_left3A_428 : i32 to vector<16xi32>
    %shift_left3A_430 = arith.shli %xor3A_426, %shift_left3A_429 : vector<16xi32>
    %shift_right_logical3A_431 = arith.constant 6 : i32
    %shift_right_logical3A_432 = vector.broadcast %shift_right_logical3A_431 : i32 to vector<16xi32>
    %shift_right_logical3A_433 = arith.shrui %xor3A_426, %shift_right_logical3A_432 : vector<16xi32>
    %add3A_434 = arith.addi %shift_left3A_430, %shift_right_logical3A_433 : vector<16xi32>
    %xor3A_435 = arith.xori %add3A_434, %add3A_427 : vector<16xi32>
    %add3A_436 = arith.addi %add3A_427, %xor3A_435 : vector<16xi32>
    %shift_left3A_437 = arith.constant 6 : i32
    %shift_left3A_438 = vector.broadcast %shift_left3A_437 : i32 to vector<16xi32>
    %shift_left3A_439 = arith.shli %xor3A_435, %shift_left3A_438 : vector<16xi32>
    %shift_right_logical3A_440 = arith.constant 26 : i32
    %shift_right_logical3A_441 = vector.broadcast %shift_right_logical3A_440 : i32 to vector<16xi32>
    %shift_right_logical3A_442 = arith.shrui %xor3A_435, %shift_right_logical3A_441 : vector<16xi32>
    %add3A_443 = arith.addi %shift_left3A_439, %shift_right_logical3A_442 : vector<16xi32>
    %xor3A_444 = arith.xori %add3A_443, %add3A_436 : vector<16xi32>
    %add3A_445 = arith.constant 466689008 : i32
    %add3A_446 = vector.broadcast %add3A_445 : i32 to vector<16xi32>
    %add3A_447 = arith.addi %add3A_436, %add3A_446 : vector<16xi32>
    %add3A_448 = arith.constant 5 : i32
    %add3A_449 = vector.broadcast %add3A_448 : i32 to vector<16xi32>
    %add3A_450 = arith.addi %xor3A_444, %add3A_449 : vector<16xi32>
    %xor3A_451 = arith.xori %add3A_447, %add3A_450 : vector<16xi32>
    %mul3A_452 = arith.constant 16 : i32
    %mul3A_453 = arith.muli %add3A_241, %mul3A_452 : i32
    %swap3A_454 = arith.index_cast %mul3A_453 : i32 to index
    %swap3A_455 = tpu.vector_load %arg5[%swap3A_454] {strides = array<i32>} : memref<127264xi32, #tpu.memory_space<vmem>>, vector<16xi32>,
    %swap3A_456 = vector.shape_cast %swap3A_455 : vector<16xi32> to vector<16xi32>
    %swap3A_457 = vector.shape_cast %xor3A_451 : vector<16xi32> to vector<16xi32>
    tpu.vector_store %arg5[%swap3A_454], %swap3A_457 {strides = array<i32>} : memref<127264xi32, #tpu.memory_space<vmem>>, vector<16xi32>,
    %add3A_458 = arith.constant 16 : i32
    %add3A_459 = vector.broadcast %add3A_458 : i32 to vector<16xi32>
    %add3A_460 = arith.addi %add3A_235, %add3A_459 : vector<16xi32>
    %scan3A_461 = arith.constant 7954 : i32
    %mul3A_462 = arith.constant 254528 : i32
    %mul3A_463 = arith.muli %add3A, %mul3A_462 : i32
    %add3A_464 = arith.constant 0 : i32
    %add3A_465 = arith.addi %mul3A_463, %add3A_464 : i32
    "tpu.region"() ({
      %run_scoped3A = tpu.sem_alloc : memref<!tpu.dma_semaphore, #tpu.memory_space<semaphore_mem>>
      %dma_start3A = tpu.memref_slice %arg3[%add3A_465] : memref<8144896xi32, #tpu.memory_space<hbm>> -> memref<127264xi32, #tpu.memory_space<hbm>>
      %dma_start3A_926 = tpu.memref_slice %arg3[%add3A_465] : memref<8144896xi32, #tpu.memory_space<hbm>> -> memref<127264xi32, #tpu.memory_space<hbm>>
      tpu.enqueue_dma source(%arg5 : memref<127264xi32, #tpu.memory_space<vmem>>) target(%dma_start3A_926 : memref<127264xi32, #tpu.memory_space<hbm>>) target_semaphore(%run_scoped3A : memref<!tpu.dma_semaphore, #tpu.memory_space<semaphore_mem>>)
      %dma_wait3A = tpu.memref_slice %arg3[%add3A_465] : memref<8144896xi32, #tpu.memory_space<hbm>> -> memref<127264xi32, #tpu.memory_space<hbm>>
      %dma_wait3A_927 = tpu.memref_slice %arg3[%add3A_465] : memref<8144896xi32, #tpu.memory_space<hbm>> -> memref<127264xi32, #tpu.memory_space<hbm>>
      tpu.wait_dma2 semaphore(%run_scoped3A : memref<!tpu.dma_semaphore, #tpu.memory_space<semaphore_mem>>) src(%arg5 : memref<127264xi32, #tpu.memory_space<vmem>>) dst(%dma_wait3A_927 : memref<127264xi32, #tpu.memory_space<hbm>>)
      tpu.yield
    }) : () -> ()
    %scan3A_466 = arith.constant 0 : i32
    %scan3A_467 = arith.constant 7952 : i32
    %scan3A_468 = arith.addi %scan3A_466, %scan3A_467 : i32
    %scan3A_469 = arith.constant 4 : i32
    %scan3A_470 = scf.for %scan3A_926 = %scan3A_466 to %scan3A_468 step %scan3A_469 iter_args(%scan3A_927 = %add3A_460) -> (vector<16xi32>)  : i32 {
      %mul3A_928 = arith.constant 1 : i32
      %mul3A_929 = arith.muli %scan3A_926, %mul3A_928 : i32
      %add3A_930 = arith.constant 0 : i32
      %add3A_931 = arith.addi %add3A_930, %mul3A_929 : i32
      %shift_left3A_932 = arith.constant 13 : i32
      %shift_left3A_933 = vector.broadcast %shift_left3A_932 : i32 to vector<16xi32>
      %shift_left3A_934 = arith.shli %scan3A_927, %shift_left3A_933 : vector<16xi32>
      %shift_right_logical3A_935 = arith.constant 19 : i32
      %shift_right_logical3A_936 = vector.broadcast %shift_right_logical3A_935 : i32 to vector<16xi32>
      %shift_right_logical3A_937 = arith.shrui %scan3A_927, %shift_right_logical3A_936 : vector<16xi32>
      %add3A_938 = arith.addi %shift_left3A_934, %shift_right_logical3A_937 : vector<16xi32>
      %xor3A_939 = arith.xori %add3A_938, %scan3A_927 : vector<16xi32>
      %add3A_940 = arith.addi %scan3A_927, %xor3A_939 : vector<16xi32>
      %shift_left3A_941 = arith.constant 15 : i32
      %shift_left3A_942 = vector.broadcast %shift_left3A_941 : i32 to vector<16xi32>
      %shift_left3A_943 = arith.shli %xor3A_939, %shift_left3A_942 : vector<16xi32>
      %shift_right_logical3A_944 = arith.constant 17 : i32
      %shift_right_logical3A_945 = vector.broadcast %shift_right_logical3A_944 : i32 to vector<16xi32>
      %shift_right_logical3A_946 = arith.shrui %xor3A_939, %shift_right_logical3A_945 : vector<16xi32>
      %add3A_947 = arith.addi %shift_left3A_943, %shift_right_logical3A_946 : vector<16xi32>
      %xor3A_948 = arith.xori %add3A_947, %add3A_940 : vector<16xi32>
      %add3A_949 = arith.addi %add3A_940, %xor3A_948 : vector<16xi32>
      %shift_left3A_950 = arith.constant 26 : i32
      %shift_left3A_951 = vector.broadcast %shift_left3A_950 : i32 to vector<16xi32>
      %shift_left3A_952 = arith.shli %xor3A_948, %shift_left3A_951 : vector<16xi32>
      %shift_right_logical3A_953 = arith.constant 6 : i32
      %shift_right_logical3A_954 = vector.broadcast %shift_right_logical3A_953 : i32 to vector<16xi32>
      %shift_right_logical3A_955 = arith.shrui %xor3A_948, %shift_right_logical3A_954 : vector<16xi32>
      %add3A_956 = arith.addi %shift_left3A_952, %shift_right_logical3A_955 : vector<16xi32>
      %xor3A_957 = arith.xori %add3A_956, %add3A_949 : vector<16xi32>
      %add3A_958 = arith.addi %add3A_949, %xor3A_957 : vector<16xi32>
      %shift_left3A_959 = arith.constant 6 : i32
      %shift_left3A_960 = vector.broadcast %shift_left3A_959 : i32 to vector<16xi32>
      %shift_left3A_961 = arith.shli %xor3A_957, %shift_left3A_960 : vector<16xi32>
      %shift_right_logical3A_962 = arith.constant 26 : i32
      %shift_right_logical3A_963 = vector.broadcast %shift_right_logical3A_962 : i32 to vector<16xi32>
      %shift_right_logical3A_964 = arith.shrui %xor3A_957, %shift_right_logical3A_963 : vector<16xi32>
      %add3A_965 = arith.addi %shift_left3A_961, %shift_right_logical3A_964 : vector<16xi32>
      %xor3A_966 = arith.xori %add3A_965, %add3A_958 : vector<16xi32>
      %add3A_967 = arith.constant 42 : i32
      %add3A_968 = vector.broadcast %add3A_967 : i32 to vector<16xi32>
      %add3A_969 = arith.addi %add3A_958, %add3A_968 : vector<16xi32>
      %add3A_970 = arith.constant 466689009 : i32
      %add3A_971 = vector.broadcast %add3A_970 : i32 to vector<16xi32>
      %add3A_972 = arith.addi %xor3A_966, %add3A_971 : vector<16xi32>
      %add3A_973 = arith.addi %add3A_969, %add3A_972 : vector<16xi32>
      %shift_left3A_974 = arith.constant 17 : i32
      %shift_left3A_975 = vector.broadcast %shift_left3A_974 : i32 to vector<16xi32>
      %shift_left3A_976 = arith.shli %add3A_972, %shift_left3A_975 : vector<16xi32>
      %shift_right_logical3A_977 = arith.constant 15 : i32
      %shift_right_logical3A_978 = vector.broadcast %shift_right_logical3A_977 : i32 to vector<16xi32>
      %shift_right_logical3A_979 = arith.shrui %add3A_972, %shift_right_logical3A_978 : vector<16xi32>
      %add3A_980 = arith.addi %shift_left3A_976, %shift_right_logical3A_979 : vector<16xi32>
      %xor3A_981 = arith.xori %add3A_980, %add3A_973 : vector<16xi32>
      %add3A_982 = arith.addi %add3A_973, %xor3A_981 : vector<16xi32>
      %shift_left3A_983 = arith.constant 29 : i32
      %shift_left3A_984 = vector.broadcast %shift_left3A_983 : i32 to vector<16xi32>
      %shift_left3A_985 = arith.shli %xor3A_981, %shift_left3A_984 : vector<16xi32>
      %shift_right_logical3A_986 = arith.constant 3 : i32
      %shift_right_logical3A_987 = vector.broadcast %shift_right_logical3A_986 : i32 to vector<16xi32>
      %shift_right_logical3A_988 = arith.shrui %xor3A_981, %shift_right_logical3A_987 : vector<16xi32>
      %add3A_989 = arith.addi %shift_left3A_985, %shift_right_logical3A_988 : vector<16xi32>
      %xor3A_990 = arith.xori %add3A_989, %add3A_982 : vector<16xi32>
      %add3A_991 = arith.addi %add3A_982, %xor3A_990 : vector<16xi32>
      %shift_left3A_992 = arith.constant 16 : i32
      %shift_left3A_993 = vector.broadcast %shift_left3A_992 : i32 to vector<16xi32>
      %shift_left3A_994 = arith.shli %xor3A_990, %shift_left3A_993 : vector<16xi32>
      %shift_right_logical3A_995 = arith.constant 16 : i32
      %shift_right_logical3A_996 = vector.broadcast %shift_right_logical3A_995 : i32 to vector<16xi32>
      %shift_right_logical3A_997 = arith.shrui %xor3A_990, %shift_right_logical3A_996 : vector<16xi32>
      %add3A_998 = arith.addi %shift_left3A_994, %shift_right_logical3A_997 : vector<16xi32>
      %xor3A_999 = arith.xori %add3A_998, %add3A_991 : vector<16xi32>
      %add3A_1000 = arith.addi %add3A_991, %xor3A_999 : vector<16xi32>
      %shift_left3A_1001 = arith.constant 24 : i32
      %shift_left3A_1002 = vector.broadcast %shift_left3A_1001 : i32 to vector<16xi32>
      %shift_left3A_1003 = arith.shli %xor3A_999, %shift_left3A_1002 : vector<16xi32>
      %shift_right_logical3A_1004 = arith.constant 8 : i32
      %shift_right_logical3A_1005 = vector.broadcast %shift_right_logical3A_1004 : i32 to vector<16xi32>
      %shift_right_logical3A_1006 = arith.shrui %xor3A_999, %shift_right_logical3A_1005 : vector<16xi32>
      %add3A_1007 = arith.addi %shift_left3A_1003, %shift_right_logical3A_1006 : vector<16xi32>
      %xor3A_1008 = arith.xori %add3A_1007, %add3A_1000 : vector<16xi32>
      %add3A_1009 = arith.constant 466689008 : i32
      %add3A_1010 = vector.broadcast %add3A_1009 : i32 to vector<16xi32>
      %add3A_1011 = arith.addi %add3A_1000, %add3A_1010 : vector<16xi32>
      %add3A_1012 = arith.constant 2 : i32
      %add3A_1013 = vector.broadcast %add3A_1012 : i32 to vector<16xi32>
      %add3A_1014 = arith.addi %xor3A_1008, %add3A_1013 : vector<16xi32>
      %add3A_1015 = arith.addi %add3A_1011, %add3A_1014 : vector<16xi32>
      %shift_left3A_1016 = arith.constant 13 : i32
      %shift_left3A_1017 = vector.broadcast %shift_left3A_1016 : i32 to vector<16xi32>
      %shift_left3A_1018 = arith.shli %add3A_1014, %shift_left3A_1017 : vector<16xi32>
      %shift_right_logical3A_1019 = arith.constant 19 : i32
      %shift_right_logical3A_1020 = vector.broadcast %shift_right_logical3A_1019 : i32 to vector<16xi32>
      %shift_right_logical3A_1021 = arith.shrui %add3A_1014, %shift_right_logical3A_1020 : vector<16xi32>
      %add3A_1022 = arith.addi %shift_left3A_1018, %shift_right_logical3A_1021 : vector<16xi32>
      %xor3A_1023 = arith.xori %add3A_1022, %add3A_1015 : vector<16xi32>
      %add3A_1024 = arith.addi %add3A_1015, %xor3A_1023 : vector<16xi32>
      %shift_left3A_1025 = arith.constant 15 : i32
      %shift_left3A_1026 = vector.broadcast %shift_left3A_1025 : i32 to vector<16xi32>
      %shift_left3A_1027 = arith.shli %xor3A_1023, %shift_left3A_1026 : vector<16xi32>
      %shift_right_logical3A_1028 = arith.constant 17 : i32
      %shift_right_logical3A_1029 = vector.broadcast %shift_right_logical3A_1028 : i32 to vector<16xi32>
      %shift_right_logical3A_1030 = arith.shrui %xor3A_1023, %shift_right_logical3A_1029 : vector<16xi32>
      %add3A_1031 = arith.addi %shift_left3A_1027, %shift_right_logical3A_1030 : vector<16xi32>
      %xor3A_1032 = arith.xori %add3A_1031, %add3A_1024 : vector<16xi32>
      %add3A_1033 = arith.addi %add3A_1024, %xor3A_1032 : vector<16xi32>
      %shift_left3A_1034 = arith.constant 26 : i32
      %shift_left3A_1035 = vector.broadcast %shift_left3A_1034 : i32 to vector<16xi32>
      %shift_left3A_1036 = arith.shli %xor3A_1032, %shift_left3A_1035 : vector<16xi32>
      %shift_right_logical3A_1037 = arith.constant 6 : i32
      %shift_right_logical3A_1038 = vector.broadcast %shift_right_logical3A_1037 : i32 to vector<16xi32>
      %shift_right_logical3A_1039 = arith.shrui %xor3A_1032, %shift_right_logical3A_1038 : vector<16xi32>
      %add3A_1040 = arith.addi %shift_left3A_1036, %shift_right_logical3A_1039 : vector<16xi32>
      %xor3A_1041 = arith.xori %add3A_1040, %add3A_1033 : vector<16xi32>
      %add3A_1042 = arith.addi %add3A_1033, %xor3A_1041 : vector<16xi32>
      %shift_left3A_1043 = arith.constant 6 : i32
      %shift_left3A_1044 = vector.broadcast %shift_left3A_1043 : i32 to vector<16xi32>
      %shift_left3A_1045 = arith.shli %xor3A_1041, %shift_left3A_1044 : vector<16xi32>
      %shift_right_logical3A_1046 = arith.constant 26 : i32
      %shift_right_logical3A_1047 = vector.broadcast %shift_right_logical3A_1046 : i32 to vector<16xi32>
      %shift_right_logical3A_1048 = arith.shrui %xor3A_1041, %shift_right_logical3A_1047 : vector<16xi32>
      %add3A_1049 = arith.addi %shift_left3A_1045, %shift_right_logical3A_1048 : vector<16xi32>
      %xor3A_1050 = arith.xori %add3A_1049, %add3A_1042 : vector<16xi32>
      %add3A_1051 = arith.constant 0 : i32
      %add3A_1052 = vector.broadcast %add3A_1051 : i32 to vector<16xi32>
      %add3A_1053 = arith.addi %add3A_1042, %add3A_1052 : vector<16xi32>
      %add3A_1054 = arith.constant 45 : i32
      %add3A_1055 = vector.broadcast %add3A_1054 : i32 to vector<16xi32>
      %add3A_1056 = arith.addi %xor3A_1050, %add3A_1055 : vector<16xi32>
      %add3A_1057 = arith.addi %add3A_1053, %add3A_1056 : vector<16xi32>
      %shift_left3A_1058 = arith.constant 17 : i32
      %shift_left3A_1059 = vector.broadcast %shift_left3A_1058 : i32 to vector<16xi32>
      %shift_left3A_1060 = arith.shli %add3A_1056, %shift_left3A_1059 : vector<16xi32>
      %shift_right_logical3A_1061 = arith.constant 15 : i32
      %shift_right_logical3A_1062 = vector.broadcast %shift_right_logical3A_1061 : i32 to vector<16xi32>
      %shift_right_logical3A_1063 = arith.shrui %add3A_1056, %shift_right_logical3A_1062 : vector<16xi32>
      %add3A_1064 = arith.addi %shift_left3A_1060, %shift_right_logical3A_1063 : vector<16xi32>
      %xor3A_1065 = arith.xori %add3A_1064, %add3A_1057 : vector<16xi32>
      %add3A_1066 = arith.addi %add3A_1057, %xor3A_1065 : vector<16xi32>
      %shift_left3A_1067 = arith.constant 29 : i32
      %shift_left3A_1068 = vector.broadcast %shift_left3A_1067 : i32 to vector<16xi32>
      %shift_left3A_1069 = arith.shli %xor3A_1065, %shift_left3A_1068 : vector<16xi32>
      %shift_right_logical3A_1070 = arith.constant 3 : i32
      %shift_right_logical3A_1071 = vector.broadcast %shift_right_logical3A_1070 : i32 to vector<16xi32>
      %shift_right_logical3A_1072 = arith.shrui %xor3A_1065, %shift_right_logical3A_1071 : vector<16xi32>
      %add3A_1073 = arith.addi %shift_left3A_1069, %shift_right_logical3A_1072 : vector<16xi32>
      %xor3A_1074 = arith.xori %add3A_1073, %add3A_1066 : vector<16xi32>
      %add3A_1075 = arith.addi %add3A_1066, %xor3A_1074 : vector<16xi32>
      %shift_left3A_1076 = arith.constant 16 : i32
      %shift_left3A_1077 = vector.broadcast %shift_left3A_1076 : i32 to vector<16xi32>
      %shift_left3A_1078 = arith.shli %xor3A_1074, %shift_left3A_1077 : vector<16xi32>
      %shift_right_logical3A_1079 = arith.constant 16 : i32
      %shift_right_logical3A_1080 = vector.broadcast %shift_right_logical3A_1079 : i32 to vector<16xi32>
      %shift_right_logical3A_1081 = arith.shrui %xor3A_1074, %shift_right_logical3A_1080 : vector<16xi32>
      %add3A_1082 = arith.addi %shift_left3A_1078, %shift_right_logical3A_1081 : vector<16xi32>
      %xor3A_1083 = arith.xori %add3A_1082, %add3A_1075 : vector<16xi32>
      %add3A_1084 = arith.addi %add3A_1075, %xor3A_1083 : vector<16xi32>
      %shift_left3A_1085 = arith.constant 24 : i32
      %shift_left3A_1086 = vector.broadcast %shift_left3A_1085 : i32 to vector<16xi32>
      %shift_left3A_1087 = arith.shli %xor3A_1083, %shift_left3A_1086 : vector<16xi32>
      %shift_right_logical3A_1088 = arith.constant 8 : i32
      %shift_right_logical3A_1089 = vector.broadcast %shift_right_logical3A_1088 : i32 to vector<16xi32>
      %shift_right_logical3A_1090 = arith.shrui %xor3A_1083, %shift_right_logical3A_1089 : vector<16xi32>
      %add3A_1091 = arith.addi %shift_left3A_1087, %shift_right_logical3A_1090 : vector<16xi32>
      %xor3A_1092 = arith.xori %add3A_1091, %add3A_1084 : vector<16xi32>
      %add3A_1093 = arith.constant 42 : i32
      %add3A_1094 = vector.broadcast %add3A_1093 : i32 to vector<16xi32>
      %add3A_1095 = arith.addi %add3A_1084, %add3A_1094 : vector<16xi32>
      %add3A_1096 = arith.constant 466689012 : i32
      %add3A_1097 = vector.broadcast %add3A_1096 : i32 to vector<16xi32>
      %add3A_1098 = arith.addi %xor3A_1092, %add3A_1097 : vector<16xi32>
      %add3A_1099 = arith.addi %add3A_1095, %add3A_1098 : vector<16xi32>
      %shift_left3A_1100 = arith.constant 13 : i32
      %shift_left3A_1101 = vector.broadcast %shift_left3A_1100 : i32 to vector<16xi32>
      %shift_left3A_1102 = arith.shli %add3A_1098, %shift_left3A_1101 : vector<16xi32>
      %shift_right_logical3A_1103 = arith.constant 19 : i32
      %shift_right_logical3A_1104 = vector.broadcast %shift_right_logical3A_1103 : i32 to vector<16xi32>
      %shift_right_logical3A_1105 = arith.shrui %add3A_1098, %shift_right_logical3A_1104 : vector<16xi32>
      %add3A_1106 = arith.addi %shift_left3A_1102, %shift_right_logical3A_1105 : vector<16xi32>
      %xor3A_1107 = arith.xori %add3A_1106, %add3A_1099 : vector<16xi32>
      %add3A_1108 = arith.addi %add3A_1099, %xor3A_1107 : vector<16xi32>
      %shift_left3A_1109 = arith.constant 15 : i32
      %shift_left3A_1110 = vector.broadcast %shift_left3A_1109 : i32 to vector<16xi32>
      %shift_left3A_1111 = arith.shli %xor3A_1107, %shift_left3A_1110 : vector<16xi32>
      %shift_right_logical3A_1112 = arith.constant 17 : i32
      %shift_right_logical3A_1113 = vector.broadcast %shift_right_logical3A_1112 : i32 to vector<16xi32>
      %shift_right_logical3A_1114 = arith.shrui %xor3A_1107, %shift_right_logical3A_1113 : vector<16xi32>
      %add3A_1115 = arith.addi %shift_left3A_1111, %shift_right_logical3A_1114 : vector<16xi32>
      %xor3A_1116 = arith.xori %add3A_1115, %add3A_1108 : vector<16xi32>
      %add3A_1117 = arith.addi %add3A_1108, %xor3A_1116 : vector<16xi32>
      %shift_left3A_1118 = arith.constant 26 : i32
      %shift_left3A_1119 = vector.broadcast %shift_left3A_1118 : i32 to vector<16xi32>
      %shift_left3A_1120 = arith.shli %xor3A_1116, %shift_left3A_1119 : vector<16xi32>
      %shift_right_logical3A_1121 = arith.constant 6 : i32
      %shift_right_logical3A_1122 = vector.broadcast %shift_right_logical3A_1121 : i32 to vector<16xi32>
      %shift_right_logical3A_1123 = arith.shrui %xor3A_1116, %shift_right_logical3A_1122 : vector<16xi32>
      %add3A_1124 = arith.addi %shift_left3A_1120, %shift_right_logical3A_1123 : vector<16xi32>
      %xor3A_1125 = arith.xori %add3A_1124, %add3A_1117 : vector<16xi32>
      %add3A_1126 = arith.addi %add3A_1117, %xor3A_1125 : vector<16xi32>
      %shift_left3A_1127 = arith.constant 6 : i32
      %shift_left3A_1128 = vector.broadcast %shift_left3A_1127 : i32 to vector<16xi32>
      %shift_left3A_1129 = arith.shli %xor3A_1125, %shift_left3A_1128 : vector<16xi32>
      %shift_right_logical3A_1130 = arith.constant 26 : i32
      %shift_right_logical3A_1131 = vector.broadcast %shift_right_logical3A_1130 : i32 to vector<16xi32>
      %shift_right_logical3A_1132 = arith.shrui %xor3A_1125, %shift_right_logical3A_1131 : vector<16xi32>
      %add3A_1133 = arith.addi %shift_left3A_1129, %shift_right_logical3A_1132 : vector<16xi32>
      %xor3A_1134 = arith.xori %add3A_1133, %add3A_1126 : vector<16xi32>
      %add3A_1135 = arith.constant 466689008 : i32
      %add3A_1136 = vector.broadcast %add3A_1135 : i32 to vector<16xi32>
      %add3A_1137 = arith.addi %add3A_1126, %add3A_1136 : vector<16xi32>
      %add3A_1138 = arith.constant 5 : i32
      %add3A_1139 = vector.broadcast %add3A_1138 : i32 to vector<16xi32>
      %add3A_1140 = arith.addi %xor3A_1134, %add3A_1139 : vector<16xi32>
      %xor3A_1141 = arith.xori %add3A_1137, %add3A_1140 : vector<16xi32>
      %mul3A_1142 = arith.constant 16 : i32
      %mul3A_1143 = arith.muli %add3A_931, %mul3A_1142 : i32
      %swap3A_1144 = arith.index_cast %mul3A_1143 : i32 to index
      %swap3A_1145 = tpu.vector_load %arg5[%swap3A_1144] {strides = array<i32>} : memref<127264xi32, #tpu.memory_space<vmem>>, vector<16xi32>,
      %swap3A_1146 = vector.shape_cast %swap3A_1145 : vector<16xi32> to vector<16xi32>
      %swap3A_1147 = vector.shape_cast %xor3A_1141 : vector<16xi32> to vector<16xi32>
      tpu.vector_store %arg5[%swap3A_1144], %swap3A_1147 {strides = array<i32>} : memref<127264xi32, #tpu.memory_space<vmem>>, vector<16xi32>,
      %add3A_1148 = arith.constant 16 : i32
      %add3A_1149 = vector.broadcast %add3A_1148 : i32 to vector<16xi32>
      %add3A_1150 = arith.addi %scan3A_927, %add3A_1149 : vector<16xi32>
      %scan3A_1151 = arith.constant 1 : i32
      %scan3A_1152 = arith.addi %scan3A_926, %scan3A_1151 : i32
      %mul3A_1153 = arith.constant 1 : i32
      %mul3A_1154 = arith.muli %scan3A_1152, %mul3A_1153 : i32
      %add3A_1155 = arith.constant 0 : i32
      %add3A_1156 = arith.addi %add3A_1155, %mul3A_1154 : i32
      %shift_left3A_1157 = arith.constant 13 : i32
      %shift_left3A_1158 = vector.broadcast %shift_left3A_1157 : i32 to vector<16xi32>
      %shift_left3A_1159 = arith.shli %add3A_1150, %shift_left3A_1158 : vector<16xi32>
      %shift_right_logical3A_1160 = arith.constant 19 : i32
      %shift_right_logical3A_1161 = vector.broadcast %shift_right_logical3A_1160 : i32 to vector<16xi32>
      %shift_right_logical3A_1162 = arith.shrui %add3A_1150, %shift_right_logical3A_1161 : vector<16xi32>
      %add3A_1163 = arith.addi %shift_left3A_1159, %shift_right_logical3A_1162 : vector<16xi32>
      %xor3A_1164 = arith.xori %add3A_1163, %add3A_1150 : vector<16xi32>
      %add3A_1165 = arith.addi %add3A_1150, %xor3A_1164 : vector<16xi32>
      %shift_left3A_1166 = arith.constant 15 : i32
      %shift_left3A_1167 = vector.broadcast %shift_left3A_1166 : i32 to vector<16xi32>
      %shift_left3A_1168 = arith.shli %xor3A_1164, %shift_left3A_1167 : vector<16xi32>
      %shift_right_logical3A_1169 = arith.constant 17 : i32
      %shift_right_logical3A_1170 = vector.broadcast %shift_right_logical3A_1169 : i32 to vector<16xi32>
      %shift_right_logical3A_1171 = arith.shrui %xor3A_1164, %shift_right_logical3A_1170 : vector<16xi32>
      %add3A_1172 = arith.addi %shift_left3A_1168, %shift_right_logical3A_1171 : vector<16xi32>
      %xor3A_1173 = arith.xori %add3A_1172, %add3A_1165 : vector<16xi32>
      %add3A_1174 = arith.addi %add3A_1165, %xor3A_1173 : vector<16xi32>
      %shift_left3A_1175 = arith.constant 26 : i32
      %shift_left3A_1176 = vector.broadcast %shift_left3A_1175 : i32 to vector<16xi32>
      %shift_left3A_1177 = arith.shli %xor3A_1173, %shift_left3A_1176 : vector<16xi32>
      %shift_right_logical3A_1178 = arith.constant 6 : i32
      %shift_right_logical3A_1179 = vector.broadcast %shift_right_logical3A_1178 : i32 to vector<16xi32>
      %shift_right_logical3A_1180 = arith.shrui %xor3A_1173, %shift_right_logical3A_1179 : vector<16xi32>
      %add3A_1181 = arith.addi %shift_left3A_1177, %shift_right_logical3A_1180 : vector<16xi32>
      %xor3A_1182 = arith.xori %add3A_1181, %add3A_1174 : vector<16xi32>
      %add3A_1183 = arith.addi %add3A_1174, %xor3A_1182 : vector<16xi32>
      %shift_left3A_1184 = arith.constant 6 : i32
      %shift_left3A_1185 = vector.broadcast %shift_left3A_1184 : i32 to vector<16xi32>
      %shift_left3A_1186 = arith.shli %xor3A_1182, %shift_left3A_1185 : vector<16xi32>
      %shift_right_logical3A_1187 = arith.constant 26 : i32
      %shift_right_logical3A_1188 = vector.broadcast %shift_right_logical3A_1187 : i32 to vector<16xi32>
      %shift_right_logical3A_1189 = arith.shrui %xor3A_1182, %shift_right_logical3A_1188 : vector<16xi32>
      %add3A_1190 = arith.addi %shift_left3A_1186, %shift_right_logical3A_1189 : vector<16xi32>
      %xor3A_1191 = arith.xori %add3A_1190, %add3A_1183 : vector<16xi32>
      %add3A_1192 = arith.constant 42 : i32
      %add3A_1193 = vector.broadcast %add3A_1192 : i32 to vector<16xi32>
      %add3A_1194 = arith.addi %add3A_1183, %add3A_1193 : vector<16xi32>
      %add3A_1195 = arith.constant 466689009 : i32
      %add3A_1196 = vector.broadcast %add3A_1195 : i32 to vector<16xi32>
      %add3A_1197 = arith.addi %xor3A_1191, %add3A_1196 : vector<16xi32>
      %add3A_1198 = arith.addi %add3A_1194, %add3A_1197 : vector<16xi32>
      %shift_left3A_1199 = arith.constant 17 : i32
      %shift_left3A_1200 = vector.broadcast %shift_left3A_1199 : i32 to vector<16xi32>
      %shift_left3A_1201 = arith.shli %add3A_1197, %shift_left3A_1200 : vector<16xi32>
      %shift_right_logical3A_1202 = arith.constant 15 : i32
      %shift_right_logical3A_1203 = vector.broadcast %shift_right_logical3A_1202 : i32 to vector<16xi32>
      %shift_right_logical3A_1204 = arith.shrui %add3A_1197, %shift_right_logical3A_1203 : vector<16xi32>
      %add3A_1205 = arith.addi %shift_left3A_1201, %shift_right_logical3A_1204 : vector<16xi32>
      %xor3A_1206 = arith.xori %add3A_1205, %add3A_1198 : vector<16xi32>
      %add3A_1207 = arith.addi %add3A_1198, %xor3A_1206 : vector<16xi32>
      %shift_left3A_1208 = arith.constant 29 : i32
      %shift_left3A_1209 = vector.broadcast %shift_left3A_1208 : i32 to vector<16xi32>
      %shift_left3A_1210 = arith.shli %xor3A_1206, %shift_left3A_1209 : vector<16xi32>
      %shift_right_logical3A_1211 = arith.constant 3 : i32
      %shift_right_logical3A_1212 = vector.broadcast %shift_right_logical3A_1211 : i32 to vector<16xi32>
      %shift_right_logical3A_1213 = arith.shrui %xor3A_1206, %shift_right_logical3A_1212 : vector<16xi32>
      %add3A_1214 = arith.addi %shift_left3A_1210, %shift_right_logical3A_1213 : vector<16xi32>
      %xor3A_1215 = arith.xori %add3A_1214, %add3A_1207 : vector<16xi32>
      %add3A_1216 = arith.addi %add3A_1207, %xor3A_1215 : vector<16xi32>
      %shift_left3A_1217 = arith.constant 16 : i32
      %shift_left3A_1218 = vector.broadcast %shift_left3A_1217 : i32 to vector<16xi32>
      %shift_left3A_1219 = arith.shli %xor3A_1215, %shift_left3A_1218 : vector<16xi32>
      %shift_right_logical3A_1220 = arith.constant 16 : i32
      %shift_right_logical3A_1221 = vector.broadcast %shift_right_logical3A_1220 : i32 to vector<16xi32>
      %shift_right_logical3A_1222 = arith.shrui %xor3A_1215, %shift_right_logical3A_1221 : vector<16xi32>
      %add3A_1223 = arith.addi %shift_left3A_1219, %shift_right_logical3A_1222 : vector<16xi32>
      %xor3A_1224 = arith.xori %add3A_1223, %add3A_1216 : vector<16xi32>
      %add3A_1225 = arith.addi %add3A_1216, %xor3A_1224 : vector<16xi32>
      %shift_left3A_1226 = arith.constant 24 : i32
      %shift_left3A_1227 = vector.broadcast %shift_left3A_1226 : i32 to vector<16xi32>
      %shift_left3A_1228 = arith.shli %xor3A_1224, %shift_left3A_1227 : vector<16xi32>
      %shift_right_logical3A_1229 = arith.constant 8 : i32
      %shift_right_logical3A_1230 = vector.broadcast %shift_right_logical3A_1229 : i32 to vector<16xi32>
      %shift_right_logical3A_1231 = arith.shrui %xor3A_1224, %shift_right_logical3A_1230 : vector<16xi32>
      %add3A_1232 = arith.addi %shift_left3A_1228, %shift_right_logical3A_1231 : vector<16xi32>
      %xor3A_1233 = arith.xori %add3A_1232, %add3A_1225 : vector<16xi32>
      %add3A_1234 = arith.constant 466689008 : i32
      %add3A_1235 = vector.broadcast %add3A_1234 : i32 to vector<16xi32>
      %add3A_1236 = arith.addi %add3A_1225, %add3A_1235 : vector<16xi32>
      %add3A_1237 = arith.constant 2 : i32
      %add3A_1238 = vector.broadcast %add3A_1237 : i32 to vector<16xi32>
      %add3A_1239 = arith.addi %xor3A_1233, %add3A_1238 : vector<16xi32>
      %add3A_1240 = arith.addi %add3A_1236, %add3A_1239 : vector<16xi32>
      %shift_left3A_1241 = arith.constant 13 : i32
      %shift_left3A_1242 = vector.broadcast %shift_left3A_1241 : i32 to vector<16xi32>
      %shift_left3A_1243 = arith.shli %add3A_1239, %shift_left3A_1242 : vector<16xi32>
      %shift_right_logical3A_1244 = arith.constant 19 : i32
      %shift_right_logical3A_1245 = vector.broadcast %shift_right_logical3A_1244 : i32 to vector<16xi32>
      %shift_right_logical3A_1246 = arith.shrui %add3A_1239, %shift_right_logical3A_1245 : vector<16xi32>
      %add3A_1247 = arith.addi %shift_left3A_1243, %shift_right_logical3A_1246 : vector<16xi32>
      %xor3A_1248 = arith.xori %add3A_1247, %add3A_1240 : vector<16xi32>
      %add3A_1249 = arith.addi %add3A_1240, %xor3A_1248 : vector<16xi32>
      %shift_left3A_1250 = arith.constant 15 : i32
      %shift_left3A_1251 = vector.broadcast %shift_left3A_1250 : i32 to vector<16xi32>
      %shift_left3A_1252 = arith.shli %xor3A_1248, %shift_left3A_1251 : vector<16xi32>
      %shift_right_logical3A_1253 = arith.constant 17 : i32
      %shift_right_logical3A_1254 = vector.broadcast %shift_right_logical3A_1253 : i32 to vector<16xi32>
      %shift_right_logical3A_1255 = arith.shrui %xor3A_1248, %shift_right_logical3A_1254 : vector<16xi32>
      %add3A_1256 = arith.addi %shift_left3A_1252, %shift_right_logical3A_1255 : vector<16xi32>
      %xor3A_1257 = arith.xori %add3A_1256, %add3A_1249 : vector<16xi32>
      %add3A_1258 = arith.addi %add3A_1249, %xor3A_1257 : vector<16xi32>
      %shift_left3A_1259 = arith.constant 26 : i32
      %shift_left3A_1260 = vector.broadcast %shift_left3A_1259 : i32 to vector<16xi32>
      %shift_left3A_1261 = arith.shli %xor3A_1257, %shift_left3A_1260 : vector<16xi32>
      %shift_right_logical3A_1262 = arith.constant 6 : i32
      %shift_right_logical3A_1263 = vector.broadcast %shift_right_logical3A_1262 : i32 to vector<16xi32>
      %shift_right_logical3A_1264 = arith.shrui %xor3A_1257, %shift_right_logical3A_1263 : vector<16xi32>
      %add3A_1265 = arith.addi %shift_left3A_1261, %shift_right_logical3A_1264 : vector<16xi32>
      %xor3A_1266 = arith.xori %add3A_1265, %add3A_1258 : vector<16xi32>
      %add3A_1267 = arith.addi %add3A_1258, %xor3A_1266 : vector<16xi32>
      %shift_left3A_1268 = arith.constant 6 : i32
      %shift_left3A_1269 = vector.broadcast %shift_left3A_1268 : i32 to vector<16xi32>
      %shift_left3A_1270 = arith.shli %xor3A_1266, %shift_left3A_1269 : vector<16xi32>
      %shift_right_logical3A_1271 = arith.constant 26 : i32
      %shift_right_logical3A_1272 = vector.broadcast %shift_right_logical3A_1271 : i32 to vector<16xi32>
      %shift_right_logical3A_1273 = arith.shrui %xor3A_1266, %shift_right_logical3A_1272 : vector<16xi32>
      %add3A_1274 = arith.addi %shift_left3A_1270, %shift_right_logical3A_1273 : vector<16xi32>
      %xor3A_1275 = arith.xori %add3A_1274, %add3A_1267 : vector<16xi32>
      %add3A_1276 = arith.constant 0 : i32
      %add3A_1277 = vector.broadcast %add3A_1276 : i32 to vector<16xi32>
      %add3A_1278 = arith.addi %add3A_1267, %add3A_1277 : vector<16xi32>
      %add3A_1279 = arith.constant 45 : i32
      %add3A_1280 = vector.broadcast %add3A_1279 : i32 to vector<16xi32>
      %add3A_1281 = arith.addi %xor3A_1275, %add3A_1280 : vector<16xi32>
      %add3A_1282 = arith.addi %add3A_1278, %add3A_1281 : vector<16xi32>
      %shift_left3A_1283 = arith.constant 17 : i32
      %shift_left3A_1284 = vector.broadcast %shift_left3A_1283 : i32 to vector<16xi32>
      %shift_left3A_1285 = arith.shli %add3A_1281, %shift_left3A_1284 : vector<16xi32>
      %shift_right_logical3A_1286 = arith.constant 15 : i32
      %shift_right_logical3A_1287 = vector.broadcast %shift_right_logical3A_1286 : i32 to vector<16xi32>
      %shift_right_logical3A_1288 = arith.shrui %add3A_1281, %shift_right_logical3A_1287 : vector<16xi32>
      %add3A_1289 = arith.addi %shift_left3A_1285, %shift_right_logical3A_1288 : vector<16xi32>
      %xor3A_1290 = arith.xori %add3A_1289, %add3A_1282 : vector<16xi32>
      %add3A_1291 = arith.addi %add3A_1282, %xor3A_1290 : vector<16xi32>
      %shift_left3A_1292 = arith.constant 29 : i32
      %shift_left3A_1293 = vector.broadcast %shift_left3A_1292 : i32 to vector<16xi32>
      %shift_left3A_1294 = arith.shli %xor3A_1290, %shift_left3A_1293 : vector<16xi32>
      %shift_right_logical3A_1295 = arith.constant 3 : i32
      %shift_right_logical3A_1296 = vector.broadcast %shift_right_logical3A_1295 : i32 to vector<16xi32>
      %shift_right_logical3A_1297 = arith.shrui %xor3A_1290, %shift_right_logical3A_1296 : vector<16xi32>
      %add3A_1298 = arith.addi %shift_left3A_1294, %shift_right_logical3A_1297 : vector<16xi32>
      %xor3A_1299 = arith.xori %add3A_1298, %add3A_1291 : vector<16xi32>
      %add3A_1300 = arith.addi %add3A_1291, %xor3A_1299 : vector<16xi32>
      %shift_left3A_1301 = arith.constant 16 : i32
      %shift_left3A_1302 = vector.broadcast %shift_left3A_1301 : i32 to vector<16xi32>
      %shift_left3A_1303 = arith.shli %xor3A_1299, %shift_left3A_1302 : vector<16xi32>
      %shift_right_logical3A_1304 = arith.constant 16 : i32
      %shift_right_logical3A_1305 = vector.broadcast %shift_right_logical3A_1304 : i32 to vector<16xi32>
      %shift_right_logical3A_1306 = arith.shrui %xor3A_1299, %shift_right_logical3A_1305 : vector<16xi32>
      %add3A_1307 = arith.addi %shift_left3A_1303, %shift_right_logical3A_1306 : vector<16xi32>
      %xor3A_1308 = arith.xori %add3A_1307, %add3A_1300 : vector<16xi32>
      %add3A_1309 = arith.addi %add3A_1300, %xor3A_1308 : vector<16xi32>
      %shift_left3A_1310 = arith.constant 24 : i32
      %shift_left3A_1311 = vector.broadcast %shift_left3A_1310 : i32 to vector<16xi32>
      %shift_left3A_1312 = arith.shli %xor3A_1308, %shift_left3A_1311 : vector<16xi32>
      %shift_right_logical3A_1313 = arith.constant 8 : i32
      %shift_right_logical3A_1314 = vector.broadcast %shift_right_logical3A_1313 : i32 to vector<16xi32>
      %shift_right_logical3A_1315 = arith.shrui %xor3A_1308, %shift_right_logical3A_1314 : vector<16xi32>
      %add3A_1316 = arith.addi %shift_left3A_1312, %shift_right_logical3A_1315 : vector<16xi32>
      %xor3A_1317 = arith.xori %add3A_1316, %add3A_1309 : vector<16xi32>
      %add3A_1318 = arith.constant 42 : i32
      %add3A_1319 = vector.broadcast %add3A_1318 : i32 to vector<16xi32>
      %add3A_1320 = arith.addi %add3A_1309, %add3A_1319 : vector<16xi32>
      %add3A_1321 = arith.constant 466689012 : i32
      %add3A_1322 = vector.broadcast %add3A_1321 : i32 to vector<16xi32>
      %add3A_1323 = arith.addi %xor3A_1317, %add3A_1322 : vector<16xi32>
      %add3A_1324 = arith.addi %add3A_1320, %add3A_1323 : vector<16xi32>
      %shift_left3A_1325 = arith.constant 13 : i32
      %shift_left3A_1326 = vector.broadcast %shift_left3A_1325 : i32 to vector<16xi32>
      %shift_left3A_1327 = arith.shli %add3A_1323, %shift_left3A_1326 : vector<16xi32>
      %shift_right_logical3A_1328 = arith.constant 19 : i32
      %shift_right_logical3A_1329 = vector.broadcast %shift_right_logical3A_1328 : i32 to vector<16xi32>
      %shift_right_logical3A_1330 = arith.shrui %add3A_1323, %shift_right_logical3A_1329 : vector<16xi32>
      %add3A_1331 = arith.addi %shift_left3A_1327, %shift_right_logical3A_1330 : vector<16xi32>
      %xor3A_1332 = arith.xori %add3A_1331, %add3A_1324 : vector<16xi32>
      %add3A_1333 = arith.addi %add3A_1324, %xor3A_1332 : vector<16xi32>
      %shift_left3A_1334 = arith.constant 15 : i32
      %shift_left3A_1335 = vector.broadcast %shift_left3A_1334 : i32 to vector<16xi32>
      %shift_left3A_1336 = arith.shli %xor3A_1332, %shift_left3A_1335 : vector<16xi32>
      %shift_right_logical3A_1337 = arith.constant 17 : i32
      %shift_right_logical3A_1338 = vector.broadcast %shift_right_logical3A_1337 : i32 to vector<16xi32>
      %shift_right_logical3A_1339 = arith.shrui %xor3A_1332, %shift_right_logical3A_1338 : vector<16xi32>
      %add3A_1340 = arith.addi %shift_left3A_1336, %shift_right_logical3A_1339 : vector<16xi32>
      %xor3A_1341 = arith.xori %add3A_1340, %add3A_1333 : vector<16xi32>
      %add3A_1342 = arith.addi %add3A_1333, %xor3A_1341 : vector<16xi32>
      %shift_left3A_1343 = arith.constant 26 : i32
      %shift_left3A_1344 = vector.broadcast %shift_left3A_1343 : i32 to vector<16xi32>
      %shift_left3A_1345 = arith.shli %xor3A_1341, %shift_left3A_1344 : vector<16xi32>
      %shift_right_logical3A_1346 = arith.constant 6 : i32
      %shift_right_logical3A_1347 = vector.broadcast %shift_right_logical3A_1346 : i32 to vector<16xi32>
      %shift_right_logical3A_1348 = arith.shrui %xor3A_1341, %shift_right_logical3A_1347 : vector<16xi32>
      %add3A_1349 = arith.addi %shift_left3A_1345, %shift_right_logical3A_1348 : vector<16xi32>
      %xor3A_1350 = arith.xori %add3A_1349, %add3A_1342 : vector<16xi32>
      %add3A_1351 = arith.addi %add3A_1342, %xor3A_1350 : vector<16xi32>
      %shift_left3A_1352 = arith.constant 6 : i32
      %shift_left3A_1353 = vector.broadcast %shift_left3A_1352 : i32 to vector<16xi32>
      %shift_left3A_1354 = arith.shli %xor3A_1350, %shift_left3A_1353 : vector<16xi32>
      %shift_right_logical3A_1355 = arith.constant 26 : i32
      %shift_right_logical3A_1356 = vector.broadcast %shift_right_logical3A_1355 : i32 to vector<16xi32>
      %shift_right_logical3A_1357 = arith.shrui %xor3A_1350, %shift_right_logical3A_1356 : vector<16xi32>
      %add3A_1358 = arith.addi %shift_left3A_1354, %shift_right_logical3A_1357 : vector<16xi32>
      %xor3A_1359 = arith.xori %add3A_1358, %add3A_1351 : vector<16xi32>
      %add3A_1360 = arith.constant 466689008 : i32
      %add3A_1361 = vector.broadcast %add3A_1360 : i32 to vector<16xi32>
      %add3A_1362 = arith.addi %add3A_1351, %add3A_1361 : vector<16xi32>
      %add3A_1363 = arith.constant 5 : i32
      %add3A_1364 = vector.broadcast %add3A_1363 : i32 to vector<16xi32>
      %add3A_1365 = arith.addi %xor3A_1359, %add3A_1364 : vector<16xi32>
      %xor3A_1366 = arith.xori %add3A_1362, %add3A_1365 : vector<16xi32>
      %mul3A_1367 = arith.constant 16 : i32
      %mul3A_1368 = arith.muli %add3A_1156, %mul3A_1367 : i32
      %swap3A_1369 = arith.index_cast %mul3A_1368 : i32 to index
      %swap3A_1370 = tpu.vector_load %arg5[%swap3A_1369] {strides = array<i32>} : memref<127264xi32, #tpu.memory_space<vmem>>, vector<16xi32>,
      %swap3A_1371 = vector.shape_cast %swap3A_1370 : vector<16xi32> to vector<16xi32>
      %swap3A_1372 = vector.shape_cast %xor3A_1366 : vector<16xi32> to vector<16xi32>
      tpu.vector_store %arg5[%swap3A_1369], %swap3A_1372 {strides = array<i32>} : memref<127264xi32, #tpu.memory_space<vmem>>, vector<16xi32>,
      %add3A_1373 = arith.constant 16 : i32
      %add3A_1374 = vector.broadcast %add3A_1373 : i32 to vector<16xi32>
      %add3A_1375 = arith.addi %add3A_1150, %add3A_1374 : vector<16xi32>
      %scan3A_1376 = arith.constant 2 : i32
      %scan3A_1377 = arith.addi %scan3A_926, %scan3A_1376 : i32
      %mul3A_1378 = arith.constant 1 : i32
      %mul3A_1379 = arith.muli %scan3A_1377, %mul3A_1378 : i32
      %add3A_1380 = arith.constant 0 : i32
      %add3A_1381 = arith.addi %add3A_1380, %mul3A_1379 : i32
      %shift_left3A_1382 = arith.constant 13 : i32
      %shift_left3A_1383 = vector.broadcast %shift_left3A_1382 : i32 to vector<16xi32>
      %shift_left3A_1384 = arith.shli %add3A_1375, %shift_left3A_1383 : vector<16xi32>
      %shift_right_logical3A_1385 = arith.constant 19 : i32
      %shift_right_logical3A_1386 = vector.broadcast %shift_right_logical3A_1385 : i32 to vector<16xi32>
      %shift_right_logical3A_1387 = arith.shrui %add3A_1375, %shift_right_logical3A_1386 : vector<16xi32>
      %add3A_1388 = arith.addi %shift_left3A_1384, %shift_right_logical3A_1387 : vector<16xi32>
      %xor3A_1389 = arith.xori %add3A_1388, %add3A_1375 : vector<16xi32>
      %add3A_1390 = arith.addi %add3A_1375, %xor3A_1389 : vector<16xi32>
      %shift_left3A_1391 = arith.constant 15 : i32
      %shift_left3A_1392 = vector.broadcast %shift_left3A_1391 : i32 to vector<16xi32>
      %shift_left3A_1393 = arith.shli %xor3A_1389, %shift_left3A_1392 : vector<16xi32>
      %shift_right_logical3A_1394 = arith.constant 17 : i32
      %shift_right_logical3A_1395 = vector.broadcast %shift_right_logical3A_1394 : i32 to vector<16xi32>
      %shift_right_logical3A_1396 = arith.shrui %xor3A_1389, %shift_right_logical3A_1395 : vector<16xi32>
      %add3A_1397 = arith.addi %shift_left3A_1393, %shift_right_logical3A_1396 : vector<16xi32>
      %xor3A_1398 = arith.xori %add3A_1397, %add3A_1390 : vector<16xi32>
      %add3A_1399 = arith.addi %add3A_1390, %xor3A_1398 : vector<16xi32>
      %shift_left3A_1400 = arith.constant 26 : i32
      %shift_left3A_1401 = vector.broadcast %shift_left3A_1400 : i32 to vector<16xi32>
      %shift_left3A_1402 = arith.shli %xor3A_1398, %shift_left3A_1401 : vector<16xi32>
      %shift_right_logical3A_1403 = arith.constant 6 : i32
      %shift_right_logical3A_1404 = vector.broadcast %shift_right_logical3A_1403 : i32 to vector<16xi32>
      %shift_right_logical3A_1405 = arith.shrui %xor3A_1398, %shift_right_logical3A_1404 : vector<16xi32>
      %add3A_1406 = arith.addi %shift_left3A_1402, %shift_right_logical3A_1405 : vector<16xi32>
      %xor3A_1407 = arith.xori %add3A_1406, %add3A_1399 : vector<16xi32>
      %add3A_1408 = arith.addi %add3A_1399, %xor3A_1407 : vector<16xi32>
      %shift_left3A_1409 = arith.constant 6 : i32
      %shift_left3A_1410 = vector.broadcast %shift_left3A_1409 : i32 to vector<16xi32>
      %shift_left3A_1411 = arith.shli %xor3A_1407, %shift_left3A_1410 : vector<16xi32>
      %shift_right_logical3A_1412 = arith.constant 26 : i32
      %shift_right_logical3A_1413 = vector.broadcast %shift_right_logical3A_1412 : i32 to vector<16xi32>
      %shift_right_logical3A_1414 = arith.shrui %xor3A_1407, %shift_right_logical3A_1413 : vector<16xi32>
      %add3A_1415 = arith.addi %shift_left3A_1411, %shift_right_logical3A_1414 : vector<16xi32>
      %xor3A_1416 = arith.xori %add3A_1415, %add3A_1408 : vector<16xi32>
      %add3A_1417 = arith.constant 42 : i32
      %add3A_1418 = vector.broadcast %add3A_1417 : i32 to vector<16xi32>
      %add3A_1419 = arith.addi %add3A_1408, %add3A_1418 : vector<16xi32>
      %add3A_1420 = arith.constant 466689009 : i32
      %add3A_1421 = vector.broadcast %add3A_1420 : i32 to vector<16xi32>
      %add3A_1422 = arith.addi %xor3A_1416, %add3A_1421 : vector<16xi32>
      %add3A_1423 = arith.addi %add3A_1419, %add3A_1422 : vector<16xi32>
      %shift_left3A_1424 = arith.constant 17 : i32
      %shift_left3A_1425 = vector.broadcast %shift_left3A_1424 : i32 to vector<16xi32>
      %shift_left3A_1426 = arith.shli %add3A_1422, %shift_left3A_1425 : vector<16xi32>
      %shift_right_logical3A_1427 = arith.constant 15 : i32
      %shift_right_logical3A_1428 = vector.broadcast %shift_right_logical3A_1427 : i32 to vector<16xi32>
      %shift_right_logical3A_1429 = arith.shrui %add3A_1422, %shift_right_logical3A_1428 : vector<16xi32>
      %add3A_1430 = arith.addi %shift_left3A_1426, %shift_right_logical3A_1429 : vector<16xi32>
      %xor3A_1431 = arith.xori %add3A_1430, %add3A_1423 : vector<16xi32>
      %add3A_1432 = arith.addi %add3A_1423, %xor3A_1431 : vector<16xi32>
      %shift_left3A_1433 = arith.constant 29 : i32
      %shift_left3A_1434 = vector.broadcast %shift_left3A_1433 : i32 to vector<16xi32>
      %shift_left3A_1435 = arith.shli %xor3A_1431, %shift_left3A_1434 : vector<16xi32>
      %shift_right_logical3A_1436 = arith.constant 3 : i32
      %shift_right_logical3A_1437 = vector.broadcast %shift_right_logical3A_1436 : i32 to vector<16xi32>
      %shift_right_logical3A_1438 = arith.shrui %xor3A_1431, %shift_right_logical3A_1437 : vector<16xi32>
      %add3A_1439 = arith.addi %shift_left3A_1435, %shift_right_logical3A_1438 : vector<16xi32>
      %xor3A_1440 = arith.xori %add3A_1439, %add3A_1432 : vector<16xi32>
      %add3A_1441 = arith.addi %add3A_1432, %xor3A_1440 : vector<16xi32>
      %shift_left3A_1442 = arith.constant 16 : i32
      %shift_left3A_1443 = vector.broadcast %shift_left3A_1442 : i32 to vector<16xi32>
      %shift_left3A_1444 = arith.shli %xor3A_1440, %shift_left3A_1443 : vector<16xi32>
      %shift_right_logical3A_1445 = arith.constant 16 : i32
      %shift_right_logical3A_1446 = vector.broadcast %shift_right_logical3A_1445 : i32 to vector<16xi32>
      %shift_right_logical3A_1447 = arith.shrui %xor3A_1440, %shift_right_logical3A_1446 : vector<16xi32>
      %add3A_1448 = arith.addi %shift_left3A_1444, %shift_right_logical3A_1447 : vector<16xi32>
      %xor3A_1449 = arith.xori %add3A_1448, %add3A_1441 : vector<16xi32>
      %add3A_1450 = arith.addi %add3A_1441, %xor3A_1449 : vector<16xi32>
      %shift_left3A_1451 = arith.constant 24 : i32
      %shift_left3A_1452 = vector.broadcast %shift_left3A_1451 : i32 to vector<16xi32>
      %shift_left3A_1453 = arith.shli %xor3A_1449, %shift_left3A_1452 : vector<16xi32>
      %shift_right_logical3A_1454 = arith.constant 8 : i32
      %shift_right_logical3A_1455 = vector.broadcast %shift_right_logical3A_1454 : i32 to vector<16xi32>
      %shift_right_logical3A_1456 = arith.shrui %xor3A_1449, %shift_right_logical3A_1455 : vector<16xi32>
      %add3A_1457 = arith.addi %shift_left3A_1453, %shift_right_logical3A_1456 : vector<16xi32>
      %xor3A_1458 = arith.xori %add3A_1457, %add3A_1450 : vector<16xi32>
      %add3A_1459 = arith.constant 466689008 : i32
      %add3A_1460 = vector.broadcast %add3A_1459 : i32 to vector<16xi32>
      %add3A_1461 = arith.addi %add3A_1450, %add3A_1460 : vector<16xi32>
      %add3A_1462 = arith.constant 2 : i32
      %add3A_1463 = vector.broadcast %add3A_1462 : i32 to vector<16xi32>
      %add3A_1464 = arith.addi %xor3A_1458, %add3A_1463 : vector<16xi32>
      %add3A_1465 = arith.addi %add3A_1461, %add3A_1464 : vector<16xi32>
      %shift_left3A_1466 = arith.constant 13 : i32
      %shift_left3A_1467 = vector.broadcast %shift_left3A_1466 : i32 to vector<16xi32>
      %shift_left3A_1468 = arith.shli %add3A_1464, %shift_left3A_1467 : vector<16xi32>
      %shift_right_logical3A_1469 = arith.constant 19 : i32
      %shift_right_logical3A_1470 = vector.broadcast %shift_right_logical3A_1469 : i32 to vector<16xi32>
      %shift_right_logical3A_1471 = arith.shrui %add3A_1464, %shift_right_logical3A_1470 : vector<16xi32>
      %add3A_1472 = arith.addi %shift_left3A_1468, %shift_right_logical3A_1471 : vector<16xi32>
      %xor3A_1473 = arith.xori %add3A_1472, %add3A_1465 : vector<16xi32>
      %add3A_1474 = arith.addi %add3A_1465, %xor3A_1473 : vector<16xi32>
      %shift_left3A_1475 = arith.constant 15 : i32
      %shift_left3A_1476 = vector.broadcast %shift_left3A_1475 : i32 to vector<16xi32>
      %shift_left3A_1477 = arith.shli %xor3A_1473, %shift_left3A_1476 : vector<16xi32>
      %shift_right_logical3A_1478 = arith.constant 17 : i32
      %shift_right_logical3A_1479 = vector.broadcast %shift_right_logical3A_1478 : i32 to vector<16xi32>
      %shift_right_logical3A_1480 = arith.shrui %xor3A_1473, %shift_right_logical3A_1479 : vector<16xi32>
      %add3A_1481 = arith.addi %shift_left3A_1477, %shift_right_logical3A_1480 : vector<16xi32>
      %xor3A_1482 = arith.xori %add3A_1481, %add3A_1474 : vector<16xi32>
      %add3A_1483 = arith.addi %add3A_1474, %xor3A_1482 : vector<16xi32>
      %shift_left3A_1484 = arith.constant 26 : i32
      %shift_left3A_1485 = vector.broadcast %shift_left3A_1484 : i32 to vector<16xi32>
      %shift_left3A_1486 = arith.shli %xor3A_1482, %shift_left3A_1485 : vector<16xi32>
      %shift_right_logical3A_1487 = arith.constant 6 : i32
      %shift_right_logical3A_1488 = vector.broadcast %shift_right_logical3A_1487 : i32 to vector<16xi32>
      %shift_right_logical3A_1489 = arith.shrui %xor3A_1482, %shift_right_logical3A_1488 : vector<16xi32>
      %add3A_1490 = arith.addi %shift_left3A_1486, %shift_right_logical3A_1489 : vector<16xi32>
      %xor3A_1491 = arith.xori %add3A_1490, %add3A_1483 : vector<16xi32>
      %add3A_1492 = arith.addi %add3A_1483, %xor3A_1491 : vector<16xi32>
      %shift_left3A_1493 = arith.constant 6 : i32
      %shift_left3A_1494 = vector.broadcast %shift_left3A_1493 : i32 to vector<16xi32>
      %shift_left3A_1495 = arith.shli %xor3A_1491, %shift_left3A_1494 : vector<16xi32>
      %shift_right_logical3A_1496 = arith.constant 26 : i32
      %shift_right_logical3A_1497 = vector.broadcast %shift_right_logical3A_1496 : i32 to vector<16xi32>
      %shift_right_logical3A_1498 = arith.shrui %xor3A_1491, %shift_right_logical3A_1497 : vector<16xi32>
      %add3A_1499 = arith.addi %shift_left3A_1495, %shift_right_logical3A_1498 : vector<16xi32>
      %xor3A_1500 = arith.xori %add3A_1499, %add3A_1492 : vector<16xi32>
      %add3A_1501 = arith.constant 0 : i32
      %add3A_1502 = vector.broadcast %add3A_1501 : i32 to vector<16xi32>
      %add3A_1503 = arith.addi %add3A_1492, %add3A_1502 : vector<16xi32>
      %add3A_1504 = arith.constant 45 : i32
      %add3A_1505 = vector.broadcast %add3A_1504 : i32 to vector<16xi32>
      %add3A_1506 = arith.addi %xor3A_1500, %add3A_1505 : vector<16xi32>
      %add3A_1507 = arith.addi %add3A_1503, %add3A_1506 : vector<16xi32>
      %shift_left3A_1508 = arith.constant 17 : i32
      %shift_left3A_1509 = vector.broadcast %shift_left3A_1508 : i32 to vector<16xi32>
      %shift_left3A_1510 = arith.shli %add3A_1506, %shift_left3A_1509 : vector<16xi32>
      %shift_right_logical3A_1511 = arith.constant 15 : i32
      %shift_right_logical3A_1512 = vector.broadcast %shift_right_logical3A_1511 : i32 to vector<16xi32>
      %shift_right_logical3A_1513 = arith.shrui %add3A_1506, %shift_right_logical3A_1512 : vector<16xi32>
      %add3A_1514 = arith.addi %shift_left3A_1510, %shift_right_logical3A_1513 : vector<16xi32>
      %xor3A_1515 = arith.xori %add3A_1514, %add3A_1507 : vector<16xi32>
      %add3A_1516 = arith.addi %add3A_1507, %xor3A_1515 : vector<16xi32>
      %shift_left3A_1517 = arith.constant 29 : i32
      %shift_left3A_1518 = vector.broadcast %shift_left3A_1517 : i32 to vector<16xi32>
      %shift_left3A_1519 = arith.shli %xor3A_1515, %shift_left3A_1518 : vector<16xi32>
      %shift_right_logical3A_1520 = arith.constant 3 : i32
      %shift_right_logical3A_1521 = vector.broadcast %shift_right_logical3A_1520 : i32 to vector<16xi32>
      %shift_right_logical3A_1522 = arith.shrui %xor3A_1515, %shift_right_logical3A_1521 : vector<16xi32>
      %add3A_1523 = arith.addi %shift_left3A_1519, %shift_right_logical3A_1522 : vector<16xi32>
      %xor3A_1524 = arith.xori %add3A_1523, %add3A_1516 : vector<16xi32>
      %add3A_1525 = arith.addi %add3A_1516, %xor3A_1524 : vector<16xi32>
      %shift_left3A_1526 = arith.constant 16 : i32
      %shift_left3A_1527 = vector.broadcast %shift_left3A_1526 : i32 to vector<16xi32>
      %shift_left3A_1528 = arith.shli %xor3A_1524, %shift_left3A_1527 : vector<16xi32>
      %shift_right_logical3A_1529 = arith.constant 16 : i32
      %shift_right_logical3A_1530 = vector.broadcast %shift_right_logical3A_1529 : i32 to vector<16xi32>
      %shift_right_logical3A_1531 = arith.shrui %xor3A_1524, %shift_right_logical3A_1530 : vector<16xi32>
      %add3A_1532 = arith.addi %shift_left3A_1528, %shift_right_logical3A_1531 : vector<16xi32>
      %xor3A_1533 = arith.xori %add3A_1532, %add3A_1525 : vector<16xi32>
      %add3A_1534 = arith.addi %add3A_1525, %xor3A_1533 : vector<16xi32>
      %shift_left3A_1535 = arith.constant 24 : i32
      %shift_left3A_1536 = vector.broadcast %shift_left3A_1535 : i32 to vector<16xi32>
      %shift_left3A_1537 = arith.shli %xor3A_1533, %shift_left3A_1536 : vector<16xi32>
      %shift_right_logical3A_1538 = arith.constant 8 : i32
      %shift_right_logical3A_1539 = vector.broadcast %shift_right_logical3A_1538 : i32 to vector<16xi32>
      %shift_right_logical3A_1540 = arith.shrui %xor3A_1533, %shift_right_logical3A_1539 : vector<16xi32>
      %add3A_1541 = arith.addi %shift_left3A_1537, %shift_right_logical3A_1540 : vector<16xi32>
      %xor3A_1542 = arith.xori %add3A_1541, %add3A_1534 : vector<16xi32>
      %add3A_1543 = arith.constant 42 : i32
      %add3A_1544 = vector.broadcast %add3A_1543 : i32 to vector<16xi32>
      %add3A_1545 = arith.addi %add3A_1534, %add3A_1544 : vector<16xi32>
      %add3A_1546 = arith.constant 466689012 : i32
      %add3A_1547 = vector.broadcast %add3A_1546 : i32 to vector<16xi32>
      %add3A_1548 = arith.addi %xor3A_1542, %add3A_1547 : vector<16xi32>
      %add3A_1549 = arith.addi %add3A_1545, %add3A_1548 : vector<16xi32>
      %shift_left3A_1550 = arith.constant 13 : i32
      %shift_left3A_1551 = vector.broadcast %shift_left3A_1550 : i32 to vector<16xi32>
      %shift_left3A_1552 = arith.shli %add3A_1548, %shift_left3A_1551 : vector<16xi32>
      %shift_right_logical3A_1553 = arith.constant 19 : i32
      %shift_right_logical3A_1554 = vector.broadcast %shift_right_logical3A_1553 : i32 to vector<16xi32>
      %shift_right_logical3A_1555 = arith.shrui %add3A_1548, %shift_right_logical3A_1554 : vector<16xi32>
      %add3A_1556 = arith.addi %shift_left3A_1552, %shift_right_logical3A_1555 : vector<16xi32>
      %xor3A_1557 = arith.xori %add3A_1556, %add3A_1549 : vector<16xi32>
      %add3A_1558 = arith.addi %add3A_1549, %xor3A_1557 : vector<16xi32>
      %shift_left3A_1559 = arith.constant 15 : i32
      %shift_left3A_1560 = vector.broadcast %shift_left3A_1559 : i32 to vector<16xi32>
      %shift_left3A_1561 = arith.shli %xor3A_1557, %shift_left3A_1560 : vector<16xi32>
      %shift_right_logical3A_1562 = arith.constant 17 : i32
      %shift_right_logical3A_1563 = vector.broadcast %shift_right_logical3A_1562 : i32 to vector<16xi32>
      %shift_right_logical3A_1564 = arith.shrui %xor3A_1557, %shift_right_logical3A_1563 : vector<16xi32>
      %add3A_1565 = arith.addi %shift_left3A_1561, %shift_right_logical3A_1564 : vector<16xi32>
      %xor3A_1566 = arith.xori %add3A_1565, %add3A_1558 : vector<16xi32>
      %add3A_1567 = arith.addi %add3A_1558, %xor3A_1566 : vector<16xi32>
      %shift_left3A_1568 = arith.constant 26 : i32
      %shift_left3A_1569 = vector.broadcast %shift_left3A_1568 : i32 to vector<16xi32>
      %shift_left3A_1570 = arith.shli %xor3A_1566, %shift_left3A_1569 : vector<16xi32>
      %shift_right_logical3A_1571 = arith.constant 6 : i32
      %shift_right_logical3A_1572 = vector.broadcast %shift_right_logical3A_1571 : i32 to vector<16xi32>
      %shift_right_logical3A_1573 = arith.shrui %xor3A_1566, %shift_right_logical3A_1572 : vector<16xi32>
      %add3A_1574 = arith.addi %shift_left3A_1570, %shift_right_logical3A_1573 : vector<16xi32>
      %xor3A_1575 = arith.xori %add3A_1574, %add3A_1567 : vector<16xi32>
      %add3A_1576 = arith.addi %add3A_1567, %xor3A_1575 : vector<16xi32>
      %shift_left3A_1577 = arith.constant 6 : i32
      %shift_left3A_1578 = vector.broadcast %shift_left3A_1577 : i32 to vector<16xi32>
      %shift_left3A_1579 = arith.shli %xor3A_1575, %shift_left3A_1578 : vector<16xi32>
      %shift_right_logical3A_1580 = arith.constant 26 : i32
      %shift_right_logical3A_1581 = vector.broadcast %shift_right_logical3A_1580 : i32 to vector<16xi32>
      %shift_right_logical3A_1582 = arith.shrui %xor3A_1575, %shift_right_logical3A_1581 : vector<16xi32>
      %add3A_1583 = arith.addi %shift_left3A_1579, %shift_right_logical3A_1582 : vector<16xi32>
      %xor3A_1584 = arith.xori %add3A_1583, %add3A_1576 : vector<16xi32>
      %add3A_1585 = arith.constant 466689008 : i32
      %add3A_1586 = vector.broadcast %add3A_1585 : i32 to vector<16xi32>
      %add3A_1587 = arith.addi %add3A_1576, %add3A_1586 : vector<16xi32>
      %add3A_1588 = arith.constant 5 : i32
      %add3A_1589 = vector.broadcast %add3A_1588 : i32 to vector<16xi32>
      %add3A_1590 = arith.addi %xor3A_1584, %add3A_1589 : vector<16xi32>
      %xor3A_1591 = arith.xori %add3A_1587, %add3A_1590 : vector<16xi32>
      %mul3A_1592 = arith.constant 16 : i32
      %mul3A_1593 = arith.muli %add3A_1381, %mul3A_1592 : i32
      %swap3A_1594 = arith.index_cast %mul3A_1593 : i32 to index
      %swap3A_1595 = tpu.vector_load %arg5[%swap3A_1594] {strides = array<i32>} : memref<127264xi32, #tpu.memory_space<vmem>>, vector<16xi32>,
      %swap3A_1596 = vector.shape_cast %swap3A_1595 : vector<16xi32> to vector<16xi32>
      %swap3A_1597 = vector.shape_cast %xor3A_1591 : vector<16xi32> to vector<16xi32>
      tpu.vector_store %arg5[%swap3A_1594], %swap3A_1597 {strides = array<i32>} : memref<127264xi32, #tpu.memory_space<vmem>>, vector<16xi32>,
      %add3A_1598 = arith.constant 16 : i32
      %add3A_1599 = vector.broadcast %add3A_1598 : i32 to vector<16xi32>
      %add3A_1600 = arith.addi %add3A_1375, %add3A_1599 : vector<16xi32>
      %scan3A_1601 = arith.constant 3 : i32
      %scan3A_1602 = arith.addi %scan3A_926, %scan3A_1601 : i32
      %mul3A_1603 = arith.constant 1 : i32
      %mul3A_1604 = arith.muli %scan3A_1602, %mul3A_1603 : i32
      %add3A_1605 = arith.constant 0 : i32
      %add3A_1606 = arith.addi %add3A_1605, %mul3A_1604 : i32
      %shift_left3A_1607 = arith.constant 13 : i32
      %shift_left3A_1608 = vector.broadcast %shift_left3A_1607 : i32 to vector<16xi32>
      %shift_left3A_1609 = arith.shli %add3A_1600, %shift_left3A_1608 : vector<16xi32>
      %shift_right_logical3A_1610 = arith.constant 19 : i32
      %shift_right_logical3A_1611 = vector.broadcast %shift_right_logical3A_1610 : i32 to vector<16xi32>
      %shift_right_logical3A_1612 = arith.shrui %add3A_1600, %shift_right_logical3A_1611 : vector<16xi32>
      %add3A_1613 = arith.addi %shift_left3A_1609, %shift_right_logical3A_1612 : vector<16xi32>
      %xor3A_1614 = arith.xori %add3A_1613, %add3A_1600 : vector<16xi32>
      %add3A_1615 = arith.addi %add3A_1600, %xor3A_1614 : vector<16xi32>
      %shift_left3A_1616 = arith.constant 15 : i32
      %shift_left3A_1617 = vector.broadcast %shift_left3A_1616 : i32 to vector<16xi32>
      %shift_left3A_1618 = arith.shli %xor3A_1614, %shift_left3A_1617 : vector<16xi32>
      %shift_right_logical3A_1619 = arith.constant 17 : i32
      %shift_right_logical3A_1620 = vector.broadcast %shift_right_logical3A_1619 : i32 to vector<16xi32>
      %shift_right_logical3A_1621 = arith.shrui %xor3A_1614, %shift_right_logical3A_1620 : vector<16xi32>
      %add3A_1622 = arith.addi %shift_left3A_1618, %shift_right_logical3A_1621 : vector<16xi32>
      %xor3A_1623 = arith.xori %add3A_1622, %add3A_1615 : vector<16xi32>
      %add3A_1624 = arith.addi %add3A_1615, %xor3A_1623 : vector<16xi32>
      %shift_left3A_1625 = arith.constant 26 : i32
      %shift_left3A_1626 = vector.broadcast %shift_left3A_1625 : i32 to vector<16xi32>
      %shift_left3A_1627 = arith.shli %xor3A_1623, %shift_left3A_1626 : vector<16xi32>
      %shift_right_logical3A_1628 = arith.constant 6 : i32
      %shift_right_logical3A_1629 = vector.broadcast %shift_right_logical3A_1628 : i32 to vector<16xi32>
      %shift_right_logical3A_1630 = arith.shrui %xor3A_1623, %shift_right_logical3A_1629 : vector<16xi32>
      %add3A_1631 = arith.addi %shift_left3A_1627, %shift_right_logical3A_1630 : vector<16xi32>
      %xor3A_1632 = arith.xori %add3A_1631, %add3A_1624 : vector<16xi32>
      %add3A_1633 = arith.addi %add3A_1624, %xor3A_1632 : vector<16xi32>
      %shift_left3A_1634 = arith.constant 6 : i32
      %shift_left3A_1635 = vector.broadcast %shift_left3A_1634 : i32 to vector<16xi32>
      %shift_left3A_1636 = arith.shli %xor3A_1632, %shift_left3A_1635 : vector<16xi32>
      %shift_right_logical3A_1637 = arith.constant 26 : i32
      %shift_right_logical3A_1638 = vector.broadcast %shift_right_logical3A_1637 : i32 to vector<16xi32>
      %shift_right_logical3A_1639 = arith.shrui %xor3A_1632, %shift_right_logical3A_1638 : vector<16xi32>
      %add3A_1640 = arith.addi %shift_left3A_1636, %shift_right_logical3A_1639 : vector<16xi32>
      %xor3A_1641 = arith.xori %add3A_1640, %add3A_1633 : vector<16xi32>
      %add3A_1642 = arith.constant 42 : i32
      %add3A_1643 = vector.broadcast %add3A_1642 : i32 to vector<16xi32>
      %add3A_1644 = arith.addi %add3A_1633, %add3A_1643 : vector<16xi32>
      %add3A_1645 = arith.constant 466689009 : i32
      %add3A_1646 = vector.broadcast %add3A_1645 : i32 to vector<16xi32>
      %add3A_1647 = arith.addi %xor3A_1641, %add3A_1646 : vector<16xi32>
      %add3A_1648 = arith.addi %add3A_1644, %add3A_1647 : vector<16xi32>
      %shift_left3A_1649 = arith.constant 17 : i32
      %shift_left3A_1650 = vector.broadcast %shift_left3A_1649 : i32 to vector<16xi32>
      %shift_left3A_1651 = arith.shli %add3A_1647, %shift_left3A_1650 : vector<16xi32>
      %shift_right_logical3A_1652 = arith.constant 15 : i32
      %shift_right_logical3A_1653 = vector.broadcast %shift_right_logical3A_1652 : i32 to vector<16xi32>
      %shift_right_logical3A_1654 = arith.shrui %add3A_1647, %shift_right_logical3A_1653 : vector<16xi32>
      %add3A_1655 = arith.addi %shift_left3A_1651, %shift_right_logical3A_1654 : vector<16xi32>
      %xor3A_1656 = arith.xori %add3A_1655, %add3A_1648 : vector<16xi32>
      %add3A_1657 = arith.addi %add3A_1648, %xor3A_1656 : vector<16xi32>
      %shift_left3A_1658 = arith.constant 29 : i32
      %shift_left3A_1659 = vector.broadcast %shift_left3A_1658 : i32 to vector<16xi32>
      %shift_left3A_1660 = arith.shli %xor3A_1656, %shift_left3A_1659 : vector<16xi32>
      %shift_right_logical3A_1661 = arith.constant 3 : i32
      %shift_right_logical3A_1662 = vector.broadcast %shift_right_logical3A_1661 : i32 to vector<16xi32>
      %shift_right_logical3A_1663 = arith.shrui %xor3A_1656, %shift_right_logical3A_1662 : vector<16xi32>
      %add3A_1664 = arith.addi %shift_left3A_1660, %shift_right_logical3A_1663 : vector<16xi32>
      %xor3A_1665 = arith.xori %add3A_1664, %add3A_1657 : vector<16xi32>
      %add3A_1666 = arith.addi %add3A_1657, %xor3A_1665 : vector<16xi32>
      %shift_left3A_1667 = arith.constant 16 : i32
      %shift_left3A_1668 = vector.broadcast %shift_left3A_1667 : i32 to vector<16xi32>
      %shift_left3A_1669 = arith.shli %xor3A_1665, %shift_left3A_1668 : vector<16xi32>
      %shift_right_logical3A_1670 = arith.constant 16 : i32
      %shift_right_logical3A_1671 = vector.broadcast %shift_right_logical3A_1670 : i32 to vector<16xi32>
      %shift_right_logical3A_1672 = arith.shrui %xor3A_1665, %shift_right_logical3A_1671 : vector<16xi32>
      %add3A_1673 = arith.addi %shift_left3A_1669, %shift_right_logical3A_1672 : vector<16xi32>
      %xor3A_1674 = arith.xori %add3A_1673, %add3A_1666 : vector<16xi32>
      %add3A_1675 = arith.addi %add3A_1666, %xor3A_1674 : vector<16xi32>
      %shift_left3A_1676 = arith.constant 24 : i32
      %shift_left3A_1677 = vector.broadcast %shift_left3A_1676 : i32 to vector<16xi32>
      %shift_left3A_1678 = arith.shli %xor3A_1674, %shift_left3A_1677 : vector<16xi32>
      %shift_right_logical3A_1679 = arith.constant 8 : i32
      %shift_right_logical3A_1680 = vector.broadcast %shift_right_logical3A_1679 : i32 to vector<16xi32>
      %shift_right_logical3A_1681 = arith.shrui %xor3A_1674, %shift_right_logical3A_1680 : vector<16xi32>
      %add3A_1682 = arith.addi %shift_left3A_1678, %shift_right_logical3A_1681 : vector<16xi32>
      %xor3A_1683 = arith.xori %add3A_1682, %add3A_1675 : vector<16xi32>
      %add3A_1684 = arith.constant 466689008 : i32
      %add3A_1685 = vector.broadcast %add3A_1684 : i32 to vector<16xi32>
      %add3A_1686 = arith.addi %add3A_1675, %add3A_1685 : vector<16xi32>
      %add3A_1687 = arith.constant 2 : i32
      %add3A_1688 = vector.broadcast %add3A_1687 : i32 to vector<16xi32>
      %add3A_1689 = arith.addi %xor3A_1683, %add3A_1688 : vector<16xi32>
      %add3A_1690 = arith.addi %add3A_1686, %add3A_1689 : vector<16xi32>
      %shift_left3A_1691 = arith.constant 13 : i32
      %shift_left3A_1692 = vector.broadcast %shift_left3A_1691 : i32 to vector<16xi32>
      %shift_left3A_1693 = arith.shli %add3A_1689, %shift_left3A_1692 : vector<16xi32>
      %shift_right_logical3A_1694 = arith.constant 19 : i32
      %shift_right_logical3A_1695 = vector.broadcast %shift_right_logical3A_1694 : i32 to vector<16xi32>
      %shift_right_logical3A_1696 = arith.shrui %add3A_1689, %shift_right_logical3A_1695 : vector<16xi32>
      %add3A_1697 = arith.addi %shift_left3A_1693, %shift_right_logical3A_1696 : vector<16xi32>
      %xor3A_1698 = arith.xori %add3A_1697, %add3A_1690 : vector<16xi32>
      %add3A_1699 = arith.addi %add3A_1690, %xor3A_1698 : vector<16xi32>
      %shift_left3A_1700 = arith.constant 15 : i32
      %shift_left3A_1701 = vector.broadcast %shift_left3A_1700 : i32 to vector<16xi32>
      %shift_left3A_1702 = arith.shli %xor3A_1698, %shift_left3A_1701 : vector<16xi32>
      %shift_right_logical3A_1703 = arith.constant 17 : i32
      %shift_right_logical3A_1704 = vector.broadcast %shift_right_logical3A_1703 : i32 to vector<16xi32>
      %shift_right_logical3A_1705 = arith.shrui %xor3A_1698, %shift_right_logical3A_1704 : vector<16xi32>
      %add3A_1706 = arith.addi %shift_left3A_1702, %shift_right_logical3A_1705 : vector<16xi32>
      %xor3A_1707 = arith.xori %add3A_1706, %add3A_1699 : vector<16xi32>
      %add3A_1708 = arith.addi %add3A_1699, %xor3A_1707 : vector<16xi32>
      %shift_left3A_1709 = arith.constant 26 : i32
      %shift_left3A_1710 = vector.broadcast %shift_left3A_1709 : i32 to vector<16xi32>
      %shift_left3A_1711 = arith.shli %xor3A_1707, %shift_left3A_1710 : vector<16xi32>
      %shift_right_logical3A_1712 = arith.constant 6 : i32
      %shift_right_logical3A_1713 = vector.broadcast %shift_right_logical3A_1712 : i32 to vector<16xi32>
      %shift_right_logical3A_1714 = arith.shrui %xor3A_1707, %shift_right_logical3A_1713 : vector<16xi32>
      %add3A_1715 = arith.addi %shift_left3A_1711, %shift_right_logical3A_1714 : vector<16xi32>
      %xor3A_1716 = arith.xori %add3A_1715, %add3A_1708 : vector<16xi32>
      %add3A_1717 = arith.addi %add3A_1708, %xor3A_1716 : vector<16xi32>
      %shift_left3A_1718 = arith.constant 6 : i32
      %shift_left3A_1719 = vector.broadcast %shift_left3A_1718 : i32 to vector<16xi32>
      %shift_left3A_1720 = arith.shli %xor3A_1716, %shift_left3A_1719 : vector<16xi32>
      %shift_right_logical3A_1721 = arith.constant 26 : i32
      %shift_right_logical3A_1722 = vector.broadcast %shift_right_logical3A_1721 : i32 to vector<16xi32>
      %shift_right_logical3A_1723 = arith.shrui %xor3A_1716, %shift_right_logical3A_1722 : vector<16xi32>
      %add3A_1724 = arith.addi %shift_left3A_1720, %shift_right_logical3A_1723 : vector<16xi32>
      %xor3A_1725 = arith.xori %add3A_1724, %add3A_1717 : vector<16xi32>
      %add3A_1726 = arith.constant 0 : i32
      %add3A_1727 = vector.broadcast %add3A_1726 : i32 to vector<16xi32>
      %add3A_1728 = arith.addi %add3A_1717, %add3A_1727 : vector<16xi32>
      %add3A_1729 = arith.constant 45 : i32
      %add3A_1730 = vector.broadcast %add3A_1729 : i32 to vector<16xi32>
      %add3A_1731 = arith.addi %xor3A_1725, %add3A_1730 : vector<16xi32>
      %add3A_1732 = arith.addi %add3A_1728, %add3A_1731 : vector<16xi32>
      %shift_left3A_1733 = arith.constant 17 : i32
      %shift_left3A_1734 = vector.broadcast %shift_left3A_1733 : i32 to vector<16xi32>
      %shift_left3A_1735 = arith.shli %add3A_1731, %shift_left3A_1734 : vector<16xi32>
      %shift_right_logical3A_1736 = arith.constant 15 : i32
      %shift_right_logical3A_1737 = vector.broadcast %shift_right_logical3A_1736 : i32 to vector<16xi32>
      %shift_right_logical3A_1738 = arith.shrui %add3A_1731, %shift_right_logical3A_1737 : vector<16xi32>
      %add3A_1739 = arith.addi %shift_left3A_1735, %shift_right_logical3A_1738 : vector<16xi32>
      %xor3A_1740 = arith.xori %add3A_1739, %add3A_1732 : vector<16xi32>
      %add3A_1741 = arith.addi %add3A_1732, %xor3A_1740 : vector<16xi32>
      %shift_left3A_1742 = arith.constant 29 : i32
      %shift_left3A_1743 = vector.broadcast %shift_left3A_1742 : i32 to vector<16xi32>
      %shift_left3A_1744 = arith.shli %xor3A_1740, %shift_left3A_1743 : vector<16xi32>
      %shift_right_logical3A_1745 = arith.constant 3 : i32
      %shift_right_logical3A_1746 = vector.broadcast %shift_right_logical3A_1745 : i32 to vector<16xi32>
      %shift_right_logical3A_1747 = arith.shrui %xor3A_1740, %shift_right_logical3A_1746 : vector<16xi32>
      %add3A_1748 = arith.addi %shift_left3A_1744, %shift_right_logical3A_1747 : vector<16xi32>
      %xor3A_1749 = arith.xori %add3A_1748, %add3A_1741 : vector<16xi32>
      %add3A_1750 = arith.addi %add3A_1741, %xor3A_1749 : vector<16xi32>
      %shift_left3A_1751 = arith.constant 16 : i32
      %shift_left3A_1752 = vector.broadcast %shift_left3A_1751 : i32 to vector<16xi32>
      %shift_left3A_1753 = arith.shli %xor3A_1749, %shift_left3A_1752 : vector<16xi32>
      %shift_right_logical3A_1754 = arith.constant 16 : i32
      %shift_right_logical3A_1755 = vector.broadcast %shift_right_logical3A_1754 : i32 to vector<16xi32>
      %shift_right_logical3A_1756 = arith.shrui %xor3A_1749, %shift_right_logical3A_1755 : vector<16xi32>
      %add3A_1757 = arith.addi %shift_left3A_1753, %shift_right_logical3A_1756 : vector<16xi32>
      %xor3A_1758 = arith.xori %add3A_1757, %add3A_1750 : vector<16xi32>
      %add3A_1759 = arith.addi %add3A_1750, %xor3A_1758 : vector<16xi32>
      %shift_left3A_1760 = arith.constant 24 : i32
      %shift_left3A_1761 = vector.broadcast %shift_left3A_1760 : i32 to vector<16xi32>
      %shift_left3A_1762 = arith.shli %xor3A_1758, %shift_left3A_1761 : vector<16xi32>
      %shift_right_logical3A_1763 = arith.constant 8 : i32
      %shift_right_logical3A_1764 = vector.broadcast %shift_right_logical3A_1763 : i32 to vector<16xi32>
      %shift_right_logical3A_1765 = arith.shrui %xor3A_1758, %shift_right_logical3A_1764 : vector<16xi32>
      %add3A_1766 = arith.addi %shift_left3A_1762, %shift_right_logical3A_1765 : vector<16xi32>
      %xor3A_1767 = arith.xori %add3A_1766, %add3A_1759 : vector<16xi32>
      %add3A_1768 = arith.constant 42 : i32
      %add3A_1769 = vector.broadcast %add3A_1768 : i32 to vector<16xi32>
      %add3A_1770 = arith.addi %add3A_1759, %add3A_1769 : vector<16xi32>
      %add3A_1771 = arith.constant 466689012 : i32
      %add3A_1772 = vector.broadcast %add3A_1771 : i32 to vector<16xi32>
      %add3A_1773 = arith.addi %xor3A_1767, %add3A_1772 : vector<16xi32>
      %add3A_1774 = arith.addi %add3A_1770, %add3A_1773 : vector<16xi32>
      %shift_left3A_1775 = arith.constant 13 : i32
      %shift_left3A_1776 = vector.broadcast %shift_left3A_1775 : i32 to vector<16xi32>
      %shift_left3A_1777 = arith.shli %add3A_1773, %shift_left3A_1776 : vector<16xi32>
      %shift_right_logical3A_1778 = arith.constant 19 : i32
      %shift_right_logical3A_1779 = vector.broadcast %shift_right_logical3A_1778 : i32 to vector<16xi32>
      %shift_right_logical3A_1780 = arith.shrui %add3A_1773, %shift_right_logical3A_1779 : vector<16xi32>
      %add3A_1781 = arith.addi %shift_left3A_1777, %shift_right_logical3A_1780 : vector<16xi32>
      %xor3A_1782 = arith.xori %add3A_1781, %add3A_1774 : vector<16xi32>
      %add3A_1783 = arith.addi %add3A_1774, %xor3A_1782 : vector<16xi32>
      %shift_left3A_1784 = arith.constant 15 : i32
      %shift_left3A_1785 = vector.broadcast %shift_left3A_1784 : i32 to vector<16xi32>
      %shift_left3A_1786 = arith.shli %xor3A_1782, %shift_left3A_1785 : vector<16xi32>
      %shift_right_logical3A_1787 = arith.constant 17 : i32
      %shift_right_logical3A_1788 = vector.broadcast %shift_right_logical3A_1787 : i32 to vector<16xi32>
      %shift_right_logical3A_1789 = arith.shrui %xor3A_1782, %shift_right_logical3A_1788 : vector<16xi32>
      %add3A_1790 = arith.addi %shift_left3A_1786, %shift_right_logical3A_1789 : vector<16xi32>
      %xor3A_1791 = arith.xori %add3A_1790, %add3A_1783 : vector<16xi32>
      %add3A_1792 = arith.addi %add3A_1783, %xor3A_1791 : vector<16xi32>
      %shift_left3A_1793 = arith.constant 26 : i32
      %shift_left3A_1794 = vector.broadcast %shift_left3A_1793 : i32 to vector<16xi32>
      %shift_left3A_1795 = arith.shli %xor3A_1791, %shift_left3A_1794 : vector<16xi32>
      %shift_right_logical3A_1796 = arith.constant 6 : i32
      %shift_right_logical3A_1797 = vector.broadcast %shift_right_logical3A_1796 : i32 to vector<16xi32>
      %shift_right_logical3A_1798 = arith.shrui %xor3A_1791, %shift_right_logical3A_1797 : vector<16xi32>
      %add3A_1799 = arith.addi %shift_left3A_1795, %shift_right_logical3A_1798 : vector<16xi32>
      %xor3A_1800 = arith.xori %add3A_1799, %add3A_1792 : vector<16xi32>
      %add3A_1801 = arith.addi %add3A_1792, %xor3A_1800 : vector<16xi32>
      %shift_left3A_1802 = arith.constant 6 : i32
      %shift_left3A_1803 = vector.broadcast %shift_left3A_1802 : i32 to vector<16xi32>
      %shift_left3A_1804 = arith.shli %xor3A_1800, %shift_left3A_1803 : vector<16xi32>
      %shift_right_logical3A_1805 = arith.constant 26 : i32
      %shift_right_logical3A_1806 = vector.broadcast %shift_right_logical3A_1805 : i32 to vector<16xi32>
      %shift_right_logical3A_1807 = arith.shrui %xor3A_1800, %shift_right_logical3A_1806 : vector<16xi32>
      %add3A_1808 = arith.addi %shift_left3A_1804, %shift_right_logical3A_1807 : vector<16xi32>
      %xor3A_1809 = arith.xori %add3A_1808, %add3A_1801 : vector<16xi32>
      %add3A_1810 = arith.constant 466689008 : i32
      %add3A_1811 = vector.broadcast %add3A_1810 : i32 to vector<16xi32>
      %add3A_1812 = arith.addi %add3A_1801, %add3A_1811 : vector<16xi32>
      %add3A_1813 = arith.constant 5 : i32
      %add3A_1814 = vector.broadcast %add3A_1813 : i32 to vector<16xi32>
      %add3A_1815 = arith.addi %xor3A_1809, %add3A_1814 : vector<16xi32>
      %xor3A_1816 = arith.xori %add3A_1812, %add3A_1815 : vector<16xi32>
      %mul3A_1817 = arith.constant 16 : i32
      %mul3A_1818 = arith.muli %add3A_1606, %mul3A_1817 : i32
      %swap3A_1819 = arith.index_cast %mul3A_1818 : i32 to index
      %swap3A_1820 = tpu.vector_load %arg5[%swap3A_1819] {strides = array<i32>} : memref<127264xi32, #tpu.memory_space<vmem>>, vector<16xi32>,
      %swap3A_1821 = vector.shape_cast %swap3A_1820 : vector<16xi32> to vector<16xi32>
      %swap3A_1822 = vector.shape_cast %xor3A_1816 : vector<16xi32> to vector<16xi32>
      tpu.vector_store %arg5[%swap3A_1819], %swap3A_1822 {strides = array<i32>} : memref<127264xi32, #tpu.memory_space<vmem>>, vector<16xi32>,
      %add3A_1823 = arith.constant 16 : i32
      %add3A_1824 = vector.broadcast %add3A_1823 : i32 to vector<16xi32>
      %add3A_1825 = arith.addi %add3A_1600, %add3A_1824 : vector<16xi32>
      scf.yield %add3A_1825 : vector<16xi32>
    }
    %scan3A_471 = arith.constant 7952 : i32
    %scan3A_472 = arith.addi %scan3A_466, %scan3A_471 : i32
    %mul3A_473 = arith.constant 1 : i32
    %mul3A_474 = arith.muli %scan3A_472, %mul3A_473 : i32
    %add3A_475 = arith.constant 0 : i32
    %add3A_476 = arith.addi %add3A_475, %mul3A_474 : i32
    %shift_left3A_477 = arith.constant 13 : i32
    %shift_left3A_478 = vector.broadcast %shift_left3A_477 : i32 to vector<16xi32>
    %shift_left3A_479 = arith.shli %scan3A_470, %shift_left3A_478 : vector<16xi32>
    %shift_right_logical3A_480 = arith.constant 19 : i32
    %shift_right_logical3A_481 = vector.broadcast %shift_right_logical3A_480 : i32 to vector<16xi32>
    %shift_right_logical3A_482 = arith.shrui %scan3A_470, %shift_right_logical3A_481 : vector<16xi32>
    %add3A_483 = arith.addi %shift_left3A_479, %shift_right_logical3A_482 : vector<16xi32>
    %xor3A_484 = arith.xori %add3A_483, %scan3A_470 : vector<16xi32>
    %add3A_485 = arith.addi %scan3A_470, %xor3A_484 : vector<16xi32>
    %shift_left3A_486 = arith.constant 15 : i32
    %shift_left3A_487 = vector.broadcast %shift_left3A_486 : i32 to vector<16xi32>
    %shift_left3A_488 = arith.shli %xor3A_484, %shift_left3A_487 : vector<16xi32>
    %shift_right_logical3A_489 = arith.constant 17 : i32
    %shift_right_logical3A_490 = vector.broadcast %shift_right_logical3A_489 : i32 to vector<16xi32>
    %shift_right_logical3A_491 = arith.shrui %xor3A_484, %shift_right_logical3A_490 : vector<16xi32>
    %add3A_492 = arith.addi %shift_left3A_488, %shift_right_logical3A_491 : vector<16xi32>
    %xor3A_493 = arith.xori %add3A_492, %add3A_485 : vector<16xi32>
    %add3A_494 = arith.addi %add3A_485, %xor3A_493 : vector<16xi32>
    %shift_left3A_495 = arith.constant 26 : i32
    %shift_left3A_496 = vector.broadcast %shift_left3A_495 : i32 to vector<16xi32>
    %shift_left3A_497 = arith.shli %xor3A_493, %shift_left3A_496 : vector<16xi32>
    %shift_right_logical3A_498 = arith.constant 6 : i32
    %shift_right_logical3A_499 = vector.broadcast %shift_right_logical3A_498 : i32 to vector<16xi32>
    %shift_right_logical3A_500 = arith.shrui %xor3A_493, %shift_right_logical3A_499 : vector<16xi32>
    %add3A_501 = arith.addi %shift_left3A_497, %shift_right_logical3A_500 : vector<16xi32>
    %xor3A_502 = arith.xori %add3A_501, %add3A_494 : vector<16xi32>
    %add3A_503 = arith.addi %add3A_494, %xor3A_502 : vector<16xi32>
    %shift_left3A_504 = arith.constant 6 : i32
    %shift_left3A_505 = vector.broadcast %shift_left3A_504 : i32 to vector<16xi32>
    %shift_left3A_506 = arith.shli %xor3A_502, %shift_left3A_505 : vector<16xi32>
    %shift_right_logical3A_507 = arith.constant 26 : i32
    %shift_right_logical3A_508 = vector.broadcast %shift_right_logical3A_507 : i32 to vector<16xi32>
    %shift_right_logical3A_509 = arith.shrui %xor3A_502, %shift_right_logical3A_508 : vector<16xi32>
    %add3A_510 = arith.addi %shift_left3A_506, %shift_right_logical3A_509 : vector<16xi32>
    %xor3A_511 = arith.xori %add3A_510, %add3A_503 : vector<16xi32>
    %add3A_512 = arith.constant 42 : i32
    %add3A_513 = vector.broadcast %add3A_512 : i32 to vector<16xi32>
    %add3A_514 = arith.addi %add3A_503, %add3A_513 : vector<16xi32>
    %add3A_515 = arith.constant 466689009 : i32
    %add3A_516 = vector.broadcast %add3A_515 : i32 to vector<16xi32>
    %add3A_517 = arith.addi %xor3A_511, %add3A_516 : vector<16xi32>
    %add3A_518 = arith.addi %add3A_514, %add3A_517 : vector<16xi32>
    %shift_left3A_519 = arith.constant 17 : i32
    %shift_left3A_520 = vector.broadcast %shift_left3A_519 : i32 to vector<16xi32>
    %shift_left3A_521 = arith.shli %add3A_517, %shift_left3A_520 : vector<16xi32>
    %shift_right_logical3A_522 = arith.constant 15 : i32
    %shift_right_logical3A_523 = vector.broadcast %shift_right_logical3A_522 : i32 to vector<16xi32>
    %shift_right_logical3A_524 = arith.shrui %add3A_517, %shift_right_logical3A_523 : vector<16xi32>
    %add3A_525 = arith.addi %shift_left3A_521, %shift_right_logical3A_524 : vector<16xi32>
    %xor3A_526 = arith.xori %add3A_525, %add3A_518 : vector<16xi32>
    %add3A_527 = arith.addi %add3A_518, %xor3A_526 : vector<16xi32>
    %shift_left3A_528 = arith.constant 29 : i32
    %shift_left3A_529 = vector.broadcast %shift_left3A_528 : i32 to vector<16xi32>
    %shift_left3A_530 = arith.shli %xor3A_526, %shift_left3A_529 : vector<16xi32>
    %shift_right_logical3A_531 = arith.constant 3 : i32
    %shift_right_logical3A_532 = vector.broadcast %shift_right_logical3A_531 : i32 to vector<16xi32>
    %shift_right_logical3A_533 = arith.shrui %xor3A_526, %shift_right_logical3A_532 : vector<16xi32>
    %add3A_534 = arith.addi %shift_left3A_530, %shift_right_logical3A_533 : vector<16xi32>
    %xor3A_535 = arith.xori %add3A_534, %add3A_527 : vector<16xi32>
    %add3A_536 = arith.addi %add3A_527, %xor3A_535 : vector<16xi32>
    %shift_left3A_537 = arith.constant 16 : i32
    %shift_left3A_538 = vector.broadcast %shift_left3A_537 : i32 to vector<16xi32>
    %shift_left3A_539 = arith.shli %xor3A_535, %shift_left3A_538 : vector<16xi32>
    %shift_right_logical3A_540 = arith.constant 16 : i32
    %shift_right_logical3A_541 = vector.broadcast %shift_right_logical3A_540 : i32 to vector<16xi32>
    %shift_right_logical3A_542 = arith.shrui %xor3A_535, %shift_right_logical3A_541 : vector<16xi32>
    %add3A_543 = arith.addi %shift_left3A_539, %shift_right_logical3A_542 : vector<16xi32>
    %xor3A_544 = arith.xori %add3A_543, %add3A_536 : vector<16xi32>
    %add3A_545 = arith.addi %add3A_536, %xor3A_544 : vector<16xi32>
    %shift_left3A_546 = arith.constant 24 : i32
    %shift_left3A_547 = vector.broadcast %shift_left3A_546 : i32 to vector<16xi32>
    %shift_left3A_548 = arith.shli %xor3A_544, %shift_left3A_547 : vector<16xi32>
    %shift_right_logical3A_549 = arith.constant 8 : i32
    %shift_right_logical3A_550 = vector.broadcast %shift_right_logical3A_549 : i32 to vector<16xi32>
    %shift_right_logical3A_551 = arith.shrui %xor3A_544, %shift_right_logical3A_550 : vector<16xi32>
    %add3A_552 = arith.addi %shift_left3A_548, %shift_right_logical3A_551 : vector<16xi32>
    %xor3A_553 = arith.xori %add3A_552, %add3A_545 : vector<16xi32>
    %add3A_554 = arith.constant 466689008 : i32
    %add3A_555 = vector.broadcast %add3A_554 : i32 to vector<16xi32>
    %add3A_556 = arith.addi %add3A_545, %add3A_555 : vector<16xi32>
    %add3A_557 = arith.constant 2 : i32
    %add3A_558 = vector.broadcast %add3A_557 : i32 to vector<16xi32>
    %add3A_559 = arith.addi %xor3A_553, %add3A_558 : vector<16xi32>
    %add3A_560 = arith.addi %add3A_556, %add3A_559 : vector<16xi32>
    %shift_left3A_561 = arith.constant 13 : i32
    %shift_left3A_562 = vector.broadcast %shift_left3A_561 : i32 to vector<16xi32>
    %shift_left3A_563 = arith.shli %add3A_559, %shift_left3A_562 : vector<16xi32>
    %shift_right_logical3A_564 = arith.constant 19 : i32
    %shift_right_logical3A_565 = vector.broadcast %shift_right_logical3A_564 : i32 to vector<16xi32>
    %shift_right_logical3A_566 = arith.shrui %add3A_559, %shift_right_logical3A_565 : vector<16xi32>
    %add3A_567 = arith.addi %shift_left3A_563, %shift_right_logical3A_566 : vector<16xi32>
    %xor3A_568 = arith.xori %add3A_567, %add3A_560 : vector<16xi32>
    %add3A_569 = arith.addi %add3A_560, %xor3A_568 : vector<16xi32>
    %shift_left3A_570 = arith.constant 15 : i32
    %shift_left3A_571 = vector.broadcast %shift_left3A_570 : i32 to vector<16xi32>
    %shift_left3A_572 = arith.shli %xor3A_568, %shift_left3A_571 : vector<16xi32>
    %shift_right_logical3A_573 = arith.constant 17 : i32
    %shift_right_logical3A_574 = vector.broadcast %shift_right_logical3A_573 : i32 to vector<16xi32>
    %shift_right_logical3A_575 = arith.shrui %xor3A_568, %shift_right_logical3A_574 : vector<16xi32>
    %add3A_576 = arith.addi %shift_left3A_572, %shift_right_logical3A_575 : vector<16xi32>
    %xor3A_577 = arith.xori %add3A_576, %add3A_569 : vector<16xi32>
    %add3A_578 = arith.addi %add3A_569, %xor3A_577 : vector<16xi32>
    %shift_left3A_579 = arith.constant 26 : i32
    %shift_left3A_580 = vector.broadcast %shift_left3A_579 : i32 to vector<16xi32>
    %shift_left3A_581 = arith.shli %xor3A_577, %shift_left3A_580 : vector<16xi32>
    %shift_right_logical3A_582 = arith.constant 6 : i32
    %shift_right_logical3A_583 = vector.broadcast %shift_right_logical3A_582 : i32 to vector<16xi32>
    %shift_right_logical3A_584 = arith.shrui %xor3A_577, %shift_right_logical3A_583 : vector<16xi32>
    %add3A_585 = arith.addi %shift_left3A_581, %shift_right_logical3A_584 : vector<16xi32>
    %xor3A_586 = arith.xori %add3A_585, %add3A_578 : vector<16xi32>
    %add3A_587 = arith.addi %add3A_578, %xor3A_586 : vector<16xi32>
    %shift_left3A_588 = arith.constant 6 : i32
    %shift_left3A_589 = vector.broadcast %shift_left3A_588 : i32 to vector<16xi32>
    %shift_left3A_590 = arith.shli %xor3A_586, %shift_left3A_589 : vector<16xi32>
    %shift_right_logical3A_591 = arith.constant 26 : i32
    %shift_right_logical3A_592 = vector.broadcast %shift_right_logical3A_591 : i32 to vector<16xi32>
    %shift_right_logical3A_593 = arith.shrui %xor3A_586, %shift_right_logical3A_592 : vector<16xi32>
    %add3A_594 = arith.addi %shift_left3A_590, %shift_right_logical3A_593 : vector<16xi32>
    %xor3A_595 = arith.xori %add3A_594, %add3A_587 : vector<16xi32>
    %add3A_596 = arith.constant 0 : i32
    %add3A_597 = vector.broadcast %add3A_596 : i32 to vector<16xi32>
    %add3A_598 = arith.addi %add3A_587, %add3A_597 : vector<16xi32>
    %add3A_599 = arith.constant 45 : i32
    %add3A_600 = vector.broadcast %add3A_599 : i32 to vector<16xi32>
    %add3A_601 = arith.addi %xor3A_595, %add3A_600 : vector<16xi32>
    %add3A_602 = arith.addi %add3A_598, %add3A_601 : vector<16xi32>
    %shift_left3A_603 = arith.constant 17 : i32
    %shift_left3A_604 = vector.broadcast %shift_left3A_603 : i32 to vector<16xi32>
    %shift_left3A_605 = arith.shli %add3A_601, %shift_left3A_604 : vector<16xi32>
    %shift_right_logical3A_606 = arith.constant 15 : i32
    %shift_right_logical3A_607 = vector.broadcast %shift_right_logical3A_606 : i32 to vector<16xi32>
    %shift_right_logical3A_608 = arith.shrui %add3A_601, %shift_right_logical3A_607 : vector<16xi32>
    %add3A_609 = arith.addi %shift_left3A_605, %shift_right_logical3A_608 : vector<16xi32>
    %xor3A_610 = arith.xori %add3A_609, %add3A_602 : vector<16xi32>
    %add3A_611 = arith.addi %add3A_602, %xor3A_610 : vector<16xi32>
    %shift_left3A_612 = arith.constant 29 : i32
    %shift_left3A_613 = vector.broadcast %shift_left3A_612 : i32 to vector<16xi32>
    %shift_left3A_614 = arith.shli %xor3A_610, %shift_left3A_613 : vector<16xi32>
    %shift_right_logical3A_615 = arith.constant 3 : i32
    %shift_right_logical3A_616 = vector.broadcast %shift_right_logical3A_615 : i32 to vector<16xi32>
    %shift_right_logical3A_617 = arith.shrui %xor3A_610, %shift_right_logical3A_616 : vector<16xi32>
    %add3A_618 = arith.addi %shift_left3A_614, %shift_right_logical3A_617 : vector<16xi32>
    %xor3A_619 = arith.xori %add3A_618, %add3A_611 : vector<16xi32>
    %add3A_620 = arith.addi %add3A_611, %xor3A_619 : vector<16xi32>
    %shift_left3A_621 = arith.constant 16 : i32
    %shift_left3A_622 = vector.broadcast %shift_left3A_621 : i32 to vector<16xi32>
    %shift_left3A_623 = arith.shli %xor3A_619, %shift_left3A_622 : vector<16xi32>
    %shift_right_logical3A_624 = arith.constant 16 : i32
    %shift_right_logical3A_625 = vector.broadcast %shift_right_logical3A_624 : i32 to vector<16xi32>
    %shift_right_logical3A_626 = arith.shrui %xor3A_619, %shift_right_logical3A_625 : vector<16xi32>
    %add3A_627 = arith.addi %shift_left3A_623, %shift_right_logical3A_626 : vector<16xi32>
    %xor3A_628 = arith.xori %add3A_627, %add3A_620 : vector<16xi32>
    %add3A_629 = arith.addi %add3A_620, %xor3A_628 : vector<16xi32>
    %shift_left3A_630 = arith.constant 24 : i32
    %shift_left3A_631 = vector.broadcast %shift_left3A_630 : i32 to vector<16xi32>
    %shift_left3A_632 = arith.shli %xor3A_628, %shift_left3A_631 : vector<16xi32>
    %shift_right_logical3A_633 = arith.constant 8 : i32
    %shift_right_logical3A_634 = vector.broadcast %shift_right_logical3A_633 : i32 to vector<16xi32>
    %shift_right_logical3A_635 = arith.shrui %xor3A_628, %shift_right_logical3A_634 : vector<16xi32>
    %add3A_636 = arith.addi %shift_left3A_632, %shift_right_logical3A_635 : vector<16xi32>
    %xor3A_637 = arith.xori %add3A_636, %add3A_629 : vector<16xi32>
    %add3A_638 = arith.constant 42 : i32
    %add3A_639 = vector.broadcast %add3A_638 : i32 to vector<16xi32>
    %add3A_640 = arith.addi %add3A_629, %add3A_639 : vector<16xi32>
    %add3A_641 = arith.constant 466689012 : i32
    %add3A_642 = vector.broadcast %add3A_641 : i32 to vector<16xi32>
    %add3A_643 = arith.addi %xor3A_637, %add3A_642 : vector<16xi32>
    %add3A_644 = arith.addi %add3A_640, %add3A_643 : vector<16xi32>
    %shift_left3A_645 = arith.constant 13 : i32
    %shift_left3A_646 = vector.broadcast %shift_left3A_645 : i32 to vector<16xi32>
    %shift_left3A_647 = arith.shli %add3A_643, %shift_left3A_646 : vector<16xi32>
    %shift_right_logical3A_648 = arith.constant 19 : i32
    %shift_right_logical3A_649 = vector.broadcast %shift_right_logical3A_648 : i32 to vector<16xi32>
    %shift_right_logical3A_650 = arith.shrui %add3A_643, %shift_right_logical3A_649 : vector<16xi32>
    %add3A_651 = arith.addi %shift_left3A_647, %shift_right_logical3A_650 : vector<16xi32>
    %xor3A_652 = arith.xori %add3A_651, %add3A_644 : vector<16xi32>
    %add3A_653 = arith.addi %add3A_644, %xor3A_652 : vector<16xi32>
    %shift_left3A_654 = arith.constant 15 : i32
    %shift_left3A_655 = vector.broadcast %shift_left3A_654 : i32 to vector<16xi32>
    %shift_left3A_656 = arith.shli %xor3A_652, %shift_left3A_655 : vector<16xi32>
    %shift_right_logical3A_657 = arith.constant 17 : i32
    %shift_right_logical3A_658 = vector.broadcast %shift_right_logical3A_657 : i32 to vector<16xi32>
    %shift_right_logical3A_659 = arith.shrui %xor3A_652, %shift_right_logical3A_658 : vector<16xi32>
    %add3A_660 = arith.addi %shift_left3A_656, %shift_right_logical3A_659 : vector<16xi32>
    %xor3A_661 = arith.xori %add3A_660, %add3A_653 : vector<16xi32>
    %add3A_662 = arith.addi %add3A_653, %xor3A_661 : vector<16xi32>
    %shift_left3A_663 = arith.constant 26 : i32
    %shift_left3A_664 = vector.broadcast %shift_left3A_663 : i32 to vector<16xi32>
    %shift_left3A_665 = arith.shli %xor3A_661, %shift_left3A_664 : vector<16xi32>
    %shift_right_logical3A_666 = arith.constant 6 : i32
    %shift_right_logical3A_667 = vector.broadcast %shift_right_logical3A_666 : i32 to vector<16xi32>
    %shift_right_logical3A_668 = arith.shrui %xor3A_661, %shift_right_logical3A_667 : vector<16xi32>
    %add3A_669 = arith.addi %shift_left3A_665, %shift_right_logical3A_668 : vector<16xi32>
    %xor3A_670 = arith.xori %add3A_669, %add3A_662 : vector<16xi32>
    %add3A_671 = arith.addi %add3A_662, %xor3A_670 : vector<16xi32>
    %shift_left3A_672 = arith.constant 6 : i32
    %shift_left3A_673 = vector.broadcast %shift_left3A_672 : i32 to vector<16xi32>
    %shift_left3A_674 = arith.shli %xor3A_670, %shift_left3A_673 : vector<16xi32>
    %shift_right_logical3A_675 = arith.constant 26 : i32
    %shift_right_logical3A_676 = vector.broadcast %shift_right_logical3A_675 : i32 to vector<16xi32>
    %shift_right_logical3A_677 = arith.shrui %xor3A_670, %shift_right_logical3A_676 : vector<16xi32>
    %add3A_678 = arith.addi %shift_left3A_674, %shift_right_logical3A_677 : vector<16xi32>
    %xor3A_679 = arith.xori %add3A_678, %add3A_671 : vector<16xi32>
    %add3A_680 = arith.constant 466689008 : i32
    %add3A_681 = vector.broadcast %add3A_680 : i32 to vector<16xi32>
    %add3A_682 = arith.addi %add3A_671, %add3A_681 : vector<16xi32>
    %add3A_683 = arith.constant 5 : i32
    %add3A_684 = vector.broadcast %add3A_683 : i32 to vector<16xi32>
    %add3A_685 = arith.addi %xor3A_679, %add3A_684 : vector<16xi32>
    %xor3A_686 = arith.xori %add3A_682, %add3A_685 : vector<16xi32>
    %mul3A_687 = arith.constant 16 : i32
    %mul3A_688 = arith.muli %add3A_476, %mul3A_687 : i32
    %swap3A_689 = arith.index_cast %mul3A_688 : i32 to index
    %swap3A_690 = tpu.vector_load %arg5[%swap3A_689] {strides = array<i32>} : memref<127264xi32, #tpu.memory_space<vmem>>, vector<16xi32>,
    %swap3A_691 = vector.shape_cast %swap3A_690 : vector<16xi32> to vector<16xi32>
    %swap3A_692 = vector.shape_cast %xor3A_686 : vector<16xi32> to vector<16xi32>
    tpu.vector_store %arg5[%swap3A_689], %swap3A_692 {strides = array<i32>} : memref<127264xi32, #tpu.memory_space<vmem>>, vector<16xi32>,
    %add3A_693 = arith.constant 16 : i32
    %add3A_694 = vector.broadcast %add3A_693 : i32 to vector<16xi32>
    %add3A_695 = arith.addi %scan3A_470, %add3A_694 : vector<16xi32>
    %scan3A_696 = arith.constant 7953 : i32
    %scan3A_697 = arith.addi %scan3A_466, %scan3A_696 : i32
    %mul3A_698 = arith.constant 1 : i32
    %mul3A_699 = arith.muli %scan3A_697, %mul3A_698 : i32
    %add3A_700 = arith.constant 0 : i32
    %add3A_701 = arith.addi %add3A_700, %mul3A_699 : i32
    %shift_left3A_702 = arith.constant 13 : i32
    %shift_left3A_703 = vector.broadcast %shift_left3A_702 : i32 to vector<16xi32>
    %shift_left3A_704 = arith.shli %add3A_695, %shift_left3A_703 : vector<16xi32>
    %shift_right_logical3A_705 = arith.constant 19 : i32
    %shift_right_logical3A_706 = vector.broadcast %shift_right_logical3A_705 : i32 to vector<16xi32>
    %shift_right_logical3A_707 = arith.shrui %add3A_695, %shift_right_logical3A_706 : vector<16xi32>
    %add3A_708 = arith.addi %shift_left3A_704, %shift_right_logical3A_707 : vector<16xi32>
    %xor3A_709 = arith.xori %add3A_708, %add3A_695 : vector<16xi32>
    %add3A_710 = arith.addi %add3A_695, %xor3A_709 : vector<16xi32>
    %shift_left3A_711 = arith.constant 15 : i32
    %shift_left3A_712 = vector.broadcast %shift_left3A_711 : i32 to vector<16xi32>
    %shift_left3A_713 = arith.shli %xor3A_709, %shift_left3A_712 : vector<16xi32>
    %shift_right_logical3A_714 = arith.constant 17 : i32
    %shift_right_logical3A_715 = vector.broadcast %shift_right_logical3A_714 : i32 to vector<16xi32>
    %shift_right_logical3A_716 = arith.shrui %xor3A_709, %shift_right_logical3A_715 : vector<16xi32>
    %add3A_717 = arith.addi %shift_left3A_713, %shift_right_logical3A_716 : vector<16xi32>
    %xor3A_718 = arith.xori %add3A_717, %add3A_710 : vector<16xi32>
    %add3A_719 = arith.addi %add3A_710, %xor3A_718 : vector<16xi32>
    %shift_left3A_720 = arith.constant 26 : i32
    %shift_left3A_721 = vector.broadcast %shift_left3A_720 : i32 to vector<16xi32>
    %shift_left3A_722 = arith.shli %xor3A_718, %shift_left3A_721 : vector<16xi32>
    %shift_right_logical3A_723 = arith.constant 6 : i32
    %shift_right_logical3A_724 = vector.broadcast %shift_right_logical3A_723 : i32 to vector<16xi32>
    %shift_right_logical3A_725 = arith.shrui %xor3A_718, %shift_right_logical3A_724 : vector<16xi32>
    %add3A_726 = arith.addi %shift_left3A_722, %shift_right_logical3A_725 : vector<16xi32>
    %xor3A_727 = arith.xori %add3A_726, %add3A_719 : vector<16xi32>
    %add3A_728 = arith.addi %add3A_719, %xor3A_727 : vector<16xi32>
    %shift_left3A_729 = arith.constant 6 : i32
    %shift_left3A_730 = vector.broadcast %shift_left3A_729 : i32 to vector<16xi32>
    %shift_left3A_731 = arith.shli %xor3A_727, %shift_left3A_730 : vector<16xi32>
    %shift_right_logical3A_732 = arith.constant 26 : i32
    %shift_right_logical3A_733 = vector.broadcast %shift_right_logical3A_732 : i32 to vector<16xi32>
    %shift_right_logical3A_734 = arith.shrui %xor3A_727, %shift_right_logical3A_733 : vector<16xi32>
    %add3A_735 = arith.addi %shift_left3A_731, %shift_right_logical3A_734 : vector<16xi32>
    %xor3A_736 = arith.xori %add3A_735, %add3A_728 : vector<16xi32>
    %add3A_737 = arith.constant 42 : i32
    %add3A_738 = vector.broadcast %add3A_737 : i32 to vector<16xi32>
    %add3A_739 = arith.addi %add3A_728, %add3A_738 : vector<16xi32>
    %add3A_740 = arith.constant 466689009 : i32
    %add3A_741 = vector.broadcast %add3A_740 : i32 to vector<16xi32>
    %add3A_742 = arith.addi %xor3A_736, %add3A_741 : vector<16xi32>
    %add3A_743 = arith.addi %add3A_739, %add3A_742 : vector<16xi32>
    %shift_left3A_744 = arith.constant 17 : i32
    %shift_left3A_745 = vector.broadcast %shift_left3A_744 : i32 to vector<16xi32>
    %shift_left3A_746 = arith.shli %add3A_742, %shift_left3A_745 : vector<16xi32>
    %shift_right_logical3A_747 = arith.constant 15 : i32
    %shift_right_logical3A_748 = vector.broadcast %shift_right_logical3A_747 : i32 to vector<16xi32>
    %shift_right_logical3A_749 = arith.shrui %add3A_742, %shift_right_logical3A_748 : vector<16xi32>
    %add3A_750 = arith.addi %shift_left3A_746, %shift_right_logical3A_749 : vector<16xi32>
    %xor3A_751 = arith.xori %add3A_750, %add3A_743 : vector<16xi32>
    %add3A_752 = arith.addi %add3A_743, %xor3A_751 : vector<16xi32>
    %shift_left3A_753 = arith.constant 29 : i32
    %shift_left3A_754 = vector.broadcast %shift_left3A_753 : i32 to vector<16xi32>
    %shift_left3A_755 = arith.shli %xor3A_751, %shift_left3A_754 : vector<16xi32>
    %shift_right_logical3A_756 = arith.constant 3 : i32
    %shift_right_logical3A_757 = vector.broadcast %shift_right_logical3A_756 : i32 to vector<16xi32>
    %shift_right_logical3A_758 = arith.shrui %xor3A_751, %shift_right_logical3A_757 : vector<16xi32>
    %add3A_759 = arith.addi %shift_left3A_755, %shift_right_logical3A_758 : vector<16xi32>
    %xor3A_760 = arith.xori %add3A_759, %add3A_752 : vector<16xi32>
    %add3A_761 = arith.addi %add3A_752, %xor3A_760 : vector<16xi32>
    %shift_left3A_762 = arith.constant 16 : i32
    %shift_left3A_763 = vector.broadcast %shift_left3A_762 : i32 to vector<16xi32>
    %shift_left3A_764 = arith.shli %xor3A_760, %shift_left3A_763 : vector<16xi32>
    %shift_right_logical3A_765 = arith.constant 16 : i32
    %shift_right_logical3A_766 = vector.broadcast %shift_right_logical3A_765 : i32 to vector<16xi32>
    %shift_right_logical3A_767 = arith.shrui %xor3A_760, %shift_right_logical3A_766 : vector<16xi32>
    %add3A_768 = arith.addi %shift_left3A_764, %shift_right_logical3A_767 : vector<16xi32>
    %xor3A_769 = arith.xori %add3A_768, %add3A_761 : vector<16xi32>
    %add3A_770 = arith.addi %add3A_761, %xor3A_769 : vector<16xi32>
    %shift_left3A_771 = arith.constant 24 : i32
    %shift_left3A_772 = vector.broadcast %shift_left3A_771 : i32 to vector<16xi32>
    %shift_left3A_773 = arith.shli %xor3A_769, %shift_left3A_772 : vector<16xi32>
    %shift_right_logical3A_774 = arith.constant 8 : i32
    %shift_right_logical3A_775 = vector.broadcast %shift_right_logical3A_774 : i32 to vector<16xi32>
    %shift_right_logical3A_776 = arith.shrui %xor3A_769, %shift_right_logical3A_775 : vector<16xi32>
    %add3A_777 = arith.addi %shift_left3A_773, %shift_right_logical3A_776 : vector<16xi32>
    %xor3A_778 = arith.xori %add3A_777, %add3A_770 : vector<16xi32>
    %add3A_779 = arith.constant 466689008 : i32
    %add3A_780 = vector.broadcast %add3A_779 : i32 to vector<16xi32>
    %add3A_781 = arith.addi %add3A_770, %add3A_780 : vector<16xi32>
    %add3A_782 = arith.constant 2 : i32
    %add3A_783 = vector.broadcast %add3A_782 : i32 to vector<16xi32>
    %add3A_784 = arith.addi %xor3A_778, %add3A_783 : vector<16xi32>
    %add3A_785 = arith.addi %add3A_781, %add3A_784 : vector<16xi32>
    %shift_left3A_786 = arith.constant 13 : i32
    %shift_left3A_787 = vector.broadcast %shift_left3A_786 : i32 to vector<16xi32>
    %shift_left3A_788 = arith.shli %add3A_784, %shift_left3A_787 : vector<16xi32>
    %shift_right_logical3A_789 = arith.constant 19 : i32
    %shift_right_logical3A_790 = vector.broadcast %shift_right_logical3A_789 : i32 to vector<16xi32>
    %shift_right_logical3A_791 = arith.shrui %add3A_784, %shift_right_logical3A_790 : vector<16xi32>
    %add3A_792 = arith.addi %shift_left3A_788, %shift_right_logical3A_791 : vector<16xi32>
    %xor3A_793 = arith.xori %add3A_792, %add3A_785 : vector<16xi32>
    %add3A_794 = arith.addi %add3A_785, %xor3A_793 : vector<16xi32>
    %shift_left3A_795 = arith.constant 15 : i32
    %shift_left3A_796 = vector.broadcast %shift_left3A_795 : i32 to vector<16xi32>
    %shift_left3A_797 = arith.shli %xor3A_793, %shift_left3A_796 : vector<16xi32>
    %shift_right_logical3A_798 = arith.constant 17 : i32
    %shift_right_logical3A_799 = vector.broadcast %shift_right_logical3A_798 : i32 to vector<16xi32>
    %shift_right_logical3A_800 = arith.shrui %xor3A_793, %shift_right_logical3A_799 : vector<16xi32>
    %add3A_801 = arith.addi %shift_left3A_797, %shift_right_logical3A_800 : vector<16xi32>
    %xor3A_802 = arith.xori %add3A_801, %add3A_794 : vector<16xi32>
    %add3A_803 = arith.addi %add3A_794, %xor3A_802 : vector<16xi32>
    %shift_left3A_804 = arith.constant 26 : i32
    %shift_left3A_805 = vector.broadcast %shift_left3A_804 : i32 to vector<16xi32>
    %shift_left3A_806 = arith.shli %xor3A_802, %shift_left3A_805 : vector<16xi32>
    %shift_right_logical3A_807 = arith.constant 6 : i32
    %shift_right_logical3A_808 = vector.broadcast %shift_right_logical3A_807 : i32 to vector<16xi32>
    %shift_right_logical3A_809 = arith.shrui %xor3A_802, %shift_right_logical3A_808 : vector<16xi32>
    %add3A_810 = arith.addi %shift_left3A_806, %shift_right_logical3A_809 : vector<16xi32>
    %xor3A_811 = arith.xori %add3A_810, %add3A_803 : vector<16xi32>
    %add3A_812 = arith.addi %add3A_803, %xor3A_811 : vector<16xi32>
    %shift_left3A_813 = arith.constant 6 : i32
    %shift_left3A_814 = vector.broadcast %shift_left3A_813 : i32 to vector<16xi32>
    %shift_left3A_815 = arith.shli %xor3A_811, %shift_left3A_814 : vector<16xi32>
    %shift_right_logical3A_816 = arith.constant 26 : i32
    %shift_right_logical3A_817 = vector.broadcast %shift_right_logical3A_816 : i32 to vector<16xi32>
    %shift_right_logical3A_818 = arith.shrui %xor3A_811, %shift_right_logical3A_817 : vector<16xi32>
    %add3A_819 = arith.addi %shift_left3A_815, %shift_right_logical3A_818 : vector<16xi32>
    %xor3A_820 = arith.xori %add3A_819, %add3A_812 : vector<16xi32>
    %add3A_821 = arith.constant 0 : i32
    %add3A_822 = vector.broadcast %add3A_821 : i32 to vector<16xi32>
    %add3A_823 = arith.addi %add3A_812, %add3A_822 : vector<16xi32>
    %add3A_824 = arith.constant 45 : i32
    %add3A_825 = vector.broadcast %add3A_824 : i32 to vector<16xi32>
    %add3A_826 = arith.addi %xor3A_820, %add3A_825 : vector<16xi32>
    %add3A_827 = arith.addi %add3A_823, %add3A_826 : vector<16xi32>
    %shift_left3A_828 = arith.constant 17 : i32
    %shift_left3A_829 = vector.broadcast %shift_left3A_828 : i32 to vector<16xi32>
    %shift_left3A_830 = arith.shli %add3A_826, %shift_left3A_829 : vector<16xi32>
    %shift_right_logical3A_831 = arith.constant 15 : i32
    %shift_right_logical3A_832 = vector.broadcast %shift_right_logical3A_831 : i32 to vector<16xi32>
    %shift_right_logical3A_833 = arith.shrui %add3A_826, %shift_right_logical3A_832 : vector<16xi32>
    %add3A_834 = arith.addi %shift_left3A_830, %shift_right_logical3A_833 : vector<16xi32>
    %xor3A_835 = arith.xori %add3A_834, %add3A_827 : vector<16xi32>
    %add3A_836 = arith.addi %add3A_827, %xor3A_835 : vector<16xi32>
    %shift_left3A_837 = arith.constant 29 : i32
    %shift_left3A_838 = vector.broadcast %shift_left3A_837 : i32 to vector<16xi32>
    %shift_left3A_839 = arith.shli %xor3A_835, %shift_left3A_838 : vector<16xi32>
    %shift_right_logical3A_840 = arith.constant 3 : i32
    %shift_right_logical3A_841 = vector.broadcast %shift_right_logical3A_840 : i32 to vector<16xi32>
    %shift_right_logical3A_842 = arith.shrui %xor3A_835, %shift_right_logical3A_841 : vector<16xi32>
    %add3A_843 = arith.addi %shift_left3A_839, %shift_right_logical3A_842 : vector<16xi32>
    %xor3A_844 = arith.xori %add3A_843, %add3A_836 : vector<16xi32>
    %add3A_845 = arith.addi %add3A_836, %xor3A_844 : vector<16xi32>
    %shift_left3A_846 = arith.constant 16 : i32
    %shift_left3A_847 = vector.broadcast %shift_left3A_846 : i32 to vector<16xi32>
    %shift_left3A_848 = arith.shli %xor3A_844, %shift_left3A_847 : vector<16xi32>
    %shift_right_logical3A_849 = arith.constant 16 : i32
    %shift_right_logical3A_850 = vector.broadcast %shift_right_logical3A_849 : i32 to vector<16xi32>
    %shift_right_logical3A_851 = arith.shrui %xor3A_844, %shift_right_logical3A_850 : vector<16xi32>
    %add3A_852 = arith.addi %shift_left3A_848, %shift_right_logical3A_851 : vector<16xi32>
    %xor3A_853 = arith.xori %add3A_852, %add3A_845 : vector<16xi32>
    %add3A_854 = arith.addi %add3A_845, %xor3A_853 : vector<16xi32>
    %shift_left3A_855 = arith.constant 24 : i32
    %shift_left3A_856 = vector.broadcast %shift_left3A_855 : i32 to vector<16xi32>
    %shift_left3A_857 = arith.shli %xor3A_853, %shift_left3A_856 : vector<16xi32>
    %shift_right_logical3A_858 = arith.constant 8 : i32
    %shift_right_logical3A_859 = vector.broadcast %shift_right_logical3A_858 : i32 to vector<16xi32>
    %shift_right_logical3A_860 = arith.shrui %xor3A_853, %shift_right_logical3A_859 : vector<16xi32>
    %add3A_861 = arith.addi %shift_left3A_857, %shift_right_logical3A_860 : vector<16xi32>
    %xor3A_862 = arith.xori %add3A_861, %add3A_854 : vector<16xi32>
    %add3A_863 = arith.constant 42 : i32
    %add3A_864 = vector.broadcast %add3A_863 : i32 to vector<16xi32>
    %add3A_865 = arith.addi %add3A_854, %add3A_864 : vector<16xi32>
    %add3A_866 = arith.constant 466689012 : i32
    %add3A_867 = vector.broadcast %add3A_866 : i32 to vector<16xi32>
    %add3A_868 = arith.addi %xor3A_862, %add3A_867 : vector<16xi32>
    %add3A_869 = arith.addi %add3A_865, %add3A_868 : vector<16xi32>
    %shift_left3A_870 = arith.constant 13 : i32
    %shift_left3A_871 = vector.broadcast %shift_left3A_870 : i32 to vector<16xi32>
    %shift_left3A_872 = arith.shli %add3A_868, %shift_left3A_871 : vector<16xi32>
    %shift_right_logical3A_873 = arith.constant 19 : i32
    %shift_right_logical3A_874 = vector.broadcast %shift_right_logical3A_873 : i32 to vector<16xi32>
    %shift_right_logical3A_875 = arith.shrui %add3A_868, %shift_right_logical3A_874 : vector<16xi32>
    %add3A_876 = arith.addi %shift_left3A_872, %shift_right_logical3A_875 : vector<16xi32>
    %xor3A_877 = arith.xori %add3A_876, %add3A_869 : vector<16xi32>
    %add3A_878 = arith.addi %add3A_869, %xor3A_877 : vector<16xi32>
    %shift_left3A_879 = arith.constant 15 : i32
    %shift_left3A_880 = vector.broadcast %shift_left3A_879 : i32 to vector<16xi32>
    %shift_left3A_881 = arith.shli %xor3A_877, %shift_left3A_880 : vector<16xi32>
    %shift_right_logical3A_882 = arith.constant 17 : i32
    %shift_right_logical3A_883 = vector.broadcast %shift_right_logical3A_882 : i32 to vector<16xi32>
    %shift_right_logical3A_884 = arith.shrui %xor3A_877, %shift_right_logical3A_883 : vector<16xi32>
    %add3A_885 = arith.addi %shift_left3A_881, %shift_right_logical3A_884 : vector<16xi32>
    %xor3A_886 = arith.xori %add3A_885, %add3A_878 : vector<16xi32>
    %add3A_887 = arith.addi %add3A_878, %xor3A_886 : vector<16xi32>
    %shift_left3A_888 = arith.constant 26 : i32
    %shift_left3A_889 = vector.broadcast %shift_left3A_888 : i32 to vector<16xi32>
    %shift_left3A_890 = arith.shli %xor3A_886, %shift_left3A_889 : vector<16xi32>
    %shift_right_logical3A_891 = arith.constant 6 : i32
    %shift_right_logical3A_892 = vector.broadcast %shift_right_logical3A_891 : i32 to vector<16xi32>
    %shift_right_logical3A_893 = arith.shrui %xor3A_886, %shift_right_logical3A_892 : vector<16xi32>
    %add3A_894 = arith.addi %shift_left3A_890, %shift_right_logical3A_893 : vector<16xi32>
    %xor3A_895 = arith.xori %add3A_894, %add3A_887 : vector<16xi32>
    %add3A_896 = arith.addi %add3A_887, %xor3A_895 : vector<16xi32>
    %shift_left3A_897 = arith.constant 6 : i32
    %shift_left3A_898 = vector.broadcast %shift_left3A_897 : i32 to vector<16xi32>
    %shift_left3A_899 = arith.shli %xor3A_895, %shift_left3A_898 : vector<16xi32>
    %shift_right_logical3A_900 = arith.constant 26 : i32
    %shift_right_logical3A_901 = vector.broadcast %shift_right_logical3A_900 : i32 to vector<16xi32>
    %shift_right_logical3A_902 = arith.shrui %xor3A_895, %shift_right_logical3A_901 : vector<16xi32>
    %add3A_903 = arith.addi %shift_left3A_899, %shift_right_logical3A_902 : vector<16xi32>
    %xor3A_904 = arith.xori %add3A_903, %add3A_896 : vector<16xi32>
    %add3A_905 = arith.constant 466689008 : i32
    %add3A_906 = vector.broadcast %add3A_905 : i32 to vector<16xi32>
    %add3A_907 = arith.addi %add3A_896, %add3A_906 : vector<16xi32>
    %add3A_908 = arith.constant 5 : i32
    %add3A_909 = vector.broadcast %add3A_908 : i32 to vector<16xi32>
    %add3A_910 = arith.addi %xor3A_904, %add3A_909 : vector<16xi32>
    %xor3A_911 = arith.xori %add3A_907, %add3A_910 : vector<16xi32>
    %mul3A_912 = arith.constant 16 : i32
    %mul3A_913 = arith.muli %add3A_701, %mul3A_912 : i32
    %swap3A_914 = arith.index_cast %mul3A_913 : i32 to index
    %swap3A_915 = tpu.vector_load %arg5[%swap3A_914] {strides = array<i32>} : memref<127264xi32, #tpu.memory_space<vmem>>, vector<16xi32>,
    %swap3A_916 = vector.shape_cast %swap3A_915 : vector<16xi32> to vector<16xi32>
    %swap3A_917 = vector.shape_cast %xor3A_911 : vector<16xi32> to vector<16xi32>
    tpu.vector_store %arg5[%swap3A_914], %swap3A_917 {strides = array<i32>} : memref<127264xi32, #tpu.memory_space<vmem>>, vector<16xi32>,
    %add3A_918 = arith.constant 16 : i32
    %add3A_919 = vector.broadcast %add3A_918 : i32 to vector<16xi32>
    %add3A_920 = arith.addi %add3A_695, %add3A_919 : vector<16xi32>
    %scan3A_921 = arith.constant 7954 : i32
    %mul3A_922 = arith.constant 254528 : i32
    %mul3A_923 = arith.muli %add3A, %mul3A_922 : i32
    %add3A_924 = arith.constant 127264 : i32
    %add3A_925 = arith.addi %mul3A_923, %add3A_924 : i32
    "tpu.region"() ({
      %run_scoped3A = tpu.sem_alloc : memref<!tpu.dma_semaphore, #tpu.memory_space<semaphore_mem>>
      %dma_start3A = tpu.memref_slice %arg3[%add3A_925] : memref<8144896xi32, #tpu.memory_space<hbm>> -> memref<127264xi32, #tpu.memory_space<hbm>>
      %dma_start3A_926 = tpu.memref_slice %arg3[%add3A_925] : memref<8144896xi32, #tpu.memory_space<hbm>> -> memref<127264xi32, #tpu.memory_space<hbm>>
      tpu.enqueue_dma source(%arg5 : memref<127264xi32, #tpu.memory_space<vmem>>) target(%dma_start3A_926 : memref<127264xi32, #tpu.memory_space<hbm>>) target_semaphore(%run_scoped3A : memref<!tpu.dma_semaphore, #tpu.memory_space<semaphore_mem>>)
      %dma_wait3A = tpu.memref_slice %arg3[%add3A_925] : memref<8144896xi32, #tpu.memory_space<hbm>> -> memref<127264xi32, #tpu.memory_space<hbm>>
      %dma_wait3A_927 = tpu.memref_slice %arg3[%add3A_925] : memref<8144896xi32, #tpu.memory_space<hbm>> -> memref<127264xi32, #tpu.memory_space<hbm>>
      tpu.wait_dma2 semaphore(%run_scoped3A : memref<!tpu.dma_semaphore, #tpu.memory_space<semaphore_mem>>) src(%arg5 : memref<127264xi32, #tpu.memory_space<vmem>>) dst(%dma_wait3A_927 : memref<127264xi32, #tpu.memory_space<hbm>>)
      tpu.yield
    }) : () -> ()
    return
  }
}

module attributes {stable_mosaic.version = 14 : i64} {
  func.func @_tail_kernel(%arg0: i32, %arg1: memref<32x8192xi32, #tpu.memory_space<vmem>>, %arg2: memref<32x8192xf32, #tpu.memory_space<vmem>>, %arg3: memref<32x1xf32, #tpu.memory_space<vmem>>, %arg4: memref<32x1xi32, #tpu.memory_space<vmem>>, %arg5: memref<32x1xi32, #tpu.memory_space<vmem>>, %arg6: memref<32x1024xf32, #tpu.memory_space<vmem>>, %arg7: memref<32x1024xi32, #tpu.memory_space<vmem>>) attributes {dimension_semantics = [#tpu.dimension_semantics<arbitrary>], iteration_bounds = array<i64: 32>, scalar_prefetch = 0 : i64, scratch_operands = 2 : i64, tpu.core_type = #tpu.core_type<tc>, window_params = [{transform_indices = @transform_0, window_bounds = array<i64: 32, 8192>}, {transform_indices = @transform_1, window_bounds = array<i64: 32, 8192>}, {pipeline_mode = #tpu.pipeline_mode<synchronous>, transform_indices = @transform_2, window_bounds = array<i64: 32, 1>}, {pipeline_mode = #tpu.pipeline_mode<synchronous>, transform_indices = @transform_3, window_bounds = array<i64: 32, 1>}, {pipeline_mode = #tpu.pipeline_mode<synchronous>, transform_indices = @transform_4, window_bounds = array<i64: 32, 1>}]} {
    %eq3A = arith.constant 0 : i32
    %eq3A_0 = arith.cmpi eq, %arg0, %eq3A : i32
    %convert_element_type3A = arith.extui %eq3A_0 : i1 to i32
    %cond3A = arith.constant 0xFF800000 : f32
    %cond3A_1 = arith.constant 0 : i32
    %cond3A_2 = arith.cmpi ne, %convert_element_type3A, %cond3A_1 : i32
    scf.if %cond3A_2 {
      %broadcast_in_dim3A_380 = vector.broadcast %cond3A : f32 to vector<32x1024xf32>
      %swap3A_381 = arith.constant 0 : index
      %swap3A_382 = arith.constant 0 : index
      %swap3A_383 = vector.load %arg6[%swap3A_381, %swap3A_382] : memref<32x1024xf32, #tpu.memory_space<vmem>>, vector<32x1024xf32>
      tpu.vector_store %arg6[%swap3A_381, %swap3A_382], %broadcast_in_dim3A_380 {strides = array<i32>} : memref<32x1024xf32, #tpu.memory_space<vmem>>, vector<32x1024xf32>,
      %broadcast_in_dim3A_384 = arith.constant 0 : i32
      %broadcast_in_dim3A_385 = vector.broadcast %broadcast_in_dim3A_384 : i32 to vector<32x1024xi32>
      %swap3A_386 = arith.constant 0 : index
      %swap3A_387 = arith.constant 0 : index
      %swap3A_388 = vector.load %arg7[%swap3A_386, %swap3A_387] : memref<32x1024xi32, #tpu.memory_space<vmem>>, vector<32x1024xi32>
      tpu.vector_store %arg7[%swap3A_386, %swap3A_387], %broadcast_in_dim3A_385 {strides = array<i32>} : memref<32x1024xi32, #tpu.memory_space<vmem>>, vector<32x1024xi32>,
    } else {
    }
    %iota3A = tpu.iota {dimensions = array<i32: 1>} : vector<32x1024xi32>
    %get3A = arith.constant 0 : index
    %get3A_3 = arith.constant 0 : index
    %get3A_4 = vector.load %arg6[%get3A, %get3A_3] : memref<32x1024xf32, #tpu.memory_space<vmem>>, vector<32x1024xf32>
    %get3A_5 = arith.constant 0 : index
    %get3A_6 = arith.constant 0 : index
    %get3A_7 = vector.load %arg7[%get3A_5, %get3A_6] : memref<32x1024xi32, #tpu.memory_space<vmem>>, vector<32x1024xi32>
    %mul3A = arith.constant 8192 : i32
    %mul3A_8 = arith.muli %arg0, %mul3A : i32
    %add3A = arith.constant 0 : i32
    %add3A_9 = arith.addi %mul3A_8, %add3A : i32
    %get3A_10 = arith.constant 0 : index
    %get3A_11 = arith.constant 0 : index
    %get3A_12 = vector.load %arg1[%get3A_10, %get3A_11] : memref<32x8192xi32, #tpu.memory_space<vmem>>, vector<32x1024xi32>
    %shift_right_logical3A = arith.constant 9 : i32
    %shift_right_logical3A_13 = vector.broadcast %shift_right_logical3A : i32 to vector<32x1024xi32>
    %shift_right_logical3A_14 = arith.shrui %get3A_12, %shift_right_logical3A_13 : vector<32x1024xi32>
    %or3A = arith.constant 1065353216 : i32
    %or3A_15 = vector.broadcast %or3A : i32 to vector<32x1024xi32>
    %or3A_16 = arith.ori %shift_right_logical3A_14, %or3A_15 : vector<32x1024xi32>
    %bitcast_convert_type3A = tpu.bitcast %or3A_16 : vector<32x1024xi32> -> vector<32x1024xf32>
    %sub3A = arith.constant 1.000000e+00 : f32
    %sub3A_17 = vector.broadcast %sub3A : f32 to vector<32x1024xf32>
    %sub3A_18 = arith.subf %bitcast_convert_type3A, %sub3A_17 : vector<32x1024xf32>
    %add3A_19 = arith.constant 1.17549435E-38 : f32
    %add3A_20 = vector.broadcast %add3A_19 : f32 to vector<32x1024xf32>
    %add3A_21 = arith.addf %sub3A_18, %add3A_20 : vector<32x1024xf32>
    %max3A = arith.constant 1.17549435E-38 : f32
    %max3A_22 = vector.broadcast %max3A : f32 to vector<32x1024xf32>
    %max3A_23 = arith.maximumf %max3A_22, %add3A_21 : vector<32x1024xf32>
    %log3A = math.log %max3A_23 : vector<32x1024xf32>
    %neg3A = arith.constant 0.000000e+00 : f32
    %neg3A_24 = vector.broadcast %neg3A : f32 to vector<32x1024xf32>
    %neg3A_25 = arith.subf %neg3A_24, %log3A : vector<32x1024xf32>
    %log3A_26 = math.log %neg3A_25 : vector<32x1024xf32>
    %neg3A_27 = arith.constant 0.000000e+00 : f32
    %neg3A_28 = vector.broadcast %neg3A_27 : f32 to vector<32x1024xf32>
    %neg3A_29 = arith.subf %neg3A_28, %log3A_26 : vector<32x1024xf32>
    %get3A_30 = arith.constant 0 : index
    %get3A_31 = arith.constant 0 : index
    %get3A_32 = vector.load %arg2[%get3A_30, %get3A_31] : memref<32x8192xf32, #tpu.memory_space<vmem>>, vector<32x1024xf32>
    %add3A_33 = arith.addf %neg3A_29, %get3A_32 : vector<32x1024xf32>
    %sub3A_34 = arith.constant 254528 : i32
    %sub3A_35 = arith.subi %sub3A_34, %add3A_9 : i32
    %lt3A = vector.broadcast %sub3A_35 : i32 to vector<32x1024xi32>
    %lt3A_36 = arith.cmpi slt, %iota3A, %lt3A : vector<32x1024xi32>
    %jit3A = arith.constant 0xFF800000 : f32
    %broadcast_in_dim3A = vector.broadcast %jit3A : f32 to vector<32x1024xf32>
    %select_n3A = arith.select %lt3A_36, %add3A_33, %broadcast_in_dim3A : vector<32x1024xi1>, vector<32x1024xf32>
    %add3A_37 = vector.broadcast %add3A_9 : i32 to vector<32x1024xi32>
    %add3A_38 = arith.addi %iota3A, %add3A_37 : vector<32x1024xi32>
    %gt3A = arith.cmpf ogt, %select_n3A, %get3A_4 : vector<32x1024xf32>
    %max3A_39 = arith.maximumf %get3A_4, %select_n3A : vector<32x1024xf32>
    %select_n3A_40 = arith.select %gt3A, %add3A_38, %get3A_7 : vector<32x1024xi1>, vector<32x1024xi32>
    %mul3A_41 = arith.constant 8192 : i32
    %mul3A_42 = arith.muli %arg0, %mul3A_41 : i32
    %add3A_43 = arith.constant 1024 : i32
    %add3A_44 = arith.addi %mul3A_42, %add3A_43 : i32
    %get3A_45 = arith.constant 0 : index
    %get3A_46 = arith.constant 1024 : index
    %get3A_47 = vector.load %arg1[%get3A_45, %get3A_46] : memref<32x8192xi32, #tpu.memory_space<vmem>>, vector<32x1024xi32>
    %shift_right_logical3A_48 = arith.constant 9 : i32
    %shift_right_logical3A_49 = vector.broadcast %shift_right_logical3A_48 : i32 to vector<32x1024xi32>
    %shift_right_logical3A_50 = arith.shrui %get3A_47, %shift_right_logical3A_49 : vector<32x1024xi32>
    %or3A_51 = arith.constant 1065353216 : i32
    %or3A_52 = vector.broadcast %or3A_51 : i32 to vector<32x1024xi32>
    %or3A_53 = arith.ori %shift_right_logical3A_50, %or3A_52 : vector<32x1024xi32>
    %bitcast_convert_type3A_54 = tpu.bitcast %or3A_53 : vector<32x1024xi32> -> vector<32x1024xf32>
    %sub3A_55 = arith.constant 1.000000e+00 : f32
    %sub3A_56 = vector.broadcast %sub3A_55 : f32 to vector<32x1024xf32>
    %sub3A_57 = arith.subf %bitcast_convert_type3A_54, %sub3A_56 : vector<32x1024xf32>
    %add3A_58 = arith.constant 1.17549435E-38 : f32
    %add3A_59 = vector.broadcast %add3A_58 : f32 to vector<32x1024xf32>
    %add3A_60 = arith.addf %sub3A_57, %add3A_59 : vector<32x1024xf32>
    %max3A_61 = arith.constant 1.17549435E-38 : f32
    %max3A_62 = vector.broadcast %max3A_61 : f32 to vector<32x1024xf32>
    %max3A_63 = arith.maximumf %max3A_62, %add3A_60 : vector<32x1024xf32>
    %log3A_64 = math.log %max3A_63 : vector<32x1024xf32>
    %neg3A_65 = arith.constant 0.000000e+00 : f32
    %neg3A_66 = vector.broadcast %neg3A_65 : f32 to vector<32x1024xf32>
    %neg3A_67 = arith.subf %neg3A_66, %log3A_64 : vector<32x1024xf32>
    %log3A_68 = math.log %neg3A_67 : vector<32x1024xf32>
    %neg3A_69 = arith.constant 0.000000e+00 : f32
    %neg3A_70 = vector.broadcast %neg3A_69 : f32 to vector<32x1024xf32>
    %neg3A_71 = arith.subf %neg3A_70, %log3A_68 : vector<32x1024xf32>
    %get3A_72 = arith.constant 0 : index
    %get3A_73 = arith.constant 1024 : index
    %get3A_74 = vector.load %arg2[%get3A_72, %get3A_73] : memref<32x8192xf32, #tpu.memory_space<vmem>>, vector<32x1024xf32>
    %add3A_75 = arith.addf %neg3A_71, %get3A_74 : vector<32x1024xf32>
    %sub3A_76 = arith.constant 254528 : i32
    %sub3A_77 = arith.subi %sub3A_76, %add3A_44 : i32
    %lt3A_78 = vector.broadcast %sub3A_77 : i32 to vector<32x1024xi32>
    %lt3A_79 = arith.cmpi slt, %iota3A, %lt3A_78 : vector<32x1024xi32>
    %jit3A_80 = arith.constant 0xFF800000 : f32
    %broadcast_in_dim3A_81 = vector.broadcast %jit3A_80 : f32 to vector<32x1024xf32>
    %select_n3A_82 = arith.select %lt3A_79, %add3A_75, %broadcast_in_dim3A_81 : vector<32x1024xi1>, vector<32x1024xf32>
    %add3A_83 = vector.broadcast %add3A_44 : i32 to vector<32x1024xi32>
    %add3A_84 = arith.addi %iota3A, %add3A_83 : vector<32x1024xi32>
    %gt3A_85 = arith.cmpf ogt, %select_n3A_82, %max3A_39 : vector<32x1024xf32>
    %max3A_86 = arith.maximumf %max3A_39, %select_n3A_82 : vector<32x1024xf32>
    %select_n3A_87 = arith.select %gt3A_85, %add3A_84, %select_n3A_40 : vector<32x1024xi1>, vector<32x1024xi32>
    %mul3A_88 = arith.constant 8192 : i32
    %mul3A_89 = arith.muli %arg0, %mul3A_88 : i32
    %add3A_90 = arith.constant 2048 : i32
    %add3A_91 = arith.addi %mul3A_89, %add3A_90 : i32
    %get3A_92 = arith.constant 0 : index
    %get3A_93 = arith.constant 2048 : index
    %get3A_94 = vector.load %arg1[%get3A_92, %get3A_93] : memref<32x8192xi32, #tpu.memory_space<vmem>>, vector<32x1024xi32>
    %shift_right_logical3A_95 = arith.constant 9 : i32
    %shift_right_logical3A_96 = vector.broadcast %shift_right_logical3A_95 : i32 to vector<32x1024xi32>
    %shift_right_logical3A_97 = arith.shrui %get3A_94, %shift_right_logical3A_96 : vector<32x1024xi32>
    %or3A_98 = arith.constant 1065353216 : i32
    %or3A_99 = vector.broadcast %or3A_98 : i32 to vector<32x1024xi32>
    %or3A_100 = arith.ori %shift_right_logical3A_97, %or3A_99 : vector<32x1024xi32>
    %bitcast_convert_type3A_101 = tpu.bitcast %or3A_100 : vector<32x1024xi32> -> vector<32x1024xf32>
    %sub3A_102 = arith.constant 1.000000e+00 : f32
    %sub3A_103 = vector.broadcast %sub3A_102 : f32 to vector<32x1024xf32>
    %sub3A_104 = arith.subf %bitcast_convert_type3A_101, %sub3A_103 : vector<32x1024xf32>
    %add3A_105 = arith.constant 1.17549435E-38 : f32
    %add3A_106 = vector.broadcast %add3A_105 : f32 to vector<32x1024xf32>
    %add3A_107 = arith.addf %sub3A_104, %add3A_106 : vector<32x1024xf32>
    %max3A_108 = arith.constant 1.17549435E-38 : f32
    %max3A_109 = vector.broadcast %max3A_108 : f32 to vector<32x1024xf32>
    %max3A_110 = arith.maximumf %max3A_109, %add3A_107 : vector<32x1024xf32>
    %log3A_111 = math.log %max3A_110 : vector<32x1024xf32>
    %neg3A_112 = arith.constant 0.000000e+00 : f32
    %neg3A_113 = vector.broadcast %neg3A_112 : f32 to vector<32x1024xf32>
    %neg3A_114 = arith.subf %neg3A_113, %log3A_111 : vector<32x1024xf32>
    %log3A_115 = math.log %neg3A_114 : vector<32x1024xf32>
    %neg3A_116 = arith.constant 0.000000e+00 : f32
    %neg3A_117 = vector.broadcast %neg3A_116 : f32 to vector<32x1024xf32>
    %neg3A_118 = arith.subf %neg3A_117, %log3A_115 : vector<32x1024xf32>
    %get3A_119 = arith.constant 0 : index
    %get3A_120 = arith.constant 2048 : index
    %get3A_121 = vector.load %arg2[%get3A_119, %get3A_120] : memref<32x8192xf32, #tpu.memory_space<vmem>>, vector<32x1024xf32>
    %add3A_122 = arith.addf %neg3A_118, %get3A_121 : vector<32x1024xf32>
    %sub3A_123 = arith.constant 254528 : i32
    %sub3A_124 = arith.subi %sub3A_123, %add3A_91 : i32
    %lt3A_125 = vector.broadcast %sub3A_124 : i32 to vector<32x1024xi32>
    %lt3A_126 = arith.cmpi slt, %iota3A, %lt3A_125 : vector<32x1024xi32>
    %jit3A_127 = arith.constant 0xFF800000 : f32
    %broadcast_in_dim3A_128 = vector.broadcast %jit3A_127 : f32 to vector<32x1024xf32>
    %select_n3A_129 = arith.select %lt3A_126, %add3A_122, %broadcast_in_dim3A_128 : vector<32x1024xi1>, vector<32x1024xf32>
    %add3A_130 = vector.broadcast %add3A_91 : i32 to vector<32x1024xi32>
    %add3A_131 = arith.addi %iota3A, %add3A_130 : vector<32x1024xi32>
    %gt3A_132 = arith.cmpf ogt, %select_n3A_129, %max3A_86 : vector<32x1024xf32>
    %max3A_133 = arith.maximumf %max3A_86, %select_n3A_129 : vector<32x1024xf32>
    %select_n3A_134 = arith.select %gt3A_132, %add3A_131, %select_n3A_87 : vector<32x1024xi1>, vector<32x1024xi32>
    %mul3A_135 = arith.constant 8192 : i32
    %mul3A_136 = arith.muli %arg0, %mul3A_135 : i32
    %add3A_137 = arith.constant 3072 : i32
    %add3A_138 = arith.addi %mul3A_136, %add3A_137 : i32
    %get3A_139 = arith.constant 0 : index
    %get3A_140 = arith.constant 3072 : index
    %get3A_141 = vector.load %arg1[%get3A_139, %get3A_140] : memref<32x8192xi32, #tpu.memory_space<vmem>>, vector<32x1024xi32>
    %shift_right_logical3A_142 = arith.constant 9 : i32
    %shift_right_logical3A_143 = vector.broadcast %shift_right_logical3A_142 : i32 to vector<32x1024xi32>
    %shift_right_logical3A_144 = arith.shrui %get3A_141, %shift_right_logical3A_143 : vector<32x1024xi32>
    %or3A_145 = arith.constant 1065353216 : i32
    %or3A_146 = vector.broadcast %or3A_145 : i32 to vector<32x1024xi32>
    %or3A_147 = arith.ori %shift_right_logical3A_144, %or3A_146 : vector<32x1024xi32>
    %bitcast_convert_type3A_148 = tpu.bitcast %or3A_147 : vector<32x1024xi32> -> vector<32x1024xf32>
    %sub3A_149 = arith.constant 1.000000e+00 : f32
    %sub3A_150 = vector.broadcast %sub3A_149 : f32 to vector<32x1024xf32>
    %sub3A_151 = arith.subf %bitcast_convert_type3A_148, %sub3A_150 : vector<32x1024xf32>
    %add3A_152 = arith.constant 1.17549435E-38 : f32
    %add3A_153 = vector.broadcast %add3A_152 : f32 to vector<32x1024xf32>
    %add3A_154 = arith.addf %sub3A_151, %add3A_153 : vector<32x1024xf32>
    %max3A_155 = arith.constant 1.17549435E-38 : f32
    %max3A_156 = vector.broadcast %max3A_155 : f32 to vector<32x1024xf32>
    %max3A_157 = arith.maximumf %max3A_156, %add3A_154 : vector<32x1024xf32>
    %log3A_158 = math.log %max3A_157 : vector<32x1024xf32>
    %neg3A_159 = arith.constant 0.000000e+00 : f32
    %neg3A_160 = vector.broadcast %neg3A_159 : f32 to vector<32x1024xf32>
    %neg3A_161 = arith.subf %neg3A_160, %log3A_158 : vector<32x1024xf32>
    %log3A_162 = math.log %neg3A_161 : vector<32x1024xf32>
    %neg3A_163 = arith.constant 0.000000e+00 : f32
    %neg3A_164 = vector.broadcast %neg3A_163 : f32 to vector<32x1024xf32>
    %neg3A_165 = arith.subf %neg3A_164, %log3A_162 : vector<32x1024xf32>
    %get3A_166 = arith.constant 0 : index
    %get3A_167 = arith.constant 3072 : index
    %get3A_168 = vector.load %arg2[%get3A_166, %get3A_167] : memref<32x8192xf32, #tpu.memory_space<vmem>>, vector<32x1024xf32>
    %add3A_169 = arith.addf %neg3A_165, %get3A_168 : vector<32x1024xf32>
    %sub3A_170 = arith.constant 254528 : i32
    %sub3A_171 = arith.subi %sub3A_170, %add3A_138 : i32
    %lt3A_172 = vector.broadcast %sub3A_171 : i32 to vector<32x1024xi32>
    %lt3A_173 = arith.cmpi slt, %iota3A, %lt3A_172 : vector<32x1024xi32>
    %jit3A_174 = arith.constant 0xFF800000 : f32
    %broadcast_in_dim3A_175 = vector.broadcast %jit3A_174 : f32 to vector<32x1024xf32>
    %select_n3A_176 = arith.select %lt3A_173, %add3A_169, %broadcast_in_dim3A_175 : vector<32x1024xi1>, vector<32x1024xf32>
    %add3A_177 = vector.broadcast %add3A_138 : i32 to vector<32x1024xi32>
    %add3A_178 = arith.addi %iota3A, %add3A_177 : vector<32x1024xi32>
    %gt3A_179 = arith.cmpf ogt, %select_n3A_176, %max3A_133 : vector<32x1024xf32>
    %max3A_180 = arith.maximumf %max3A_133, %select_n3A_176 : vector<32x1024xf32>
    %select_n3A_181 = arith.select %gt3A_179, %add3A_178, %select_n3A_134 : vector<32x1024xi1>, vector<32x1024xi32>
    %mul3A_182 = arith.constant 8192 : i32
    %mul3A_183 = arith.muli %arg0, %mul3A_182 : i32
    %add3A_184 = arith.constant 4096 : i32
    %add3A_185 = arith.addi %mul3A_183, %add3A_184 : i32
    %get3A_186 = arith.constant 0 : index
    %get3A_187 = arith.constant 4096 : index
    %get3A_188 = vector.load %arg1[%get3A_186, %get3A_187] : memref<32x8192xi32, #tpu.memory_space<vmem>>, vector<32x1024xi32>
    %shift_right_logical3A_189 = arith.constant 9 : i32
    %shift_right_logical3A_190 = vector.broadcast %shift_right_logical3A_189 : i32 to vector<32x1024xi32>
    %shift_right_logical3A_191 = arith.shrui %get3A_188, %shift_right_logical3A_190 : vector<32x1024xi32>
    %or3A_192 = arith.constant 1065353216 : i32
    %or3A_193 = vector.broadcast %or3A_192 : i32 to vector<32x1024xi32>
    %or3A_194 = arith.ori %shift_right_logical3A_191, %or3A_193 : vector<32x1024xi32>
    %bitcast_convert_type3A_195 = tpu.bitcast %or3A_194 : vector<32x1024xi32> -> vector<32x1024xf32>
    %sub3A_196 = arith.constant 1.000000e+00 : f32
    %sub3A_197 = vector.broadcast %sub3A_196 : f32 to vector<32x1024xf32>
    %sub3A_198 = arith.subf %bitcast_convert_type3A_195, %sub3A_197 : vector<32x1024xf32>
    %add3A_199 = arith.constant 1.17549435E-38 : f32
    %add3A_200 = vector.broadcast %add3A_199 : f32 to vector<32x1024xf32>
    %add3A_201 = arith.addf %sub3A_198, %add3A_200 : vector<32x1024xf32>
    %max3A_202 = arith.constant 1.17549435E-38 : f32
    %max3A_203 = vector.broadcast %max3A_202 : f32 to vector<32x1024xf32>
    %max3A_204 = arith.maximumf %max3A_203, %add3A_201 : vector<32x1024xf32>
    %log3A_205 = math.log %max3A_204 : vector<32x1024xf32>
    %neg3A_206 = arith.constant 0.000000e+00 : f32
    %neg3A_207 = vector.broadcast %neg3A_206 : f32 to vector<32x1024xf32>
    %neg3A_208 = arith.subf %neg3A_207, %log3A_205 : vector<32x1024xf32>
    %log3A_209 = math.log %neg3A_208 : vector<32x1024xf32>
    %neg3A_210 = arith.constant 0.000000e+00 : f32
    %neg3A_211 = vector.broadcast %neg3A_210 : f32 to vector<32x1024xf32>
    %neg3A_212 = arith.subf %neg3A_211, %log3A_209 : vector<32x1024xf32>
    %get3A_213 = arith.constant 0 : index
    %get3A_214 = arith.constant 4096 : index
    %get3A_215 = vector.load %arg2[%get3A_213, %get3A_214] : memref<32x8192xf32, #tpu.memory_space<vmem>>, vector<32x1024xf32>
    %add3A_216 = arith.addf %neg3A_212, %get3A_215 : vector<32x1024xf32>
    %sub3A_217 = arith.constant 254528 : i32
    %sub3A_218 = arith.subi %sub3A_217, %add3A_185 : i32
    %lt3A_219 = vector.broadcast %sub3A_218 : i32 to vector<32x1024xi32>
    %lt3A_220 = arith.cmpi slt, %iota3A, %lt3A_219 : vector<32x1024xi32>
    %jit3A_221 = arith.constant 0xFF800000 : f32
    %broadcast_in_dim3A_222 = vector.broadcast %jit3A_221 : f32 to vector<32x1024xf32>
    %select_n3A_223 = arith.select %lt3A_220, %add3A_216, %broadcast_in_dim3A_222 : vector<32x1024xi1>, vector<32x1024xf32>
    %add3A_224 = vector.broadcast %add3A_185 : i32 to vector<32x1024xi32>
    %add3A_225 = arith.addi %iota3A, %add3A_224 : vector<32x1024xi32>
    %gt3A_226 = arith.cmpf ogt, %select_n3A_223, %max3A_180 : vector<32x1024xf32>
    %max3A_227 = arith.maximumf %max3A_180, %select_n3A_223 : vector<32x1024xf32>
    %select_n3A_228 = arith.select %gt3A_226, %add3A_225, %select_n3A_181 : vector<32x1024xi1>, vector<32x1024xi32>
    %mul3A_229 = arith.constant 8192 : i32
    %mul3A_230 = arith.muli %arg0, %mul3A_229 : i32
    %add3A_231 = arith.constant 5120 : i32
    %add3A_232 = arith.addi %mul3A_230, %add3A_231 : i32
    %get3A_233 = arith.constant 0 : index
    %get3A_234 = arith.constant 5120 : index
    %get3A_235 = vector.load %arg1[%get3A_233, %get3A_234] : memref<32x8192xi32, #tpu.memory_space<vmem>>, vector<32x1024xi32>
    %shift_right_logical3A_236 = arith.constant 9 : i32
    %shift_right_logical3A_237 = vector.broadcast %shift_right_logical3A_236 : i32 to vector<32x1024xi32>
    %shift_right_logical3A_238 = arith.shrui %get3A_235, %shift_right_logical3A_237 : vector<32x1024xi32>
    %or3A_239 = arith.constant 1065353216 : i32
    %or3A_240 = vector.broadcast %or3A_239 : i32 to vector<32x1024xi32>
    %or3A_241 = arith.ori %shift_right_logical3A_238, %or3A_240 : vector<32x1024xi32>
    %bitcast_convert_type3A_242 = tpu.bitcast %or3A_241 : vector<32x1024xi32> -> vector<32x1024xf32>
    %sub3A_243 = arith.constant 1.000000e+00 : f32
    %sub3A_244 = vector.broadcast %sub3A_243 : f32 to vector<32x1024xf32>
    %sub3A_245 = arith.subf %bitcast_convert_type3A_242, %sub3A_244 : vector<32x1024xf32>
    %add3A_246 = arith.constant 1.17549435E-38 : f32
    %add3A_247 = vector.broadcast %add3A_246 : f32 to vector<32x1024xf32>
    %add3A_248 = arith.addf %sub3A_245, %add3A_247 : vector<32x1024xf32>
    %max3A_249 = arith.constant 1.17549435E-38 : f32
    %max3A_250 = vector.broadcast %max3A_249 : f32 to vector<32x1024xf32>
    %max3A_251 = arith.maximumf %max3A_250, %add3A_248 : vector<32x1024xf32>
    %log3A_252 = math.log %max3A_251 : vector<32x1024xf32>
    %neg3A_253 = arith.constant 0.000000e+00 : f32
    %neg3A_254 = vector.broadcast %neg3A_253 : f32 to vector<32x1024xf32>
    %neg3A_255 = arith.subf %neg3A_254, %log3A_252 : vector<32x1024xf32>
    %log3A_256 = math.log %neg3A_255 : vector<32x1024xf32>
    %neg3A_257 = arith.constant 0.000000e+00 : f32
    %neg3A_258 = vector.broadcast %neg3A_257 : f32 to vector<32x1024xf32>
    %neg3A_259 = arith.subf %neg3A_258, %log3A_256 : vector<32x1024xf32>
    %get3A_260 = arith.constant 0 : index
    %get3A_261 = arith.constant 5120 : index
    %get3A_262 = vector.load %arg2[%get3A_260, %get3A_261] : memref<32x8192xf32, #tpu.memory_space<vmem>>, vector<32x1024xf32>
    %add3A_263 = arith.addf %neg3A_259, %get3A_262 : vector<32x1024xf32>
    %sub3A_264 = arith.constant 254528 : i32
    %sub3A_265 = arith.subi %sub3A_264, %add3A_232 : i32
    %lt3A_266 = vector.broadcast %sub3A_265 : i32 to vector<32x1024xi32>
    %lt3A_267 = arith.cmpi slt, %iota3A, %lt3A_266 : vector<32x1024xi32>
    %jit3A_268 = arith.constant 0xFF800000 : f32
    %broadcast_in_dim3A_269 = vector.broadcast %jit3A_268 : f32 to vector<32x1024xf32>
    %select_n3A_270 = arith.select %lt3A_267, %add3A_263, %broadcast_in_dim3A_269 : vector<32x1024xi1>, vector<32x1024xf32>
    %add3A_271 = vector.broadcast %add3A_232 : i32 to vector<32x1024xi32>
    %add3A_272 = arith.addi %iota3A, %add3A_271 : vector<32x1024xi32>
    %gt3A_273 = arith.cmpf ogt, %select_n3A_270, %max3A_227 : vector<32x1024xf32>
    %max3A_274 = arith.maximumf %max3A_227, %select_n3A_270 : vector<32x1024xf32>
    %select_n3A_275 = arith.select %gt3A_273, %add3A_272, %select_n3A_228 : vector<32x1024xi1>, vector<32x1024xi32>
    %mul3A_276 = arith.constant 8192 : i32
    %mul3A_277 = arith.muli %arg0, %mul3A_276 : i32
    %add3A_278 = arith.constant 6144 : i32
    %add3A_279 = arith.addi %mul3A_277, %add3A_278 : i32
    %get3A_280 = arith.constant 0 : index
    %get3A_281 = arith.constant 6144 : index
    %get3A_282 = vector.load %arg1[%get3A_280, %get3A_281] : memref<32x8192xi32, #tpu.memory_space<vmem>>, vector<32x1024xi32>
    %shift_right_logical3A_283 = arith.constant 9 : i32
    %shift_right_logical3A_284 = vector.broadcast %shift_right_logical3A_283 : i32 to vector<32x1024xi32>
    %shift_right_logical3A_285 = arith.shrui %get3A_282, %shift_right_logical3A_284 : vector<32x1024xi32>
    %or3A_286 = arith.constant 1065353216 : i32
    %or3A_287 = vector.broadcast %or3A_286 : i32 to vector<32x1024xi32>
    %or3A_288 = arith.ori %shift_right_logical3A_285, %or3A_287 : vector<32x1024xi32>
    %bitcast_convert_type3A_289 = tpu.bitcast %or3A_288 : vector<32x1024xi32> -> vector<32x1024xf32>
    %sub3A_290 = arith.constant 1.000000e+00 : f32
    %sub3A_291 = vector.broadcast %sub3A_290 : f32 to vector<32x1024xf32>
    %sub3A_292 = arith.subf %bitcast_convert_type3A_289, %sub3A_291 : vector<32x1024xf32>
    %add3A_293 = arith.constant 1.17549435E-38 : f32
    %add3A_294 = vector.broadcast %add3A_293 : f32 to vector<32x1024xf32>
    %add3A_295 = arith.addf %sub3A_292, %add3A_294 : vector<32x1024xf32>
    %max3A_296 = arith.constant 1.17549435E-38 : f32
    %max3A_297 = vector.broadcast %max3A_296 : f32 to vector<32x1024xf32>
    %max3A_298 = arith.maximumf %max3A_297, %add3A_295 : vector<32x1024xf32>
    %log3A_299 = math.log %max3A_298 : vector<32x1024xf32>
    %neg3A_300 = arith.constant 0.000000e+00 : f32
    %neg3A_301 = vector.broadcast %neg3A_300 : f32 to vector<32x1024xf32>
    %neg3A_302 = arith.subf %neg3A_301, %log3A_299 : vector<32x1024xf32>
    %log3A_303 = math.log %neg3A_302 : vector<32x1024xf32>
    %neg3A_304 = arith.constant 0.000000e+00 : f32
    %neg3A_305 = vector.broadcast %neg3A_304 : f32 to vector<32x1024xf32>
    %neg3A_306 = arith.subf %neg3A_305, %log3A_303 : vector<32x1024xf32>
    %get3A_307 = arith.constant 0 : index
    %get3A_308 = arith.constant 6144 : index
    %get3A_309 = vector.load %arg2[%get3A_307, %get3A_308] : memref<32x8192xf32, #tpu.memory_space<vmem>>, vector<32x1024xf32>
    %add3A_310 = arith.addf %neg3A_306, %get3A_309 : vector<32x1024xf32>
    %sub3A_311 = arith.constant 254528 : i32
    %sub3A_312 = arith.subi %sub3A_311, %add3A_279 : i32
    %lt3A_313 = vector.broadcast %sub3A_312 : i32 to vector<32x1024xi32>
    %lt3A_314 = arith.cmpi slt, %iota3A, %lt3A_313 : vector<32x1024xi32>
    %jit3A_315 = arith.constant 0xFF800000 : f32
    %broadcast_in_dim3A_316 = vector.broadcast %jit3A_315 : f32 to vector<32x1024xf32>
    %select_n3A_317 = arith.select %lt3A_314, %add3A_310, %broadcast_in_dim3A_316 : vector<32x1024xi1>, vector<32x1024xf32>
    %add3A_318 = vector.broadcast %add3A_279 : i32 to vector<32x1024xi32>
    %add3A_319 = arith.addi %iota3A, %add3A_318 : vector<32x1024xi32>
    %gt3A_320 = arith.cmpf ogt, %select_n3A_317, %max3A_274 : vector<32x1024xf32>
    %max3A_321 = arith.maximumf %max3A_274, %select_n3A_317 : vector<32x1024xf32>
    %select_n3A_322 = arith.select %gt3A_320, %add3A_319, %select_n3A_275 : vector<32x1024xi1>, vector<32x1024xi32>
    %mul3A_323 = arith.constant 8192 : i32
    %mul3A_324 = arith.muli %arg0, %mul3A_323 : i32
    %add3A_325 = arith.constant 7168 : i32
    %add3A_326 = arith.addi %mul3A_324, %add3A_325 : i32
    %get3A_327 = arith.constant 0 : index
    %get3A_328 = arith.constant 7168 : index
    %get3A_329 = vector.load %arg1[%get3A_327, %get3A_328] : memref<32x8192xi32, #tpu.memory_space<vmem>>, vector<32x1024xi32>
    %shift_right_logical3A_330 = arith.constant 9 : i32
    %shift_right_logical3A_331 = vector.broadcast %shift_right_logical3A_330 : i32 to vector<32x1024xi32>
    %shift_right_logical3A_332 = arith.shrui %get3A_329, %shift_right_logical3A_331 : vector<32x1024xi32>
    %or3A_333 = arith.constant 1065353216 : i32
    %or3A_334 = vector.broadcast %or3A_333 : i32 to vector<32x1024xi32>
    %or3A_335 = arith.ori %shift_right_logical3A_332, %or3A_334 : vector<32x1024xi32>
    %bitcast_convert_type3A_336 = tpu.bitcast %or3A_335 : vector<32x1024xi32> -> vector<32x1024xf32>
    %sub3A_337 = arith.constant 1.000000e+00 : f32
    %sub3A_338 = vector.broadcast %sub3A_337 : f32 to vector<32x1024xf32>
    %sub3A_339 = arith.subf %bitcast_convert_type3A_336, %sub3A_338 : vector<32x1024xf32>
    %add3A_340 = arith.constant 1.17549435E-38 : f32
    %add3A_341 = vector.broadcast %add3A_340 : f32 to vector<32x1024xf32>
    %add3A_342 = arith.addf %sub3A_339, %add3A_341 : vector<32x1024xf32>
    %max3A_343 = arith.constant 1.17549435E-38 : f32
    %max3A_344 = vector.broadcast %max3A_343 : f32 to vector<32x1024xf32>
    %max3A_345 = arith.maximumf %max3A_344, %add3A_342 : vector<32x1024xf32>
    %log3A_346 = math.log %max3A_345 : vector<32x1024xf32>
    %neg3A_347 = arith.constant 0.000000e+00 : f32
    %neg3A_348 = vector.broadcast %neg3A_347 : f32 to vector<32x1024xf32>
    %neg3A_349 = arith.subf %neg3A_348, %log3A_346 : vector<32x1024xf32>
    %log3A_350 = math.log %neg3A_349 : vector<32x1024xf32>
    %neg3A_351 = arith.constant 0.000000e+00 : f32
    %neg3A_352 = vector.broadcast %neg3A_351 : f32 to vector<32x1024xf32>
    %neg3A_353 = arith.subf %neg3A_352, %log3A_350 : vector<32x1024xf32>
    %get3A_354 = arith.constant 0 : index
    %get3A_355 = arith.constant 7168 : index
    %get3A_356 = vector.load %arg2[%get3A_354, %get3A_355] : memref<32x8192xf32, #tpu.memory_space<vmem>>, vector<32x1024xf32>
    %add3A_357 = arith.addf %neg3A_353, %get3A_356 : vector<32x1024xf32>
    %sub3A_358 = arith.constant 254528 : i32
    %sub3A_359 = arith.subi %sub3A_358, %add3A_326 : i32
    %lt3A_360 = vector.broadcast %sub3A_359 : i32 to vector<32x1024xi32>
    %lt3A_361 = arith.cmpi slt, %iota3A, %lt3A_360 : vector<32x1024xi32>
    %jit3A_362 = arith.constant 0xFF800000 : f32
    %broadcast_in_dim3A_363 = vector.broadcast %jit3A_362 : f32 to vector<32x1024xf32>
    %select_n3A_364 = arith.select %lt3A_361, %add3A_357, %broadcast_in_dim3A_363 : vector<32x1024xi1>, vector<32x1024xf32>
    %add3A_365 = vector.broadcast %add3A_326 : i32 to vector<32x1024xi32>
    %add3A_366 = arith.addi %iota3A, %add3A_365 : vector<32x1024xi32>
    %gt3A_367 = arith.cmpf ogt, %select_n3A_364, %max3A_321 : vector<32x1024xf32>
    %max3A_368 = arith.maximumf %max3A_321, %select_n3A_364 : vector<32x1024xf32>
    %select_n3A_369 = arith.select %gt3A_367, %add3A_366, %select_n3A_322 : vector<32x1024xi1>, vector<32x1024xi32>
    %swap3A = arith.constant 0 : index
    %swap3A_370 = arith.constant 0 : index
    %swap3A_371 = vector.load %arg6[%swap3A, %swap3A_370] : memref<32x1024xf32, #tpu.memory_space<vmem>>, vector<32x1024xf32>
    tpu.vector_store %arg6[%swap3A, %swap3A_370], %max3A_368 {strides = array<i32>} : memref<32x1024xf32, #tpu.memory_space<vmem>>, vector<32x1024xf32>,
    %swap3A_372 = arith.constant 0 : index
    %swap3A_373 = arith.constant 0 : index
    %swap3A_374 = vector.load %arg7[%swap3A_372, %swap3A_373] : memref<32x1024xi32, #tpu.memory_space<vmem>>, vector<32x1024xi32>
    tpu.vector_store %arg7[%swap3A_372, %swap3A_373], %select_n3A_369 {strides = array<i32>} : memref<32x1024xi32, #tpu.memory_space<vmem>>, vector<32x1024xi32>,
    %eq3A_375 = arith.constant 31 : i32
    %eq3A_376 = arith.cmpi eq, %arg0, %eq3A_375 : i32
    %convert_element_type3A_377 = arith.extui %eq3A_376 : i1 to i32
    %cond3A_378 = arith.constant 0 : i32
    %cond3A_379 = arith.cmpi ne, %convert_element_type3A_377, %cond3A_378 : i32
    scf.if %cond3A_379 {
      %get3A_380 = arith.constant 0 : index
      %get3A_381 = arith.constant 0 : index
      %get3A_382 = vector.load %arg6[%get3A_380, %get3A_381] : memref<32x1024xf32, #tpu.memory_space<vmem>>, vector<32x1024xf32>
      %reduce_max3A = arith.constant dense<0xFF800000> : vector<32xf32>
      %reduce_max3A_383 = vector.multi_reduction <maximumf>, %get3A_382, %reduce_max3A [1] : vector<32x1024xf32> to vector<32xf32>
      %broadcast_in_dim3A_384 = vector.shape_cast %reduce_max3A_383 : vector<32xf32> to vector<32x1xf32>
      %eq3A_385 = vector.broadcast %broadcast_in_dim3A_384 : vector<32x1xf32> to vector<32x1024xf32>
      %eq3A_386 = arith.cmpf oeq, %get3A_382, %eq3A_385 : vector<32x1024xf32>
      %get3A_387 = arith.constant 0 : index
      %get3A_388 = arith.constant 0 : index
      %get3A_389 = vector.load %arg7[%get3A_387, %get3A_388] : memref<32x1024xi32, #tpu.memory_space<vmem>>, vector<32x1024xi32>
      %jit3A_390 = arith.constant 2147483647 : i32
      %broadcast_in_dim3A_391 = vector.broadcast %jit3A_390 : i32 to vector<32x1024xi32>
      %select_n3A_392 = arith.select %eq3A_386, %get3A_389, %broadcast_in_dim3A_391 : vector<32x1024xi1>, vector<32x1024xi32>
      %reduce_min3A = arith.constant dense<2147483647> : vector<32xi32>
      %reduce_min3A_393 = vector.multi_reduction <minsi>, %select_n3A_392, %reduce_min3A [1] : vector<32x1024xi32> to vector<32xi32>
      %broadcast_in_dim3A_394 = vector.shape_cast %reduce_min3A_393 : vector<32xi32> to vector<32x1xi32>
      %get3A_395 = arith.constant 0 : index
      %get3A_396 = arith.constant 0 : index
      %get3A_397 = vector.load %arg3[%get3A_395, %get3A_396] : memref<32x1xf32, #tpu.memory_space<vmem>>, vector<32x1xf32>
      %gt3A_398 = arith.cmpf ogt, %broadcast_in_dim3A_384, %get3A_397 : vector<32x1xf32>
      %add3A_399 = arith.constant 745472 : i32
      %add3A_400 = vector.broadcast %add3A_399 : i32 to vector<32x1xi32>
      %add3A_401 = arith.addi %broadcast_in_dim3A_394, %add3A_400 : vector<32x1xi32>
      %get3A_402 = arith.constant 0 : index
      %get3A_403 = arith.constant 0 : index
      %get3A_404 = vector.load %arg4[%get3A_402, %get3A_403] : memref<32x1xi32, #tpu.memory_space<vmem>>, vector<32x1xi32>
      %select_n3A_405 = arith.select %gt3A_398, %add3A_401, %get3A_404 : vector<32x1xi1>, vector<32x1xi32>
      %swap3A_406 = arith.constant 0 : index
      %swap3A_407 = arith.constant 0 : index
      %swap3A_408 = vector.load %arg5[%swap3A_406, %swap3A_407] : memref<32x1xi32, #tpu.memory_space<vmem>>, vector<32x1xi32>
      tpu.vector_store %arg5[%swap3A_406, %swap3A_407], %select_n3A_405 {strides = array<i32>} : memref<32x1xi32, #tpu.memory_space<vmem>>, vector<32x1xi32>,
    } else {
    }
    return
  }
  func.func @transform_0(%arg0: i32) -> (i32, i32) {
    %c0_i32 = arith.constant 0 : i32
    %c0_i32_0 = arith.constant 0 : i32
    return %c0_i32, %arg0 : i32, i32
  }
  func.func @transform_1(%arg0: i32) -> (i32, i32) {
    %add3A = arith.constant 91 : i32
    %add3A_0 = arith.addi %arg0, %add3A : i32
    %c0_i32 = arith.constant 0 : i32
    %c0_i32_1 = arith.constant 0 : i32
    return %c0_i32, %add3A_0 : i32, i32
  }
  func.func @transform_2(%arg0: i32) -> (i32, i32) {
    %c0_i32 = arith.constant 0 : i32
    %c0_i32_0 = arith.constant 0 : i32
    %c0_i32_1 = arith.constant 0 : i32
    return %c0_i32, %c0_i32_0 : i32, i32
  }
  func.func @transform_3(%arg0: i32) -> (i32, i32) {
    %c0_i32 = arith.constant 0 : i32
    %c0_i32_0 = arith.constant 0 : i32
    %c0_i32_1 = arith.constant 0 : i32
    return %c0_i32, %c0_i32_0 : i32, i32
  }
  func.func @transform_4(%arg0: i32) -> (i32, i32) {
    %c0_i32 = arith.constant 0 : i32
    %c0_i32_0 = arith.constant 0 : i32
    %c0_i32_1 = arith.constant 0 : i32
    return %c0_i32, %c0_i32_0 : i32, i32
  }
}

module attributes {stable_mosaic.version = 14 : i64} {
  func.func @_main_kernel(%arg0: i32, %arg1: memref<32x8192xf32, #tpu.memory_space<vmem>>, %arg2: memref<32x1xf32, #tpu.memory_space<vmem>>, %arg3: memref<32x1xi32, #tpu.memory_space<vmem>>, %arg4: memref<32x1024xf32, #tpu.memory_space<vmem>>, %arg5: memref<32x1024xi32, #tpu.memory_space<vmem>>, %arg6: memref<32x1024xi32, #tpu.memory_space<vmem>>) attributes {dimension_semantics = [#tpu.dimension_semantics<arbitrary>], iteration_bounds = array<i64: 91>, scalar_prefetch = 0 : i64, scratch_operands = 3 : i64, tpu.core_type = #tpu.core_type<tc>, window_params = [{transform_indices = @transform_0, window_bounds = array<i64: 32, 8192>}, {pipeline_mode = #tpu.pipeline_mode<synchronous>, transform_indices = @transform_1, window_bounds = array<i64: 32, 1>}, {pipeline_mode = #tpu.pipeline_mode<synchronous>, transform_indices = @transform_2, window_bounds = array<i64: 32, 1>}]} {
    %eq3A = arith.constant 0 : i32
    %eq3A_0 = arith.cmpi eq, %arg0, %eq3A : i32
    %convert_element_type3A = arith.extui %eq3A_0 : i1 to i32
    %cond3A = arith.constant 0xFF800000 : f32
    %cond3A_1 = arith.constant 0 : i32
    %cond3A_2 = arith.cmpi ne, %convert_element_type3A, %cond3A_1 : i32
    scf.if %cond3A_2 {
      %broadcast_in_dim3A = vector.broadcast %cond3A : f32 to vector<32x1024xf32>
      %swap3A_1970 = arith.constant 0 : index
      %swap3A_1971 = arith.constant 0 : index
      %swap3A_1972 = vector.load %arg4[%swap3A_1970, %swap3A_1971] : memref<32x1024xf32, #tpu.memory_space<vmem>>, vector<32x1024xf32>
      tpu.vector_store %arg4[%swap3A_1970, %swap3A_1971], %broadcast_in_dim3A {strides = array<i32>} : memref<32x1024xf32, #tpu.memory_space<vmem>>, vector<32x1024xf32>,
      %broadcast_in_dim3A_1973 = arith.constant 0 : i32
      %broadcast_in_dim3A_1974 = vector.broadcast %broadcast_in_dim3A_1973 : i32 to vector<32x1024xi32>
      %swap3A_1975 = arith.constant 0 : index
      %swap3A_1976 = arith.constant 0 : index
      %swap3A_1977 = vector.load %arg5[%swap3A_1975, %swap3A_1976] : memref<32x1024xi32, #tpu.memory_space<vmem>>, vector<32x1024xi32>
      tpu.vector_store %arg5[%swap3A_1975, %swap3A_1976], %broadcast_in_dim3A_1974 {strides = array<i32>} : memref<32x1024xi32, #tpu.memory_space<vmem>>, vector<32x1024xi32>,
      %iota3A = tpu.iota {dimensions = array<i32: 0>} : vector<32x1024xi32>
      %iota3A_1978 = tpu.iota {dimensions = array<i32: 1>} : vector<32x1024xi32>
      %mul3A_1979 = arith.constant 1000000 : i32
      %mul3A_1980 = vector.broadcast %mul3A_1979 : i32 to vector<32x1024xi32>
      %mul3A_1981 = arith.muli %iota3A, %mul3A_1980 : vector<32x1024xi32>
      %add3A_1982 = arith.addi %mul3A_1981, %iota3A_1978 : vector<32x1024xi32>
      %add3A_1983 = arith.constant 42 : i32
      %add3A_1984 = vector.broadcast %add3A_1983 : i32 to vector<32x1024xi32>
      %add3A_1985 = arith.addi %add3A_1982, %add3A_1984 : vector<32x1024xi32>
      %swap3A_1986 = arith.constant 0 : index
      %swap3A_1987 = arith.constant 0 : index
      %swap3A_1988 = vector.load %arg6[%swap3A_1986, %swap3A_1987] : memref<32x1024xi32, #tpu.memory_space<vmem>>, vector<32x1024xi32>
      tpu.vector_store %arg6[%swap3A_1986, %swap3A_1987], %add3A_1985 {strides = array<i32>} : memref<32x1024xi32, #tpu.memory_space<vmem>>, vector<32x1024xi32>,
    } else {
    }
    %mul3A = arith.constant 8192 : i32
    %mul3A_3 = arith.muli %arg0, %mul3A : i32
    %get3A = arith.constant 0 : index
    %get3A_4 = arith.constant 0 : index
    %get3A_5 = vector.load %arg6[%get3A, %get3A_4] : memref<32x1024xi32, #tpu.memory_space<vmem>>, vector<32x1024xi32>
    %get3A_6 = arith.constant 0 : index
    %get3A_7 = arith.constant 0 : index
    %get3A_8 = vector.load %arg4[%get3A_6, %get3A_7] : memref<32x1024xf32, #tpu.memory_space<vmem>>, vector<32x1024xf32>
    %get3A_9 = arith.constant 0 : index
    %get3A_10 = arith.constant 0 : index
    %get3A_11 = vector.load %arg5[%get3A_9, %get3A_10] : memref<32x1024xi32, #tpu.memory_space<vmem>>, vector<32x1024xi32>
    %add3A = arith.constant 0 : i32
    %add3A_12 = arith.addi %mul3A_3, %add3A : i32
    %add3A_13 = vector.broadcast %add3A_12 : i32 to vector<32x1024xi32>
    %add3A_14 = arith.addi %get3A_5, %add3A_13 : vector<32x1024xi32>
    %shift_left3A = arith.constant 13 : i32
    %shift_left3A_15 = vector.broadcast %shift_left3A : i32 to vector<32x1024xi32>
    %shift_left3A_16 = arith.shli %add3A_14, %shift_left3A_15 : vector<32x1024xi32>
    %shift_right_logical3A = arith.constant 19 : i32
    %shift_right_logical3A_17 = vector.broadcast %shift_right_logical3A : i32 to vector<32x1024xi32>
    %shift_right_logical3A_18 = arith.shrui %add3A_14, %shift_right_logical3A_17 : vector<32x1024xi32>
    %add3A_19 = arith.addi %shift_left3A_16, %shift_right_logical3A_18 : vector<32x1024xi32>
    %xor3A = arith.xori %add3A_19, %add3A_14 : vector<32x1024xi32>
    %add3A_20 = arith.addi %add3A_14, %xor3A : vector<32x1024xi32>
    %shift_left3A_21 = arith.constant 15 : i32
    %shift_left3A_22 = vector.broadcast %shift_left3A_21 : i32 to vector<32x1024xi32>
    %shift_left3A_23 = arith.shli %xor3A, %shift_left3A_22 : vector<32x1024xi32>
    %shift_right_logical3A_24 = arith.constant 17 : i32
    %shift_right_logical3A_25 = vector.broadcast %shift_right_logical3A_24 : i32 to vector<32x1024xi32>
    %shift_right_logical3A_26 = arith.shrui %xor3A, %shift_right_logical3A_25 : vector<32x1024xi32>
    %add3A_27 = arith.addi %shift_left3A_23, %shift_right_logical3A_26 : vector<32x1024xi32>
    %xor3A_28 = arith.xori %add3A_27, %add3A_20 : vector<32x1024xi32>
    %add3A_29 = arith.addi %add3A_20, %xor3A_28 : vector<32x1024xi32>
    %shift_left3A_30 = arith.constant 26 : i32
    %shift_left3A_31 = vector.broadcast %shift_left3A_30 : i32 to vector<32x1024xi32>
    %shift_left3A_32 = arith.shli %xor3A_28, %shift_left3A_31 : vector<32x1024xi32>
    %shift_right_logical3A_33 = arith.constant 6 : i32
    %shift_right_logical3A_34 = vector.broadcast %shift_right_logical3A_33 : i32 to vector<32x1024xi32>
    %shift_right_logical3A_35 = arith.shrui %xor3A_28, %shift_right_logical3A_34 : vector<32x1024xi32>
    %add3A_36 = arith.addi %shift_left3A_32, %shift_right_logical3A_35 : vector<32x1024xi32>
    %xor3A_37 = arith.xori %add3A_36, %add3A_29 : vector<32x1024xi32>
    %add3A_38 = arith.addi %add3A_29, %xor3A_37 : vector<32x1024xi32>
    %shift_left3A_39 = arith.constant 6 : i32
    %shift_left3A_40 = vector.broadcast %shift_left3A_39 : i32 to vector<32x1024xi32>
    %shift_left3A_41 = arith.shli %xor3A_37, %shift_left3A_40 : vector<32x1024xi32>
    %shift_right_logical3A_42 = arith.constant 26 : i32
    %shift_right_logical3A_43 = vector.broadcast %shift_right_logical3A_42 : i32 to vector<32x1024xi32>
    %shift_right_logical3A_44 = arith.shrui %xor3A_37, %shift_right_logical3A_43 : vector<32x1024xi32>
    %add3A_45 = arith.addi %shift_left3A_41, %shift_right_logical3A_44 : vector<32x1024xi32>
    %xor3A_46 = arith.xori %add3A_45, %add3A_38 : vector<32x1024xi32>
    %add3A_47 = arith.constant 42 : i32
    %add3A_48 = vector.broadcast %add3A_47 : i32 to vector<32x1024xi32>
    %add3A_49 = arith.addi %add3A_38, %add3A_48 : vector<32x1024xi32>
    %add3A_50 = arith.constant 466689009 : i32
    %add3A_51 = vector.broadcast %add3A_50 : i32 to vector<32x1024xi32>
    %add3A_52 = arith.addi %xor3A_46, %add3A_51 : vector<32x1024xi32>
    %add3A_53 = arith.addi %add3A_49, %add3A_52 : vector<32x1024xi32>
    %shift_left3A_54 = arith.constant 17 : i32
    %shift_left3A_55 = vector.broadcast %shift_left3A_54 : i32 to vector<32x1024xi32>
    %shift_left3A_56 = arith.shli %add3A_52, %shift_left3A_55 : vector<32x1024xi32>
    %shift_right_logical3A_57 = arith.constant 15 : i32
    %shift_right_logical3A_58 = vector.broadcast %shift_right_logical3A_57 : i32 to vector<32x1024xi32>
    %shift_right_logical3A_59 = arith.shrui %add3A_52, %shift_right_logical3A_58 : vector<32x1024xi32>
    %add3A_60 = arith.addi %shift_left3A_56, %shift_right_logical3A_59 : vector<32x1024xi32>
    %xor3A_61 = arith.xori %add3A_60, %add3A_53 : vector<32x1024xi32>
    %add3A_62 = arith.addi %add3A_53, %xor3A_61 : vector<32x1024xi32>
    %shift_left3A_63 = arith.constant 29 : i32
    %shift_left3A_64 = vector.broadcast %shift_left3A_63 : i32 to vector<32x1024xi32>
    %shift_left3A_65 = arith.shli %xor3A_61, %shift_left3A_64 : vector<32x1024xi32>
    %shift_right_logical3A_66 = arith.constant 3 : i32
    %shift_right_logical3A_67 = vector.broadcast %shift_right_logical3A_66 : i32 to vector<32x1024xi32>
    %shift_right_logical3A_68 = arith.shrui %xor3A_61, %shift_right_logical3A_67 : vector<32x1024xi32>
    %add3A_69 = arith.addi %shift_left3A_65, %shift_right_logical3A_68 : vector<32x1024xi32>
    %xor3A_70 = arith.xori %add3A_69, %add3A_62 : vector<32x1024xi32>
    %add3A_71 = arith.addi %add3A_62, %xor3A_70 : vector<32x1024xi32>
    %shift_left3A_72 = arith.constant 16 : i32
    %shift_left3A_73 = vector.broadcast %shift_left3A_72 : i32 to vector<32x1024xi32>
    %shift_left3A_74 = arith.shli %xor3A_70, %shift_left3A_73 : vector<32x1024xi32>
    %shift_right_logical3A_75 = arith.constant 16 : i32
    %shift_right_logical3A_76 = vector.broadcast %shift_right_logical3A_75 : i32 to vector<32x1024xi32>
    %shift_right_logical3A_77 = arith.shrui %xor3A_70, %shift_right_logical3A_76 : vector<32x1024xi32>
    %add3A_78 = arith.addi %shift_left3A_74, %shift_right_logical3A_77 : vector<32x1024xi32>
    %xor3A_79 = arith.xori %add3A_78, %add3A_71 : vector<32x1024xi32>
    %add3A_80 = arith.addi %add3A_71, %xor3A_79 : vector<32x1024xi32>
    %shift_left3A_81 = arith.constant 24 : i32
    %shift_left3A_82 = vector.broadcast %shift_left3A_81 : i32 to vector<32x1024xi32>
    %shift_left3A_83 = arith.shli %xor3A_79, %shift_left3A_82 : vector<32x1024xi32>
    %shift_right_logical3A_84 = arith.constant 8 : i32
    %shift_right_logical3A_85 = vector.broadcast %shift_right_logical3A_84 : i32 to vector<32x1024xi32>
    %shift_right_logical3A_86 = arith.shrui %xor3A_79, %shift_right_logical3A_85 : vector<32x1024xi32>
    %add3A_87 = arith.addi %shift_left3A_83, %shift_right_logical3A_86 : vector<32x1024xi32>
    %xor3A_88 = arith.xori %add3A_87, %add3A_80 : vector<32x1024xi32>
    %add3A_89 = arith.constant 466689008 : i32
    %add3A_90 = vector.broadcast %add3A_89 : i32 to vector<32x1024xi32>
    %add3A_91 = arith.addi %add3A_80, %add3A_90 : vector<32x1024xi32>
    %add3A_92 = arith.constant 2 : i32
    %add3A_93 = vector.broadcast %add3A_92 : i32 to vector<32x1024xi32>
    %add3A_94 = arith.addi %xor3A_88, %add3A_93 : vector<32x1024xi32>
    %add3A_95 = arith.addi %add3A_91, %add3A_94 : vector<32x1024xi32>
    %shift_left3A_96 = arith.constant 13 : i32
    %shift_left3A_97 = vector.broadcast %shift_left3A_96 : i32 to vector<32x1024xi32>
    %shift_left3A_98 = arith.shli %add3A_94, %shift_left3A_97 : vector<32x1024xi32>
    %shift_right_logical3A_99 = arith.constant 19 : i32
    %shift_right_logical3A_100 = vector.broadcast %shift_right_logical3A_99 : i32 to vector<32x1024xi32>
    %shift_right_logical3A_101 = arith.shrui %add3A_94, %shift_right_logical3A_100 : vector<32x1024xi32>
    %add3A_102 = arith.addi %shift_left3A_98, %shift_right_logical3A_101 : vector<32x1024xi32>
    %xor3A_103 = arith.xori %add3A_102, %add3A_95 : vector<32x1024xi32>
    %add3A_104 = arith.addi %add3A_95, %xor3A_103 : vector<32x1024xi32>
    %shift_left3A_105 = arith.constant 15 : i32
    %shift_left3A_106 = vector.broadcast %shift_left3A_105 : i32 to vector<32x1024xi32>
    %shift_left3A_107 = arith.shli %xor3A_103, %shift_left3A_106 : vector<32x1024xi32>
    %shift_right_logical3A_108 = arith.constant 17 : i32
    %shift_right_logical3A_109 = vector.broadcast %shift_right_logical3A_108 : i32 to vector<32x1024xi32>
    %shift_right_logical3A_110 = arith.shrui %xor3A_103, %shift_right_logical3A_109 : vector<32x1024xi32>
    %add3A_111 = arith.addi %shift_left3A_107, %shift_right_logical3A_110 : vector<32x1024xi32>
    %xor3A_112 = arith.xori %add3A_111, %add3A_104 : vector<32x1024xi32>
    %add3A_113 = arith.addi %add3A_104, %xor3A_112 : vector<32x1024xi32>
    %shift_left3A_114 = arith.constant 26 : i32
    %shift_left3A_115 = vector.broadcast %shift_left3A_114 : i32 to vector<32x1024xi32>
    %shift_left3A_116 = arith.shli %xor3A_112, %shift_left3A_115 : vector<32x1024xi32>
    %shift_right_logical3A_117 = arith.constant 6 : i32
    %shift_right_logical3A_118 = vector.broadcast %shift_right_logical3A_117 : i32 to vector<32x1024xi32>
    %shift_right_logical3A_119 = arith.shrui %xor3A_112, %shift_right_logical3A_118 : vector<32x1024xi32>
    %add3A_120 = arith.addi %shift_left3A_116, %shift_right_logical3A_119 : vector<32x1024xi32>
    %xor3A_121 = arith.xori %add3A_120, %add3A_113 : vector<32x1024xi32>
    %add3A_122 = arith.addi %add3A_113, %xor3A_121 : vector<32x1024xi32>
    %shift_left3A_123 = arith.constant 6 : i32
    %shift_left3A_124 = vector.broadcast %shift_left3A_123 : i32 to vector<32x1024xi32>
    %shift_left3A_125 = arith.shli %xor3A_121, %shift_left3A_124 : vector<32x1024xi32>
    %shift_right_logical3A_126 = arith.constant 26 : i32
    %shift_right_logical3A_127 = vector.broadcast %shift_right_logical3A_126 : i32 to vector<32x1024xi32>
    %shift_right_logical3A_128 = arith.shrui %xor3A_121, %shift_right_logical3A_127 : vector<32x1024xi32>
    %add3A_129 = arith.addi %shift_left3A_125, %shift_right_logical3A_128 : vector<32x1024xi32>
    %xor3A_130 = arith.xori %add3A_129, %add3A_122 : vector<32x1024xi32>
    %add3A_131 = arith.constant 0 : i32
    %add3A_132 = vector.broadcast %add3A_131 : i32 to vector<32x1024xi32>
    %add3A_133 = arith.addi %add3A_122, %add3A_132 : vector<32x1024xi32>
    %add3A_134 = arith.constant 45 : i32
    %add3A_135 = vector.broadcast %add3A_134 : i32 to vector<32x1024xi32>
    %add3A_136 = arith.addi %xor3A_130, %add3A_135 : vector<32x1024xi32>
    %add3A_137 = arith.addi %add3A_133, %add3A_136 : vector<32x1024xi32>
    %shift_left3A_138 = arith.constant 17 : i32
    %shift_left3A_139 = vector.broadcast %shift_left3A_138 : i32 to vector<32x1024xi32>
    %shift_left3A_140 = arith.shli %add3A_136, %shift_left3A_139 : vector<32x1024xi32>
    %shift_right_logical3A_141 = arith.constant 15 : i32
    %shift_right_logical3A_142 = vector.broadcast %shift_right_logical3A_141 : i32 to vector<32x1024xi32>
    %shift_right_logical3A_143 = arith.shrui %add3A_136, %shift_right_logical3A_142 : vector<32x1024xi32>
    %add3A_144 = arith.addi %shift_left3A_140, %shift_right_logical3A_143 : vector<32x1024xi32>
    %xor3A_145 = arith.xori %add3A_144, %add3A_137 : vector<32x1024xi32>
    %add3A_146 = arith.addi %add3A_137, %xor3A_145 : vector<32x1024xi32>
    %shift_left3A_147 = arith.constant 29 : i32
    %shift_left3A_148 = vector.broadcast %shift_left3A_147 : i32 to vector<32x1024xi32>
    %shift_left3A_149 = arith.shli %xor3A_145, %shift_left3A_148 : vector<32x1024xi32>
    %shift_right_logical3A_150 = arith.constant 3 : i32
    %shift_right_logical3A_151 = vector.broadcast %shift_right_logical3A_150 : i32 to vector<32x1024xi32>
    %shift_right_logical3A_152 = arith.shrui %xor3A_145, %shift_right_logical3A_151 : vector<32x1024xi32>
    %add3A_153 = arith.addi %shift_left3A_149, %shift_right_logical3A_152 : vector<32x1024xi32>
    %xor3A_154 = arith.xori %add3A_153, %add3A_146 : vector<32x1024xi32>
    %add3A_155 = arith.addi %add3A_146, %xor3A_154 : vector<32x1024xi32>
    %shift_left3A_156 = arith.constant 16 : i32
    %shift_left3A_157 = vector.broadcast %shift_left3A_156 : i32 to vector<32x1024xi32>
    %shift_left3A_158 = arith.shli %xor3A_154, %shift_left3A_157 : vector<32x1024xi32>
    %shift_right_logical3A_159 = arith.constant 16 : i32
    %shift_right_logical3A_160 = vector.broadcast %shift_right_logical3A_159 : i32 to vector<32x1024xi32>
    %shift_right_logical3A_161 = arith.shrui %xor3A_154, %shift_right_logical3A_160 : vector<32x1024xi32>
    %add3A_162 = arith.addi %shift_left3A_158, %shift_right_logical3A_161 : vector<32x1024xi32>
    %xor3A_163 = arith.xori %add3A_162, %add3A_155 : vector<32x1024xi32>
    %add3A_164 = arith.addi %add3A_155, %xor3A_163 : vector<32x1024xi32>
    %shift_left3A_165 = arith.constant 24 : i32
    %shift_left3A_166 = vector.broadcast %shift_left3A_165 : i32 to vector<32x1024xi32>
    %shift_left3A_167 = arith.shli %xor3A_163, %shift_left3A_166 : vector<32x1024xi32>
    %shift_right_logical3A_168 = arith.constant 8 : i32
    %shift_right_logical3A_169 = vector.broadcast %shift_right_logical3A_168 : i32 to vector<32x1024xi32>
    %shift_right_logical3A_170 = arith.shrui %xor3A_163, %shift_right_logical3A_169 : vector<32x1024xi32>
    %add3A_171 = arith.addi %shift_left3A_167, %shift_right_logical3A_170 : vector<32x1024xi32>
    %xor3A_172 = arith.xori %add3A_171, %add3A_164 : vector<32x1024xi32>
    %add3A_173 = arith.constant 42 : i32
    %add3A_174 = vector.broadcast %add3A_173 : i32 to vector<32x1024xi32>
    %add3A_175 = arith.addi %add3A_164, %add3A_174 : vector<32x1024xi32>
    %add3A_176 = arith.constant 466689012 : i32
    %add3A_177 = vector.broadcast %add3A_176 : i32 to vector<32x1024xi32>
    %add3A_178 = arith.addi %xor3A_172, %add3A_177 : vector<32x1024xi32>
    %add3A_179 = arith.addi %add3A_175, %add3A_178 : vector<32x1024xi32>
    %shift_left3A_180 = arith.constant 13 : i32
    %shift_left3A_181 = vector.broadcast %shift_left3A_180 : i32 to vector<32x1024xi32>
    %shift_left3A_182 = arith.shli %add3A_178, %shift_left3A_181 : vector<32x1024xi32>
    %shift_right_logical3A_183 = arith.constant 19 : i32
    %shift_right_logical3A_184 = vector.broadcast %shift_right_logical3A_183 : i32 to vector<32x1024xi32>
    %shift_right_logical3A_185 = arith.shrui %add3A_178, %shift_right_logical3A_184 : vector<32x1024xi32>
    %add3A_186 = arith.addi %shift_left3A_182, %shift_right_logical3A_185 : vector<32x1024xi32>
    %xor3A_187 = arith.xori %add3A_186, %add3A_179 : vector<32x1024xi32>
    %add3A_188 = arith.addi %add3A_179, %xor3A_187 : vector<32x1024xi32>
    %shift_left3A_189 = arith.constant 15 : i32
    %shift_left3A_190 = vector.broadcast %shift_left3A_189 : i32 to vector<32x1024xi32>
    %shift_left3A_191 = arith.shli %xor3A_187, %shift_left3A_190 : vector<32x1024xi32>
    %shift_right_logical3A_192 = arith.constant 17 : i32
    %shift_right_logical3A_193 = vector.broadcast %shift_right_logical3A_192 : i32 to vector<32x1024xi32>
    %shift_right_logical3A_194 = arith.shrui %xor3A_187, %shift_right_logical3A_193 : vector<32x1024xi32>
    %add3A_195 = arith.addi %shift_left3A_191, %shift_right_logical3A_194 : vector<32x1024xi32>
    %xor3A_196 = arith.xori %add3A_195, %add3A_188 : vector<32x1024xi32>
    %add3A_197 = arith.addi %add3A_188, %xor3A_196 : vector<32x1024xi32>
    %shift_left3A_198 = arith.constant 26 : i32
    %shift_left3A_199 = vector.broadcast %shift_left3A_198 : i32 to vector<32x1024xi32>
    %shift_left3A_200 = arith.shli %xor3A_196, %shift_left3A_199 : vector<32x1024xi32>
    %shift_right_logical3A_201 = arith.constant 6 : i32
    %shift_right_logical3A_202 = vector.broadcast %shift_right_logical3A_201 : i32 to vector<32x1024xi32>
    %shift_right_logical3A_203 = arith.shrui %xor3A_196, %shift_right_logical3A_202 : vector<32x1024xi32>
    %add3A_204 = arith.addi %shift_left3A_200, %shift_right_logical3A_203 : vector<32x1024xi32>
    %xor3A_205 = arith.xori %add3A_204, %add3A_197 : vector<32x1024xi32>
    %add3A_206 = arith.addi %add3A_197, %xor3A_205 : vector<32x1024xi32>
    %shift_left3A_207 = arith.constant 6 : i32
    %shift_left3A_208 = vector.broadcast %shift_left3A_207 : i32 to vector<32x1024xi32>
    %shift_left3A_209 = arith.shli %xor3A_205, %shift_left3A_208 : vector<32x1024xi32>
    %shift_right_logical3A_210 = arith.constant 26 : i32
    %shift_right_logical3A_211 = vector.broadcast %shift_right_logical3A_210 : i32 to vector<32x1024xi32>
    %shift_right_logical3A_212 = arith.shrui %xor3A_205, %shift_right_logical3A_211 : vector<32x1024xi32>
    %add3A_213 = arith.addi %shift_left3A_209, %shift_right_logical3A_212 : vector<32x1024xi32>
    %xor3A_214 = arith.xori %add3A_213, %add3A_206 : vector<32x1024xi32>
    %add3A_215 = arith.constant 466689008 : i32
    %add3A_216 = vector.broadcast %add3A_215 : i32 to vector<32x1024xi32>
    %add3A_217 = arith.addi %add3A_206, %add3A_216 : vector<32x1024xi32>
    %add3A_218 = arith.constant 5 : i32
    %add3A_219 = vector.broadcast %add3A_218 : i32 to vector<32x1024xi32>
    %add3A_220 = arith.addi %xor3A_214, %add3A_219 : vector<32x1024xi32>
    %xor3A_221 = arith.xori %add3A_217, %add3A_220 : vector<32x1024xi32>
    %shift_right_logical3A_222 = arith.constant 9 : i32
    %shift_right_logical3A_223 = vector.broadcast %shift_right_logical3A_222 : i32 to vector<32x1024xi32>
    %shift_right_logical3A_224 = arith.shrui %xor3A_221, %shift_right_logical3A_223 : vector<32x1024xi32>
    %or3A = arith.constant 1065353216 : i32
    %or3A_225 = vector.broadcast %or3A : i32 to vector<32x1024xi32>
    %or3A_226 = arith.ori %shift_right_logical3A_224, %or3A_225 : vector<32x1024xi32>
    %bitcast_convert_type3A = tpu.bitcast %or3A_226 : vector<32x1024xi32> -> vector<32x1024xf32>
    %sub3A = arith.constant 1.000000e+00 : f32
    %sub3A_227 = vector.broadcast %sub3A : f32 to vector<32x1024xf32>
    %sub3A_228 = arith.subf %bitcast_convert_type3A, %sub3A_227 : vector<32x1024xf32>
    %add3A_229 = arith.constant 1.17549435E-38 : f32
    %add3A_230 = vector.broadcast %add3A_229 : f32 to vector<32x1024xf32>
    %add3A_231 = arith.addf %sub3A_228, %add3A_230 : vector<32x1024xf32>
    %max3A = arith.constant 1.17549435E-38 : f32
    %max3A_232 = vector.broadcast %max3A : f32 to vector<32x1024xf32>
    %max3A_233 = arith.maximumf %max3A_232, %add3A_231 : vector<32x1024xf32>
    %log3A = math.log %max3A_233 : vector<32x1024xf32>
    %neg3A = arith.constant 0.000000e+00 : f32
    %neg3A_234 = vector.broadcast %neg3A : f32 to vector<32x1024xf32>
    %neg3A_235 = arith.subf %neg3A_234, %log3A : vector<32x1024xf32>
    %log3A_236 = math.log %neg3A_235 : vector<32x1024xf32>
    %neg3A_237 = arith.constant 0.000000e+00 : f32
    %neg3A_238 = vector.broadcast %neg3A_237 : f32 to vector<32x1024xf32>
    %neg3A_239 = arith.subf %neg3A_238, %log3A_236 : vector<32x1024xf32>
    %get3A_240 = arith.constant 0 : index
    %get3A_241 = arith.constant 0 : index
    %get3A_242 = vector.load %arg1[%get3A_240, %get3A_241] : memref<32x8192xf32, #tpu.memory_space<vmem>>, vector<32x1024xf32>
    %add3A_243 = arith.addf %neg3A_239, %get3A_242 : vector<32x1024xf32>
    %gt3A = arith.cmpf ogt, %add3A_243, %get3A_8 : vector<32x1024xf32>
    %max3A_244 = arith.maximumf %get3A_8, %add3A_243 : vector<32x1024xf32>
    %select_n3A = arith.select %gt3A, %add3A_14, %get3A_11 : vector<32x1024xi1>, vector<32x1024xi32>
    %add3A_245 = arith.constant 1024 : i32
    %add3A_246 = arith.addi %mul3A_3, %add3A_245 : i32
    %add3A_247 = vector.broadcast %add3A_246 : i32 to vector<32x1024xi32>
    %add3A_248 = arith.addi %get3A_5, %add3A_247 : vector<32x1024xi32>
    %shift_left3A_249 = arith.constant 13 : i32
    %shift_left3A_250 = vector.broadcast %shift_left3A_249 : i32 to vector<32x1024xi32>
    %shift_left3A_251 = arith.shli %add3A_248, %shift_left3A_250 : vector<32x1024xi32>
    %shift_right_logical3A_252 = arith.constant 19 : i32
    %shift_right_logical3A_253 = vector.broadcast %shift_right_logical3A_252 : i32 to vector<32x1024xi32>
    %shift_right_logical3A_254 = arith.shrui %add3A_248, %shift_right_logical3A_253 : vector<32x1024xi32>
    %add3A_255 = arith.addi %shift_left3A_251, %shift_right_logical3A_254 : vector<32x1024xi32>
    %xor3A_256 = arith.xori %add3A_255, %add3A_248 : vector<32x1024xi32>
    %add3A_257 = arith.addi %add3A_248, %xor3A_256 : vector<32x1024xi32>
    %shift_left3A_258 = arith.constant 15 : i32
    %shift_left3A_259 = vector.broadcast %shift_left3A_258 : i32 to vector<32x1024xi32>
    %shift_left3A_260 = arith.shli %xor3A_256, %shift_left3A_259 : vector<32x1024xi32>
    %shift_right_logical3A_261 = arith.constant 17 : i32
    %shift_right_logical3A_262 = vector.broadcast %shift_right_logical3A_261 : i32 to vector<32x1024xi32>
    %shift_right_logical3A_263 = arith.shrui %xor3A_256, %shift_right_logical3A_262 : vector<32x1024xi32>
    %add3A_264 = arith.addi %shift_left3A_260, %shift_right_logical3A_263 : vector<32x1024xi32>
    %xor3A_265 = arith.xori %add3A_264, %add3A_257 : vector<32x1024xi32>
    %add3A_266 = arith.addi %add3A_257, %xor3A_265 : vector<32x1024xi32>
    %shift_left3A_267 = arith.constant 26 : i32
    %shift_left3A_268 = vector.broadcast %shift_left3A_267 : i32 to vector<32x1024xi32>
    %shift_left3A_269 = arith.shli %xor3A_265, %shift_left3A_268 : vector<32x1024xi32>
    %shift_right_logical3A_270 = arith.constant 6 : i32
    %shift_right_logical3A_271 = vector.broadcast %shift_right_logical3A_270 : i32 to vector<32x1024xi32>
    %shift_right_logical3A_272 = arith.shrui %xor3A_265, %shift_right_logical3A_271 : vector<32x1024xi32>
    %add3A_273 = arith.addi %shift_left3A_269, %shift_right_logical3A_272 : vector<32x1024xi32>
    %xor3A_274 = arith.xori %add3A_273, %add3A_266 : vector<32x1024xi32>
    %add3A_275 = arith.addi %add3A_266, %xor3A_274 : vector<32x1024xi32>
    %shift_left3A_276 = arith.constant 6 : i32
    %shift_left3A_277 = vector.broadcast %shift_left3A_276 : i32 to vector<32x1024xi32>
    %shift_left3A_278 = arith.shli %xor3A_274, %shift_left3A_277 : vector<32x1024xi32>
    %shift_right_logical3A_279 = arith.constant 26 : i32
    %shift_right_logical3A_280 = vector.broadcast %shift_right_logical3A_279 : i32 to vector<32x1024xi32>
    %shift_right_logical3A_281 = arith.shrui %xor3A_274, %shift_right_logical3A_280 : vector<32x1024xi32>
    %add3A_282 = arith.addi %shift_left3A_278, %shift_right_logical3A_281 : vector<32x1024xi32>
    %xor3A_283 = arith.xori %add3A_282, %add3A_275 : vector<32x1024xi32>
    %add3A_284 = arith.constant 42 : i32
    %add3A_285 = vector.broadcast %add3A_284 : i32 to vector<32x1024xi32>
    %add3A_286 = arith.addi %add3A_275, %add3A_285 : vector<32x1024xi32>
    %add3A_287 = arith.constant 466689009 : i32
    %add3A_288 = vector.broadcast %add3A_287 : i32 to vector<32x1024xi32>
    %add3A_289 = arith.addi %xor3A_283, %add3A_288 : vector<32x1024xi32>
    %add3A_290 = arith.addi %add3A_286, %add3A_289 : vector<32x1024xi32>
    %shift_left3A_291 = arith.constant 17 : i32
    %shift_left3A_292 = vector.broadcast %shift_left3A_291 : i32 to vector<32x1024xi32>
    %shift_left3A_293 = arith.shli %add3A_289, %shift_left3A_292 : vector<32x1024xi32>
    %shift_right_logical3A_294 = arith.constant 15 : i32
    %shift_right_logical3A_295 = vector.broadcast %shift_right_logical3A_294 : i32 to vector<32x1024xi32>
    %shift_right_logical3A_296 = arith.shrui %add3A_289, %shift_right_logical3A_295 : vector<32x1024xi32>
    %add3A_297 = arith.addi %shift_left3A_293, %shift_right_logical3A_296 : vector<32x1024xi32>
    %xor3A_298 = arith.xori %add3A_297, %add3A_290 : vector<32x1024xi32>
    %add3A_299 = arith.addi %add3A_290, %xor3A_298 : vector<32x1024xi32>
    %shift_left3A_300 = arith.constant 29 : i32
    %shift_left3A_301 = vector.broadcast %shift_left3A_300 : i32 to vector<32x1024xi32>
    %shift_left3A_302 = arith.shli %xor3A_298, %shift_left3A_301 : vector<32x1024xi32>
    %shift_right_logical3A_303 = arith.constant 3 : i32
    %shift_right_logical3A_304 = vector.broadcast %shift_right_logical3A_303 : i32 to vector<32x1024xi32>
    %shift_right_logical3A_305 = arith.shrui %xor3A_298, %shift_right_logical3A_304 : vector<32x1024xi32>
    %add3A_306 = arith.addi %shift_left3A_302, %shift_right_logical3A_305 : vector<32x1024xi32>
    %xor3A_307 = arith.xori %add3A_306, %add3A_299 : vector<32x1024xi32>
    %add3A_308 = arith.addi %add3A_299, %xor3A_307 : vector<32x1024xi32>
    %shift_left3A_309 = arith.constant 16 : i32
    %shift_left3A_310 = vector.broadcast %shift_left3A_309 : i32 to vector<32x1024xi32>
    %shift_left3A_311 = arith.shli %xor3A_307, %shift_left3A_310 : vector<32x1024xi32>
    %shift_right_logical3A_312 = arith.constant 16 : i32
    %shift_right_logical3A_313 = vector.broadcast %shift_right_logical3A_312 : i32 to vector<32x1024xi32>
    %shift_right_logical3A_314 = arith.shrui %xor3A_307, %shift_right_logical3A_313 : vector<32x1024xi32>
    %add3A_315 = arith.addi %shift_left3A_311, %shift_right_logical3A_314 : vector<32x1024xi32>
    %xor3A_316 = arith.xori %add3A_315, %add3A_308 : vector<32x1024xi32>
    %add3A_317 = arith.addi %add3A_308, %xor3A_316 : vector<32x1024xi32>
    %shift_left3A_318 = arith.constant 24 : i32
    %shift_left3A_319 = vector.broadcast %shift_left3A_318 : i32 to vector<32x1024xi32>
    %shift_left3A_320 = arith.shli %xor3A_316, %shift_left3A_319 : vector<32x1024xi32>
    %shift_right_logical3A_321 = arith.constant 8 : i32
    %shift_right_logical3A_322 = vector.broadcast %shift_right_logical3A_321 : i32 to vector<32x1024xi32>
    %shift_right_logical3A_323 = arith.shrui %xor3A_316, %shift_right_logical3A_322 : vector<32x1024xi32>
    %add3A_324 = arith.addi %shift_left3A_320, %shift_right_logical3A_323 : vector<32x1024xi32>
    %xor3A_325 = arith.xori %add3A_324, %add3A_317 : vector<32x1024xi32>
    %add3A_326 = arith.constant 466689008 : i32
    %add3A_327 = vector.broadcast %add3A_326 : i32 to vector<32x1024xi32>
    %add3A_328 = arith.addi %add3A_317, %add3A_327 : vector<32x1024xi32>
    %add3A_329 = arith.constant 2 : i32
    %add3A_330 = vector.broadcast %add3A_329 : i32 to vector<32x1024xi32>
    %add3A_331 = arith.addi %xor3A_325, %add3A_330 : vector<32x1024xi32>
    %add3A_332 = arith.addi %add3A_328, %add3A_331 : vector<32x1024xi32>
    %shift_left3A_333 = arith.constant 13 : i32
    %shift_left3A_334 = vector.broadcast %shift_left3A_333 : i32 to vector<32x1024xi32>
    %shift_left3A_335 = arith.shli %add3A_331, %shift_left3A_334 : vector<32x1024xi32>
    %shift_right_logical3A_336 = arith.constant 19 : i32
    %shift_right_logical3A_337 = vector.broadcast %shift_right_logical3A_336 : i32 to vector<32x1024xi32>
    %shift_right_logical3A_338 = arith.shrui %add3A_331, %shift_right_logical3A_337 : vector<32x1024xi32>
    %add3A_339 = arith.addi %shift_left3A_335, %shift_right_logical3A_338 : vector<32x1024xi32>
    %xor3A_340 = arith.xori %add3A_339, %add3A_332 : vector<32x1024xi32>
    %add3A_341 = arith.addi %add3A_332, %xor3A_340 : vector<32x1024xi32>
    %shift_left3A_342 = arith.constant 15 : i32
    %shift_left3A_343 = vector.broadcast %shift_left3A_342 : i32 to vector<32x1024xi32>
    %shift_left3A_344 = arith.shli %xor3A_340, %shift_left3A_343 : vector<32x1024xi32>
    %shift_right_logical3A_345 = arith.constant 17 : i32
    %shift_right_logical3A_346 = vector.broadcast %shift_right_logical3A_345 : i32 to vector<32x1024xi32>
    %shift_right_logical3A_347 = arith.shrui %xor3A_340, %shift_right_logical3A_346 : vector<32x1024xi32>
    %add3A_348 = arith.addi %shift_left3A_344, %shift_right_logical3A_347 : vector<32x1024xi32>
    %xor3A_349 = arith.xori %add3A_348, %add3A_341 : vector<32x1024xi32>
    %add3A_350 = arith.addi %add3A_341, %xor3A_349 : vector<32x1024xi32>
    %shift_left3A_351 = arith.constant 26 : i32
    %shift_left3A_352 = vector.broadcast %shift_left3A_351 : i32 to vector<32x1024xi32>
    %shift_left3A_353 = arith.shli %xor3A_349, %shift_left3A_352 : vector<32x1024xi32>
    %shift_right_logical3A_354 = arith.constant 6 : i32
    %shift_right_logical3A_355 = vector.broadcast %shift_right_logical3A_354 : i32 to vector<32x1024xi32>
    %shift_right_logical3A_356 = arith.shrui %xor3A_349, %shift_right_logical3A_355 : vector<32x1024xi32>
    %add3A_357 = arith.addi %shift_left3A_353, %shift_right_logical3A_356 : vector<32x1024xi32>
    %xor3A_358 = arith.xori %add3A_357, %add3A_350 : vector<32x1024xi32>
    %add3A_359 = arith.addi %add3A_350, %xor3A_358 : vector<32x1024xi32>
    %shift_left3A_360 = arith.constant 6 : i32
    %shift_left3A_361 = vector.broadcast %shift_left3A_360 : i32 to vector<32x1024xi32>
    %shift_left3A_362 = arith.shli %xor3A_358, %shift_left3A_361 : vector<32x1024xi32>
    %shift_right_logical3A_363 = arith.constant 26 : i32
    %shift_right_logical3A_364 = vector.broadcast %shift_right_logical3A_363 : i32 to vector<32x1024xi32>
    %shift_right_logical3A_365 = arith.shrui %xor3A_358, %shift_right_logical3A_364 : vector<32x1024xi32>
    %add3A_366 = arith.addi %shift_left3A_362, %shift_right_logical3A_365 : vector<32x1024xi32>
    %xor3A_367 = arith.xori %add3A_366, %add3A_359 : vector<32x1024xi32>
    %add3A_368 = arith.constant 0 : i32
    %add3A_369 = vector.broadcast %add3A_368 : i32 to vector<32x1024xi32>
    %add3A_370 = arith.addi %add3A_359, %add3A_369 : vector<32x1024xi32>
    %add3A_371 = arith.constant 45 : i32
    %add3A_372 = vector.broadcast %add3A_371 : i32 to vector<32x1024xi32>
    %add3A_373 = arith.addi %xor3A_367, %add3A_372 : vector<32x1024xi32>
    %add3A_374 = arith.addi %add3A_370, %add3A_373 : vector<32x1024xi32>
    %shift_left3A_375 = arith.constant 17 : i32
    %shift_left3A_376 = vector.broadcast %shift_left3A_375 : i32 to vector<32x1024xi32>
    %shift_left3A_377 = arith.shli %add3A_373, %shift_left3A_376 : vector<32x1024xi32>
    %shift_right_logical3A_378 = arith.constant 15 : i32
    %shift_right_logical3A_379 = vector.broadcast %shift_right_logical3A_378 : i32 to vector<32x1024xi32>
    %shift_right_logical3A_380 = arith.shrui %add3A_373, %shift_right_logical3A_379 : vector<32x1024xi32>
    %add3A_381 = arith.addi %shift_left3A_377, %shift_right_logical3A_380 : vector<32x1024xi32>
    %xor3A_382 = arith.xori %add3A_381, %add3A_374 : vector<32x1024xi32>
    %add3A_383 = arith.addi %add3A_374, %xor3A_382 : vector<32x1024xi32>
    %shift_left3A_384 = arith.constant 29 : i32
    %shift_left3A_385 = vector.broadcast %shift_left3A_384 : i32 to vector<32x1024xi32>
    %shift_left3A_386 = arith.shli %xor3A_382, %shift_left3A_385 : vector<32x1024xi32>
    %shift_right_logical3A_387 = arith.constant 3 : i32
    %shift_right_logical3A_388 = vector.broadcast %shift_right_logical3A_387 : i32 to vector<32x1024xi32>
    %shift_right_logical3A_389 = arith.shrui %xor3A_382, %shift_right_logical3A_388 : vector<32x1024xi32>
    %add3A_390 = arith.addi %shift_left3A_386, %shift_right_logical3A_389 : vector<32x1024xi32>
    %xor3A_391 = arith.xori %add3A_390, %add3A_383 : vector<32x1024xi32>
    %add3A_392 = arith.addi %add3A_383, %xor3A_391 : vector<32x1024xi32>
    %shift_left3A_393 = arith.constant 16 : i32
    %shift_left3A_394 = vector.broadcast %shift_left3A_393 : i32 to vector<32x1024xi32>
    %shift_left3A_395 = arith.shli %xor3A_391, %shift_left3A_394 : vector<32x1024xi32>
    %shift_right_logical3A_396 = arith.constant 16 : i32
    %shift_right_logical3A_397 = vector.broadcast %shift_right_logical3A_396 : i32 to vector<32x1024xi32>
    %shift_right_logical3A_398 = arith.shrui %xor3A_391, %shift_right_logical3A_397 : vector<32x1024xi32>
    %add3A_399 = arith.addi %shift_left3A_395, %shift_right_logical3A_398 : vector<32x1024xi32>
    %xor3A_400 = arith.xori %add3A_399, %add3A_392 : vector<32x1024xi32>
    %add3A_401 = arith.addi %add3A_392, %xor3A_400 : vector<32x1024xi32>
    %shift_left3A_402 = arith.constant 24 : i32
    %shift_left3A_403 = vector.broadcast %shift_left3A_402 : i32 to vector<32x1024xi32>
    %shift_left3A_404 = arith.shli %xor3A_400, %shift_left3A_403 : vector<32x1024xi32>
    %shift_right_logical3A_405 = arith.constant 8 : i32
    %shift_right_logical3A_406 = vector.broadcast %shift_right_logical3A_405 : i32 to vector<32x1024xi32>
    %shift_right_logical3A_407 = arith.shrui %xor3A_400, %shift_right_logical3A_406 : vector<32x1024xi32>
    %add3A_408 = arith.addi %shift_left3A_404, %shift_right_logical3A_407 : vector<32x1024xi32>
    %xor3A_409 = arith.xori %add3A_408, %add3A_401 : vector<32x1024xi32>
    %add3A_410 = arith.constant 42 : i32
    %add3A_411 = vector.broadcast %add3A_410 : i32 to vector<32x1024xi32>
    %add3A_412 = arith.addi %add3A_401, %add3A_411 : vector<32x1024xi32>
    %add3A_413 = arith.constant 466689012 : i32
    %add3A_414 = vector.broadcast %add3A_413 : i32 to vector<32x1024xi32>
    %add3A_415 = arith.addi %xor3A_409, %add3A_414 : vector<32x1024xi32>
    %add3A_416 = arith.addi %add3A_412, %add3A_415 : vector<32x1024xi32>
    %shift_left3A_417 = arith.constant 13 : i32
    %shift_left3A_418 = vector.broadcast %shift_left3A_417 : i32 to vector<32x1024xi32>
    %shift_left3A_419 = arith.shli %add3A_415, %shift_left3A_418 : vector<32x1024xi32>
    %shift_right_logical3A_420 = arith.constant 19 : i32
    %shift_right_logical3A_421 = vector.broadcast %shift_right_logical3A_420 : i32 to vector<32x1024xi32>
    %shift_right_logical3A_422 = arith.shrui %add3A_415, %shift_right_logical3A_421 : vector<32x1024xi32>
    %add3A_423 = arith.addi %shift_left3A_419, %shift_right_logical3A_422 : vector<32x1024xi32>
    %xor3A_424 = arith.xori %add3A_423, %add3A_416 : vector<32x1024xi32>
    %add3A_425 = arith.addi %add3A_416, %xor3A_424 : vector<32x1024xi32>
    %shift_left3A_426 = arith.constant 15 : i32
    %shift_left3A_427 = vector.broadcast %shift_left3A_426 : i32 to vector<32x1024xi32>
    %shift_left3A_428 = arith.shli %xor3A_424, %shift_left3A_427 : vector<32x1024xi32>
    %shift_right_logical3A_429 = arith.constant 17 : i32
    %shift_right_logical3A_430 = vector.broadcast %shift_right_logical3A_429 : i32 to vector<32x1024xi32>
    %shift_right_logical3A_431 = arith.shrui %xor3A_424, %shift_right_logical3A_430 : vector<32x1024xi32>
    %add3A_432 = arith.addi %shift_left3A_428, %shift_right_logical3A_431 : vector<32x1024xi32>
    %xor3A_433 = arith.xori %add3A_432, %add3A_425 : vector<32x1024xi32>
    %add3A_434 = arith.addi %add3A_425, %xor3A_433 : vector<32x1024xi32>
    %shift_left3A_435 = arith.constant 26 : i32
    %shift_left3A_436 = vector.broadcast %shift_left3A_435 : i32 to vector<32x1024xi32>
    %shift_left3A_437 = arith.shli %xor3A_433, %shift_left3A_436 : vector<32x1024xi32>
    %shift_right_logical3A_438 = arith.constant 6 : i32
    %shift_right_logical3A_439 = vector.broadcast %shift_right_logical3A_438 : i32 to vector<32x1024xi32>
    %shift_right_logical3A_440 = arith.shrui %xor3A_433, %shift_right_logical3A_439 : vector<32x1024xi32>
    %add3A_441 = arith.addi %shift_left3A_437, %shift_right_logical3A_440 : vector<32x1024xi32>
    %xor3A_442 = arith.xori %add3A_441, %add3A_434 : vector<32x1024xi32>
    %add3A_443 = arith.addi %add3A_434, %xor3A_442 : vector<32x1024xi32>
    %shift_left3A_444 = arith.constant 6 : i32
    %shift_left3A_445 = vector.broadcast %shift_left3A_444 : i32 to vector<32x1024xi32>
    %shift_left3A_446 = arith.shli %xor3A_442, %shift_left3A_445 : vector<32x1024xi32>
    %shift_right_logical3A_447 = arith.constant 26 : i32
    %shift_right_logical3A_448 = vector.broadcast %shift_right_logical3A_447 : i32 to vector<32x1024xi32>
    %shift_right_logical3A_449 = arith.shrui %xor3A_442, %shift_right_logical3A_448 : vector<32x1024xi32>
    %add3A_450 = arith.addi %shift_left3A_446, %shift_right_logical3A_449 : vector<32x1024xi32>
    %xor3A_451 = arith.xori %add3A_450, %add3A_443 : vector<32x1024xi32>
    %add3A_452 = arith.constant 466689008 : i32
    %add3A_453 = vector.broadcast %add3A_452 : i32 to vector<32x1024xi32>
    %add3A_454 = arith.addi %add3A_443, %add3A_453 : vector<32x1024xi32>
    %add3A_455 = arith.constant 5 : i32
    %add3A_456 = vector.broadcast %add3A_455 : i32 to vector<32x1024xi32>
    %add3A_457 = arith.addi %xor3A_451, %add3A_456 : vector<32x1024xi32>
    %xor3A_458 = arith.xori %add3A_454, %add3A_457 : vector<32x1024xi32>
    %shift_right_logical3A_459 = arith.constant 9 : i32
    %shift_right_logical3A_460 = vector.broadcast %shift_right_logical3A_459 : i32 to vector<32x1024xi32>
    %shift_right_logical3A_461 = arith.shrui %xor3A_458, %shift_right_logical3A_460 : vector<32x1024xi32>
    %or3A_462 = arith.constant 1065353216 : i32
    %or3A_463 = vector.broadcast %or3A_462 : i32 to vector<32x1024xi32>
    %or3A_464 = arith.ori %shift_right_logical3A_461, %or3A_463 : vector<32x1024xi32>
    %bitcast_convert_type3A_465 = tpu.bitcast %or3A_464 : vector<32x1024xi32> -> vector<32x1024xf32>
    %sub3A_466 = arith.constant 1.000000e+00 : f32
    %sub3A_467 = vector.broadcast %sub3A_466 : f32 to vector<32x1024xf32>
    %sub3A_468 = arith.subf %bitcast_convert_type3A_465, %sub3A_467 : vector<32x1024xf32>
    %add3A_469 = arith.constant 1.17549435E-38 : f32
    %add3A_470 = vector.broadcast %add3A_469 : f32 to vector<32x1024xf32>
    %add3A_471 = arith.addf %sub3A_468, %add3A_470 : vector<32x1024xf32>
    %max3A_472 = arith.constant 1.17549435E-38 : f32
    %max3A_473 = vector.broadcast %max3A_472 : f32 to vector<32x1024xf32>
    %max3A_474 = arith.maximumf %max3A_473, %add3A_471 : vector<32x1024xf32>
    %log3A_475 = math.log %max3A_474 : vector<32x1024xf32>
    %neg3A_476 = arith.constant 0.000000e+00 : f32
    %neg3A_477 = vector.broadcast %neg3A_476 : f32 to vector<32x1024xf32>
    %neg3A_478 = arith.subf %neg3A_477, %log3A_475 : vector<32x1024xf32>
    %log3A_479 = math.log %neg3A_478 : vector<32x1024xf32>
    %neg3A_480 = arith.constant 0.000000e+00 : f32
    %neg3A_481 = vector.broadcast %neg3A_480 : f32 to vector<32x1024xf32>
    %neg3A_482 = arith.subf %neg3A_481, %log3A_479 : vector<32x1024xf32>
    %get3A_483 = arith.constant 0 : index
    %get3A_484 = arith.constant 1024 : index
    %get3A_485 = vector.load %arg1[%get3A_483, %get3A_484] : memref<32x8192xf32, #tpu.memory_space<vmem>>, vector<32x1024xf32>
    %add3A_486 = arith.addf %neg3A_482, %get3A_485 : vector<32x1024xf32>
    %gt3A_487 = arith.cmpf ogt, %add3A_486, %max3A_244 : vector<32x1024xf32>
    %max3A_488 = arith.maximumf %max3A_244, %add3A_486 : vector<32x1024xf32>
    %select_n3A_489 = arith.select %gt3A_487, %add3A_248, %select_n3A : vector<32x1024xi1>, vector<32x1024xi32>
    %add3A_490 = arith.constant 2048 : i32
    %add3A_491 = arith.addi %mul3A_3, %add3A_490 : i32
    %add3A_492 = vector.broadcast %add3A_491 : i32 to vector<32x1024xi32>
    %add3A_493 = arith.addi %get3A_5, %add3A_492 : vector<32x1024xi32>
    %shift_left3A_494 = arith.constant 13 : i32
    %shift_left3A_495 = vector.broadcast %shift_left3A_494 : i32 to vector<32x1024xi32>
    %shift_left3A_496 = arith.shli %add3A_493, %shift_left3A_495 : vector<32x1024xi32>
    %shift_right_logical3A_497 = arith.constant 19 : i32
    %shift_right_logical3A_498 = vector.broadcast %shift_right_logical3A_497 : i32 to vector<32x1024xi32>
    %shift_right_logical3A_499 = arith.shrui %add3A_493, %shift_right_logical3A_498 : vector<32x1024xi32>
    %add3A_500 = arith.addi %shift_left3A_496, %shift_right_logical3A_499 : vector<32x1024xi32>
    %xor3A_501 = arith.xori %add3A_500, %add3A_493 : vector<32x1024xi32>
    %add3A_502 = arith.addi %add3A_493, %xor3A_501 : vector<32x1024xi32>
    %shift_left3A_503 = arith.constant 15 : i32
    %shift_left3A_504 = vector.broadcast %shift_left3A_503 : i32 to vector<32x1024xi32>
    %shift_left3A_505 = arith.shli %xor3A_501, %shift_left3A_504 : vector<32x1024xi32>
    %shift_right_logical3A_506 = arith.constant 17 : i32
    %shift_right_logical3A_507 = vector.broadcast %shift_right_logical3A_506 : i32 to vector<32x1024xi32>
    %shift_right_logical3A_508 = arith.shrui %xor3A_501, %shift_right_logical3A_507 : vector<32x1024xi32>
    %add3A_509 = arith.addi %shift_left3A_505, %shift_right_logical3A_508 : vector<32x1024xi32>
    %xor3A_510 = arith.xori %add3A_509, %add3A_502 : vector<32x1024xi32>
    %add3A_511 = arith.addi %add3A_502, %xor3A_510 : vector<32x1024xi32>
    %shift_left3A_512 = arith.constant 26 : i32
    %shift_left3A_513 = vector.broadcast %shift_left3A_512 : i32 to vector<32x1024xi32>
    %shift_left3A_514 = arith.shli %xor3A_510, %shift_left3A_513 : vector<32x1024xi32>
    %shift_right_logical3A_515 = arith.constant 6 : i32
    %shift_right_logical3A_516 = vector.broadcast %shift_right_logical3A_515 : i32 to vector<32x1024xi32>
    %shift_right_logical3A_517 = arith.shrui %xor3A_510, %shift_right_logical3A_516 : vector<32x1024xi32>
    %add3A_518 = arith.addi %shift_left3A_514, %shift_right_logical3A_517 : vector<32x1024xi32>
    %xor3A_519 = arith.xori %add3A_518, %add3A_511 : vector<32x1024xi32>
    %add3A_520 = arith.addi %add3A_511, %xor3A_519 : vector<32x1024xi32>
    %shift_left3A_521 = arith.constant 6 : i32
    %shift_left3A_522 = vector.broadcast %shift_left3A_521 : i32 to vector<32x1024xi32>
    %shift_left3A_523 = arith.shli %xor3A_519, %shift_left3A_522 : vector<32x1024xi32>
    %shift_right_logical3A_524 = arith.constant 26 : i32
    %shift_right_logical3A_525 = vector.broadcast %shift_right_logical3A_524 : i32 to vector<32x1024xi32>
    %shift_right_logical3A_526 = arith.shrui %xor3A_519, %shift_right_logical3A_525 : vector<32x1024xi32>
    %add3A_527 = arith.addi %shift_left3A_523, %shift_right_logical3A_526 : vector<32x1024xi32>
    %xor3A_528 = arith.xori %add3A_527, %add3A_520 : vector<32x1024xi32>
    %add3A_529 = arith.constant 42 : i32
    %add3A_530 = vector.broadcast %add3A_529 : i32 to vector<32x1024xi32>
    %add3A_531 = arith.addi %add3A_520, %add3A_530 : vector<32x1024xi32>
    %add3A_532 = arith.constant 466689009 : i32
    %add3A_533 = vector.broadcast %add3A_532 : i32 to vector<32x1024xi32>
    %add3A_534 = arith.addi %xor3A_528, %add3A_533 : vector<32x1024xi32>
    %add3A_535 = arith.addi %add3A_531, %add3A_534 : vector<32x1024xi32>
    %shift_left3A_536 = arith.constant 17 : i32
    %shift_left3A_537 = vector.broadcast %shift_left3A_536 : i32 to vector<32x1024xi32>
    %shift_left3A_538 = arith.shli %add3A_534, %shift_left3A_537 : vector<32x1024xi32>
    %shift_right_logical3A_539 = arith.constant 15 : i32
    %shift_right_logical3A_540 = vector.broadcast %shift_right_logical3A_539 : i32 to vector<32x1024xi32>
    %shift_right_logical3A_541 = arith.shrui %add3A_534, %shift_right_logical3A_540 : vector<32x1024xi32>
    %add3A_542 = arith.addi %shift_left3A_538, %shift_right_logical3A_541 : vector<32x1024xi32>
    %xor3A_543 = arith.xori %add3A_542, %add3A_535 : vector<32x1024xi32>
    %add3A_544 = arith.addi %add3A_535, %xor3A_543 : vector<32x1024xi32>
    %shift_left3A_545 = arith.constant 29 : i32
    %shift_left3A_546 = vector.broadcast %shift_left3A_545 : i32 to vector<32x1024xi32>
    %shift_left3A_547 = arith.shli %xor3A_543, %shift_left3A_546 : vector<32x1024xi32>
    %shift_right_logical3A_548 = arith.constant 3 : i32
    %shift_right_logical3A_549 = vector.broadcast %shift_right_logical3A_548 : i32 to vector<32x1024xi32>
    %shift_right_logical3A_550 = arith.shrui %xor3A_543, %shift_right_logical3A_549 : vector<32x1024xi32>
    %add3A_551 = arith.addi %shift_left3A_547, %shift_right_logical3A_550 : vector<32x1024xi32>
    %xor3A_552 = arith.xori %add3A_551, %add3A_544 : vector<32x1024xi32>
    %add3A_553 = arith.addi %add3A_544, %xor3A_552 : vector<32x1024xi32>
    %shift_left3A_554 = arith.constant 16 : i32
    %shift_left3A_555 = vector.broadcast %shift_left3A_554 : i32 to vector<32x1024xi32>
    %shift_left3A_556 = arith.shli %xor3A_552, %shift_left3A_555 : vector<32x1024xi32>
    %shift_right_logical3A_557 = arith.constant 16 : i32
    %shift_right_logical3A_558 = vector.broadcast %shift_right_logical3A_557 : i32 to vector<32x1024xi32>
    %shift_right_logical3A_559 = arith.shrui %xor3A_552, %shift_right_logical3A_558 : vector<32x1024xi32>
    %add3A_560 = arith.addi %shift_left3A_556, %shift_right_logical3A_559 : vector<32x1024xi32>
    %xor3A_561 = arith.xori %add3A_560, %add3A_553 : vector<32x1024xi32>
    %add3A_562 = arith.addi %add3A_553, %xor3A_561 : vector<32x1024xi32>
    %shift_left3A_563 = arith.constant 24 : i32
    %shift_left3A_564 = vector.broadcast %shift_left3A_563 : i32 to vector<32x1024xi32>
    %shift_left3A_565 = arith.shli %xor3A_561, %shift_left3A_564 : vector<32x1024xi32>
    %shift_right_logical3A_566 = arith.constant 8 : i32
    %shift_right_logical3A_567 = vector.broadcast %shift_right_logical3A_566 : i32 to vector<32x1024xi32>
    %shift_right_logical3A_568 = arith.shrui %xor3A_561, %shift_right_logical3A_567 : vector<32x1024xi32>
    %add3A_569 = arith.addi %shift_left3A_565, %shift_right_logical3A_568 : vector<32x1024xi32>
    %xor3A_570 = arith.xori %add3A_569, %add3A_562 : vector<32x1024xi32>
    %add3A_571 = arith.constant 466689008 : i32
    %add3A_572 = vector.broadcast %add3A_571 : i32 to vector<32x1024xi32>
    %add3A_573 = arith.addi %add3A_562, %add3A_572 : vector<32x1024xi32>
    %add3A_574 = arith.constant 2 : i32
    %add3A_575 = vector.broadcast %add3A_574 : i32 to vector<32x1024xi32>
    %add3A_576 = arith.addi %xor3A_570, %add3A_575 : vector<32x1024xi32>
    %add3A_577 = arith.addi %add3A_573, %add3A_576 : vector<32x1024xi32>
    %shift_left3A_578 = arith.constant 13 : i32
    %shift_left3A_579 = vector.broadcast %shift_left3A_578 : i32 to vector<32x1024xi32>
    %shift_left3A_580 = arith.shli %add3A_576, %shift_left3A_579 : vector<32x1024xi32>
    %shift_right_logical3A_581 = arith.constant 19 : i32
    %shift_right_logical3A_582 = vector.broadcast %shift_right_logical3A_581 : i32 to vector<32x1024xi32>
    %shift_right_logical3A_583 = arith.shrui %add3A_576, %shift_right_logical3A_582 : vector<32x1024xi32>
    %add3A_584 = arith.addi %shift_left3A_580, %shift_right_logical3A_583 : vector<32x1024xi32>
    %xor3A_585 = arith.xori %add3A_584, %add3A_577 : vector<32x1024xi32>
    %add3A_586 = arith.addi %add3A_577, %xor3A_585 : vector<32x1024xi32>
    %shift_left3A_587 = arith.constant 15 : i32
    %shift_left3A_588 = vector.broadcast %shift_left3A_587 : i32 to vector<32x1024xi32>
    %shift_left3A_589 = arith.shli %xor3A_585, %shift_left3A_588 : vector<32x1024xi32>
    %shift_right_logical3A_590 = arith.constant 17 : i32
    %shift_right_logical3A_591 = vector.broadcast %shift_right_logical3A_590 : i32 to vector<32x1024xi32>
    %shift_right_logical3A_592 = arith.shrui %xor3A_585, %shift_right_logical3A_591 : vector<32x1024xi32>
    %add3A_593 = arith.addi %shift_left3A_589, %shift_right_logical3A_592 : vector<32x1024xi32>
    %xor3A_594 = arith.xori %add3A_593, %add3A_586 : vector<32x1024xi32>
    %add3A_595 = arith.addi %add3A_586, %xor3A_594 : vector<32x1024xi32>
    %shift_left3A_596 = arith.constant 26 : i32
    %shift_left3A_597 = vector.broadcast %shift_left3A_596 : i32 to vector<32x1024xi32>
    %shift_left3A_598 = arith.shli %xor3A_594, %shift_left3A_597 : vector<32x1024xi32>
    %shift_right_logical3A_599 = arith.constant 6 : i32
    %shift_right_logical3A_600 = vector.broadcast %shift_right_logical3A_599 : i32 to vector<32x1024xi32>
    %shift_right_logical3A_601 = arith.shrui %xor3A_594, %shift_right_logical3A_600 : vector<32x1024xi32>
    %add3A_602 = arith.addi %shift_left3A_598, %shift_right_logical3A_601 : vector<32x1024xi32>
    %xor3A_603 = arith.xori %add3A_602, %add3A_595 : vector<32x1024xi32>
    %add3A_604 = arith.addi %add3A_595, %xor3A_603 : vector<32x1024xi32>
    %shift_left3A_605 = arith.constant 6 : i32
    %shift_left3A_606 = vector.broadcast %shift_left3A_605 : i32 to vector<32x1024xi32>
    %shift_left3A_607 = arith.shli %xor3A_603, %shift_left3A_606 : vector<32x1024xi32>
    %shift_right_logical3A_608 = arith.constant 26 : i32
    %shift_right_logical3A_609 = vector.broadcast %shift_right_logical3A_608 : i32 to vector<32x1024xi32>
    %shift_right_logical3A_610 = arith.shrui %xor3A_603, %shift_right_logical3A_609 : vector<32x1024xi32>
    %add3A_611 = arith.addi %shift_left3A_607, %shift_right_logical3A_610 : vector<32x1024xi32>
    %xor3A_612 = arith.xori %add3A_611, %add3A_604 : vector<32x1024xi32>
    %add3A_613 = arith.constant 0 : i32
    %add3A_614 = vector.broadcast %add3A_613 : i32 to vector<32x1024xi32>
    %add3A_615 = arith.addi %add3A_604, %add3A_614 : vector<32x1024xi32>
    %add3A_616 = arith.constant 45 : i32
    %add3A_617 = vector.broadcast %add3A_616 : i32 to vector<32x1024xi32>
    %add3A_618 = arith.addi %xor3A_612, %add3A_617 : vector<32x1024xi32>
    %add3A_619 = arith.addi %add3A_615, %add3A_618 : vector<32x1024xi32>
    %shift_left3A_620 = arith.constant 17 : i32
    %shift_left3A_621 = vector.broadcast %shift_left3A_620 : i32 to vector<32x1024xi32>
    %shift_left3A_622 = arith.shli %add3A_618, %shift_left3A_621 : vector<32x1024xi32>
    %shift_right_logical3A_623 = arith.constant 15 : i32
    %shift_right_logical3A_624 = vector.broadcast %shift_right_logical3A_623 : i32 to vector<32x1024xi32>
    %shift_right_logical3A_625 = arith.shrui %add3A_618, %shift_right_logical3A_624 : vector<32x1024xi32>
    %add3A_626 = arith.addi %shift_left3A_622, %shift_right_logical3A_625 : vector<32x1024xi32>
    %xor3A_627 = arith.xori %add3A_626, %add3A_619 : vector<32x1024xi32>
    %add3A_628 = arith.addi %add3A_619, %xor3A_627 : vector<32x1024xi32>
    %shift_left3A_629 = arith.constant 29 : i32
    %shift_left3A_630 = vector.broadcast %shift_left3A_629 : i32 to vector<32x1024xi32>
    %shift_left3A_631 = arith.shli %xor3A_627, %shift_left3A_630 : vector<32x1024xi32>
    %shift_right_logical3A_632 = arith.constant 3 : i32
    %shift_right_logical3A_633 = vector.broadcast %shift_right_logical3A_632 : i32 to vector<32x1024xi32>
    %shift_right_logical3A_634 = arith.shrui %xor3A_627, %shift_right_logical3A_633 : vector<32x1024xi32>
    %add3A_635 = arith.addi %shift_left3A_631, %shift_right_logical3A_634 : vector<32x1024xi32>
    %xor3A_636 = arith.xori %add3A_635, %add3A_628 : vector<32x1024xi32>
    %add3A_637 = arith.addi %add3A_628, %xor3A_636 : vector<32x1024xi32>
    %shift_left3A_638 = arith.constant 16 : i32
    %shift_left3A_639 = vector.broadcast %shift_left3A_638 : i32 to vector<32x1024xi32>
    %shift_left3A_640 = arith.shli %xor3A_636, %shift_left3A_639 : vector<32x1024xi32>
    %shift_right_logical3A_641 = arith.constant 16 : i32
    %shift_right_logical3A_642 = vector.broadcast %shift_right_logical3A_641 : i32 to vector<32x1024xi32>
    %shift_right_logical3A_643 = arith.shrui %xor3A_636, %shift_right_logical3A_642 : vector<32x1024xi32>
    %add3A_644 = arith.addi %shift_left3A_640, %shift_right_logical3A_643 : vector<32x1024xi32>
    %xor3A_645 = arith.xori %add3A_644, %add3A_637 : vector<32x1024xi32>
    %add3A_646 = arith.addi %add3A_637, %xor3A_645 : vector<32x1024xi32>
    %shift_left3A_647 = arith.constant 24 : i32
    %shift_left3A_648 = vector.broadcast %shift_left3A_647 : i32 to vector<32x1024xi32>
    %shift_left3A_649 = arith.shli %xor3A_645, %shift_left3A_648 : vector<32x1024xi32>
    %shift_right_logical3A_650 = arith.constant 8 : i32
    %shift_right_logical3A_651 = vector.broadcast %shift_right_logical3A_650 : i32 to vector<32x1024xi32>
    %shift_right_logical3A_652 = arith.shrui %xor3A_645, %shift_right_logical3A_651 : vector<32x1024xi32>
    %add3A_653 = arith.addi %shift_left3A_649, %shift_right_logical3A_652 : vector<32x1024xi32>
    %xor3A_654 = arith.xori %add3A_653, %add3A_646 : vector<32x1024xi32>
    %add3A_655 = arith.constant 42 : i32
    %add3A_656 = vector.broadcast %add3A_655 : i32 to vector<32x1024xi32>
    %add3A_657 = arith.addi %add3A_646, %add3A_656 : vector<32x1024xi32>
    %add3A_658 = arith.constant 466689012 : i32
    %add3A_659 = vector.broadcast %add3A_658 : i32 to vector<32x1024xi32>
    %add3A_660 = arith.addi %xor3A_654, %add3A_659 : vector<32x1024xi32>
    %add3A_661 = arith.addi %add3A_657, %add3A_660 : vector<32x1024xi32>
    %shift_left3A_662 = arith.constant 13 : i32
    %shift_left3A_663 = vector.broadcast %shift_left3A_662 : i32 to vector<32x1024xi32>
    %shift_left3A_664 = arith.shli %add3A_660, %shift_left3A_663 : vector<32x1024xi32>
    %shift_right_logical3A_665 = arith.constant 19 : i32
    %shift_right_logical3A_666 = vector.broadcast %shift_right_logical3A_665 : i32 to vector<32x1024xi32>
    %shift_right_logical3A_667 = arith.shrui %add3A_660, %shift_right_logical3A_666 : vector<32x1024xi32>
    %add3A_668 = arith.addi %shift_left3A_664, %shift_right_logical3A_667 : vector<32x1024xi32>
    %xor3A_669 = arith.xori %add3A_668, %add3A_661 : vector<32x1024xi32>
    %add3A_670 = arith.addi %add3A_661, %xor3A_669 : vector<32x1024xi32>
    %shift_left3A_671 = arith.constant 15 : i32
    %shift_left3A_672 = vector.broadcast %shift_left3A_671 : i32 to vector<32x1024xi32>
    %shift_left3A_673 = arith.shli %xor3A_669, %shift_left3A_672 : vector<32x1024xi32>
    %shift_right_logical3A_674 = arith.constant 17 : i32
    %shift_right_logical3A_675 = vector.broadcast %shift_right_logical3A_674 : i32 to vector<32x1024xi32>
    %shift_right_logical3A_676 = arith.shrui %xor3A_669, %shift_right_logical3A_675 : vector<32x1024xi32>
    %add3A_677 = arith.addi %shift_left3A_673, %shift_right_logical3A_676 : vector<32x1024xi32>
    %xor3A_678 = arith.xori %add3A_677, %add3A_670 : vector<32x1024xi32>
    %add3A_679 = arith.addi %add3A_670, %xor3A_678 : vector<32x1024xi32>
    %shift_left3A_680 = arith.constant 26 : i32
    %shift_left3A_681 = vector.broadcast %shift_left3A_680 : i32 to vector<32x1024xi32>
    %shift_left3A_682 = arith.shli %xor3A_678, %shift_left3A_681 : vector<32x1024xi32>
    %shift_right_logical3A_683 = arith.constant 6 : i32
    %shift_right_logical3A_684 = vector.broadcast %shift_right_logical3A_683 : i32 to vector<32x1024xi32>
    %shift_right_logical3A_685 = arith.shrui %xor3A_678, %shift_right_logical3A_684 : vector<32x1024xi32>
    %add3A_686 = arith.addi %shift_left3A_682, %shift_right_logical3A_685 : vector<32x1024xi32>
    %xor3A_687 = arith.xori %add3A_686, %add3A_679 : vector<32x1024xi32>
    %add3A_688 = arith.addi %add3A_679, %xor3A_687 : vector<32x1024xi32>
    %shift_left3A_689 = arith.constant 6 : i32
    %shift_left3A_690 = vector.broadcast %shift_left3A_689 : i32 to vector<32x1024xi32>
    %shift_left3A_691 = arith.shli %xor3A_687, %shift_left3A_690 : vector<32x1024xi32>
    %shift_right_logical3A_692 = arith.constant 26 : i32
    %shift_right_logical3A_693 = vector.broadcast %shift_right_logical3A_692 : i32 to vector<32x1024xi32>
    %shift_right_logical3A_694 = arith.shrui %xor3A_687, %shift_right_logical3A_693 : vector<32x1024xi32>
    %add3A_695 = arith.addi %shift_left3A_691, %shift_right_logical3A_694 : vector<32x1024xi32>
    %xor3A_696 = arith.xori %add3A_695, %add3A_688 : vector<32x1024xi32>
    %add3A_697 = arith.constant 466689008 : i32
    %add3A_698 = vector.broadcast %add3A_697 : i32 to vector<32x1024xi32>
    %add3A_699 = arith.addi %add3A_688, %add3A_698 : vector<32x1024xi32>
    %add3A_700 = arith.constant 5 : i32
    %add3A_701 = vector.broadcast %add3A_700 : i32 to vector<32x1024xi32>
    %add3A_702 = arith.addi %xor3A_696, %add3A_701 : vector<32x1024xi32>
    %xor3A_703 = arith.xori %add3A_699, %add3A_702 : vector<32x1024xi32>
    %shift_right_logical3A_704 = arith.constant 9 : i32
    %shift_right_logical3A_705 = vector.broadcast %shift_right_logical3A_704 : i32 to vector<32x1024xi32>
    %shift_right_logical3A_706 = arith.shrui %xor3A_703, %shift_right_logical3A_705 : vector<32x1024xi32>
    %or3A_707 = arith.constant 1065353216 : i32
    %or3A_708 = vector.broadcast %or3A_707 : i32 to vector<32x1024xi32>
    %or3A_709 = arith.ori %shift_right_logical3A_706, %or3A_708 : vector<32x1024xi32>
    %bitcast_convert_type3A_710 = tpu.bitcast %or3A_709 : vector<32x1024xi32> -> vector<32x1024xf32>
    %sub3A_711 = arith.constant 1.000000e+00 : f32
    %sub3A_712 = vector.broadcast %sub3A_711 : f32 to vector<32x1024xf32>
    %sub3A_713 = arith.subf %bitcast_convert_type3A_710, %sub3A_712 : vector<32x1024xf32>
    %add3A_714 = arith.constant 1.17549435E-38 : f32
    %add3A_715 = vector.broadcast %add3A_714 : f32 to vector<32x1024xf32>
    %add3A_716 = arith.addf %sub3A_713, %add3A_715 : vector<32x1024xf32>
    %max3A_717 = arith.constant 1.17549435E-38 : f32
    %max3A_718 = vector.broadcast %max3A_717 : f32 to vector<32x1024xf32>
    %max3A_719 = arith.maximumf %max3A_718, %add3A_716 : vector<32x1024xf32>
    %log3A_720 = math.log %max3A_719 : vector<32x1024xf32>
    %neg3A_721 = arith.constant 0.000000e+00 : f32
    %neg3A_722 = vector.broadcast %neg3A_721 : f32 to vector<32x1024xf32>
    %neg3A_723 = arith.subf %neg3A_722, %log3A_720 : vector<32x1024xf32>
    %log3A_724 = math.log %neg3A_723 : vector<32x1024xf32>
    %neg3A_725 = arith.constant 0.000000e+00 : f32
    %neg3A_726 = vector.broadcast %neg3A_725 : f32 to vector<32x1024xf32>
    %neg3A_727 = arith.subf %neg3A_726, %log3A_724 : vector<32x1024xf32>
    %get3A_728 = arith.constant 0 : index
    %get3A_729 = arith.constant 2048 : index
    %get3A_730 = vector.load %arg1[%get3A_728, %get3A_729] : memref<32x8192xf32, #tpu.memory_space<vmem>>, vector<32x1024xf32>
    %add3A_731 = arith.addf %neg3A_727, %get3A_730 : vector<32x1024xf32>
    %gt3A_732 = arith.cmpf ogt, %add3A_731, %max3A_488 : vector<32x1024xf32>
    %max3A_733 = arith.maximumf %max3A_488, %add3A_731 : vector<32x1024xf32>
    %select_n3A_734 = arith.select %gt3A_732, %add3A_493, %select_n3A_489 : vector<32x1024xi1>, vector<32x1024xi32>
    %add3A_735 = arith.constant 3072 : i32
    %add3A_736 = arith.addi %mul3A_3, %add3A_735 : i32
    %add3A_737 = vector.broadcast %add3A_736 : i32 to vector<32x1024xi32>
    %add3A_738 = arith.addi %get3A_5, %add3A_737 : vector<32x1024xi32>
    %shift_left3A_739 = arith.constant 13 : i32
    %shift_left3A_740 = vector.broadcast %shift_left3A_739 : i32 to vector<32x1024xi32>
    %shift_left3A_741 = arith.shli %add3A_738, %shift_left3A_740 : vector<32x1024xi32>
    %shift_right_logical3A_742 = arith.constant 19 : i32
    %shift_right_logical3A_743 = vector.broadcast %shift_right_logical3A_742 : i32 to vector<32x1024xi32>
    %shift_right_logical3A_744 = arith.shrui %add3A_738, %shift_right_logical3A_743 : vector<32x1024xi32>
    %add3A_745 = arith.addi %shift_left3A_741, %shift_right_logical3A_744 : vector<32x1024xi32>
    %xor3A_746 = arith.xori %add3A_745, %add3A_738 : vector<32x1024xi32>
    %add3A_747 = arith.addi %add3A_738, %xor3A_746 : vector<32x1024xi32>
    %shift_left3A_748 = arith.constant 15 : i32
    %shift_left3A_749 = vector.broadcast %shift_left3A_748 : i32 to vector<32x1024xi32>
    %shift_left3A_750 = arith.shli %xor3A_746, %shift_left3A_749 : vector<32x1024xi32>
    %shift_right_logical3A_751 = arith.constant 17 : i32
    %shift_right_logical3A_752 = vector.broadcast %shift_right_logical3A_751 : i32 to vector<32x1024xi32>
    %shift_right_logical3A_753 = arith.shrui %xor3A_746, %shift_right_logical3A_752 : vector<32x1024xi32>
    %add3A_754 = arith.addi %shift_left3A_750, %shift_right_logical3A_753 : vector<32x1024xi32>
    %xor3A_755 = arith.xori %add3A_754, %add3A_747 : vector<32x1024xi32>
    %add3A_756 = arith.addi %add3A_747, %xor3A_755 : vector<32x1024xi32>
    %shift_left3A_757 = arith.constant 26 : i32
    %shift_left3A_758 = vector.broadcast %shift_left3A_757 : i32 to vector<32x1024xi32>
    %shift_left3A_759 = arith.shli %xor3A_755, %shift_left3A_758 : vector<32x1024xi32>
    %shift_right_logical3A_760 = arith.constant 6 : i32
    %shift_right_logical3A_761 = vector.broadcast %shift_right_logical3A_760 : i32 to vector<32x1024xi32>
    %shift_right_logical3A_762 = arith.shrui %xor3A_755, %shift_right_logical3A_761 : vector<32x1024xi32>
    %add3A_763 = arith.addi %shift_left3A_759, %shift_right_logical3A_762 : vector<32x1024xi32>
    %xor3A_764 = arith.xori %add3A_763, %add3A_756 : vector<32x1024xi32>
    %add3A_765 = arith.addi %add3A_756, %xor3A_764 : vector<32x1024xi32>
    %shift_left3A_766 = arith.constant 6 : i32
    %shift_left3A_767 = vector.broadcast %shift_left3A_766 : i32 to vector<32x1024xi32>
    %shift_left3A_768 = arith.shli %xor3A_764, %shift_left3A_767 : vector<32x1024xi32>
    %shift_right_logical3A_769 = arith.constant 26 : i32
    %shift_right_logical3A_770 = vector.broadcast %shift_right_logical3A_769 : i32 to vector<32x1024xi32>
    %shift_right_logical3A_771 = arith.shrui %xor3A_764, %shift_right_logical3A_770 : vector<32x1024xi32>
    %add3A_772 = arith.addi %shift_left3A_768, %shift_right_logical3A_771 : vector<32x1024xi32>
    %xor3A_773 = arith.xori %add3A_772, %add3A_765 : vector<32x1024xi32>
    %add3A_774 = arith.constant 42 : i32
    %add3A_775 = vector.broadcast %add3A_774 : i32 to vector<32x1024xi32>
    %add3A_776 = arith.addi %add3A_765, %add3A_775 : vector<32x1024xi32>
    %add3A_777 = arith.constant 466689009 : i32
    %add3A_778 = vector.broadcast %add3A_777 : i32 to vector<32x1024xi32>
    %add3A_779 = arith.addi %xor3A_773, %add3A_778 : vector<32x1024xi32>
    %add3A_780 = arith.addi %add3A_776, %add3A_779 : vector<32x1024xi32>
    %shift_left3A_781 = arith.constant 17 : i32
    %shift_left3A_782 = vector.broadcast %shift_left3A_781 : i32 to vector<32x1024xi32>
    %shift_left3A_783 = arith.shli %add3A_779, %shift_left3A_782 : vector<32x1024xi32>
    %shift_right_logical3A_784 = arith.constant 15 : i32
    %shift_right_logical3A_785 = vector.broadcast %shift_right_logical3A_784 : i32 to vector<32x1024xi32>
    %shift_right_logical3A_786 = arith.shrui %add3A_779, %shift_right_logical3A_785 : vector<32x1024xi32>
    %add3A_787 = arith.addi %shift_left3A_783, %shift_right_logical3A_786 : vector<32x1024xi32>
    %xor3A_788 = arith.xori %add3A_787, %add3A_780 : vector<32x1024xi32>
    %add3A_789 = arith.addi %add3A_780, %xor3A_788 : vector<32x1024xi32>
    %shift_left3A_790 = arith.constant 29 : i32
    %shift_left3A_791 = vector.broadcast %shift_left3A_790 : i32 to vector<32x1024xi32>
    %shift_left3A_792 = arith.shli %xor3A_788, %shift_left3A_791 : vector<32x1024xi32>
    %shift_right_logical3A_793 = arith.constant 3 : i32
    %shift_right_logical3A_794 = vector.broadcast %shift_right_logical3A_793 : i32 to vector<32x1024xi32>
    %shift_right_logical3A_795 = arith.shrui %xor3A_788, %shift_right_logical3A_794 : vector<32x1024xi32>
    %add3A_796 = arith.addi %shift_left3A_792, %shift_right_logical3A_795 : vector<32x1024xi32>
    %xor3A_797 = arith.xori %add3A_796, %add3A_789 : vector<32x1024xi32>
    %add3A_798 = arith.addi %add3A_789, %xor3A_797 : vector<32x1024xi32>
    %shift_left3A_799 = arith.constant 16 : i32
    %shift_left3A_800 = vector.broadcast %shift_left3A_799 : i32 to vector<32x1024xi32>
    %shift_left3A_801 = arith.shli %xor3A_797, %shift_left3A_800 : vector<32x1024xi32>
    %shift_right_logical3A_802 = arith.constant 16 : i32
    %shift_right_logical3A_803 = vector.broadcast %shift_right_logical3A_802 : i32 to vector<32x1024xi32>
    %shift_right_logical3A_804 = arith.shrui %xor3A_797, %shift_right_logical3A_803 : vector<32x1024xi32>
    %add3A_805 = arith.addi %shift_left3A_801, %shift_right_logical3A_804 : vector<32x1024xi32>
    %xor3A_806 = arith.xori %add3A_805, %add3A_798 : vector<32x1024xi32>
    %add3A_807 = arith.addi %add3A_798, %xor3A_806 : vector<32x1024xi32>
    %shift_left3A_808 = arith.constant 24 : i32
    %shift_left3A_809 = vector.broadcast %shift_left3A_808 : i32 to vector<32x1024xi32>
    %shift_left3A_810 = arith.shli %xor3A_806, %shift_left3A_809 : vector<32x1024xi32>
    %shift_right_logical3A_811 = arith.constant 8 : i32
    %shift_right_logical3A_812 = vector.broadcast %shift_right_logical3A_811 : i32 to vector<32x1024xi32>
    %shift_right_logical3A_813 = arith.shrui %xor3A_806, %shift_right_logical3A_812 : vector<32x1024xi32>
    %add3A_814 = arith.addi %shift_left3A_810, %shift_right_logical3A_813 : vector<32x1024xi32>
    %xor3A_815 = arith.xori %add3A_814, %add3A_807 : vector<32x1024xi32>
    %add3A_816 = arith.constant 466689008 : i32
    %add3A_817 = vector.broadcast %add3A_816 : i32 to vector<32x1024xi32>
    %add3A_818 = arith.addi %add3A_807, %add3A_817 : vector<32x1024xi32>
    %add3A_819 = arith.constant 2 : i32
    %add3A_820 = vector.broadcast %add3A_819 : i32 to vector<32x1024xi32>
    %add3A_821 = arith.addi %xor3A_815, %add3A_820 : vector<32x1024xi32>
    %add3A_822 = arith.addi %add3A_818, %add3A_821 : vector<32x1024xi32>
    %shift_left3A_823 = arith.constant 13 : i32
    %shift_left3A_824 = vector.broadcast %shift_left3A_823 : i32 to vector<32x1024xi32>
    %shift_left3A_825 = arith.shli %add3A_821, %shift_left3A_824 : vector<32x1024xi32>
    %shift_right_logical3A_826 = arith.constant 19 : i32
    %shift_right_logical3A_827 = vector.broadcast %shift_right_logical3A_826 : i32 to vector<32x1024xi32>
    %shift_right_logical3A_828 = arith.shrui %add3A_821, %shift_right_logical3A_827 : vector<32x1024xi32>
    %add3A_829 = arith.addi %shift_left3A_825, %shift_right_logical3A_828 : vector<32x1024xi32>
    %xor3A_830 = arith.xori %add3A_829, %add3A_822 : vector<32x1024xi32>
    %add3A_831 = arith.addi %add3A_822, %xor3A_830 : vector<32x1024xi32>
    %shift_left3A_832 = arith.constant 15 : i32
    %shift_left3A_833 = vector.broadcast %shift_left3A_832 : i32 to vector<32x1024xi32>
    %shift_left3A_834 = arith.shli %xor3A_830, %shift_left3A_833 : vector<32x1024xi32>
    %shift_right_logical3A_835 = arith.constant 17 : i32
    %shift_right_logical3A_836 = vector.broadcast %shift_right_logical3A_835 : i32 to vector<32x1024xi32>
    %shift_right_logical3A_837 = arith.shrui %xor3A_830, %shift_right_logical3A_836 : vector<32x1024xi32>
    %add3A_838 = arith.addi %shift_left3A_834, %shift_right_logical3A_837 : vector<32x1024xi32>
    %xor3A_839 = arith.xori %add3A_838, %add3A_831 : vector<32x1024xi32>
    %add3A_840 = arith.addi %add3A_831, %xor3A_839 : vector<32x1024xi32>
    %shift_left3A_841 = arith.constant 26 : i32
    %shift_left3A_842 = vector.broadcast %shift_left3A_841 : i32 to vector<32x1024xi32>
    %shift_left3A_843 = arith.shli %xor3A_839, %shift_left3A_842 : vector<32x1024xi32>
    %shift_right_logical3A_844 = arith.constant 6 : i32
    %shift_right_logical3A_845 = vector.broadcast %shift_right_logical3A_844 : i32 to vector<32x1024xi32>
    %shift_right_logical3A_846 = arith.shrui %xor3A_839, %shift_right_logical3A_845 : vector<32x1024xi32>
    %add3A_847 = arith.addi %shift_left3A_843, %shift_right_logical3A_846 : vector<32x1024xi32>
    %xor3A_848 = arith.xori %add3A_847, %add3A_840 : vector<32x1024xi32>
    %add3A_849 = arith.addi %add3A_840, %xor3A_848 : vector<32x1024xi32>
    %shift_left3A_850 = arith.constant 6 : i32
    %shift_left3A_851 = vector.broadcast %shift_left3A_850 : i32 to vector<32x1024xi32>
    %shift_left3A_852 = arith.shli %xor3A_848, %shift_left3A_851 : vector<32x1024xi32>
    %shift_right_logical3A_853 = arith.constant 26 : i32
    %shift_right_logical3A_854 = vector.broadcast %shift_right_logical3A_853 : i32 to vector<32x1024xi32>
    %shift_right_logical3A_855 = arith.shrui %xor3A_848, %shift_right_logical3A_854 : vector<32x1024xi32>
    %add3A_856 = arith.addi %shift_left3A_852, %shift_right_logical3A_855 : vector<32x1024xi32>
    %xor3A_857 = arith.xori %add3A_856, %add3A_849 : vector<32x1024xi32>
    %add3A_858 = arith.constant 0 : i32
    %add3A_859 = vector.broadcast %add3A_858 : i32 to vector<32x1024xi32>
    %add3A_860 = arith.addi %add3A_849, %add3A_859 : vector<32x1024xi32>
    %add3A_861 = arith.constant 45 : i32
    %add3A_862 = vector.broadcast %add3A_861 : i32 to vector<32x1024xi32>
    %add3A_863 = arith.addi %xor3A_857, %add3A_862 : vector<32x1024xi32>
    %add3A_864 = arith.addi %add3A_860, %add3A_863 : vector<32x1024xi32>
    %shift_left3A_865 = arith.constant 17 : i32
    %shift_left3A_866 = vector.broadcast %shift_left3A_865 : i32 to vector<32x1024xi32>
    %shift_left3A_867 = arith.shli %add3A_863, %shift_left3A_866 : vector<32x1024xi32>
    %shift_right_logical3A_868 = arith.constant 15 : i32
    %shift_right_logical3A_869 = vector.broadcast %shift_right_logical3A_868 : i32 to vector<32x1024xi32>
    %shift_right_logical3A_870 = arith.shrui %add3A_863, %shift_right_logical3A_869 : vector<32x1024xi32>
    %add3A_871 = arith.addi %shift_left3A_867, %shift_right_logical3A_870 : vector<32x1024xi32>
    %xor3A_872 = arith.xori %add3A_871, %add3A_864 : vector<32x1024xi32>
    %add3A_873 = arith.addi %add3A_864, %xor3A_872 : vector<32x1024xi32>
    %shift_left3A_874 = arith.constant 29 : i32
    %shift_left3A_875 = vector.broadcast %shift_left3A_874 : i32 to vector<32x1024xi32>
    %shift_left3A_876 = arith.shli %xor3A_872, %shift_left3A_875 : vector<32x1024xi32>
    %shift_right_logical3A_877 = arith.constant 3 : i32
    %shift_right_logical3A_878 = vector.broadcast %shift_right_logical3A_877 : i32 to vector<32x1024xi32>
    %shift_right_logical3A_879 = arith.shrui %xor3A_872, %shift_right_logical3A_878 : vector<32x1024xi32>
    %add3A_880 = arith.addi %shift_left3A_876, %shift_right_logical3A_879 : vector<32x1024xi32>
    %xor3A_881 = arith.xori %add3A_880, %add3A_873 : vector<32x1024xi32>
    %add3A_882 = arith.addi %add3A_873, %xor3A_881 : vector<32x1024xi32>
    %shift_left3A_883 = arith.constant 16 : i32
    %shift_left3A_884 = vector.broadcast %shift_left3A_883 : i32 to vector<32x1024xi32>
    %shift_left3A_885 = arith.shli %xor3A_881, %shift_left3A_884 : vector<32x1024xi32>
    %shift_right_logical3A_886 = arith.constant 16 : i32
    %shift_right_logical3A_887 = vector.broadcast %shift_right_logical3A_886 : i32 to vector<32x1024xi32>
    %shift_right_logical3A_888 = arith.shrui %xor3A_881, %shift_right_logical3A_887 : vector<32x1024xi32>
    %add3A_889 = arith.addi %shift_left3A_885, %shift_right_logical3A_888 : vector<32x1024xi32>
    %xor3A_890 = arith.xori %add3A_889, %add3A_882 : vector<32x1024xi32>
    %add3A_891 = arith.addi %add3A_882, %xor3A_890 : vector<32x1024xi32>
    %shift_left3A_892 = arith.constant 24 : i32
    %shift_left3A_893 = vector.broadcast %shift_left3A_892 : i32 to vector<32x1024xi32>
    %shift_left3A_894 = arith.shli %xor3A_890, %shift_left3A_893 : vector<32x1024xi32>
    %shift_right_logical3A_895 = arith.constant 8 : i32
    %shift_right_logical3A_896 = vector.broadcast %shift_right_logical3A_895 : i32 to vector<32x1024xi32>
    %shift_right_logical3A_897 = arith.shrui %xor3A_890, %shift_right_logical3A_896 : vector<32x1024xi32>
    %add3A_898 = arith.addi %shift_left3A_894, %shift_right_logical3A_897 : vector<32x1024xi32>
    %xor3A_899 = arith.xori %add3A_898, %add3A_891 : vector<32x1024xi32>
    %add3A_900 = arith.constant 42 : i32
    %add3A_901 = vector.broadcast %add3A_900 : i32 to vector<32x1024xi32>
    %add3A_902 = arith.addi %add3A_891, %add3A_901 : vector<32x1024xi32>
    %add3A_903 = arith.constant 466689012 : i32
    %add3A_904 = vector.broadcast %add3A_903 : i32 to vector<32x1024xi32>
    %add3A_905 = arith.addi %xor3A_899, %add3A_904 : vector<32x1024xi32>
    %add3A_906 = arith.addi %add3A_902, %add3A_905 : vector<32x1024xi32>
    %shift_left3A_907 = arith.constant 13 : i32
    %shift_left3A_908 = vector.broadcast %shift_left3A_907 : i32 to vector<32x1024xi32>
    %shift_left3A_909 = arith.shli %add3A_905, %shift_left3A_908 : vector<32x1024xi32>
    %shift_right_logical3A_910 = arith.constant 19 : i32
    %shift_right_logical3A_911 = vector.broadcast %shift_right_logical3A_910 : i32 to vector<32x1024xi32>
    %shift_right_logical3A_912 = arith.shrui %add3A_905, %shift_right_logical3A_911 : vector<32x1024xi32>
    %add3A_913 = arith.addi %shift_left3A_909, %shift_right_logical3A_912 : vector<32x1024xi32>
    %xor3A_914 = arith.xori %add3A_913, %add3A_906 : vector<32x1024xi32>
    %add3A_915 = arith.addi %add3A_906, %xor3A_914 : vector<32x1024xi32>
    %shift_left3A_916 = arith.constant 15 : i32
    %shift_left3A_917 = vector.broadcast %shift_left3A_916 : i32 to vector<32x1024xi32>
    %shift_left3A_918 = arith.shli %xor3A_914, %shift_left3A_917 : vector<32x1024xi32>
    %shift_right_logical3A_919 = arith.constant 17 : i32
    %shift_right_logical3A_920 = vector.broadcast %shift_right_logical3A_919 : i32 to vector<32x1024xi32>
    %shift_right_logical3A_921 = arith.shrui %xor3A_914, %shift_right_logical3A_920 : vector<32x1024xi32>
    %add3A_922 = arith.addi %shift_left3A_918, %shift_right_logical3A_921 : vector<32x1024xi32>
    %xor3A_923 = arith.xori %add3A_922, %add3A_915 : vector<32x1024xi32>
    %add3A_924 = arith.addi %add3A_915, %xor3A_923 : vector<32x1024xi32>
    %shift_left3A_925 = arith.constant 26 : i32
    %shift_left3A_926 = vector.broadcast %shift_left3A_925 : i32 to vector<32x1024xi32>
    %shift_left3A_927 = arith.shli %xor3A_923, %shift_left3A_926 : vector<32x1024xi32>
    %shift_right_logical3A_928 = arith.constant 6 : i32
    %shift_right_logical3A_929 = vector.broadcast %shift_right_logical3A_928 : i32 to vector<32x1024xi32>
    %shift_right_logical3A_930 = arith.shrui %xor3A_923, %shift_right_logical3A_929 : vector<32x1024xi32>
    %add3A_931 = arith.addi %shift_left3A_927, %shift_right_logical3A_930 : vector<32x1024xi32>
    %xor3A_932 = arith.xori %add3A_931, %add3A_924 : vector<32x1024xi32>
    %add3A_933 = arith.addi %add3A_924, %xor3A_932 : vector<32x1024xi32>
    %shift_left3A_934 = arith.constant 6 : i32
    %shift_left3A_935 = vector.broadcast %shift_left3A_934 : i32 to vector<32x1024xi32>
    %shift_left3A_936 = arith.shli %xor3A_932, %shift_left3A_935 : vector<32x1024xi32>
    %shift_right_logical3A_937 = arith.constant 26 : i32
    %shift_right_logical3A_938 = vector.broadcast %shift_right_logical3A_937 : i32 to vector<32x1024xi32>
    %shift_right_logical3A_939 = arith.shrui %xor3A_932, %shift_right_logical3A_938 : vector<32x1024xi32>
    %add3A_940 = arith.addi %shift_left3A_936, %shift_right_logical3A_939 : vector<32x1024xi32>
    %xor3A_941 = arith.xori %add3A_940, %add3A_933 : vector<32x1024xi32>
    %add3A_942 = arith.constant 466689008 : i32
    %add3A_943 = vector.broadcast %add3A_942 : i32 to vector<32x1024xi32>
    %add3A_944 = arith.addi %add3A_933, %add3A_943 : vector<32x1024xi32>
    %add3A_945 = arith.constant 5 : i32
    %add3A_946 = vector.broadcast %add3A_945 : i32 to vector<32x1024xi32>
    %add3A_947 = arith.addi %xor3A_941, %add3A_946 : vector<32x1024xi32>
    %xor3A_948 = arith.xori %add3A_944, %add3A_947 : vector<32x1024xi32>
    %shift_right_logical3A_949 = arith.constant 9 : i32
    %shift_right_logical3A_950 = vector.broadcast %shift_right_logical3A_949 : i32 to vector<32x1024xi32>
    %shift_right_logical3A_951 = arith.shrui %xor3A_948, %shift_right_logical3A_950 : vector<32x1024xi32>
    %or3A_952 = arith.constant 1065353216 : i32
    %or3A_953 = vector.broadcast %or3A_952 : i32 to vector<32x1024xi32>
    %or3A_954 = arith.ori %shift_right_logical3A_951, %or3A_953 : vector<32x1024xi32>
    %bitcast_convert_type3A_955 = tpu.bitcast %or3A_954 : vector<32x1024xi32> -> vector<32x1024xf32>
    %sub3A_956 = arith.constant 1.000000e+00 : f32
    %sub3A_957 = vector.broadcast %sub3A_956 : f32 to vector<32x1024xf32>
    %sub3A_958 = arith.subf %bitcast_convert_type3A_955, %sub3A_957 : vector<32x1024xf32>
    %add3A_959 = arith.constant 1.17549435E-38 : f32
    %add3A_960 = vector.broadcast %add3A_959 : f32 to vector<32x1024xf32>
    %add3A_961 = arith.addf %sub3A_958, %add3A_960 : vector<32x1024xf32>
    %max3A_962 = arith.constant 1.17549435E-38 : f32
    %max3A_963 = vector.broadcast %max3A_962 : f32 to vector<32x1024xf32>
    %max3A_964 = arith.maximumf %max3A_963, %add3A_961 : vector<32x1024xf32>
    %log3A_965 = math.log %max3A_964 : vector<32x1024xf32>
    %neg3A_966 = arith.constant 0.000000e+00 : f32
    %neg3A_967 = vector.broadcast %neg3A_966 : f32 to vector<32x1024xf32>
    %neg3A_968 = arith.subf %neg3A_967, %log3A_965 : vector<32x1024xf32>
    %log3A_969 = math.log %neg3A_968 : vector<32x1024xf32>
    %neg3A_970 = arith.constant 0.000000e+00 : f32
    %neg3A_971 = vector.broadcast %neg3A_970 : f32 to vector<32x1024xf32>
    %neg3A_972 = arith.subf %neg3A_971, %log3A_969 : vector<32x1024xf32>
    %get3A_973 = arith.constant 0 : index
    %get3A_974 = arith.constant 3072 : index
    %get3A_975 = vector.load %arg1[%get3A_973, %get3A_974] : memref<32x8192xf32, #tpu.memory_space<vmem>>, vector<32x1024xf32>
    %add3A_976 = arith.addf %neg3A_972, %get3A_975 : vector<32x1024xf32>
    %gt3A_977 = arith.cmpf ogt, %add3A_976, %max3A_733 : vector<32x1024xf32>
    %max3A_978 = arith.maximumf %max3A_733, %add3A_976 : vector<32x1024xf32>
    %select_n3A_979 = arith.select %gt3A_977, %add3A_738, %select_n3A_734 : vector<32x1024xi1>, vector<32x1024xi32>
    %add3A_980 = arith.constant 4096 : i32
    %add3A_981 = arith.addi %mul3A_3, %add3A_980 : i32
    %add3A_982 = vector.broadcast %add3A_981 : i32 to vector<32x1024xi32>
    %add3A_983 = arith.addi %get3A_5, %add3A_982 : vector<32x1024xi32>
    %shift_left3A_984 = arith.constant 13 : i32
    %shift_left3A_985 = vector.broadcast %shift_left3A_984 : i32 to vector<32x1024xi32>
    %shift_left3A_986 = arith.shli %add3A_983, %shift_left3A_985 : vector<32x1024xi32>
    %shift_right_logical3A_987 = arith.constant 19 : i32
    %shift_right_logical3A_988 = vector.broadcast %shift_right_logical3A_987 : i32 to vector<32x1024xi32>
    %shift_right_logical3A_989 = arith.shrui %add3A_983, %shift_right_logical3A_988 : vector<32x1024xi32>
    %add3A_990 = arith.addi %shift_left3A_986, %shift_right_logical3A_989 : vector<32x1024xi32>
    %xor3A_991 = arith.xori %add3A_990, %add3A_983 : vector<32x1024xi32>
    %add3A_992 = arith.addi %add3A_983, %xor3A_991 : vector<32x1024xi32>
    %shift_left3A_993 = arith.constant 15 : i32
    %shift_left3A_994 = vector.broadcast %shift_left3A_993 : i32 to vector<32x1024xi32>
    %shift_left3A_995 = arith.shli %xor3A_991, %shift_left3A_994 : vector<32x1024xi32>
    %shift_right_logical3A_996 = arith.constant 17 : i32
    %shift_right_logical3A_997 = vector.broadcast %shift_right_logical3A_996 : i32 to vector<32x1024xi32>
    %shift_right_logical3A_998 = arith.shrui %xor3A_991, %shift_right_logical3A_997 : vector<32x1024xi32>
    %add3A_999 = arith.addi %shift_left3A_995, %shift_right_logical3A_998 : vector<32x1024xi32>
    %xor3A_1000 = arith.xori %add3A_999, %add3A_992 : vector<32x1024xi32>
    %add3A_1001 = arith.addi %add3A_992, %xor3A_1000 : vector<32x1024xi32>
    %shift_left3A_1002 = arith.constant 26 : i32
    %shift_left3A_1003 = vector.broadcast %shift_left3A_1002 : i32 to vector<32x1024xi32>
    %shift_left3A_1004 = arith.shli %xor3A_1000, %shift_left3A_1003 : vector<32x1024xi32>
    %shift_right_logical3A_1005 = arith.constant 6 : i32
    %shift_right_logical3A_1006 = vector.broadcast %shift_right_logical3A_1005 : i32 to vector<32x1024xi32>
    %shift_right_logical3A_1007 = arith.shrui %xor3A_1000, %shift_right_logical3A_1006 : vector<32x1024xi32>
    %add3A_1008 = arith.addi %shift_left3A_1004, %shift_right_logical3A_1007 : vector<32x1024xi32>
    %xor3A_1009 = arith.xori %add3A_1008, %add3A_1001 : vector<32x1024xi32>
    %add3A_1010 = arith.addi %add3A_1001, %xor3A_1009 : vector<32x1024xi32>
    %shift_left3A_1011 = arith.constant 6 : i32
    %shift_left3A_1012 = vector.broadcast %shift_left3A_1011 : i32 to vector<32x1024xi32>
    %shift_left3A_1013 = arith.shli %xor3A_1009, %shift_left3A_1012 : vector<32x1024xi32>
    %shift_right_logical3A_1014 = arith.constant 26 : i32
    %shift_right_logical3A_1015 = vector.broadcast %shift_right_logical3A_1014 : i32 to vector<32x1024xi32>
    %shift_right_logical3A_1016 = arith.shrui %xor3A_1009, %shift_right_logical3A_1015 : vector<32x1024xi32>
    %add3A_1017 = arith.addi %shift_left3A_1013, %shift_right_logical3A_1016 : vector<32x1024xi32>
    %xor3A_1018 = arith.xori %add3A_1017, %add3A_1010 : vector<32x1024xi32>
    %add3A_1019 = arith.constant 42 : i32
    %add3A_1020 = vector.broadcast %add3A_1019 : i32 to vector<32x1024xi32>
    %add3A_1021 = arith.addi %add3A_1010, %add3A_1020 : vector<32x1024xi32>
    %add3A_1022 = arith.constant 466689009 : i32
    %add3A_1023 = vector.broadcast %add3A_1022 : i32 to vector<32x1024xi32>
    %add3A_1024 = arith.addi %xor3A_1018, %add3A_1023 : vector<32x1024xi32>
    %add3A_1025 = arith.addi %add3A_1021, %add3A_1024 : vector<32x1024xi32>
    %shift_left3A_1026 = arith.constant 17 : i32
    %shift_left3A_1027 = vector.broadcast %shift_left3A_1026 : i32 to vector<32x1024xi32>
    %shift_left3A_1028 = arith.shli %add3A_1024, %shift_left3A_1027 : vector<32x1024xi32>
    %shift_right_logical3A_1029 = arith.constant 15 : i32
    %shift_right_logical3A_1030 = vector.broadcast %shift_right_logical3A_1029 : i32 to vector<32x1024xi32>
    %shift_right_logical3A_1031 = arith.shrui %add3A_1024, %shift_right_logical3A_1030 : vector<32x1024xi32>
    %add3A_1032 = arith.addi %shift_left3A_1028, %shift_right_logical3A_1031 : vector<32x1024xi32>
    %xor3A_1033 = arith.xori %add3A_1032, %add3A_1025 : vector<32x1024xi32>
    %add3A_1034 = arith.addi %add3A_1025, %xor3A_1033 : vector<32x1024xi32>
    %shift_left3A_1035 = arith.constant 29 : i32
    %shift_left3A_1036 = vector.broadcast %shift_left3A_1035 : i32 to vector<32x1024xi32>
    %shift_left3A_1037 = arith.shli %xor3A_1033, %shift_left3A_1036 : vector<32x1024xi32>
    %shift_right_logical3A_1038 = arith.constant 3 : i32
    %shift_right_logical3A_1039 = vector.broadcast %shift_right_logical3A_1038 : i32 to vector<32x1024xi32>
    %shift_right_logical3A_1040 = arith.shrui %xor3A_1033, %shift_right_logical3A_1039 : vector<32x1024xi32>
    %add3A_1041 = arith.addi %shift_left3A_1037, %shift_right_logical3A_1040 : vector<32x1024xi32>
    %xor3A_1042 = arith.xori %add3A_1041, %add3A_1034 : vector<32x1024xi32>
    %add3A_1043 = arith.addi %add3A_1034, %xor3A_1042 : vector<32x1024xi32>
    %shift_left3A_1044 = arith.constant 16 : i32
    %shift_left3A_1045 = vector.broadcast %shift_left3A_1044 : i32 to vector<32x1024xi32>
    %shift_left3A_1046 = arith.shli %xor3A_1042, %shift_left3A_1045 : vector<32x1024xi32>
    %shift_right_logical3A_1047 = arith.constant 16 : i32
    %shift_right_logical3A_1048 = vector.broadcast %shift_right_logical3A_1047 : i32 to vector<32x1024xi32>
    %shift_right_logical3A_1049 = arith.shrui %xor3A_1042, %shift_right_logical3A_1048 : vector<32x1024xi32>
    %add3A_1050 = arith.addi %shift_left3A_1046, %shift_right_logical3A_1049 : vector<32x1024xi32>
    %xor3A_1051 = arith.xori %add3A_1050, %add3A_1043 : vector<32x1024xi32>
    %add3A_1052 = arith.addi %add3A_1043, %xor3A_1051 : vector<32x1024xi32>
    %shift_left3A_1053 = arith.constant 24 : i32
    %shift_left3A_1054 = vector.broadcast %shift_left3A_1053 : i32 to vector<32x1024xi32>
    %shift_left3A_1055 = arith.shli %xor3A_1051, %shift_left3A_1054 : vector<32x1024xi32>
    %shift_right_logical3A_1056 = arith.constant 8 : i32
    %shift_right_logical3A_1057 = vector.broadcast %shift_right_logical3A_1056 : i32 to vector<32x1024xi32>
    %shift_right_logical3A_1058 = arith.shrui %xor3A_1051, %shift_right_logical3A_1057 : vector<32x1024xi32>
    %add3A_1059 = arith.addi %shift_left3A_1055, %shift_right_logical3A_1058 : vector<32x1024xi32>
    %xor3A_1060 = arith.xori %add3A_1059, %add3A_1052 : vector<32x1024xi32>
    %add3A_1061 = arith.constant 466689008 : i32
    %add3A_1062 = vector.broadcast %add3A_1061 : i32 to vector<32x1024xi32>
    %add3A_1063 = arith.addi %add3A_1052, %add3A_1062 : vector<32x1024xi32>
    %add3A_1064 = arith.constant 2 : i32
    %add3A_1065 = vector.broadcast %add3A_1064 : i32 to vector<32x1024xi32>
    %add3A_1066 = arith.addi %xor3A_1060, %add3A_1065 : vector<32x1024xi32>
    %add3A_1067 = arith.addi %add3A_1063, %add3A_1066 : vector<32x1024xi32>
    %shift_left3A_1068 = arith.constant 13 : i32
    %shift_left3A_1069 = vector.broadcast %shift_left3A_1068 : i32 to vector<32x1024xi32>
    %shift_left3A_1070 = arith.shli %add3A_1066, %shift_left3A_1069 : vector<32x1024xi32>
    %shift_right_logical3A_1071 = arith.constant 19 : i32
    %shift_right_logical3A_1072 = vector.broadcast %shift_right_logical3A_1071 : i32 to vector<32x1024xi32>
    %shift_right_logical3A_1073 = arith.shrui %add3A_1066, %shift_right_logical3A_1072 : vector<32x1024xi32>
    %add3A_1074 = arith.addi %shift_left3A_1070, %shift_right_logical3A_1073 : vector<32x1024xi32>
    %xor3A_1075 = arith.xori %add3A_1074, %add3A_1067 : vector<32x1024xi32>
    %add3A_1076 = arith.addi %add3A_1067, %xor3A_1075 : vector<32x1024xi32>
    %shift_left3A_1077 = arith.constant 15 : i32
    %shift_left3A_1078 = vector.broadcast %shift_left3A_1077 : i32 to vector<32x1024xi32>
    %shift_left3A_1079 = arith.shli %xor3A_1075, %shift_left3A_1078 : vector<32x1024xi32>
    %shift_right_logical3A_1080 = arith.constant 17 : i32
    %shift_right_logical3A_1081 = vector.broadcast %shift_right_logical3A_1080 : i32 to vector<32x1024xi32>
    %shift_right_logical3A_1082 = arith.shrui %xor3A_1075, %shift_right_logical3A_1081 : vector<32x1024xi32>
    %add3A_1083 = arith.addi %shift_left3A_1079, %shift_right_logical3A_1082 : vector<32x1024xi32>
    %xor3A_1084 = arith.xori %add3A_1083, %add3A_1076 : vector<32x1024xi32>
    %add3A_1085 = arith.addi %add3A_1076, %xor3A_1084 : vector<32x1024xi32>
    %shift_left3A_1086 = arith.constant 26 : i32
    %shift_left3A_1087 = vector.broadcast %shift_left3A_1086 : i32 to vector<32x1024xi32>
    %shift_left3A_1088 = arith.shli %xor3A_1084, %shift_left3A_1087 : vector<32x1024xi32>
    %shift_right_logical3A_1089 = arith.constant 6 : i32
    %shift_right_logical3A_1090 = vector.broadcast %shift_right_logical3A_1089 : i32 to vector<32x1024xi32>
    %shift_right_logical3A_1091 = arith.shrui %xor3A_1084, %shift_right_logical3A_1090 : vector<32x1024xi32>
    %add3A_1092 = arith.addi %shift_left3A_1088, %shift_right_logical3A_1091 : vector<32x1024xi32>
    %xor3A_1093 = arith.xori %add3A_1092, %add3A_1085 : vector<32x1024xi32>
    %add3A_1094 = arith.addi %add3A_1085, %xor3A_1093 : vector<32x1024xi32>
    %shift_left3A_1095 = arith.constant 6 : i32
    %shift_left3A_1096 = vector.broadcast %shift_left3A_1095 : i32 to vector<32x1024xi32>
    %shift_left3A_1097 = arith.shli %xor3A_1093, %shift_left3A_1096 : vector<32x1024xi32>
    %shift_right_logical3A_1098 = arith.constant 26 : i32
    %shift_right_logical3A_1099 = vector.broadcast %shift_right_logical3A_1098 : i32 to vector<32x1024xi32>
    %shift_right_logical3A_1100 = arith.shrui %xor3A_1093, %shift_right_logical3A_1099 : vector<32x1024xi32>
    %add3A_1101 = arith.addi %shift_left3A_1097, %shift_right_logical3A_1100 : vector<32x1024xi32>
    %xor3A_1102 = arith.xori %add3A_1101, %add3A_1094 : vector<32x1024xi32>
    %add3A_1103 = arith.constant 0 : i32
    %add3A_1104 = vector.broadcast %add3A_1103 : i32 to vector<32x1024xi32>
    %add3A_1105 = arith.addi %add3A_1094, %add3A_1104 : vector<32x1024xi32>
    %add3A_1106 = arith.constant 45 : i32
    %add3A_1107 = vector.broadcast %add3A_1106 : i32 to vector<32x1024xi32>
    %add3A_1108 = arith.addi %xor3A_1102, %add3A_1107 : vector<32x1024xi32>
    %add3A_1109 = arith.addi %add3A_1105, %add3A_1108 : vector<32x1024xi32>
    %shift_left3A_1110 = arith.constant 17 : i32
    %shift_left3A_1111 = vector.broadcast %shift_left3A_1110 : i32 to vector<32x1024xi32>
    %shift_left3A_1112 = arith.shli %add3A_1108, %shift_left3A_1111 : vector<32x1024xi32>
    %shift_right_logical3A_1113 = arith.constant 15 : i32
    %shift_right_logical3A_1114 = vector.broadcast %shift_right_logical3A_1113 : i32 to vector<32x1024xi32>
    %shift_right_logical3A_1115 = arith.shrui %add3A_1108, %shift_right_logical3A_1114 : vector<32x1024xi32>
    %add3A_1116 = arith.addi %shift_left3A_1112, %shift_right_logical3A_1115 : vector<32x1024xi32>
    %xor3A_1117 = arith.xori %add3A_1116, %add3A_1109 : vector<32x1024xi32>
    %add3A_1118 = arith.addi %add3A_1109, %xor3A_1117 : vector<32x1024xi32>
    %shift_left3A_1119 = arith.constant 29 : i32
    %shift_left3A_1120 = vector.broadcast %shift_left3A_1119 : i32 to vector<32x1024xi32>
    %shift_left3A_1121 = arith.shli %xor3A_1117, %shift_left3A_1120 : vector<32x1024xi32>
    %shift_right_logical3A_1122 = arith.constant 3 : i32
    %shift_right_logical3A_1123 = vector.broadcast %shift_right_logical3A_1122 : i32 to vector<32x1024xi32>
    %shift_right_logical3A_1124 = arith.shrui %xor3A_1117, %shift_right_logical3A_1123 : vector<32x1024xi32>
    %add3A_1125 = arith.addi %shift_left3A_1121, %shift_right_logical3A_1124 : vector<32x1024xi32>
    %xor3A_1126 = arith.xori %add3A_1125, %add3A_1118 : vector<32x1024xi32>
    %add3A_1127 = arith.addi %add3A_1118, %xor3A_1126 : vector<32x1024xi32>
    %shift_left3A_1128 = arith.constant 16 : i32
    %shift_left3A_1129 = vector.broadcast %shift_left3A_1128 : i32 to vector<32x1024xi32>
    %shift_left3A_1130 = arith.shli %xor3A_1126, %shift_left3A_1129 : vector<32x1024xi32>
    %shift_right_logical3A_1131 = arith.constant 16 : i32
    %shift_right_logical3A_1132 = vector.broadcast %shift_right_logical3A_1131 : i32 to vector<32x1024xi32>
    %shift_right_logical3A_1133 = arith.shrui %xor3A_1126, %shift_right_logical3A_1132 : vector<32x1024xi32>
    %add3A_1134 = arith.addi %shift_left3A_1130, %shift_right_logical3A_1133 : vector<32x1024xi32>
    %xor3A_1135 = arith.xori %add3A_1134, %add3A_1127 : vector<32x1024xi32>
    %add3A_1136 = arith.addi %add3A_1127, %xor3A_1135 : vector<32x1024xi32>
    %shift_left3A_1137 = arith.constant 24 : i32
    %shift_left3A_1138 = vector.broadcast %shift_left3A_1137 : i32 to vector<32x1024xi32>
    %shift_left3A_1139 = arith.shli %xor3A_1135, %shift_left3A_1138 : vector<32x1024xi32>
    %shift_right_logical3A_1140 = arith.constant 8 : i32
    %shift_right_logical3A_1141 = vector.broadcast %shift_right_logical3A_1140 : i32 to vector<32x1024xi32>
    %shift_right_logical3A_1142 = arith.shrui %xor3A_1135, %shift_right_logical3A_1141 : vector<32x1024xi32>
    %add3A_1143 = arith.addi %shift_left3A_1139, %shift_right_logical3A_1142 : vector<32x1024xi32>
    %xor3A_1144 = arith.xori %add3A_1143, %add3A_1136 : vector<32x1024xi32>
    %add3A_1145 = arith.constant 42 : i32
    %add3A_1146 = vector.broadcast %add3A_1145 : i32 to vector<32x1024xi32>
    %add3A_1147 = arith.addi %add3A_1136, %add3A_1146 : vector<32x1024xi32>
    %add3A_1148 = arith.constant 466689012 : i32
    %add3A_1149 = vector.broadcast %add3A_1148 : i32 to vector<32x1024xi32>
    %add3A_1150 = arith.addi %xor3A_1144, %add3A_1149 : vector<32x1024xi32>
    %add3A_1151 = arith.addi %add3A_1147, %add3A_1150 : vector<32x1024xi32>
    %shift_left3A_1152 = arith.constant 13 : i32
    %shift_left3A_1153 = vector.broadcast %shift_left3A_1152 : i32 to vector<32x1024xi32>
    %shift_left3A_1154 = arith.shli %add3A_1150, %shift_left3A_1153 : vector<32x1024xi32>
    %shift_right_logical3A_1155 = arith.constant 19 : i32
    %shift_right_logical3A_1156 = vector.broadcast %shift_right_logical3A_1155 : i32 to vector<32x1024xi32>
    %shift_right_logical3A_1157 = arith.shrui %add3A_1150, %shift_right_logical3A_1156 : vector<32x1024xi32>
    %add3A_1158 = arith.addi %shift_left3A_1154, %shift_right_logical3A_1157 : vector<32x1024xi32>
    %xor3A_1159 = arith.xori %add3A_1158, %add3A_1151 : vector<32x1024xi32>
    %add3A_1160 = arith.addi %add3A_1151, %xor3A_1159 : vector<32x1024xi32>
    %shift_left3A_1161 = arith.constant 15 : i32
    %shift_left3A_1162 = vector.broadcast %shift_left3A_1161 : i32 to vector<32x1024xi32>
    %shift_left3A_1163 = arith.shli %xor3A_1159, %shift_left3A_1162 : vector<32x1024xi32>
    %shift_right_logical3A_1164 = arith.constant 17 : i32
    %shift_right_logical3A_1165 = vector.broadcast %shift_right_logical3A_1164 : i32 to vector<32x1024xi32>
    %shift_right_logical3A_1166 = arith.shrui %xor3A_1159, %shift_right_logical3A_1165 : vector<32x1024xi32>
    %add3A_1167 = arith.addi %shift_left3A_1163, %shift_right_logical3A_1166 : vector<32x1024xi32>
    %xor3A_1168 = arith.xori %add3A_1167, %add3A_1160 : vector<32x1024xi32>
    %add3A_1169 = arith.addi %add3A_1160, %xor3A_1168 : vector<32x1024xi32>
    %shift_left3A_1170 = arith.constant 26 : i32
    %shift_left3A_1171 = vector.broadcast %shift_left3A_1170 : i32 to vector<32x1024xi32>
    %shift_left3A_1172 = arith.shli %xor3A_1168, %shift_left3A_1171 : vector<32x1024xi32>
    %shift_right_logical3A_1173 = arith.constant 6 : i32
    %shift_right_logical3A_1174 = vector.broadcast %shift_right_logical3A_1173 : i32 to vector<32x1024xi32>
    %shift_right_logical3A_1175 = arith.shrui %xor3A_1168, %shift_right_logical3A_1174 : vector<32x1024xi32>
    %add3A_1176 = arith.addi %shift_left3A_1172, %shift_right_logical3A_1175 : vector<32x1024xi32>
    %xor3A_1177 = arith.xori %add3A_1176, %add3A_1169 : vector<32x1024xi32>
    %add3A_1178 = arith.addi %add3A_1169, %xor3A_1177 : vector<32x1024xi32>
    %shift_left3A_1179 = arith.constant 6 : i32
    %shift_left3A_1180 = vector.broadcast %shift_left3A_1179 : i32 to vector<32x1024xi32>
    %shift_left3A_1181 = arith.shli %xor3A_1177, %shift_left3A_1180 : vector<32x1024xi32>
    %shift_right_logical3A_1182 = arith.constant 26 : i32
    %shift_right_logical3A_1183 = vector.broadcast %shift_right_logical3A_1182 : i32 to vector<32x1024xi32>
    %shift_right_logical3A_1184 = arith.shrui %xor3A_1177, %shift_right_logical3A_1183 : vector<32x1024xi32>
    %add3A_1185 = arith.addi %shift_left3A_1181, %shift_right_logical3A_1184 : vector<32x1024xi32>
    %xor3A_1186 = arith.xori %add3A_1185, %add3A_1178 : vector<32x1024xi32>
    %add3A_1187 = arith.constant 466689008 : i32
    %add3A_1188 = vector.broadcast %add3A_1187 : i32 to vector<32x1024xi32>
    %add3A_1189 = arith.addi %add3A_1178, %add3A_1188 : vector<32x1024xi32>
    %add3A_1190 = arith.constant 5 : i32
    %add3A_1191 = vector.broadcast %add3A_1190 : i32 to vector<32x1024xi32>
    %add3A_1192 = arith.addi %xor3A_1186, %add3A_1191 : vector<32x1024xi32>
    %xor3A_1193 = arith.xori %add3A_1189, %add3A_1192 : vector<32x1024xi32>
    %shift_right_logical3A_1194 = arith.constant 9 : i32
    %shift_right_logical3A_1195 = vector.broadcast %shift_right_logical3A_1194 : i32 to vector<32x1024xi32>
    %shift_right_logical3A_1196 = arith.shrui %xor3A_1193, %shift_right_logical3A_1195 : vector<32x1024xi32>
    %or3A_1197 = arith.constant 1065353216 : i32
    %or3A_1198 = vector.broadcast %or3A_1197 : i32 to vector<32x1024xi32>
    %or3A_1199 = arith.ori %shift_right_logical3A_1196, %or3A_1198 : vector<32x1024xi32>
    %bitcast_convert_type3A_1200 = tpu.bitcast %or3A_1199 : vector<32x1024xi32> -> vector<32x1024xf32>
    %sub3A_1201 = arith.constant 1.000000e+00 : f32
    %sub3A_1202 = vector.broadcast %sub3A_1201 : f32 to vector<32x1024xf32>
    %sub3A_1203 = arith.subf %bitcast_convert_type3A_1200, %sub3A_1202 : vector<32x1024xf32>
    %add3A_1204 = arith.constant 1.17549435E-38 : f32
    %add3A_1205 = vector.broadcast %add3A_1204 : f32 to vector<32x1024xf32>
    %add3A_1206 = arith.addf %sub3A_1203, %add3A_1205 : vector<32x1024xf32>
    %max3A_1207 = arith.constant 1.17549435E-38 : f32
    %max3A_1208 = vector.broadcast %max3A_1207 : f32 to vector<32x1024xf32>
    %max3A_1209 = arith.maximumf %max3A_1208, %add3A_1206 : vector<32x1024xf32>
    %log3A_1210 = math.log %max3A_1209 : vector<32x1024xf32>
    %neg3A_1211 = arith.constant 0.000000e+00 : f32
    %neg3A_1212 = vector.broadcast %neg3A_1211 : f32 to vector<32x1024xf32>
    %neg3A_1213 = arith.subf %neg3A_1212, %log3A_1210 : vector<32x1024xf32>
    %log3A_1214 = math.log %neg3A_1213 : vector<32x1024xf32>
    %neg3A_1215 = arith.constant 0.000000e+00 : f32
    %neg3A_1216 = vector.broadcast %neg3A_1215 : f32 to vector<32x1024xf32>
    %neg3A_1217 = arith.subf %neg3A_1216, %log3A_1214 : vector<32x1024xf32>
    %get3A_1218 = arith.constant 0 : index
    %get3A_1219 = arith.constant 4096 : index
    %get3A_1220 = vector.load %arg1[%get3A_1218, %get3A_1219] : memref<32x8192xf32, #tpu.memory_space<vmem>>, vector<32x1024xf32>
    %add3A_1221 = arith.addf %neg3A_1217, %get3A_1220 : vector<32x1024xf32>
    %gt3A_1222 = arith.cmpf ogt, %add3A_1221, %max3A_978 : vector<32x1024xf32>
    %max3A_1223 = arith.maximumf %max3A_978, %add3A_1221 : vector<32x1024xf32>
    %select_n3A_1224 = arith.select %gt3A_1222, %add3A_983, %select_n3A_979 : vector<32x1024xi1>, vector<32x1024xi32>
    %add3A_1225 = arith.constant 5120 : i32
    %add3A_1226 = arith.addi %mul3A_3, %add3A_1225 : i32
    %add3A_1227 = vector.broadcast %add3A_1226 : i32 to vector<32x1024xi32>
    %add3A_1228 = arith.addi %get3A_5, %add3A_1227 : vector<32x1024xi32>
    %shift_left3A_1229 = arith.constant 13 : i32
    %shift_left3A_1230 = vector.broadcast %shift_left3A_1229 : i32 to vector<32x1024xi32>
    %shift_left3A_1231 = arith.shli %add3A_1228, %shift_left3A_1230 : vector<32x1024xi32>
    %shift_right_logical3A_1232 = arith.constant 19 : i32
    %shift_right_logical3A_1233 = vector.broadcast %shift_right_logical3A_1232 : i32 to vector<32x1024xi32>
    %shift_right_logical3A_1234 = arith.shrui %add3A_1228, %shift_right_logical3A_1233 : vector<32x1024xi32>
    %add3A_1235 = arith.addi %shift_left3A_1231, %shift_right_logical3A_1234 : vector<32x1024xi32>
    %xor3A_1236 = arith.xori %add3A_1235, %add3A_1228 : vector<32x1024xi32>
    %add3A_1237 = arith.addi %add3A_1228, %xor3A_1236 : vector<32x1024xi32>
    %shift_left3A_1238 = arith.constant 15 : i32
    %shift_left3A_1239 = vector.broadcast %shift_left3A_1238 : i32 to vector<32x1024xi32>
    %shift_left3A_1240 = arith.shli %xor3A_1236, %shift_left3A_1239 : vector<32x1024xi32>
    %shift_right_logical3A_1241 = arith.constant 17 : i32
    %shift_right_logical3A_1242 = vector.broadcast %shift_right_logical3A_1241 : i32 to vector<32x1024xi32>
    %shift_right_logical3A_1243 = arith.shrui %xor3A_1236, %shift_right_logical3A_1242 : vector<32x1024xi32>
    %add3A_1244 = arith.addi %shift_left3A_1240, %shift_right_logical3A_1243 : vector<32x1024xi32>
    %xor3A_1245 = arith.xori %add3A_1244, %add3A_1237 : vector<32x1024xi32>
    %add3A_1246 = arith.addi %add3A_1237, %xor3A_1245 : vector<32x1024xi32>
    %shift_left3A_1247 = arith.constant 26 : i32
    %shift_left3A_1248 = vector.broadcast %shift_left3A_1247 : i32 to vector<32x1024xi32>
    %shift_left3A_1249 = arith.shli %xor3A_1245, %shift_left3A_1248 : vector<32x1024xi32>
    %shift_right_logical3A_1250 = arith.constant 6 : i32
    %shift_right_logical3A_1251 = vector.broadcast %shift_right_logical3A_1250 : i32 to vector<32x1024xi32>
    %shift_right_logical3A_1252 = arith.shrui %xor3A_1245, %shift_right_logical3A_1251 : vector<32x1024xi32>
    %add3A_1253 = arith.addi %shift_left3A_1249, %shift_right_logical3A_1252 : vector<32x1024xi32>
    %xor3A_1254 = arith.xori %add3A_1253, %add3A_1246 : vector<32x1024xi32>
    %add3A_1255 = arith.addi %add3A_1246, %xor3A_1254 : vector<32x1024xi32>
    %shift_left3A_1256 = arith.constant 6 : i32
    %shift_left3A_1257 = vector.broadcast %shift_left3A_1256 : i32 to vector<32x1024xi32>
    %shift_left3A_1258 = arith.shli %xor3A_1254, %shift_left3A_1257 : vector<32x1024xi32>
    %shift_right_logical3A_1259 = arith.constant 26 : i32
    %shift_right_logical3A_1260 = vector.broadcast %shift_right_logical3A_1259 : i32 to vector<32x1024xi32>
    %shift_right_logical3A_1261 = arith.shrui %xor3A_1254, %shift_right_logical3A_1260 : vector<32x1024xi32>
    %add3A_1262 = arith.addi %shift_left3A_1258, %shift_right_logical3A_1261 : vector<32x1024xi32>
    %xor3A_1263 = arith.xori %add3A_1262, %add3A_1255 : vector<32x1024xi32>
    %add3A_1264 = arith.constant 42 : i32
    %add3A_1265 = vector.broadcast %add3A_1264 : i32 to vector<32x1024xi32>
    %add3A_1266 = arith.addi %add3A_1255, %add3A_1265 : vector<32x1024xi32>
    %add3A_1267 = arith.constant 466689009 : i32
    %add3A_1268 = vector.broadcast %add3A_1267 : i32 to vector<32x1024xi32>
    %add3A_1269 = arith.addi %xor3A_1263, %add3A_1268 : vector<32x1024xi32>
    %add3A_1270 = arith.addi %add3A_1266, %add3A_1269 : vector<32x1024xi32>
    %shift_left3A_1271 = arith.constant 17 : i32
    %shift_left3A_1272 = vector.broadcast %shift_left3A_1271 : i32 to vector<32x1024xi32>
    %shift_left3A_1273 = arith.shli %add3A_1269, %shift_left3A_1272 : vector<32x1024xi32>
    %shift_right_logical3A_1274 = arith.constant 15 : i32
    %shift_right_logical3A_1275 = vector.broadcast %shift_right_logical3A_1274 : i32 to vector<32x1024xi32>
    %shift_right_logical3A_1276 = arith.shrui %add3A_1269, %shift_right_logical3A_1275 : vector<32x1024xi32>
    %add3A_1277 = arith.addi %shift_left3A_1273, %shift_right_logical3A_1276 : vector<32x1024xi32>
    %xor3A_1278 = arith.xori %add3A_1277, %add3A_1270 : vector<32x1024xi32>
    %add3A_1279 = arith.addi %add3A_1270, %xor3A_1278 : vector<32x1024xi32>
    %shift_left3A_1280 = arith.constant 29 : i32
    %shift_left3A_1281 = vector.broadcast %shift_left3A_1280 : i32 to vector<32x1024xi32>
    %shift_left3A_1282 = arith.shli %xor3A_1278, %shift_left3A_1281 : vector<32x1024xi32>
    %shift_right_logical3A_1283 = arith.constant 3 : i32
    %shift_right_logical3A_1284 = vector.broadcast %shift_right_logical3A_1283 : i32 to vector<32x1024xi32>
    %shift_right_logical3A_1285 = arith.shrui %xor3A_1278, %shift_right_logical3A_1284 : vector<32x1024xi32>
    %add3A_1286 = arith.addi %shift_left3A_1282, %shift_right_logical3A_1285 : vector<32x1024xi32>
    %xor3A_1287 = arith.xori %add3A_1286, %add3A_1279 : vector<32x1024xi32>
    %add3A_1288 = arith.addi %add3A_1279, %xor3A_1287 : vector<32x1024xi32>
    %shift_left3A_1289 = arith.constant 16 : i32
    %shift_left3A_1290 = vector.broadcast %shift_left3A_1289 : i32 to vector<32x1024xi32>
    %shift_left3A_1291 = arith.shli %xor3A_1287, %shift_left3A_1290 : vector<32x1024xi32>
    %shift_right_logical3A_1292 = arith.constant 16 : i32
    %shift_right_logical3A_1293 = vector.broadcast %shift_right_logical3A_1292 : i32 to vector<32x1024xi32>
    %shift_right_logical3A_1294 = arith.shrui %xor3A_1287, %shift_right_logical3A_1293 : vector<32x1024xi32>
    %add3A_1295 = arith.addi %shift_left3A_1291, %shift_right_logical3A_1294 : vector<32x1024xi32>
    %xor3A_1296 = arith.xori %add3A_1295, %add3A_1288 : vector<32x1024xi32>
    %add3A_1297 = arith.addi %add3A_1288, %xor3A_1296 : vector<32x1024xi32>
    %shift_left3A_1298 = arith.constant 24 : i32
    %shift_left3A_1299 = vector.broadcast %shift_left3A_1298 : i32 to vector<32x1024xi32>
    %shift_left3A_1300 = arith.shli %xor3A_1296, %shift_left3A_1299 : vector<32x1024xi32>
    %shift_right_logical3A_1301 = arith.constant 8 : i32
    %shift_right_logical3A_1302 = vector.broadcast %shift_right_logical3A_1301 : i32 to vector<32x1024xi32>
    %shift_right_logical3A_1303 = arith.shrui %xor3A_1296, %shift_right_logical3A_1302 : vector<32x1024xi32>
    %add3A_1304 = arith.addi %shift_left3A_1300, %shift_right_logical3A_1303 : vector<32x1024xi32>
    %xor3A_1305 = arith.xori %add3A_1304, %add3A_1297 : vector<32x1024xi32>
    %add3A_1306 = arith.constant 466689008 : i32
    %add3A_1307 = vector.broadcast %add3A_1306 : i32 to vector<32x1024xi32>
    %add3A_1308 = arith.addi %add3A_1297, %add3A_1307 : vector<32x1024xi32>
    %add3A_1309 = arith.constant 2 : i32
    %add3A_1310 = vector.broadcast %add3A_1309 : i32 to vector<32x1024xi32>
    %add3A_1311 = arith.addi %xor3A_1305, %add3A_1310 : vector<32x1024xi32>
    %add3A_1312 = arith.addi %add3A_1308, %add3A_1311 : vector<32x1024xi32>
    %shift_left3A_1313 = arith.constant 13 : i32
    %shift_left3A_1314 = vector.broadcast %shift_left3A_1313 : i32 to vector<32x1024xi32>
    %shift_left3A_1315 = arith.shli %add3A_1311, %shift_left3A_1314 : vector<32x1024xi32>
    %shift_right_logical3A_1316 = arith.constant 19 : i32
    %shift_right_logical3A_1317 = vector.broadcast %shift_right_logical3A_1316 : i32 to vector<32x1024xi32>
    %shift_right_logical3A_1318 = arith.shrui %add3A_1311, %shift_right_logical3A_1317 : vector<32x1024xi32>
    %add3A_1319 = arith.addi %shift_left3A_1315, %shift_right_logical3A_1318 : vector<32x1024xi32>
    %xor3A_1320 = arith.xori %add3A_1319, %add3A_1312 : vector<32x1024xi32>
    %add3A_1321 = arith.addi %add3A_1312, %xor3A_1320 : vector<32x1024xi32>
    %shift_left3A_1322 = arith.constant 15 : i32
    %shift_left3A_1323 = vector.broadcast %shift_left3A_1322 : i32 to vector<32x1024xi32>
    %shift_left3A_1324 = arith.shli %xor3A_1320, %shift_left3A_1323 : vector<32x1024xi32>
    %shift_right_logical3A_1325 = arith.constant 17 : i32
    %shift_right_logical3A_1326 = vector.broadcast %shift_right_logical3A_1325 : i32 to vector<32x1024xi32>
    %shift_right_logical3A_1327 = arith.shrui %xor3A_1320, %shift_right_logical3A_1326 : vector<32x1024xi32>
    %add3A_1328 = arith.addi %shift_left3A_1324, %shift_right_logical3A_1327 : vector<32x1024xi32>
    %xor3A_1329 = arith.xori %add3A_1328, %add3A_1321 : vector<32x1024xi32>
    %add3A_1330 = arith.addi %add3A_1321, %xor3A_1329 : vector<32x1024xi32>
    %shift_left3A_1331 = arith.constant 26 : i32
    %shift_left3A_1332 = vector.broadcast %shift_left3A_1331 : i32 to vector<32x1024xi32>
    %shift_left3A_1333 = arith.shli %xor3A_1329, %shift_left3A_1332 : vector<32x1024xi32>
    %shift_right_logical3A_1334 = arith.constant 6 : i32
    %shift_right_logical3A_1335 = vector.broadcast %shift_right_logical3A_1334 : i32 to vector<32x1024xi32>
    %shift_right_logical3A_1336 = arith.shrui %xor3A_1329, %shift_right_logical3A_1335 : vector<32x1024xi32>
    %add3A_1337 = arith.addi %shift_left3A_1333, %shift_right_logical3A_1336 : vector<32x1024xi32>
    %xor3A_1338 = arith.xori %add3A_1337, %add3A_1330 : vector<32x1024xi32>
    %add3A_1339 = arith.addi %add3A_1330, %xor3A_1338 : vector<32x1024xi32>
    %shift_left3A_1340 = arith.constant 6 : i32
    %shift_left3A_1341 = vector.broadcast %shift_left3A_1340 : i32 to vector<32x1024xi32>
    %shift_left3A_1342 = arith.shli %xor3A_1338, %shift_left3A_1341 : vector<32x1024xi32>
    %shift_right_logical3A_1343 = arith.constant 26 : i32
    %shift_right_logical3A_1344 = vector.broadcast %shift_right_logical3A_1343 : i32 to vector<32x1024xi32>
    %shift_right_logical3A_1345 = arith.shrui %xor3A_1338, %shift_right_logical3A_1344 : vector<32x1024xi32>
    %add3A_1346 = arith.addi %shift_left3A_1342, %shift_right_logical3A_1345 : vector<32x1024xi32>
    %xor3A_1347 = arith.xori %add3A_1346, %add3A_1339 : vector<32x1024xi32>
    %add3A_1348 = arith.constant 0 : i32
    %add3A_1349 = vector.broadcast %add3A_1348 : i32 to vector<32x1024xi32>
    %add3A_1350 = arith.addi %add3A_1339, %add3A_1349 : vector<32x1024xi32>
    %add3A_1351 = arith.constant 45 : i32
    %add3A_1352 = vector.broadcast %add3A_1351 : i32 to vector<32x1024xi32>
    %add3A_1353 = arith.addi %xor3A_1347, %add3A_1352 : vector<32x1024xi32>
    %add3A_1354 = arith.addi %add3A_1350, %add3A_1353 : vector<32x1024xi32>
    %shift_left3A_1355 = arith.constant 17 : i32
    %shift_left3A_1356 = vector.broadcast %shift_left3A_1355 : i32 to vector<32x1024xi32>
    %shift_left3A_1357 = arith.shli %add3A_1353, %shift_left3A_1356 : vector<32x1024xi32>
    %shift_right_logical3A_1358 = arith.constant 15 : i32
    %shift_right_logical3A_1359 = vector.broadcast %shift_right_logical3A_1358 : i32 to vector<32x1024xi32>
    %shift_right_logical3A_1360 = arith.shrui %add3A_1353, %shift_right_logical3A_1359 : vector<32x1024xi32>
    %add3A_1361 = arith.addi %shift_left3A_1357, %shift_right_logical3A_1360 : vector<32x1024xi32>
    %xor3A_1362 = arith.xori %add3A_1361, %add3A_1354 : vector<32x1024xi32>
    %add3A_1363 = arith.addi %add3A_1354, %xor3A_1362 : vector<32x1024xi32>
    %shift_left3A_1364 = arith.constant 29 : i32
    %shift_left3A_1365 = vector.broadcast %shift_left3A_1364 : i32 to vector<32x1024xi32>
    %shift_left3A_1366 = arith.shli %xor3A_1362, %shift_left3A_1365 : vector<32x1024xi32>
    %shift_right_logical3A_1367 = arith.constant 3 : i32
    %shift_right_logical3A_1368 = vector.broadcast %shift_right_logical3A_1367 : i32 to vector<32x1024xi32>
    %shift_right_logical3A_1369 = arith.shrui %xor3A_1362, %shift_right_logical3A_1368 : vector<32x1024xi32>
    %add3A_1370 = arith.addi %shift_left3A_1366, %shift_right_logical3A_1369 : vector<32x1024xi32>
    %xor3A_1371 = arith.xori %add3A_1370, %add3A_1363 : vector<32x1024xi32>
    %add3A_1372 = arith.addi %add3A_1363, %xor3A_1371 : vector<32x1024xi32>
    %shift_left3A_1373 = arith.constant 16 : i32
    %shift_left3A_1374 = vector.broadcast %shift_left3A_1373 : i32 to vector<32x1024xi32>
    %shift_left3A_1375 = arith.shli %xor3A_1371, %shift_left3A_1374 : vector<32x1024xi32>
    %shift_right_logical3A_1376 = arith.constant 16 : i32
    %shift_right_logical3A_1377 = vector.broadcast %shift_right_logical3A_1376 : i32 to vector<32x1024xi32>
    %shift_right_logical3A_1378 = arith.shrui %xor3A_1371, %shift_right_logical3A_1377 : vector<32x1024xi32>
    %add3A_1379 = arith.addi %shift_left3A_1375, %shift_right_logical3A_1378 : vector<32x1024xi32>
    %xor3A_1380 = arith.xori %add3A_1379, %add3A_1372 : vector<32x1024xi32>
    %add3A_1381 = arith.addi %add3A_1372, %xor3A_1380 : vector<32x1024xi32>
    %shift_left3A_1382 = arith.constant 24 : i32
    %shift_left3A_1383 = vector.broadcast %shift_left3A_1382 : i32 to vector<32x1024xi32>
    %shift_left3A_1384 = arith.shli %xor3A_1380, %shift_left3A_1383 : vector<32x1024xi32>
    %shift_right_logical3A_1385 = arith.constant 8 : i32
    %shift_right_logical3A_1386 = vector.broadcast %shift_right_logical3A_1385 : i32 to vector<32x1024xi32>
    %shift_right_logical3A_1387 = arith.shrui %xor3A_1380, %shift_right_logical3A_1386 : vector<32x1024xi32>
    %add3A_1388 = arith.addi %shift_left3A_1384, %shift_right_logical3A_1387 : vector<32x1024xi32>
    %xor3A_1389 = arith.xori %add3A_1388, %add3A_1381 : vector<32x1024xi32>
    %add3A_1390 = arith.constant 42 : i32
    %add3A_1391 = vector.broadcast %add3A_1390 : i32 to vector<32x1024xi32>
    %add3A_1392 = arith.addi %add3A_1381, %add3A_1391 : vector<32x1024xi32>
    %add3A_1393 = arith.constant 466689012 : i32
    %add3A_1394 = vector.broadcast %add3A_1393 : i32 to vector<32x1024xi32>
    %add3A_1395 = arith.addi %xor3A_1389, %add3A_1394 : vector<32x1024xi32>
    %add3A_1396 = arith.addi %add3A_1392, %add3A_1395 : vector<32x1024xi32>
    %shift_left3A_1397 = arith.constant 13 : i32
    %shift_left3A_1398 = vector.broadcast %shift_left3A_1397 : i32 to vector<32x1024xi32>
    %shift_left3A_1399 = arith.shli %add3A_1395, %shift_left3A_1398 : vector<32x1024xi32>
    %shift_right_logical3A_1400 = arith.constant 19 : i32
    %shift_right_logical3A_1401 = vector.broadcast %shift_right_logical3A_1400 : i32 to vector<32x1024xi32>
    %shift_right_logical3A_1402 = arith.shrui %add3A_1395, %shift_right_logical3A_1401 : vector<32x1024xi32>
    %add3A_1403 = arith.addi %shift_left3A_1399, %shift_right_logical3A_1402 : vector<32x1024xi32>
    %xor3A_1404 = arith.xori %add3A_1403, %add3A_1396 : vector<32x1024xi32>
    %add3A_1405 = arith.addi %add3A_1396, %xor3A_1404 : vector<32x1024xi32>
    %shift_left3A_1406 = arith.constant 15 : i32
    %shift_left3A_1407 = vector.broadcast %shift_left3A_1406 : i32 to vector<32x1024xi32>
    %shift_left3A_1408 = arith.shli %xor3A_1404, %shift_left3A_1407 : vector<32x1024xi32>
    %shift_right_logical3A_1409 = arith.constant 17 : i32
    %shift_right_logical3A_1410 = vector.broadcast %shift_right_logical3A_1409 : i32 to vector<32x1024xi32>
    %shift_right_logical3A_1411 = arith.shrui %xor3A_1404, %shift_right_logical3A_1410 : vector<32x1024xi32>
    %add3A_1412 = arith.addi %shift_left3A_1408, %shift_right_logical3A_1411 : vector<32x1024xi32>
    %xor3A_1413 = arith.xori %add3A_1412, %add3A_1405 : vector<32x1024xi32>
    %add3A_1414 = arith.addi %add3A_1405, %xor3A_1413 : vector<32x1024xi32>
    %shift_left3A_1415 = arith.constant 26 : i32
    %shift_left3A_1416 = vector.broadcast %shift_left3A_1415 : i32 to vector<32x1024xi32>
    %shift_left3A_1417 = arith.shli %xor3A_1413, %shift_left3A_1416 : vector<32x1024xi32>
    %shift_right_logical3A_1418 = arith.constant 6 : i32
    %shift_right_logical3A_1419 = vector.broadcast %shift_right_logical3A_1418 : i32 to vector<32x1024xi32>
    %shift_right_logical3A_1420 = arith.shrui %xor3A_1413, %shift_right_logical3A_1419 : vector<32x1024xi32>
    %add3A_1421 = arith.addi %shift_left3A_1417, %shift_right_logical3A_1420 : vector<32x1024xi32>
    %xor3A_1422 = arith.xori %add3A_1421, %add3A_1414 : vector<32x1024xi32>
    %add3A_1423 = arith.addi %add3A_1414, %xor3A_1422 : vector<32x1024xi32>
    %shift_left3A_1424 = arith.constant 6 : i32
    %shift_left3A_1425 = vector.broadcast %shift_left3A_1424 : i32 to vector<32x1024xi32>
    %shift_left3A_1426 = arith.shli %xor3A_1422, %shift_left3A_1425 : vector<32x1024xi32>
    %shift_right_logical3A_1427 = arith.constant 26 : i32
    %shift_right_logical3A_1428 = vector.broadcast %shift_right_logical3A_1427 : i32 to vector<32x1024xi32>
    %shift_right_logical3A_1429 = arith.shrui %xor3A_1422, %shift_right_logical3A_1428 : vector<32x1024xi32>
    %add3A_1430 = arith.addi %shift_left3A_1426, %shift_right_logical3A_1429 : vector<32x1024xi32>
    %xor3A_1431 = arith.xori %add3A_1430, %add3A_1423 : vector<32x1024xi32>
    %add3A_1432 = arith.constant 466689008 : i32
    %add3A_1433 = vector.broadcast %add3A_1432 : i32 to vector<32x1024xi32>
    %add3A_1434 = arith.addi %add3A_1423, %add3A_1433 : vector<32x1024xi32>
    %add3A_1435 = arith.constant 5 : i32
    %add3A_1436 = vector.broadcast %add3A_1435 : i32 to vector<32x1024xi32>
    %add3A_1437 = arith.addi %xor3A_1431, %add3A_1436 : vector<32x1024xi32>
    %xor3A_1438 = arith.xori %add3A_1434, %add3A_1437 : vector<32x1024xi32>
    %shift_right_logical3A_1439 = arith.constant 9 : i32
    %shift_right_logical3A_1440 = vector.broadcast %shift_right_logical3A_1439 : i32 to vector<32x1024xi32>
    %shift_right_logical3A_1441 = arith.shrui %xor3A_1438, %shift_right_logical3A_1440 : vector<32x1024xi32>
    %or3A_1442 = arith.constant 1065353216 : i32
    %or3A_1443 = vector.broadcast %or3A_1442 : i32 to vector<32x1024xi32>
    %or3A_1444 = arith.ori %shift_right_logical3A_1441, %or3A_1443 : vector<32x1024xi32>
    %bitcast_convert_type3A_1445 = tpu.bitcast %or3A_1444 : vector<32x1024xi32> -> vector<32x1024xf32>
    %sub3A_1446 = arith.constant 1.000000e+00 : f32
    %sub3A_1447 = vector.broadcast %sub3A_1446 : f32 to vector<32x1024xf32>
    %sub3A_1448 = arith.subf %bitcast_convert_type3A_1445, %sub3A_1447 : vector<32x1024xf32>
    %add3A_1449 = arith.constant 1.17549435E-38 : f32
    %add3A_1450 = vector.broadcast %add3A_1449 : f32 to vector<32x1024xf32>
    %add3A_1451 = arith.addf %sub3A_1448, %add3A_1450 : vector<32x1024xf32>
    %max3A_1452 = arith.constant 1.17549435E-38 : f32
    %max3A_1453 = vector.broadcast %max3A_1452 : f32 to vector<32x1024xf32>
    %max3A_1454 = arith.maximumf %max3A_1453, %add3A_1451 : vector<32x1024xf32>
    %log3A_1455 = math.log %max3A_1454 : vector<32x1024xf32>
    %neg3A_1456 = arith.constant 0.000000e+00 : f32
    %neg3A_1457 = vector.broadcast %neg3A_1456 : f32 to vector<32x1024xf32>
    %neg3A_1458 = arith.subf %neg3A_1457, %log3A_1455 : vector<32x1024xf32>
    %log3A_1459 = math.log %neg3A_1458 : vector<32x1024xf32>
    %neg3A_1460 = arith.constant 0.000000e+00 : f32
    %neg3A_1461 = vector.broadcast %neg3A_1460 : f32 to vector<32x1024xf32>
    %neg3A_1462 = arith.subf %neg3A_1461, %log3A_1459 : vector<32x1024xf32>
    %get3A_1463 = arith.constant 0 : index
    %get3A_1464 = arith.constant 5120 : index
    %get3A_1465 = vector.load %arg1[%get3A_1463, %get3A_1464] : memref<32x8192xf32, #tpu.memory_space<vmem>>, vector<32x1024xf32>
    %add3A_1466 = arith.addf %neg3A_1462, %get3A_1465 : vector<32x1024xf32>
    %gt3A_1467 = arith.cmpf ogt, %add3A_1466, %max3A_1223 : vector<32x1024xf32>
    %max3A_1468 = arith.maximumf %max3A_1223, %add3A_1466 : vector<32x1024xf32>
    %select_n3A_1469 = arith.select %gt3A_1467, %add3A_1228, %select_n3A_1224 : vector<32x1024xi1>, vector<32x1024xi32>
    %add3A_1470 = arith.constant 6144 : i32
    %add3A_1471 = arith.addi %mul3A_3, %add3A_1470 : i32
    %add3A_1472 = vector.broadcast %add3A_1471 : i32 to vector<32x1024xi32>
    %add3A_1473 = arith.addi %get3A_5, %add3A_1472 : vector<32x1024xi32>
    %shift_left3A_1474 = arith.constant 13 : i32
    %shift_left3A_1475 = vector.broadcast %shift_left3A_1474 : i32 to vector<32x1024xi32>
    %shift_left3A_1476 = arith.shli %add3A_1473, %shift_left3A_1475 : vector<32x1024xi32>
    %shift_right_logical3A_1477 = arith.constant 19 : i32
    %shift_right_logical3A_1478 = vector.broadcast %shift_right_logical3A_1477 : i32 to vector<32x1024xi32>
    %shift_right_logical3A_1479 = arith.shrui %add3A_1473, %shift_right_logical3A_1478 : vector<32x1024xi32>
    %add3A_1480 = arith.addi %shift_left3A_1476, %shift_right_logical3A_1479 : vector<32x1024xi32>
    %xor3A_1481 = arith.xori %add3A_1480, %add3A_1473 : vector<32x1024xi32>
    %add3A_1482 = arith.addi %add3A_1473, %xor3A_1481 : vector<32x1024xi32>
    %shift_left3A_1483 = arith.constant 15 : i32
    %shift_left3A_1484 = vector.broadcast %shift_left3A_1483 : i32 to vector<32x1024xi32>
    %shift_left3A_1485 = arith.shli %xor3A_1481, %shift_left3A_1484 : vector<32x1024xi32>
    %shift_right_logical3A_1486 = arith.constant 17 : i32
    %shift_right_logical3A_1487 = vector.broadcast %shift_right_logical3A_1486 : i32 to vector<32x1024xi32>
    %shift_right_logical3A_1488 = arith.shrui %xor3A_1481, %shift_right_logical3A_1487 : vector<32x1024xi32>
    %add3A_1489 = arith.addi %shift_left3A_1485, %shift_right_logical3A_1488 : vector<32x1024xi32>
    %xor3A_1490 = arith.xori %add3A_1489, %add3A_1482 : vector<32x1024xi32>
    %add3A_1491 = arith.addi %add3A_1482, %xor3A_1490 : vector<32x1024xi32>
    %shift_left3A_1492 = arith.constant 26 : i32
    %shift_left3A_1493 = vector.broadcast %shift_left3A_1492 : i32 to vector<32x1024xi32>
    %shift_left3A_1494 = arith.shli %xor3A_1490, %shift_left3A_1493 : vector<32x1024xi32>
    %shift_right_logical3A_1495 = arith.constant 6 : i32
    %shift_right_logical3A_1496 = vector.broadcast %shift_right_logical3A_1495 : i32 to vector<32x1024xi32>
    %shift_right_logical3A_1497 = arith.shrui %xor3A_1490, %shift_right_logical3A_1496 : vector<32x1024xi32>
    %add3A_1498 = arith.addi %shift_left3A_1494, %shift_right_logical3A_1497 : vector<32x1024xi32>
    %xor3A_1499 = arith.xori %add3A_1498, %add3A_1491 : vector<32x1024xi32>
    %add3A_1500 = arith.addi %add3A_1491, %xor3A_1499 : vector<32x1024xi32>
    %shift_left3A_1501 = arith.constant 6 : i32
    %shift_left3A_1502 = vector.broadcast %shift_left3A_1501 : i32 to vector<32x1024xi32>
    %shift_left3A_1503 = arith.shli %xor3A_1499, %shift_left3A_1502 : vector<32x1024xi32>
    %shift_right_logical3A_1504 = arith.constant 26 : i32
    %shift_right_logical3A_1505 = vector.broadcast %shift_right_logical3A_1504 : i32 to vector<32x1024xi32>
    %shift_right_logical3A_1506 = arith.shrui %xor3A_1499, %shift_right_logical3A_1505 : vector<32x1024xi32>
    %add3A_1507 = arith.addi %shift_left3A_1503, %shift_right_logical3A_1506 : vector<32x1024xi32>
    %xor3A_1508 = arith.xori %add3A_1507, %add3A_1500 : vector<32x1024xi32>
    %add3A_1509 = arith.constant 42 : i32
    %add3A_1510 = vector.broadcast %add3A_1509 : i32 to vector<32x1024xi32>
    %add3A_1511 = arith.addi %add3A_1500, %add3A_1510 : vector<32x1024xi32>
    %add3A_1512 = arith.constant 466689009 : i32
    %add3A_1513 = vector.broadcast %add3A_1512 : i32 to vector<32x1024xi32>
    %add3A_1514 = arith.addi %xor3A_1508, %add3A_1513 : vector<32x1024xi32>
    %add3A_1515 = arith.addi %add3A_1511, %add3A_1514 : vector<32x1024xi32>
    %shift_left3A_1516 = arith.constant 17 : i32
    %shift_left3A_1517 = vector.broadcast %shift_left3A_1516 : i32 to vector<32x1024xi32>
    %shift_left3A_1518 = arith.shli %add3A_1514, %shift_left3A_1517 : vector<32x1024xi32>
    %shift_right_logical3A_1519 = arith.constant 15 : i32
    %shift_right_logical3A_1520 = vector.broadcast %shift_right_logical3A_1519 : i32 to vector<32x1024xi32>
    %shift_right_logical3A_1521 = arith.shrui %add3A_1514, %shift_right_logical3A_1520 : vector<32x1024xi32>
    %add3A_1522 = arith.addi %shift_left3A_1518, %shift_right_logical3A_1521 : vector<32x1024xi32>
    %xor3A_1523 = arith.xori %add3A_1522, %add3A_1515 : vector<32x1024xi32>
    %add3A_1524 = arith.addi %add3A_1515, %xor3A_1523 : vector<32x1024xi32>
    %shift_left3A_1525 = arith.constant 29 : i32
    %shift_left3A_1526 = vector.broadcast %shift_left3A_1525 : i32 to vector<32x1024xi32>
    %shift_left3A_1527 = arith.shli %xor3A_1523, %shift_left3A_1526 : vector<32x1024xi32>
    %shift_right_logical3A_1528 = arith.constant 3 : i32
    %shift_right_logical3A_1529 = vector.broadcast %shift_right_logical3A_1528 : i32 to vector<32x1024xi32>
    %shift_right_logical3A_1530 = arith.shrui %xor3A_1523, %shift_right_logical3A_1529 : vector<32x1024xi32>
    %add3A_1531 = arith.addi %shift_left3A_1527, %shift_right_logical3A_1530 : vector<32x1024xi32>
    %xor3A_1532 = arith.xori %add3A_1531, %add3A_1524 : vector<32x1024xi32>
    %add3A_1533 = arith.addi %add3A_1524, %xor3A_1532 : vector<32x1024xi32>
    %shift_left3A_1534 = arith.constant 16 : i32
    %shift_left3A_1535 = vector.broadcast %shift_left3A_1534 : i32 to vector<32x1024xi32>
    %shift_left3A_1536 = arith.shli %xor3A_1532, %shift_left3A_1535 : vector<32x1024xi32>
    %shift_right_logical3A_1537 = arith.constant 16 : i32
    %shift_right_logical3A_1538 = vector.broadcast %shift_right_logical3A_1537 : i32 to vector<32x1024xi32>
    %shift_right_logical3A_1539 = arith.shrui %xor3A_1532, %shift_right_logical3A_1538 : vector<32x1024xi32>
    %add3A_1540 = arith.addi %shift_left3A_1536, %shift_right_logical3A_1539 : vector<32x1024xi32>
    %xor3A_1541 = arith.xori %add3A_1540, %add3A_1533 : vector<32x1024xi32>
    %add3A_1542 = arith.addi %add3A_1533, %xor3A_1541 : vector<32x1024xi32>
    %shift_left3A_1543 = arith.constant 24 : i32
    %shift_left3A_1544 = vector.broadcast %shift_left3A_1543 : i32 to vector<32x1024xi32>
    %shift_left3A_1545 = arith.shli %xor3A_1541, %shift_left3A_1544 : vector<32x1024xi32>
    %shift_right_logical3A_1546 = arith.constant 8 : i32
    %shift_right_logical3A_1547 = vector.broadcast %shift_right_logical3A_1546 : i32 to vector<32x1024xi32>
    %shift_right_logical3A_1548 = arith.shrui %xor3A_1541, %shift_right_logical3A_1547 : vector<32x1024xi32>
    %add3A_1549 = arith.addi %shift_left3A_1545, %shift_right_logical3A_1548 : vector<32x1024xi32>
    %xor3A_1550 = arith.xori %add3A_1549, %add3A_1542 : vector<32x1024xi32>
    %add3A_1551 = arith.constant 466689008 : i32
    %add3A_1552 = vector.broadcast %add3A_1551 : i32 to vector<32x1024xi32>
    %add3A_1553 = arith.addi %add3A_1542, %add3A_1552 : vector<32x1024xi32>
    %add3A_1554 = arith.constant 2 : i32
    %add3A_1555 = vector.broadcast %add3A_1554 : i32 to vector<32x1024xi32>
    %add3A_1556 = arith.addi %xor3A_1550, %add3A_1555 : vector<32x1024xi32>
    %add3A_1557 = arith.addi %add3A_1553, %add3A_1556 : vector<32x1024xi32>
    %shift_left3A_1558 = arith.constant 13 : i32
    %shift_left3A_1559 = vector.broadcast %shift_left3A_1558 : i32 to vector<32x1024xi32>
    %shift_left3A_1560 = arith.shli %add3A_1556, %shift_left3A_1559 : vector<32x1024xi32>
    %shift_right_logical3A_1561 = arith.constant 19 : i32
    %shift_right_logical3A_1562 = vector.broadcast %shift_right_logical3A_1561 : i32 to vector<32x1024xi32>
    %shift_right_logical3A_1563 = arith.shrui %add3A_1556, %shift_right_logical3A_1562 : vector<32x1024xi32>
    %add3A_1564 = arith.addi %shift_left3A_1560, %shift_right_logical3A_1563 : vector<32x1024xi32>
    %xor3A_1565 = arith.xori %add3A_1564, %add3A_1557 : vector<32x1024xi32>
    %add3A_1566 = arith.addi %add3A_1557, %xor3A_1565 : vector<32x1024xi32>
    %shift_left3A_1567 = arith.constant 15 : i32
    %shift_left3A_1568 = vector.broadcast %shift_left3A_1567 : i32 to vector<32x1024xi32>
    %shift_left3A_1569 = arith.shli %xor3A_1565, %shift_left3A_1568 : vector<32x1024xi32>
    %shift_right_logical3A_1570 = arith.constant 17 : i32
    %shift_right_logical3A_1571 = vector.broadcast %shift_right_logical3A_1570 : i32 to vector<32x1024xi32>
    %shift_right_logical3A_1572 = arith.shrui %xor3A_1565, %shift_right_logical3A_1571 : vector<32x1024xi32>
    %add3A_1573 = arith.addi %shift_left3A_1569, %shift_right_logical3A_1572 : vector<32x1024xi32>
    %xor3A_1574 = arith.xori %add3A_1573, %add3A_1566 : vector<32x1024xi32>
    %add3A_1575 = arith.addi %add3A_1566, %xor3A_1574 : vector<32x1024xi32>
    %shift_left3A_1576 = arith.constant 26 : i32
    %shift_left3A_1577 = vector.broadcast %shift_left3A_1576 : i32 to vector<32x1024xi32>
    %shift_left3A_1578 = arith.shli %xor3A_1574, %shift_left3A_1577 : vector<32x1024xi32>
    %shift_right_logical3A_1579 = arith.constant 6 : i32
    %shift_right_logical3A_1580 = vector.broadcast %shift_right_logical3A_1579 : i32 to vector<32x1024xi32>
    %shift_right_logical3A_1581 = arith.shrui %xor3A_1574, %shift_right_logical3A_1580 : vector<32x1024xi32>
    %add3A_1582 = arith.addi %shift_left3A_1578, %shift_right_logical3A_1581 : vector<32x1024xi32>
    %xor3A_1583 = arith.xori %add3A_1582, %add3A_1575 : vector<32x1024xi32>
    %add3A_1584 = arith.addi %add3A_1575, %xor3A_1583 : vector<32x1024xi32>
    %shift_left3A_1585 = arith.constant 6 : i32
    %shift_left3A_1586 = vector.broadcast %shift_left3A_1585 : i32 to vector<32x1024xi32>
    %shift_left3A_1587 = arith.shli %xor3A_1583, %shift_left3A_1586 : vector<32x1024xi32>
    %shift_right_logical3A_1588 = arith.constant 26 : i32
    %shift_right_logical3A_1589 = vector.broadcast %shift_right_logical3A_1588 : i32 to vector<32x1024xi32>
    %shift_right_logical3A_1590 = arith.shrui %xor3A_1583, %shift_right_logical3A_1589 : vector<32x1024xi32>
    %add3A_1591 = arith.addi %shift_left3A_1587, %shift_right_logical3A_1590 : vector<32x1024xi32>
    %xor3A_1592 = arith.xori %add3A_1591, %add3A_1584 : vector<32x1024xi32>
    %add3A_1593 = arith.constant 0 : i32
    %add3A_1594 = vector.broadcast %add3A_1593 : i32 to vector<32x1024xi32>
    %add3A_1595 = arith.addi %add3A_1584, %add3A_1594 : vector<32x1024xi32>
    %add3A_1596 = arith.constant 45 : i32
    %add3A_1597 = vector.broadcast %add3A_1596 : i32 to vector<32x1024xi32>
    %add3A_1598 = arith.addi %xor3A_1592, %add3A_1597 : vector<32x1024xi32>
    %add3A_1599 = arith.addi %add3A_1595, %add3A_1598 : vector<32x1024xi32>
    %shift_left3A_1600 = arith.constant 17 : i32
    %shift_left3A_1601 = vector.broadcast %shift_left3A_1600 : i32 to vector<32x1024xi32>
    %shift_left3A_1602 = arith.shli %add3A_1598, %shift_left3A_1601 : vector<32x1024xi32>
    %shift_right_logical3A_1603 = arith.constant 15 : i32
    %shift_right_logical3A_1604 = vector.broadcast %shift_right_logical3A_1603 : i32 to vector<32x1024xi32>
    %shift_right_logical3A_1605 = arith.shrui %add3A_1598, %shift_right_logical3A_1604 : vector<32x1024xi32>
    %add3A_1606 = arith.addi %shift_left3A_1602, %shift_right_logical3A_1605 : vector<32x1024xi32>
    %xor3A_1607 = arith.xori %add3A_1606, %add3A_1599 : vector<32x1024xi32>
    %add3A_1608 = arith.addi %add3A_1599, %xor3A_1607 : vector<32x1024xi32>
    %shift_left3A_1609 = arith.constant 29 : i32
    %shift_left3A_1610 = vector.broadcast %shift_left3A_1609 : i32 to vector<32x1024xi32>
    %shift_left3A_1611 = arith.shli %xor3A_1607, %shift_left3A_1610 : vector<32x1024xi32>
    %shift_right_logical3A_1612 = arith.constant 3 : i32
    %shift_right_logical3A_1613 = vector.broadcast %shift_right_logical3A_1612 : i32 to vector<32x1024xi32>
    %shift_right_logical3A_1614 = arith.shrui %xor3A_1607, %shift_right_logical3A_1613 : vector<32x1024xi32>
    %add3A_1615 = arith.addi %shift_left3A_1611, %shift_right_logical3A_1614 : vector<32x1024xi32>
    %xor3A_1616 = arith.xori %add3A_1615, %add3A_1608 : vector<32x1024xi32>
    %add3A_1617 = arith.addi %add3A_1608, %xor3A_1616 : vector<32x1024xi32>
    %shift_left3A_1618 = arith.constant 16 : i32
    %shift_left3A_1619 = vector.broadcast %shift_left3A_1618 : i32 to vector<32x1024xi32>
    %shift_left3A_1620 = arith.shli %xor3A_1616, %shift_left3A_1619 : vector<32x1024xi32>
    %shift_right_logical3A_1621 = arith.constant 16 : i32
    %shift_right_logical3A_1622 = vector.broadcast %shift_right_logical3A_1621 : i32 to vector<32x1024xi32>
    %shift_right_logical3A_1623 = arith.shrui %xor3A_1616, %shift_right_logical3A_1622 : vector<32x1024xi32>
    %add3A_1624 = arith.addi %shift_left3A_1620, %shift_right_logical3A_1623 : vector<32x1024xi32>
    %xor3A_1625 = arith.xori %add3A_1624, %add3A_1617 : vector<32x1024xi32>
    %add3A_1626 = arith.addi %add3A_1617, %xor3A_1625 : vector<32x1024xi32>
    %shift_left3A_1627 = arith.constant 24 : i32
    %shift_left3A_1628 = vector.broadcast %shift_left3A_1627 : i32 to vector<32x1024xi32>
    %shift_left3A_1629 = arith.shli %xor3A_1625, %shift_left3A_1628 : vector<32x1024xi32>
    %shift_right_logical3A_1630 = arith.constant 8 : i32
    %shift_right_logical3A_1631 = vector.broadcast %shift_right_logical3A_1630 : i32 to vector<32x1024xi32>
    %shift_right_logical3A_1632 = arith.shrui %xor3A_1625, %shift_right_logical3A_1631 : vector<32x1024xi32>
    %add3A_1633 = arith.addi %shift_left3A_1629, %shift_right_logical3A_1632 : vector<32x1024xi32>
    %xor3A_1634 = arith.xori %add3A_1633, %add3A_1626 : vector<32x1024xi32>
    %add3A_1635 = arith.constant 42 : i32
    %add3A_1636 = vector.broadcast %add3A_1635 : i32 to vector<32x1024xi32>
    %add3A_1637 = arith.addi %add3A_1626, %add3A_1636 : vector<32x1024xi32>
    %add3A_1638 = arith.constant 466689012 : i32
    %add3A_1639 = vector.broadcast %add3A_1638 : i32 to vector<32x1024xi32>
    %add3A_1640 = arith.addi %xor3A_1634, %add3A_1639 : vector<32x1024xi32>
    %add3A_1641 = arith.addi %add3A_1637, %add3A_1640 : vector<32x1024xi32>
    %shift_left3A_1642 = arith.constant 13 : i32
    %shift_left3A_1643 = vector.broadcast %shift_left3A_1642 : i32 to vector<32x1024xi32>
    %shift_left3A_1644 = arith.shli %add3A_1640, %shift_left3A_1643 : vector<32x1024xi32>
    %shift_right_logical3A_1645 = arith.constant 19 : i32
    %shift_right_logical3A_1646 = vector.broadcast %shift_right_logical3A_1645 : i32 to vector<32x1024xi32>
    %shift_right_logical3A_1647 = arith.shrui %add3A_1640, %shift_right_logical3A_1646 : vector<32x1024xi32>
    %add3A_1648 = arith.addi %shift_left3A_1644, %shift_right_logical3A_1647 : vector<32x1024xi32>
    %xor3A_1649 = arith.xori %add3A_1648, %add3A_1641 : vector<32x1024xi32>
    %add3A_1650 = arith.addi %add3A_1641, %xor3A_1649 : vector<32x1024xi32>
    %shift_left3A_1651 = arith.constant 15 : i32
    %shift_left3A_1652 = vector.broadcast %shift_left3A_1651 : i32 to vector<32x1024xi32>
    %shift_left3A_1653 = arith.shli %xor3A_1649, %shift_left3A_1652 : vector<32x1024xi32>
    %shift_right_logical3A_1654 = arith.constant 17 : i32
    %shift_right_logical3A_1655 = vector.broadcast %shift_right_logical3A_1654 : i32 to vector<32x1024xi32>
    %shift_right_logical3A_1656 = arith.shrui %xor3A_1649, %shift_right_logical3A_1655 : vector<32x1024xi32>
    %add3A_1657 = arith.addi %shift_left3A_1653, %shift_right_logical3A_1656 : vector<32x1024xi32>
    %xor3A_1658 = arith.xori %add3A_1657, %add3A_1650 : vector<32x1024xi32>
    %add3A_1659 = arith.addi %add3A_1650, %xor3A_1658 : vector<32x1024xi32>
    %shift_left3A_1660 = arith.constant 26 : i32
    %shift_left3A_1661 = vector.broadcast %shift_left3A_1660 : i32 to vector<32x1024xi32>
    %shift_left3A_1662 = arith.shli %xor3A_1658, %shift_left3A_1661 : vector<32x1024xi32>
    %shift_right_logical3A_1663 = arith.constant 6 : i32
    %shift_right_logical3A_1664 = vector.broadcast %shift_right_logical3A_1663 : i32 to vector<32x1024xi32>
    %shift_right_logical3A_1665 = arith.shrui %xor3A_1658, %shift_right_logical3A_1664 : vector<32x1024xi32>
    %add3A_1666 = arith.addi %shift_left3A_1662, %shift_right_logical3A_1665 : vector<32x1024xi32>
    %xor3A_1667 = arith.xori %add3A_1666, %add3A_1659 : vector<32x1024xi32>
    %add3A_1668 = arith.addi %add3A_1659, %xor3A_1667 : vector<32x1024xi32>
    %shift_left3A_1669 = arith.constant 6 : i32
    %shift_left3A_1670 = vector.broadcast %shift_left3A_1669 : i32 to vector<32x1024xi32>
    %shift_left3A_1671 = arith.shli %xor3A_1667, %shift_left3A_1670 : vector<32x1024xi32>
    %shift_right_logical3A_1672 = arith.constant 26 : i32
    %shift_right_logical3A_1673 = vector.broadcast %shift_right_logical3A_1672 : i32 to vector<32x1024xi32>
    %shift_right_logical3A_1674 = arith.shrui %xor3A_1667, %shift_right_logical3A_1673 : vector<32x1024xi32>
    %add3A_1675 = arith.addi %shift_left3A_1671, %shift_right_logical3A_1674 : vector<32x1024xi32>
    %xor3A_1676 = arith.xori %add3A_1675, %add3A_1668 : vector<32x1024xi32>
    %add3A_1677 = arith.constant 466689008 : i32
    %add3A_1678 = vector.broadcast %add3A_1677 : i32 to vector<32x1024xi32>
    %add3A_1679 = arith.addi %add3A_1668, %add3A_1678 : vector<32x1024xi32>
    %add3A_1680 = arith.constant 5 : i32
    %add3A_1681 = vector.broadcast %add3A_1680 : i32 to vector<32x1024xi32>
    %add3A_1682 = arith.addi %xor3A_1676, %add3A_1681 : vector<32x1024xi32>
    %xor3A_1683 = arith.xori %add3A_1679, %add3A_1682 : vector<32x1024xi32>
    %shift_right_logical3A_1684 = arith.constant 9 : i32
    %shift_right_logical3A_1685 = vector.broadcast %shift_right_logical3A_1684 : i32 to vector<32x1024xi32>
    %shift_right_logical3A_1686 = arith.shrui %xor3A_1683, %shift_right_logical3A_1685 : vector<32x1024xi32>
    %or3A_1687 = arith.constant 1065353216 : i32
    %or3A_1688 = vector.broadcast %or3A_1687 : i32 to vector<32x1024xi32>
    %or3A_1689 = arith.ori %shift_right_logical3A_1686, %or3A_1688 : vector<32x1024xi32>
    %bitcast_convert_type3A_1690 = tpu.bitcast %or3A_1689 : vector<32x1024xi32> -> vector<32x1024xf32>
    %sub3A_1691 = arith.constant 1.000000e+00 : f32
    %sub3A_1692 = vector.broadcast %sub3A_1691 : f32 to vector<32x1024xf32>
    %sub3A_1693 = arith.subf %bitcast_convert_type3A_1690, %sub3A_1692 : vector<32x1024xf32>
    %add3A_1694 = arith.constant 1.17549435E-38 : f32
    %add3A_1695 = vector.broadcast %add3A_1694 : f32 to vector<32x1024xf32>
    %add3A_1696 = arith.addf %sub3A_1693, %add3A_1695 : vector<32x1024xf32>
    %max3A_1697 = arith.constant 1.17549435E-38 : f32
    %max3A_1698 = vector.broadcast %max3A_1697 : f32 to vector<32x1024xf32>
    %max3A_1699 = arith.maximumf %max3A_1698, %add3A_1696 : vector<32x1024xf32>
    %log3A_1700 = math.log %max3A_1699 : vector<32x1024xf32>
    %neg3A_1701 = arith.constant 0.000000e+00 : f32
    %neg3A_1702 = vector.broadcast %neg3A_1701 : f32 to vector<32x1024xf32>
    %neg3A_1703 = arith.subf %neg3A_1702, %log3A_1700 : vector<32x1024xf32>
    %log3A_1704 = math.log %neg3A_1703 : vector<32x1024xf32>
    %neg3A_1705 = arith.constant 0.000000e+00 : f32
    %neg3A_1706 = vector.broadcast %neg3A_1705 : f32 to vector<32x1024xf32>
    %neg3A_1707 = arith.subf %neg3A_1706, %log3A_1704 : vector<32x1024xf32>
    %get3A_1708 = arith.constant 0 : index
    %get3A_1709 = arith.constant 6144 : index
    %get3A_1710 = vector.load %arg1[%get3A_1708, %get3A_1709] : memref<32x8192xf32, #tpu.memory_space<vmem>>, vector<32x1024xf32>
    %add3A_1711 = arith.addf %neg3A_1707, %get3A_1710 : vector<32x1024xf32>
    %gt3A_1712 = arith.cmpf ogt, %add3A_1711, %max3A_1468 : vector<32x1024xf32>
    %max3A_1713 = arith.maximumf %max3A_1468, %add3A_1711 : vector<32x1024xf32>
    %select_n3A_1714 = arith.select %gt3A_1712, %add3A_1473, %select_n3A_1469 : vector<32x1024xi1>, vector<32x1024xi32>
    %add3A_1715 = arith.constant 7168 : i32
    %add3A_1716 = arith.addi %mul3A_3, %add3A_1715 : i32
    %add3A_1717 = vector.broadcast %add3A_1716 : i32 to vector<32x1024xi32>
    %add3A_1718 = arith.addi %get3A_5, %add3A_1717 : vector<32x1024xi32>
    %shift_left3A_1719 = arith.constant 13 : i32
    %shift_left3A_1720 = vector.broadcast %shift_left3A_1719 : i32 to vector<32x1024xi32>
    %shift_left3A_1721 = arith.shli %add3A_1718, %shift_left3A_1720 : vector<32x1024xi32>
    %shift_right_logical3A_1722 = arith.constant 19 : i32
    %shift_right_logical3A_1723 = vector.broadcast %shift_right_logical3A_1722 : i32 to vector<32x1024xi32>
    %shift_right_logical3A_1724 = arith.shrui %add3A_1718, %shift_right_logical3A_1723 : vector<32x1024xi32>
    %add3A_1725 = arith.addi %shift_left3A_1721, %shift_right_logical3A_1724 : vector<32x1024xi32>
    %xor3A_1726 = arith.xori %add3A_1725, %add3A_1718 : vector<32x1024xi32>
    %add3A_1727 = arith.addi %add3A_1718, %xor3A_1726 : vector<32x1024xi32>
    %shift_left3A_1728 = arith.constant 15 : i32
    %shift_left3A_1729 = vector.broadcast %shift_left3A_1728 : i32 to vector<32x1024xi32>
    %shift_left3A_1730 = arith.shli %xor3A_1726, %shift_left3A_1729 : vector<32x1024xi32>
    %shift_right_logical3A_1731 = arith.constant 17 : i32
    %shift_right_logical3A_1732 = vector.broadcast %shift_right_logical3A_1731 : i32 to vector<32x1024xi32>
    %shift_right_logical3A_1733 = arith.shrui %xor3A_1726, %shift_right_logical3A_1732 : vector<32x1024xi32>
    %add3A_1734 = arith.addi %shift_left3A_1730, %shift_right_logical3A_1733 : vector<32x1024xi32>
    %xor3A_1735 = arith.xori %add3A_1734, %add3A_1727 : vector<32x1024xi32>
    %add3A_1736 = arith.addi %add3A_1727, %xor3A_1735 : vector<32x1024xi32>
    %shift_left3A_1737 = arith.constant 26 : i32
    %shift_left3A_1738 = vector.broadcast %shift_left3A_1737 : i32 to vector<32x1024xi32>
    %shift_left3A_1739 = arith.shli %xor3A_1735, %shift_left3A_1738 : vector<32x1024xi32>
    %shift_right_logical3A_1740 = arith.constant 6 : i32
    %shift_right_logical3A_1741 = vector.broadcast %shift_right_logical3A_1740 : i32 to vector<32x1024xi32>
    %shift_right_logical3A_1742 = arith.shrui %xor3A_1735, %shift_right_logical3A_1741 : vector<32x1024xi32>
    %add3A_1743 = arith.addi %shift_left3A_1739, %shift_right_logical3A_1742 : vector<32x1024xi32>
    %xor3A_1744 = arith.xori %add3A_1743, %add3A_1736 : vector<32x1024xi32>
    %add3A_1745 = arith.addi %add3A_1736, %xor3A_1744 : vector<32x1024xi32>
    %shift_left3A_1746 = arith.constant 6 : i32
    %shift_left3A_1747 = vector.broadcast %shift_left3A_1746 : i32 to vector<32x1024xi32>
    %shift_left3A_1748 = arith.shli %xor3A_1744, %shift_left3A_1747 : vector<32x1024xi32>
    %shift_right_logical3A_1749 = arith.constant 26 : i32
    %shift_right_logical3A_1750 = vector.broadcast %shift_right_logical3A_1749 : i32 to vector<32x1024xi32>
    %shift_right_logical3A_1751 = arith.shrui %xor3A_1744, %shift_right_logical3A_1750 : vector<32x1024xi32>
    %add3A_1752 = arith.addi %shift_left3A_1748, %shift_right_logical3A_1751 : vector<32x1024xi32>
    %xor3A_1753 = arith.xori %add3A_1752, %add3A_1745 : vector<32x1024xi32>
    %add3A_1754 = arith.constant 42 : i32
    %add3A_1755 = vector.broadcast %add3A_1754 : i32 to vector<32x1024xi32>
    %add3A_1756 = arith.addi %add3A_1745, %add3A_1755 : vector<32x1024xi32>
    %add3A_1757 = arith.constant 466689009 : i32
    %add3A_1758 = vector.broadcast %add3A_1757 : i32 to vector<32x1024xi32>
    %add3A_1759 = arith.addi %xor3A_1753, %add3A_1758 : vector<32x1024xi32>
    %add3A_1760 = arith.addi %add3A_1756, %add3A_1759 : vector<32x1024xi32>
    %shift_left3A_1761 = arith.constant 17 : i32
    %shift_left3A_1762 = vector.broadcast %shift_left3A_1761 : i32 to vector<32x1024xi32>
    %shift_left3A_1763 = arith.shli %add3A_1759, %shift_left3A_1762 : vector<32x1024xi32>
    %shift_right_logical3A_1764 = arith.constant 15 : i32
    %shift_right_logical3A_1765 = vector.broadcast %shift_right_logical3A_1764 : i32 to vector<32x1024xi32>
    %shift_right_logical3A_1766 = arith.shrui %add3A_1759, %shift_right_logical3A_1765 : vector<32x1024xi32>
    %add3A_1767 = arith.addi %shift_left3A_1763, %shift_right_logical3A_1766 : vector<32x1024xi32>
    %xor3A_1768 = arith.xori %add3A_1767, %add3A_1760 : vector<32x1024xi32>
    %add3A_1769 = arith.addi %add3A_1760, %xor3A_1768 : vector<32x1024xi32>
    %shift_left3A_1770 = arith.constant 29 : i32
    %shift_left3A_1771 = vector.broadcast %shift_left3A_1770 : i32 to vector<32x1024xi32>
    %shift_left3A_1772 = arith.shli %xor3A_1768, %shift_left3A_1771 : vector<32x1024xi32>
    %shift_right_logical3A_1773 = arith.constant 3 : i32
    %shift_right_logical3A_1774 = vector.broadcast %shift_right_logical3A_1773 : i32 to vector<32x1024xi32>
    %shift_right_logical3A_1775 = arith.shrui %xor3A_1768, %shift_right_logical3A_1774 : vector<32x1024xi32>
    %add3A_1776 = arith.addi %shift_left3A_1772, %shift_right_logical3A_1775 : vector<32x1024xi32>
    %xor3A_1777 = arith.xori %add3A_1776, %add3A_1769 : vector<32x1024xi32>
    %add3A_1778 = arith.addi %add3A_1769, %xor3A_1777 : vector<32x1024xi32>
    %shift_left3A_1779 = arith.constant 16 : i32
    %shift_left3A_1780 = vector.broadcast %shift_left3A_1779 : i32 to vector<32x1024xi32>
    %shift_left3A_1781 = arith.shli %xor3A_1777, %shift_left3A_1780 : vector<32x1024xi32>
    %shift_right_logical3A_1782 = arith.constant 16 : i32
    %shift_right_logical3A_1783 = vector.broadcast %shift_right_logical3A_1782 : i32 to vector<32x1024xi32>
    %shift_right_logical3A_1784 = arith.shrui %xor3A_1777, %shift_right_logical3A_1783 : vector<32x1024xi32>
    %add3A_1785 = arith.addi %shift_left3A_1781, %shift_right_logical3A_1784 : vector<32x1024xi32>
    %xor3A_1786 = arith.xori %add3A_1785, %add3A_1778 : vector<32x1024xi32>
    %add3A_1787 = arith.addi %add3A_1778, %xor3A_1786 : vector<32x1024xi32>
    %shift_left3A_1788 = arith.constant 24 : i32
    %shift_left3A_1789 = vector.broadcast %shift_left3A_1788 : i32 to vector<32x1024xi32>
    %shift_left3A_1790 = arith.shli %xor3A_1786, %shift_left3A_1789 : vector<32x1024xi32>
    %shift_right_logical3A_1791 = arith.constant 8 : i32
    %shift_right_logical3A_1792 = vector.broadcast %shift_right_logical3A_1791 : i32 to vector<32x1024xi32>
    %shift_right_logical3A_1793 = arith.shrui %xor3A_1786, %shift_right_logical3A_1792 : vector<32x1024xi32>
    %add3A_1794 = arith.addi %shift_left3A_1790, %shift_right_logical3A_1793 : vector<32x1024xi32>
    %xor3A_1795 = arith.xori %add3A_1794, %add3A_1787 : vector<32x1024xi32>
    %add3A_1796 = arith.constant 466689008 : i32
    %add3A_1797 = vector.broadcast %add3A_1796 : i32 to vector<32x1024xi32>
    %add3A_1798 = arith.addi %add3A_1787, %add3A_1797 : vector<32x1024xi32>
    %add3A_1799 = arith.constant 2 : i32
    %add3A_1800 = vector.broadcast %add3A_1799 : i32 to vector<32x1024xi32>
    %add3A_1801 = arith.addi %xor3A_1795, %add3A_1800 : vector<32x1024xi32>
    %add3A_1802 = arith.addi %add3A_1798, %add3A_1801 : vector<32x1024xi32>
    %shift_left3A_1803 = arith.constant 13 : i32
    %shift_left3A_1804 = vector.broadcast %shift_left3A_1803 : i32 to vector<32x1024xi32>
    %shift_left3A_1805 = arith.shli %add3A_1801, %shift_left3A_1804 : vector<32x1024xi32>
    %shift_right_logical3A_1806 = arith.constant 19 : i32
    %shift_right_logical3A_1807 = vector.broadcast %shift_right_logical3A_1806 : i32 to vector<32x1024xi32>
    %shift_right_logical3A_1808 = arith.shrui %add3A_1801, %shift_right_logical3A_1807 : vector<32x1024xi32>
    %add3A_1809 = arith.addi %shift_left3A_1805, %shift_right_logical3A_1808 : vector<32x1024xi32>
    %xor3A_1810 = arith.xori %add3A_1809, %add3A_1802 : vector<32x1024xi32>
    %add3A_1811 = arith.addi %add3A_1802, %xor3A_1810 : vector<32x1024xi32>
    %shift_left3A_1812 = arith.constant 15 : i32
    %shift_left3A_1813 = vector.broadcast %shift_left3A_1812 : i32 to vector<32x1024xi32>
    %shift_left3A_1814 = arith.shli %xor3A_1810, %shift_left3A_1813 : vector<32x1024xi32>
    %shift_right_logical3A_1815 = arith.constant 17 : i32
    %shift_right_logical3A_1816 = vector.broadcast %shift_right_logical3A_1815 : i32 to vector<32x1024xi32>
    %shift_right_logical3A_1817 = arith.shrui %xor3A_1810, %shift_right_logical3A_1816 : vector<32x1024xi32>
    %add3A_1818 = arith.addi %shift_left3A_1814, %shift_right_logical3A_1817 : vector<32x1024xi32>
    %xor3A_1819 = arith.xori %add3A_1818, %add3A_1811 : vector<32x1024xi32>
    %add3A_1820 = arith.addi %add3A_1811, %xor3A_1819 : vector<32x1024xi32>
    %shift_left3A_1821 = arith.constant 26 : i32
    %shift_left3A_1822 = vector.broadcast %shift_left3A_1821 : i32 to vector<32x1024xi32>
    %shift_left3A_1823 = arith.shli %xor3A_1819, %shift_left3A_1822 : vector<32x1024xi32>
    %shift_right_logical3A_1824 = arith.constant 6 : i32
    %shift_right_logical3A_1825 = vector.broadcast %shift_right_logical3A_1824 : i32 to vector<32x1024xi32>
    %shift_right_logical3A_1826 = arith.shrui %xor3A_1819, %shift_right_logical3A_1825 : vector<32x1024xi32>
    %add3A_1827 = arith.addi %shift_left3A_1823, %shift_right_logical3A_1826 : vector<32x1024xi32>
    %xor3A_1828 = arith.xori %add3A_1827, %add3A_1820 : vector<32x1024xi32>
    %add3A_1829 = arith.addi %add3A_1820, %xor3A_1828 : vector<32x1024xi32>
    %shift_left3A_1830 = arith.constant 6 : i32
    %shift_left3A_1831 = vector.broadcast %shift_left3A_1830 : i32 to vector<32x1024xi32>
    %shift_left3A_1832 = arith.shli %xor3A_1828, %shift_left3A_1831 : vector<32x1024xi32>
    %shift_right_logical3A_1833 = arith.constant 26 : i32
    %shift_right_logical3A_1834 = vector.broadcast %shift_right_logical3A_1833 : i32 to vector<32x1024xi32>
    %shift_right_logical3A_1835 = arith.shrui %xor3A_1828, %shift_right_logical3A_1834 : vector<32x1024xi32>
    %add3A_1836 = arith.addi %shift_left3A_1832, %shift_right_logical3A_1835 : vector<32x1024xi32>
    %xor3A_1837 = arith.xori %add3A_1836, %add3A_1829 : vector<32x1024xi32>
    %add3A_1838 = arith.constant 0 : i32
    %add3A_1839 = vector.broadcast %add3A_1838 : i32 to vector<32x1024xi32>
    %add3A_1840 = arith.addi %add3A_1829, %add3A_1839 : vector<32x1024xi32>
    %add3A_1841 = arith.constant 45 : i32
    %add3A_1842 = vector.broadcast %add3A_1841 : i32 to vector<32x1024xi32>
    %add3A_1843 = arith.addi %xor3A_1837, %add3A_1842 : vector<32x1024xi32>
    %add3A_1844 = arith.addi %add3A_1840, %add3A_1843 : vector<32x1024xi32>
    %shift_left3A_1845 = arith.constant 17 : i32
    %shift_left3A_1846 = vector.broadcast %shift_left3A_1845 : i32 to vector<32x1024xi32>
    %shift_left3A_1847 = arith.shli %add3A_1843, %shift_left3A_1846 : vector<32x1024xi32>
    %shift_right_logical3A_1848 = arith.constant 15 : i32
    %shift_right_logical3A_1849 = vector.broadcast %shift_right_logical3A_1848 : i32 to vector<32x1024xi32>
    %shift_right_logical3A_1850 = arith.shrui %add3A_1843, %shift_right_logical3A_1849 : vector<32x1024xi32>
    %add3A_1851 = arith.addi %shift_left3A_1847, %shift_right_logical3A_1850 : vector<32x1024xi32>
    %xor3A_1852 = arith.xori %add3A_1851, %add3A_1844 : vector<32x1024xi32>
    %add3A_1853 = arith.addi %add3A_1844, %xor3A_1852 : vector<32x1024xi32>
    %shift_left3A_1854 = arith.constant 29 : i32
    %shift_left3A_1855 = vector.broadcast %shift_left3A_1854 : i32 to vector<32x1024xi32>
    %shift_left3A_1856 = arith.shli %xor3A_1852, %shift_left3A_1855 : vector<32x1024xi32>
    %shift_right_logical3A_1857 = arith.constant 3 : i32
    %shift_right_logical3A_1858 = vector.broadcast %shift_right_logical3A_1857 : i32 to vector<32x1024xi32>
    %shift_right_logical3A_1859 = arith.shrui %xor3A_1852, %shift_right_logical3A_1858 : vector<32x1024xi32>
    %add3A_1860 = arith.addi %shift_left3A_1856, %shift_right_logical3A_1859 : vector<32x1024xi32>
    %xor3A_1861 = arith.xori %add3A_1860, %add3A_1853 : vector<32x1024xi32>
    %add3A_1862 = arith.addi %add3A_1853, %xor3A_1861 : vector<32x1024xi32>
    %shift_left3A_1863 = arith.constant 16 : i32
    %shift_left3A_1864 = vector.broadcast %shift_left3A_1863 : i32 to vector<32x1024xi32>
    %shift_left3A_1865 = arith.shli %xor3A_1861, %shift_left3A_1864 : vector<32x1024xi32>
    %shift_right_logical3A_1866 = arith.constant 16 : i32
    %shift_right_logical3A_1867 = vector.broadcast %shift_right_logical3A_1866 : i32 to vector<32x1024xi32>
    %shift_right_logical3A_1868 = arith.shrui %xor3A_1861, %shift_right_logical3A_1867 : vector<32x1024xi32>
    %add3A_1869 = arith.addi %shift_left3A_1865, %shift_right_logical3A_1868 : vector<32x1024xi32>
    %xor3A_1870 = arith.xori %add3A_1869, %add3A_1862 : vector<32x1024xi32>
    %add3A_1871 = arith.addi %add3A_1862, %xor3A_1870 : vector<32x1024xi32>
    %shift_left3A_1872 = arith.constant 24 : i32
    %shift_left3A_1873 = vector.broadcast %shift_left3A_1872 : i32 to vector<32x1024xi32>
    %shift_left3A_1874 = arith.shli %xor3A_1870, %shift_left3A_1873 : vector<32x1024xi32>
    %shift_right_logical3A_1875 = arith.constant 8 : i32
    %shift_right_logical3A_1876 = vector.broadcast %shift_right_logical3A_1875 : i32 to vector<32x1024xi32>
    %shift_right_logical3A_1877 = arith.shrui %xor3A_1870, %shift_right_logical3A_1876 : vector<32x1024xi32>
    %add3A_1878 = arith.addi %shift_left3A_1874, %shift_right_logical3A_1877 : vector<32x1024xi32>
    %xor3A_1879 = arith.xori %add3A_1878, %add3A_1871 : vector<32x1024xi32>
    %add3A_1880 = arith.constant 42 : i32
    %add3A_1881 = vector.broadcast %add3A_1880 : i32 to vector<32x1024xi32>
    %add3A_1882 = arith.addi %add3A_1871, %add3A_1881 : vector<32x1024xi32>
    %add3A_1883 = arith.constant 466689012 : i32
    %add3A_1884 = vector.broadcast %add3A_1883 : i32 to vector<32x1024xi32>
    %add3A_1885 = arith.addi %xor3A_1879, %add3A_1884 : vector<32x1024xi32>
    %add3A_1886 = arith.addi %add3A_1882, %add3A_1885 : vector<32x1024xi32>
    %shift_left3A_1887 = arith.constant 13 : i32
    %shift_left3A_1888 = vector.broadcast %shift_left3A_1887 : i32 to vector<32x1024xi32>
    %shift_left3A_1889 = arith.shli %add3A_1885, %shift_left3A_1888 : vector<32x1024xi32>
    %shift_right_logical3A_1890 = arith.constant 19 : i32
    %shift_right_logical3A_1891 = vector.broadcast %shift_right_logical3A_1890 : i32 to vector<32x1024xi32>
    %shift_right_logical3A_1892 = arith.shrui %add3A_1885, %shift_right_logical3A_1891 : vector<32x1024xi32>
    %add3A_1893 = arith.addi %shift_left3A_1889, %shift_right_logical3A_1892 : vector<32x1024xi32>
    %xor3A_1894 = arith.xori %add3A_1893, %add3A_1886 : vector<32x1024xi32>
    %add3A_1895 = arith.addi %add3A_1886, %xor3A_1894 : vector<32x1024xi32>
    %shift_left3A_1896 = arith.constant 15 : i32
    %shift_left3A_1897 = vector.broadcast %shift_left3A_1896 : i32 to vector<32x1024xi32>
    %shift_left3A_1898 = arith.shli %xor3A_1894, %shift_left3A_1897 : vector<32x1024xi32>
    %shift_right_logical3A_1899 = arith.constant 17 : i32
    %shift_right_logical3A_1900 = vector.broadcast %shift_right_logical3A_1899 : i32 to vector<32x1024xi32>
    %shift_right_logical3A_1901 = arith.shrui %xor3A_1894, %shift_right_logical3A_1900 : vector<32x1024xi32>
    %add3A_1902 = arith.addi %shift_left3A_1898, %shift_right_logical3A_1901 : vector<32x1024xi32>
    %xor3A_1903 = arith.xori %add3A_1902, %add3A_1895 : vector<32x1024xi32>
    %add3A_1904 = arith.addi %add3A_1895, %xor3A_1903 : vector<32x1024xi32>
    %shift_left3A_1905 = arith.constant 26 : i32
    %shift_left3A_1906 = vector.broadcast %shift_left3A_1905 : i32 to vector<32x1024xi32>
    %shift_left3A_1907 = arith.shli %xor3A_1903, %shift_left3A_1906 : vector<32x1024xi32>
    %shift_right_logical3A_1908 = arith.constant 6 : i32
    %shift_right_logical3A_1909 = vector.broadcast %shift_right_logical3A_1908 : i32 to vector<32x1024xi32>
    %shift_right_logical3A_1910 = arith.shrui %xor3A_1903, %shift_right_logical3A_1909 : vector<32x1024xi32>
    %add3A_1911 = arith.addi %shift_left3A_1907, %shift_right_logical3A_1910 : vector<32x1024xi32>
    %xor3A_1912 = arith.xori %add3A_1911, %add3A_1904 : vector<32x1024xi32>
    %add3A_1913 = arith.addi %add3A_1904, %xor3A_1912 : vector<32x1024xi32>
    %shift_left3A_1914 = arith.constant 6 : i32
    %shift_left3A_1915 = vector.broadcast %shift_left3A_1914 : i32 to vector<32x1024xi32>
    %shift_left3A_1916 = arith.shli %xor3A_1912, %shift_left3A_1915 : vector<32x1024xi32>
    %shift_right_logical3A_1917 = arith.constant 26 : i32
    %shift_right_logical3A_1918 = vector.broadcast %shift_right_logical3A_1917 : i32 to vector<32x1024xi32>
    %shift_right_logical3A_1919 = arith.shrui %xor3A_1912, %shift_right_logical3A_1918 : vector<32x1024xi32>
    %add3A_1920 = arith.addi %shift_left3A_1916, %shift_right_logical3A_1919 : vector<32x1024xi32>
    %xor3A_1921 = arith.xori %add3A_1920, %add3A_1913 : vector<32x1024xi32>
    %add3A_1922 = arith.constant 466689008 : i32
    %add3A_1923 = vector.broadcast %add3A_1922 : i32 to vector<32x1024xi32>
    %add3A_1924 = arith.addi %add3A_1913, %add3A_1923 : vector<32x1024xi32>
    %add3A_1925 = arith.constant 5 : i32
    %add3A_1926 = vector.broadcast %add3A_1925 : i32 to vector<32x1024xi32>
    %add3A_1927 = arith.addi %xor3A_1921, %add3A_1926 : vector<32x1024xi32>
    %xor3A_1928 = arith.xori %add3A_1924, %add3A_1927 : vector<32x1024xi32>
    %shift_right_logical3A_1929 = arith.constant 9 : i32
    %shift_right_logical3A_1930 = vector.broadcast %shift_right_logical3A_1929 : i32 to vector<32x1024xi32>
    %shift_right_logical3A_1931 = arith.shrui %xor3A_1928, %shift_right_logical3A_1930 : vector<32x1024xi32>
    %or3A_1932 = arith.constant 1065353216 : i32
    %or3A_1933 = vector.broadcast %or3A_1932 : i32 to vector<32x1024xi32>
    %or3A_1934 = arith.ori %shift_right_logical3A_1931, %or3A_1933 : vector<32x1024xi32>
    %bitcast_convert_type3A_1935 = tpu.bitcast %or3A_1934 : vector<32x1024xi32> -> vector<32x1024xf32>
    %sub3A_1936 = arith.constant 1.000000e+00 : f32
    %sub3A_1937 = vector.broadcast %sub3A_1936 : f32 to vector<32x1024xf32>
    %sub3A_1938 = arith.subf %bitcast_convert_type3A_1935, %sub3A_1937 : vector<32x1024xf32>
    %add3A_1939 = arith.constant 1.17549435E-38 : f32
    %add3A_1940 = vector.broadcast %add3A_1939 : f32 to vector<32x1024xf32>
    %add3A_1941 = arith.addf %sub3A_1938, %add3A_1940 : vector<32x1024xf32>
    %max3A_1942 = arith.constant 1.17549435E-38 : f32
    %max3A_1943 = vector.broadcast %max3A_1942 : f32 to vector<32x1024xf32>
    %max3A_1944 = arith.maximumf %max3A_1943, %add3A_1941 : vector<32x1024xf32>
    %log3A_1945 = math.log %max3A_1944 : vector<32x1024xf32>
    %neg3A_1946 = arith.constant 0.000000e+00 : f32
    %neg3A_1947 = vector.broadcast %neg3A_1946 : f32 to vector<32x1024xf32>
    %neg3A_1948 = arith.subf %neg3A_1947, %log3A_1945 : vector<32x1024xf32>
    %log3A_1949 = math.log %neg3A_1948 : vector<32x1024xf32>
    %neg3A_1950 = arith.constant 0.000000e+00 : f32
    %neg3A_1951 = vector.broadcast %neg3A_1950 : f32 to vector<32x1024xf32>
    %neg3A_1952 = arith.subf %neg3A_1951, %log3A_1949 : vector<32x1024xf32>
    %get3A_1953 = arith.constant 0 : index
    %get3A_1954 = arith.constant 7168 : index
    %get3A_1955 = vector.load %arg1[%get3A_1953, %get3A_1954] : memref<32x8192xf32, #tpu.memory_space<vmem>>, vector<32x1024xf32>
    %add3A_1956 = arith.addf %neg3A_1952, %get3A_1955 : vector<32x1024xf32>
    %gt3A_1957 = arith.cmpf ogt, %add3A_1956, %max3A_1713 : vector<32x1024xf32>
    %max3A_1958 = arith.maximumf %max3A_1713, %add3A_1956 : vector<32x1024xf32>
    %select_n3A_1959 = arith.select %gt3A_1957, %add3A_1718, %select_n3A_1714 : vector<32x1024xi1>, vector<32x1024xi32>
    %swap3A = arith.constant 0 : index
    %swap3A_1960 = arith.constant 0 : index
    %swap3A_1961 = vector.load %arg4[%swap3A, %swap3A_1960] : memref<32x1024xf32, #tpu.memory_space<vmem>>, vector<32x1024xf32>
    tpu.vector_store %arg4[%swap3A, %swap3A_1960], %max3A_1958 {strides = array<i32>} : memref<32x1024xf32, #tpu.memory_space<vmem>>, vector<32x1024xf32>,
    %swap3A_1962 = arith.constant 0 : index
    %swap3A_1963 = arith.constant 0 : index
    %swap3A_1964 = vector.load %arg5[%swap3A_1962, %swap3A_1963] : memref<32x1024xi32, #tpu.memory_space<vmem>>, vector<32x1024xi32>
    tpu.vector_store %arg5[%swap3A_1962, %swap3A_1963], %select_n3A_1959 {strides = array<i32>} : memref<32x1024xi32, #tpu.memory_space<vmem>>, vector<32x1024xi32>,
    %eq3A_1965 = arith.constant 90 : i32
    %eq3A_1966 = arith.cmpi eq, %arg0, %eq3A_1965 : i32
    %convert_element_type3A_1967 = arith.extui %eq3A_1966 : i1 to i32
    %cond3A_1968 = arith.constant 0 : i32
    %cond3A_1969 = arith.cmpi ne, %convert_element_type3A_1967, %cond3A_1968 : i32
    scf.if %cond3A_1969 {
      %get3A_1970 = arith.constant 0 : index
      %get3A_1971 = arith.constant 0 : index
      %get3A_1972 = vector.load %arg4[%get3A_1970, %get3A_1971] : memref<32x1024xf32, #tpu.memory_space<vmem>>, vector<32x1024xf32>
      %reduce_max3A = arith.constant dense<0xFF800000> : vector<32xf32>
      %reduce_max3A_1973 = vector.multi_reduction <maximumf>, %get3A_1972, %reduce_max3A [1] : vector<32x1024xf32> to vector<32xf32>
      %broadcast_in_dim3A = vector.shape_cast %reduce_max3A_1973 : vector<32xf32> to vector<32x1xf32>
      %get3A_1974 = arith.constant 0 : index
      %get3A_1975 = arith.constant 0 : index
      %get3A_1976 = vector.load %arg5[%get3A_1974, %get3A_1975] : memref<32x1024xi32, #tpu.memory_space<vmem>>, vector<32x1024xi32>
      %eq3A_1977 = vector.broadcast %broadcast_in_dim3A : vector<32x1xf32> to vector<32x1024xf32>
      %eq3A_1978 = arith.cmpf oeq, %get3A_1972, %eq3A_1977 : vector<32x1024xf32>
      %jit3A = arith.constant 2147483647 : i32
      %broadcast_in_dim3A_1979 = vector.broadcast %jit3A : i32 to vector<32x1024xi32>
      %select_n3A_1980 = arith.select %eq3A_1978, %get3A_1976, %broadcast_in_dim3A_1979 : vector<32x1024xi1>, vector<32x1024xi32>
      %reduce_min3A = arith.constant dense<2147483647> : vector<32xi32>
      %reduce_min3A_1981 = vector.multi_reduction <minsi>, %select_n3A_1980, %reduce_min3A [1] : vector<32x1024xi32> to vector<32xi32>
      %broadcast_in_dim3A_1982 = vector.shape_cast %reduce_min3A_1981 : vector<32xi32> to vector<32x1xi32>
      %iota3A = tpu.iota {dimensions = array<i32: 0>} : vector<32x1xi32>
      %swap3A_1983 = arith.constant 0 : index
      %swap3A_1984 = arith.constant 0 : index
      %swap3A_1985 = vector.load %arg2[%swap3A_1983, %swap3A_1984] : memref<32x1xf32, #tpu.memory_space<vmem>>, vector<32x1xf32>
      tpu.vector_store %arg2[%swap3A_1983, %swap3A_1984], %broadcast_in_dim3A {strides = array<i32>} : memref<32x1xf32, #tpu.memory_space<vmem>>, vector<32x1xf32>,
      %sub3A_1986 = arith.constant 42 : i32
      %sub3A_1987 = vector.broadcast %sub3A_1986 : i32 to vector<32x1xi32>
      %sub3A_1988 = arith.subi %broadcast_in_dim3A_1982, %sub3A_1987 : vector<32x1xi32>
      %mul3A_1989 = arith.constant 1000000 : i32
      %mul3A_1990 = vector.broadcast %mul3A_1989 : i32 to vector<32x1xi32>
      %mul3A_1991 = arith.muli %iota3A, %mul3A_1990 : vector<32x1xi32>
      %sub3A_1992 = arith.subi %sub3A_1988, %mul3A_1991 : vector<32x1xi32>
      %swap3A_1993 = arith.constant 0 : index
      %swap3A_1994 = arith.constant 0 : index
      %swap3A_1995 = vector.load %arg3[%swap3A_1993, %swap3A_1994] : memref<32x1xi32, #tpu.memory_space<vmem>>, vector<32x1xi32>
      tpu.vector_store %arg3[%swap3A_1993, %swap3A_1994], %sub3A_1992 {strides = array<i32>} : memref<32x1xi32, #tpu.memory_space<vmem>>, vector<32x1xi32>,
    } else {
    }
    return
  }
  func.func @transform_0(%arg0: i32) -> (i32, i32) {
    %c0_i32 = arith.constant 0 : i32
    %c0_i32_0 = arith.constant 0 : i32
    return %c0_i32, %arg0 : i32, i32
  }
  func.func @transform_1(%arg0: i32) -> (i32, i32) {
    %c0_i32 = arith.constant 0 : i32
    %c0_i32_0 = arith.constant 0 : i32
    %c0_i32_1 = arith.constant 0 : i32
    return %c0_i32, %c0_i32_0 : i32, i32
  }
  func.func @transform_2(%arg0: i32) -> (i32, i32) {
    %c0_i32 = arith.constant 0 : i32
    %c0_i32_0 = arith.constant 0 : i32
    %c0_i32_1 = arith.constant 0 : i32
    return %c0_i32, %c0_i32_0 : i32, i32
  }
}

</mosaic_0001>

<sc_bundles>
// kernel: kernel.5.cloned.1.call-start
scs
__scs_entry_jumppad:
0x0: {  	(pc) =	sbr.rel $0x88, $3  }
0x1: {  	(tag) =	ssettag $0x0;
	lr =	simm.s32 $0x1  }
0x2: {  	[smem:$0x3FA0] =	sst lr;
	_ =	strace $0xD0000000  }
0x3: {  	_ = 	snop  }
0x4: {  	_ = 	snop  }
0x5: {  	_ = 	snop  }
0x6: {  	_ = 	snop  }
0x7: {  	_ = 	snop  }
__scs_overlays_trampoline_lowered:
0x8: {  	[smem:$0x3FAF] =	sst s0  }
0x9: {  	[smem:$0x3FB0] =	sst s1  }
0xa: {  	[smem:$0x3FB1] =	sst s2  }
0xb: {  	[smem:$0x3FB2] =	sst s3  }
0xc: {  	[smem:$0x3FB3] =	sst s4  }
0xd: {  	[smem:$0x3FB4] =	sst s5  }
0xe: {  	[smem:$0x3FB5] =	sst s6  }
0xf: {  	[smem:$0x3FB6] =	sst s7  }
0x10: {  	[smem:$0x3FB7] =	sst s8  }
0x11: {  	[smem:$0x3FB8] =	sst s9;
	s0 =	simm.s32 @!p0 $0x0  }
0x12: {  	s1 =	sld [smem:$0x3F9E];
	s0 =	simm.s32 @p0 $0x1  }
0x13: {  	[smem:$0x3FB9] =	sst s0;
	s0 =	simm.s32 @!p1 $0x0  }
0x14: {  	s2 =	sld [smem:$0x3F9D];
	s0 =	simm.s32 @p1 $0x1  }
0x15: {  	[smem:$0x3FBA] =	sst s0;
	s0 =	simm.s32 @!p2 $0x0  }
0x16: {  	s3 =	sld [smem:$0x3FDB];
	s0 =	simm.s32 @p2 $0x1  }
0x17: {  	s4 =	simm.s32 $0x1BF5;
	[smem:$0x3FBC] =	sst s0  }
0x18: {  	s0 =	sld [smem:$0x3F9F];
	_ =	swait.ge [sflag:s4], $0x0  }
0x19: {  	s7 =	sld [smem:$0x3FA0]  }
0x1a: {  	s8 =	sadd.s32 $0xFFFFE003, lr  }
0x1b: {  	s9 =	sadd.s32 $0xFFFFFEF7, lr;
	s5 =	simm.s32 $0xFFFFFFFF;
	p2 =	slt.u32 s8, $0xFFFFF086  }
0x1c: {  	p1 =	slt.u32 s9, $0xF7A;
	s5 =	simm.s32 @!p2 $0x0  }
0x1d: {  	s5 =	simm.s32 @p1 $0x1;
	p0 =	seq.s32 s7, s2  }
0x1e: {  	s7 =	smul.u32 @!p0 $0xF7A, s2;
	p2 =	seq.s32 @!p0 s5, $0x0  }
0x1f: {  	s9 =	smul.u32 $0xF7A, s1;
	s8 =	simm.s32 @!p0 $0x1BF5;
	p2 =	por !p2, p0  }
0x20: {  	[sflag:s8] =	ssyncset.s32 @!p0 $0xFFFFF086;
	s6 =	sadd.s32 @!p0 s3, s7;
	s7 =	simm.s32 @!p0 $0x108  }
0x21: {  	s3 =	sadd.s32 s3, s9;
	s6 =	sadd.s32 @!p0 $0x88, s6;
	s7 =	simm.s32 @p2 $0x1082  }
0x22: {  	[simem:s7], [sflag:s8] =	dma.local @!p0 [hbm:s6], $0xF7A  }
0x23: {  	s9 =	sor.u32 $0xD0000000, s2;
	s6 =	simm.s32 $0x108;
	_ =	swait.ge @!p0 [sflag:s8], $0x0  }
0x24: {  	s3 =	sadd.s32 $0x88, s3;
	s6 =	simm.s32 @!p1 $0x1082;
	[sflag:s4] =	ssyncset.s32 $0xFFFFF086  }
0x25: {  	[simem:s6], [sflag:s4] =	dma.local [hbm:s3], $0xF7A  }
0x26: {  	[smem:$0x3FA0] =	sst s1;
	(tag) =	ssettag s2;
	_ =	strace s9  }
0x27: {  	s1 =	sld [smem:$0x3FB0]  }
0x28: {  	s2 =	sld [smem:$0x3FB1]  }
0x29: {  	s4 =	sld [smem:$0x3FB3]  }
0x2a: {  	p0 =	seq.s32 s5, $0x0;
	s5 =	sld [smem:$0x3FB4]  }
0x2b: {  	s6 =	sld [smem:$0x3FB5]  }
0x2c: {  	s7 =	sld [smem:$0x3FB6]  }
0x2d: {  	s3 =	simm.s32 $0x108;
	s8 =	sld [smem:$0x3FB7]  }
0x2e: {  	s3 =	simm.s32 @!p0 $0x1082;
	s9 =	sld [smem:$0x3FB8]  }
0x2f: {  	lr =	sadd.s32 s0, s3;
	s0 =	sld [smem:$0x3FAF]  }
0x30: {  	s3 =	sld [smem:$0x3FB2]  }
0x31: {  	[smem:$0x3FBB] =	sst s10  }
0x32: {  	s10 =	sld [smem:$0x3FB9];
	_ =	sdelay $0x3  }
0x33: {  	p0 =	seq.s32 s10, $0x1;
	s10 =	sld [smem:$0x3FBB];
	_ =	sdelay $0x3  }
0x34: {  	[smem:$0x3FBB] =	sst s10  }
0x35: {  	s10 =	sld [smem:$0x3FBA];
	_ =	sdelay $0x3  }
0x36: {  	p1 =	seq.s32 s10, $0x1;
	s10 =	sld [smem:$0x3FBB];
	_ =	sdelay $0x3  }
0x37: {  	[smem:$0x3FBB] =	sst s10  }
0x38: {  	s10 =	sld [smem:$0x3FBC]  }
0x39: {  	_ = 	snop;
	(pc) =	sbr.ind lr, $3  }
0x3a: {  	_ = 	snop  }
0x3b: {  	_ = 	snop  }
0x3c: {  	p2 =	seq.s32 s10, $0x1;
	s10 =	sld [smem:$0x3FBB]  }
0x3d: {  	_ =	shalt  }
0x3e: {  	_ =	shalt  }
0x3f: {  	_ =	shalt  }
0x40: {  	_ =	shalt  }
0x41: {  	_ =	shalt  }
0x42: {  	_ =	shalt  }
0x43: {  	_ =	shalt  }
0x44: {  	_ =	shalt  }
0x45: {  	_ =	shalt  }
0x46: {  	_ =	shalt  }
0x47: {  	_ =	shalt  }
0x48: {  	_ =	shalt  }
0x49: {  	_ =	shalt  }
0x4a: {  	_ =	shalt  }
0x4b: {  	_ =	shalt  }
0x4c: {  	_ =	shalt  }
0x4d: {  	_ =	shalt  }
0x4e: {  	_ =	shalt  }
0x4f: {  	_ =	shalt  }
0x50: {  	_ =	shalt  }
0x51: {  	_ =	shalt  }
0x52: {  	_ =	shalt  }
0x53: {  	_ =	shalt  }
0x54: {  	_ =	shalt  }
0x55: {  	_ =	shalt  }
0x56: {  	_ =	shalt  }
0x57: {  	_ =	shalt  }
0x58: {  	_ =	shalt  }
0x59: {  	_ =	shalt  }
0x5a: {  	_ =	shalt  }
0x5b: {  	_ =	shalt  }
0x5c: {  	_ =	shalt  }
0x5d: {  	_ =	shalt  }
0x5e: {  	_ =	shalt  }
0x5f: {  	_ =	shalt  }
0x60: {  	_ =	shalt  }
0x61: {  	_ =	shalt  }
0x62: {  	_ =	shalt  }
0x63: {  	_ =	shalt  }
0x64: {  	_ =	shalt  }
0x65: {  	_ =	shalt  }
0x66: {  	_ =	shalt  }
0x67: {  	_ =	shalt  }
0x68: {  	_ =	shalt  }
0x69: {  	_ =	shalt  }
0x6a: {  	_ =	shalt  }
0x6b: {  	_ =	shalt  }
0x6c: {  	_ =	shalt  }
0x6d: {  	_ =	shalt  }
0x6e: {  	_ =	shalt  }
0x6f: {  	_ =	shalt  }
0x70: {  	_ =	shalt  }
0x71: {  	_ =	shalt  }
0x72: {  	_ =	shalt  }
0x73: {  	_ =	shalt  }
0x74: {  	_ =	shalt  }
0x75: {  	_ =	shalt  }
0x76: {  	_ =	shalt  }
0x77: {  	_ =	shalt  }
0x78: {  	_ =	shalt  }
0x79: {  	_ =	shalt  }
0x7a: {  	_ =	shalt  }
0x7b: {  	_ =	shalt  }
0x7c: {  	_ =	shalt  }
0x7d: {  	_ =	shalt  }
0x7e: {  	_ =	shalt  }
0x7f: {  	_ =	shalt  }
0x80: {  	_ =	shalt  }
0x81: {  	_ =	shalt  }
0x82: {  	_ =	shalt  }
0x83: {  	_ =	shalt  }
0x84: {  	_ =	shalt  }
0x85: {  	_ =	shalt  }
0x86: {  	_ =	shalt  }
0x87: {  	_ =	shalt  }
.Lfunc_end0:
.L_simem_size_0:
called_computation_lowered:
.L_overlay_start_0:
0x88: {  	s2 =	sld [smem:$0x3FD9]  }
0x89: {  	s3 =	sld [smem:$0x3FFE];
	_ =	sdelay $0x1  }
0x8a: {  	s1 =	srdreg.scid  }
0x8b: {  	s0 =	sand.u32 $0x1, s1  }
0x8c: {  	s17 =	sshll.u32 s0, $0xA;
	s2 =	sadd.s32 s3, s2  }
0x8d: {  	s2 =	sadd.s32 s2, s17  }
0x8e: {  	[smem:$0x3FC7] =	sst s2  }
0x8f: {  	_ = 	snop  }
0x90: {  	s2 =	sld [smem:$0x3FD0];
	(tm) =	ssettm $0x1  }
0x91: {  	s18 =	sld [smem:$0x3FFB];
	_ =	sdelay $0x3  }
0x92: {  	_ =	strace s18  }
0x93: {  	s3 =	sld [smem:$0x3FFC];
	_ =	sdelay $0x3  }
0x94: {  	_ =	strace s3  }
0x95: {  	s3 =	sld [smem:$0x3FFD];
	_ =	sdelay $0x3  }
0x96: {  	_ =	strace s3  }
0x97: {  	_ =	strace $0x8FFFFFFF  }
0x98: {  	s19 =	sld [smem:$0x3FDB];
	_ =	sdelay $0x1  }
0x99: {  	s4 =	simm.s32 $_scs_section_size  }
0x9a: {  	s5 =	simm.s32 $_size__tile_overlayer_lowered;
	s6 =	simm.s32 $_tile_overlayer_lowered  }
0x9b: {  	s22 =	simm.s32 $0x1BFF;
	s21 =	sshll.u32 s6, $0x1;
	s3 =	sadd.s32 s4, s19  }
0x9c: {  	s7 =	simm.s32 $0x0;
	s20 =	sshll.u32 s5, $0x1;
	s5 =	sadd.s32 s21, s3  }
0x9d: {  	[timem:s7], [sflag:s22] =	dma.local [hbm:s5], s20  }
0x9e: {  	_ =	swait.ge [sflag:s22], s20  }
0x9f: {  	s4 =	ssub.s32 $0x0, s20;
	[sflag:s22] =	ssyncset.done $0x0  }
0xa0: {  	[sflag:s22] =	ssyncadd.s32 s4;
	_ =	sdelay $0x1  }
0xa1: {  	s23 =	simm.s32 $0x1B8B  }
0xa2: {  	_ =	swait.ge [sflag:s23], $0x1  }
0xa3: {  	[sflag:s23] =	ssyncset.done $0x0  }
0xa4: {  	s25 =	simm.s32 $0x1B8E;
	s24 =	sld [smem:$0x3FFE];
	[sflag:s23] =	ssyncadd.s32 $0xFFFFFFFF  }
0xa5: {  	s26 =	simm.s32 $execute0_lowered;
	[smem:$0x3FD2] =	sst s25  }
0xa6: {  	s5 =	sshll.u32 s26, $0x1;
	_ =	strace $0x80000046;
	[dreg:$0x1] =	wrdreg $0xFFFFFFFF  }
0xa7: {  	s28 =	simm.s32 $_size_execute0_lowered;
	s3 =	sadd.s32 s3, s5;
	[dreg:$0x0] =	wrdreg $0x0  }
0xa8: {  	s5 =	sshll.u32 s28, $0x1;
	[dreg:$0x2] =	wrdreg s3  }
0xa9: {  	[dreg:$0x3] =	wrdreg s5  }
0xaa: {  	[dreg:$0x4] =	wrdreg $0xC0  }
0xab: {  	_ =	task [dreg:s7], $0x5FFFF  }
0xac: {  	[dreg:$0x1] =	wrdreg $0xFFFFFFFF  }
0xad: {  	[dreg:$0x0] =	wrdreg $0x60  }
0xae: {  	[dreg:$0x2] =	wrdreg s2  }
0xaf: {  	[dreg:$0x3] =	wrdreg s24  }
0xb0: {  	[dreg:$0x4] =	wrdreg $0x9  }
0xb1: {  	_ =	task.clear_ibuf [dreg:s7], $0x5FFFF;
	_ =	strace $0x90000046  }
0xb2: {  	s29 =	simm.s32 $0x9;
	_ =	strace $0x80000048  }
0xb3: {  	_ =	swait.ge [sflag:s29], $0x1  }
0xb4: {  	[sflag:s29] =	ssyncadd.s32 $0xFFFFFFFF  }
0xb5: {  	_ =	strace $0x90000048  }
0xb6: {  	_ =	sfence  }
0xb7: {  	s30 =	sld [smem:$0x0];
	_ =	sdelay $0x2  }
0xb8: {  	s31 =	sshll.u32 s1, $0xD;
	s1 =	sshrl.u32 s1, $0x2  }
0xb9: {  	s3 =	sand.u32 $0x4000, s31;
	s1 =	sadd.s32 s1, s30  }
0xba: {  	s0 =	sor.u32 s3, s0;
	s1 =	sshll.u32 s1, $0x11  }
0xbb: {  	s0 =	sor.u32 s1, s0  }
0xbc: {  	s0 =	sadd.s32 $0x8F2B, s0  }
0xbd: {  	[sflag:s0] =	ssyncadd.remote.s32 $0x1  }
0xbe: {  	_ =	sfence.sel $0xFFFF  }
0xbf: {  	[dreg:$0x0] =	wrdreg $0xFFFFFFFF;
	(pc) =	sbr.abs _section_cstart, $3  }
0xc0: {  	[dreg:$0x1] =	wrdreg $0xFFFFFFFF  }
0xc1: {  	_ =	task.clear_ibuf [dreg:s7], $0x2FFFF;
	_ =	strace $0x9FFFFFFF  }
0xc2: {  	(tm) =	ssettm $0x7FFFFFFF  }
0xc3: {  	_ =	shalt  }
tec
execute0_lowered:
.L_overlay_start_1:
0x0: {  	(tag) =	ssettag $0x1  }
0x1: {  	s1 =	srdreg.scid;
	s2 =	rddreg [dreg:$0x0]  }
0x2: {  	s0 =	stileid.u32;
	s5 =	rddreg [dreg:$0x1]  }
0x3: {  	s3 =	simm.s32 $0x0;
	s4 =	sand.u32 $0x1, s1;
	s29 =	sshll.u32 s0, $0x1  }
0x4: {  	s9 =	simm.s32 $0x0;
	s1 =	rddreg [dreg:$0x2];
	s6 =	sor.u32 s4, s29  }
0x5: {  	[smem:$0x7FF] =	sst s3;
	s4 =	ssub.s32 $0x2, s4;
	s7 =	smul.u32 $0x3E240, s6  }
0x6: {  	_ =	strace $0x80000047;
	s6 =	smul.u32 $0xF4240, s6;
	s8 =	sshrl.u32 s4, $0x1  }
0x7: {  	s30 =	ssub.s32 s4, s8;
	s8 =	simm.s32 $0x80;
	s7 =	sshrl.u32 s7, $0x3  }
0x8: {  	s31 =	sadd.s32 $0xB602A, s6;
	s6 =	smax.u32 s30, $0x1;
	s5 =	sadd.s32 s7, s5  }
0x9: {  	v0 =	vmov s31;
	s7 =	simm.s32 $0x1;
	s4 =	sadd.s32 $0x200, s5;
	s5 =	sadd.s32 $0x4024, s5  }
.LBB2_1:
0xa: {  	[tilespmem:s3], [sflag:$0x1] =	stream.linear.gather [hbm4b:s2+s3], $0x80, $0x38;
	[tilespmem:$0x1F200] =	vst v63  }
0xb: {  	_ =	swait.ge [sflag:s7], $0x80  }
0xc: {  	[sflag:s7] =	ssyncset.done $0x0  }
0xd: {  	[sflag:s7] =	ssyncadd.s32 $0xFFFFFF80  }
0xe: {  	v1 =	vld [tilespmem:$0x0];
	_ =	sdelay $0x4  }
0xf: {  	v1 =	vadd.s32 v0, v1  }
0x10: {  	v2 =	vadd.s32 $0x10, v1;
	v3 =	vadd.s32 $0x30, v1  }
0x11: {  	v4 =	vadd.s32 $0x20, v1;
	v9 =	vshll.u32 v1, $0xD;
	v13 =	vshrl.u32 v1, $0x13  }
0x12: {  	v5 =	vshrl.u32 v3, $0x13;
	v6 =	vshll.u32 v3, $0xD;
	v7 =	vshrl.u32 v2, $0x13  }
0x13: {  	v8 =	vshll.u32 v2, $0xD;
	v10 =	vshll.u32 v4, $0xD;
	v5 =	vor.u32 v5, v6  }
0x14: {  	v30 =	vor.u32 v13, v9;
	v6 =	vshrl.u32 v4, $0x13;
	v5 =	vxor.u32 v3, v5  }
0x15: {  	v7 =	vor.u32 v7, v8;
	v11 =	vshrl.u32 v5, $0x11;
	v12 =	vshll.u32 v5, $0xF  }
0x16: {  	v8 =	vxor.u32 v1, v30;
	v3 =	vadd.s32 v3, v5;
	v5 =	vor.u32 v11, v12  }
0x17: {  	v6 =	vor.u32 v6, v10;
	v7 =	vxor.u32 v2, v7;
	v5 =	vxor.u32 v3, v5  }
0x18: {  	v38 =	vshrl.u32 v8, $0x11;
	v31 =	vshrl.u32 v5, $0x6;
	v32 =	vshll.u32 v5, $0x1A  }
0x19: {  	v14 =	vshll.u32 v8, $0xF;
	v3 =	vadd.s32 v3, v5;
	v5 =	vor.u32 v31, v32  }
0x1a: {  	v6 =	vxor.u32 v4, v6;
	v33 =	vshrl.u32 v7, $0x11;
	v5 =	vxor.u32 v3, v5  }
0x1b: {  	v36 =	vshll.u32 v7, $0xF;
	v34 =	vshrl.u32 v5, $0x1A;
	v35 =	vshll.u32 v5, $0x6  }
0x1c: {  	v2 =	vadd.s32 v2, v7;
	v3 =	vadd.s32 v3, v5;
	v5 =	vor.u32 v34, v35  }
0x1d: {  	v37 =	vshrl.u32 v6, $0x11;
	v39 =	vshll.u32 v6, $0xF;
	v5 =	vxor.u32 v3, v5  }
0x1e: {  	v9 =	vor.u32 v33, v36;
	v11 =	vor.u32 v38, v14;
	v5 =	vadd.s32 $0x1BD11BF1, v5  }
0x1f: {  	v3 =	vadd.s32 v5, v3;
	v15 =	vshrl.u32 v5, $0xF;
	v5 =	vshll.u32 v5, $0x11  }
0x20: {  	v4 =	vadd.s32 v4, v6;
	v3 =	vadd.s32 $0x2A, v3;
	v5 =	vor.u32 v15, v5  }
0x21: {  	v6 =	vadd.s32 v1, v8;
	v10 =	vor.u32 v37, v39;
	v5 =	vxor.u32 v3, v5  }
0x22: {  	v11 =	vxor.u32 v6, v11;
	v7 =	vshrl.u32 v5, $0x3;
	v40 =	vshll.u32 v5, $0x1D  }
0x23: {  	v41 =	vxor.u32 v4, v10;
	v3 =	vadd.s32 v3, v5;
	v5 =	vor.u32 v7, v40  }
0x24: {  	v50 =	vshrl.u32 v11, $0x6;
	v51 =	vshll.u32 v11, $0x1A;
	v5 =	vxor.u32 v3, v5  }
0x25: {  	v6 =	vadd.s32 v6, v11;
	v42 =	vshrl.u32 v5, $0x10;
	v43 =	vshll.u32 v5, $0x10  }
0x26: {  	v46 =	vshrl.u32 v41, $0x6;
	v3 =	vadd.s32 v3, v5;
	v5 =	vor.u32 v42, v43  }
0x27: {  	v49 =	vshll.u32 v41, $0x1A;
	v52 =	vor.u32 v50, v51;
	v5 =	vxor.u32 v3, v5  }
0x28: {  	v4 =	vadd.s32 v4, v41;
	v47 =	vshrl.u32 v5, $0x8;
	v48 =	vshll.u32 v5, $0x18  }
0x29: {  	v55 =	vxor.u32 v6, v52;
	v3 =	vadd.s32 v3, v5;
	v5 =	vor.u32 v47, v48  }
0x2a: {  	v12 =	vor.u32 v46, v49;
	v61 =	vshrl.u32 v55, $0x1A;
	v5 =	vxor.u32 v3, v5  }
0x2b: {  	v17 =	vshll.u32 v55, $0x6;
	v7 =	vxor.u32 v2, v9;
	v5 =	vadd.s32 $0x2, v5  }
0x2c: {  	v3 =	vadd.s32 v5, v3;
	v53 =	vshrl.u32 v5, $0x13;
	v5 =	vshll.u32 v5, $0xD  }
0x2d: {  	v44 =	vshrl.u32 v7, $0x6;
	v3 =	vadd.s32 $0x1BD11BF0, v3;
	v5 =	vor.u32 v53, v5  }
0x2e: {  	v45 =	vshll.u32 v7, $0x1A;
	v2 =	vadd.s32 v2, v7;
	v5 =	vxor.u32 v3, v5  }
0x2f: {  	v9 =	vor.u32 v44, v45;
	v7 =	vshrl.u32 v5, $0x11;
	v54 =	vshll.u32 v5, $0xF  }
0x30: {  	v9 =	vxor.u32 v2, v9;
	v3 =	vadd.s32 v3, v5;
	v5 =	vor.u32 v7, v54  }
0x31: {  	v6 =	vadd.s32 v6, v55;
	v56 =	vshrl.u32 v9, $0x1A;
	v5 =	vxor.u32 v3, v5  }
0x32: {  	v59 =	vshll.u32 v9, $0x6;
	v57 =	vshrl.u32 v5, $0x6;
	v58 =	vshll.u32 v5, $0x1A  }
0x33: {  	v2 =	vadd.s32 v2, v9;
	v3 =	vadd.s32 v3, v5;
	v5 =	vor.u32 v57, v58  }
0x34: {  	v10 =	vor.u32 v56, v59;
	v7 =	vxor.u32 v4, v12;
	v5 =	vxor.u32 v3, v5  }
0x35: {  	v12 =	vor.u32 v61, v17;
	v63 =	vshrl.u32 v5, $0x1A;
	v16 =	vshll.u32 v5, $0x6  }
0x36: {  	v60 =	vshrl.u32 v7, $0x1A;
	v3 =	vadd.s32 v3, v5;
	v5 =	vor.u32 v63, v16  }
0x37: {  	v62 =	vshll.u32 v7, $0x6;
	v4 =	vadd.s32 v4, v7;
	v5 =	vxor.u32 v3, v5  }
0x38: {  	v8 =	vxor.u32 v6, v12;
	v11 =	vor.u32 v60, v62;
	v5 =	vadd.s32 $0x2D, v5  }
0x39: {  	v8 =	vadd.s32 $0x1BD11BF1, v8;
	v7 =	vshrl.u32 v5, $0xF;
	v14 =	vshll.u32 v5, $0x11  }
0x3a: {  	v15 =	vxor.u32 v4, v11;
	v3 =	vadd.s32 v3, v5;
	v5 =	vor.u32 v7, v14  }
0x3b: {  	v6 =	vadd.s32 v8, v6;
	v24 =	vshrl.u32 v8, $0xF;
	v5 =	vxor.u32 v3, v5  }
0x3c: {  	v8 =	vshll.u32 v8, $0x11;
	v16 =	vshrl.u32 v5, $0x3;
	v17 =	vshll.u32 v5, $0x1D  }
0x3d: {  	v9 =	vadd.s32 $0x1BD11BF1, v15;
	v3 =	vadd.s32 v3, v5;
	v5 =	vor.u32 v16, v17  }
0x3e: {  	v6 =	vadd.s32 $0x2A, v6;
	v8 =	vor.u32 v24, v8;
	v5 =	vxor.u32 v3, v5  }
0x3f: {  	v4 =	vadd.s32 v9, v4;
	v18 =	vshrl.u32 v5, $0x10;
	v19 =	vshll.u32 v5, $0x10  }
0x40: {  	v21 =	vshrl.u32 v9, $0xF;
	v3 =	vadd.s32 v3, v5;
	v5 =	vor.u32 v18, v19  }
0x41: {  	v9 =	vshll.u32 v9, $0x11;
	v8 =	vxor.u32 v6, v8;
	v5 =	vxor.u32 v3, v5  }
0x42: {  	v4 =	vadd.s32 $0x2A, v4;
	v22 =	vshrl.u32 v5, $0x8;
	v23 =	vshll.u32 v5, $0x18  }
0x43: {  	v9 =	vor.u32 v21, v9;
	v3 =	vadd.s32 v3, v5;
	v5 =	vor.u32 v22, v23  }
0x44: {  	v34 =	vshrl.u32 v8, $0x3;
	v37 =	vshll.u32 v8, $0x1D;
	v5 =	vxor.u32 v3, v5  }
0x45: {  	v9 =	vxor.u32 v4, v9;
	v38 =	vor.u32 v34, v37;
	v5 =	vadd.s32 $0x1BD11BF4, v5  }
0x46: {  	v3 =	vadd.s32 v5, v3;
	v25 =	vshrl.u32 v5, $0x13;
	v5 =	vshll.u32 v5, $0xD  }
0x47: {  	v32 =	vshrl.u32 v9, $0x3;
	v3 =	vadd.s32 $0x2A, v3;
	v5 =	vor.u32 v25, v5  }
0x48: {  	v33 =	vshll.u32 v9, $0x1D;
	v4 =	vadd.s32 v4, v9;
	v5 =	vxor.u32 v3, v5  }
0x49: {  	v7 =	vxor.u32 v2, v10;
	v26 =	vshrl.u32 v5, $0x11;
	v27 =	vshll.u32 v5, $0xF  }
0x4a: {  	v7 =	vadd.s32 $0x1BD11BF1, v7;
	v3 =	vadd.s32 v3, v5;
	v5 =	vor.u32 v26, v27  }
0x4b: {  	v11 =	vor.u32 v32, v33;
	v2 =	vadd.s32 v7, v2;
	v5 =	vxor.u32 v3, v5  }
0x4c: {  	v20 =	vshrl.u32 v7, $0xF;
	v28 =	vshrl.u32 v5, $0x6;
	v29 =	vshll.u32 v5, $0x1A  }
0x4d: {  	v7 =	vshll.u32 v7, $0x11;
	v3 =	vadd.s32 v3, v5;
	v5 =	vor.u32 v28, v29  }
0x4e: {  	v2 =	vadd.s32 $0x2A, v2;
	v7 =	vor.u32 v20, v7;
	v5 =	vxor.u32 v3, v5  }
0x4f: {  	v7 =	vxor.u32 v2, v7;
	v35 =	vshrl.u32 v5, $0x1A;
	v36 =	vshll.u32 v5, $0x6  }
0x50: {  	v30 =	vshrl.u32 v7, $0x3;
	v3 =	vadd.s32 v3, v5;
	v5 =	vor.u32 v35, v36  }
0x51: {  	v31 =	vshll.u32 v7, $0x1D;
	v7 =	vadd.s32 v2, v7;
	v5 =	vxor.u32 v3, v5  }
0x52: {  	v10 =	vor.u32 v30, v31;
	v3 =	vadd.s32 $0x1BD11BF0, v3;
	v5 =	vadd.s32 $0x5, v5  }
0x53: {  	v2 =	vxor.u32 v3, v5;
	v3 =	vadd.s32 v6, v8;
	v5 =	vxor.u32 v7, v10  }
0x54: {  	v6 =	vxor.u32 v4, v11;
	v8 =	vxor.u32 v3, v38;
	v39 =	vshrl.u32 v5, $0x10  }
0x55: {  	v10 =	vshll.u32 v5, $0x10;
	v41 =	vshrl.u32 v6, $0x10;
	v42 =	vshll.u32 v6, $0x10  }
0x56: {  	v5 =	vadd.s32 v7, v5;
	v4 =	vadd.s32 v4, v6;
	v40 =	vshrl.u32 v8, $0x10  }
0x57: {  	v43 =	vshll.u32 v8, $0x10;
	v9 =	vor.u32 v39, v10;
	v44 =	vor.u32 v41, v42  }
0x58: {  	v3 =	vadd.s32 v3, v8;
	v11 =	vor.u32 v40, v43;
	v6 =	vxor.u32 v5, v9  }
0x59: {  	v7 =	vxor.u32 v4, v44;
	v8 =	vxor.u32 v3, v11;
	v9 =	vshrl.u32 v6, $0x8  }
0x5a: {  	v45 =	vshll.u32 v6, $0x18;
	v46 =	vshrl.u32 v7, $0x8;
	v47 =	vshll.u32 v7, $0x18  }
0x5b: {  	v5 =	vadd.s32 v5, v6;
	v4 =	vadd.s32 v4, v7;
	v11 =	vshrl.u32 v8, $0x8  }
0x5c: {  	v48 =	vshll.u32 v8, $0x18;
	v9 =	vor.u32 v9, v45;
	v49 =	vor.u32 v46, v47  }
0x5d: {  	v3 =	vadd.s32 v3, v8;
	v11 =	vor.u32 v11, v48;
	v6 =	vxor.u32 v5, v9  }
0x5e: {  	v7 =	vxor.u32 v4, v49;
	v8 =	vxor.u32 v3, v11;
	v6 =	vadd.s32 $0x2, v6  }
0x5f: {  	v7 =	vadd.s32 $0x2, v7;
	v8 =	vadd.s32 $0x2, v8;
	v5 =	vadd.s32 v6, v5  }
0x60: {  	v50 =	vshrl.u32 v6, $0x13;
	v6 =	vshll.u32 v6, $0xD;
	v4 =	vadd.s32 v7, v4  }
0x61: {  	v51 =	vshrl.u32 v7, $0x13;
	v7 =	vshll.u32 v7, $0xD;
	v3 =	vadd.s32 v8, v3  }
0x62: {  	v52 =	vshrl.u32 v8, $0x13;
	v8 =	vshll.u32 v8, $0xD;
	v5 =	vadd.s32 $0x1BD11BF0, v5  }
0x63: {  	v6 =	vor.u32 v50, v6;
	v4 =	vadd.s32 $0x1BD11BF0, v4;
	v7 =	vor.u32 v51, v7  }
0x64: {  	v3 =	vadd.s32 $0x1BD11BF0, v3;
	v8 =	vor.u32 v52, v8;
	v6 =	vxor.u32 v5, v6  }
0x65: {  	v7 =	vxor.u32 v4, v7;
	v8 =	vxor.u32 v3, v8;
	v53 =	vshrl.u32 v6, $0x11  }
0x66: {  	v54 =	vshll.u32 v6, $0xF;
	v56 =	vshrl.u32 v7, $0x11;
	v57 =	vshll.u32 v7, $0xF  }
0x67: {  	v5 =	vadd.s32 v5, v6;
	v4 =	vadd.s32 v4, v7;
	v55 =	vshrl.u32 v8, $0x11  }
0x68: {  	v58 =	vshll.u32 v8, $0xF;
	v9 =	vor.u32 v53, v54;
	v59 =	vor.u32 v56, v57  }
0x69: {  	v3 =	vadd.s32 v3, v8;
	v11 =	vor.u32 v55, v58;
	v6 =	vxor.u32 v5, v9  }
0x6a: {  	v7 =	vxor.u32 v4, v59;
	v8 =	vxor.u32 v3, v11;
	v9 =	vshrl.u32 v6, $0x6  }
0x6b: {  	v60 =	vshll.u32 v6, $0x1A;
	v61 =	vshrl.u32 v7, $0x6;
	v62 =	vshll.u32 v7, $0x1A  }
0x6c: {  	v5 =	vadd.s32 v5, v6;
	v4 =	vadd.s32 v4, v7;
	v11 =	vshrl.u32 v8, $0x6  }
0x6d: {  	v63 =	vshll.u32 v8, $0x1A;
	v9 =	vor.u32 v9, v60;
	v16 =	vor.u32 v61, v62  }
0x6e: {  	v3 =	vadd.s32 v3, v8;
	v11 =	vor.u32 v11, v63;
	v6 =	vxor.u32 v5, v9  }
0x6f: {  	v7 =	vxor.u32 v4, v16;
	v8 =	vxor.u32 v3, v11;
	v9 =	vshrl.u32 v6, $0x1A  }
0x70: {  	v17 =	vshll.u32 v6, $0x6;
	v18 =	vshrl.u32 v7, $0x1A;
	v19 =	vshll.u32 v7, $0x6  }
0x71: {  	v5 =	vadd.s32 v5, v6;
	v4 =	vadd.s32 v4, v7;
	v11 =	vshrl.u32 v8, $0x1A  }
0x72: {  	v20 =	vshll.u32 v8, $0x6;
	v9 =	vor.u32 v9, v17;
	v21 =	vor.u32 v18, v19  }
0x73: {  	v3 =	vadd.s32 v3, v8;
	v11 =	vor.u32 v11, v20;
	v6 =	vxor.u32 v5, v9  }
0x74: {  	v7 =	vxor.u32 v4, v21;
	v8 =	vxor.u32 v3, v11;
	v6 =	vadd.s32 $0x2D, v6  }
0x75: {  	v7 =	vadd.s32 $0x2D, v7;
	v8 =	vadd.s32 $0x2D, v8;
	v22 =	vshrl.u32 v6, $0xF  }
0x76: {  	v23 =	vshll.u32 v6, $0x11;
	v25 =	vshrl.u32 v7, $0xF;
	v26 =	vshll.u32 v7, $0x11  }
0x77: {  	v5 =	vadd.s32 v5, v6;
	v4 =	vadd.s32 v4, v7;
	v24 =	vshrl.u32 v8, $0xF  }
0x78: {  	v27 =	vshll.u32 v8, $0x11;
	v9 =	vor.u32 v22, v23;
	v28 =	vor.u32 v25, v26  }
0x79: {  	v3 =	vadd.s32 v3, v8;
	v11 =	vor.u32 v24, v27;
	v6 =	vxor.u32 v5, v9  }
0x7a: {  	v7 =	vxor.u32 v4, v28;
	v8 =	vxor.u32 v3, v11;
	v9 =	vshrl.u32 v6, $0x3  }
0x7b: {  	v29 =	vshll.u32 v6, $0x1D;
	v30 =	vshrl.u32 v7, $0x3;
	v31 =	vshll.u32 v7, $0x1D  }
0x7c: {  	v5 =	vadd.s32 v5, v6;
	v4 =	vadd.s32 v4, v7;
	v11 =	vshrl.u32 v8, $0x3  }
0x7d: {  	v32 =	vshll.u32 v8, $0x1D;
	v9 =	vor.u32 v9, v29;
	v33 =	vor.u32 v30, v31  }
0x7e: {  	v3 =	vadd.s32 v3, v8;
	v11 =	vor.u32 v11, v32;
	v6 =	vxor.u32 v5, v9  }
0x7f: {  	v7 =	vxor.u32 v4, v33;
	v8 =	vxor.u32 v3, v11;
	v9 =	vshrl.u32 v6, $0x10  }
0x80: {  	v34 =	vshll.u32 v6, $0x10;
	v35 =	vshrl.u32 v7, $0x10;
	v36 =	vshll.u32 v7, $0x10  }
0x81: {  	v5 =	vadd.s32 v5, v6;
	v4 =	vadd.s32 v4, v7;
	v11 =	vshrl.u32 v8, $0x10  }
0x82: {  	v37 =	vshll.u32 v8, $0x10;
	v9 =	vor.u32 v9, v34;
	v38 =	vor.u32 v35, v36  }
0x83: {  	v3 =	vadd.s32 v3, v8;
	v11 =	vor.u32 v11, v37;
	v6 =	vxor.u32 v5, v9  }
0x84: {  	v7 =	vxor.u32 v4, v38;
	v8 =	vxor.u32 v3, v11;
	v9 =	vshrl.u32 v6, $0x8  }
0x85: {  	v39 =	vshll.u32 v6, $0x18;
	v40 =	vshrl.u32 v7, $0x8;
	v41 =	vshll.u32 v7, $0x18  }
0x86: {  	v5 =	vadd.s32 v5, v6;
	v4 =	vadd.s32 v4, v7;
	v11 =	vshrl.u32 v8, $0x8  }
0x87: {  	v42 =	vshll.u32 v8, $0x18;
	v9 =	vor.u32 v9, v39;
	v43 =	vor.u32 v40, v41  }
0x88: {  	v3 =	vadd.s32 v3, v8;
	v11 =	vor.u32 v11, v42;
	v6 =	vxor.u32 v5, v9  }
0x89: {  	v7 =	vxor.u32 v4, v43;
	v8 =	vxor.u32 v3, v11;
	v6 =	vadd.s32 $0x1BD11BF4, v6  }
0x8a: {  	v7 =	vadd.s32 $0x1BD11BF4, v7;
	v8 =	vadd.s32 $0x1BD11BF4, v8;
	v5 =	vadd.s32 v6, v5  }
0x8b: {  	v44 =	vshrl.u32 v6, $0x13;
	v6 =	vshll.u32 v6, $0xD;
	v4 =	vadd.s32 v7, v4  }
0x8c: {  	v45 =	vshrl.u32 v7, $0x13;
	v7 =	vshll.u32 v7, $0xD;
	v3 =	vadd.s32 v8, v3  }
0x8d: {  	v46 =	vshrl.u32 v8, $0x13;
	v8 =	vshll.u32 v8, $0xD;
	v5 =	vadd.s32 $0x2A, v5  }
0x8e: {  	v6 =	vor.u32 v44, v6;
	v4 =	vadd.s32 $0x2A, v4;
	v7 =	vor.u32 v45, v7  }
0x8f: {  	v3 =	vadd.s32 $0x2A, v3;
	v8 =	vor.u32 v46, v8;
	v6 =	vxor.u32 v5, v6  }
0x90: {  	v7 =	vxor.u32 v4, v7;
	v8 =	vxor.u32 v3, v8;
	v47 =	vshrl.u32 v6, $0x11  }
0x91: {  	v48 =	vshll.u32 v6, $0xF;
	v50 =	vshrl.u32 v7, $0x11;
	v51 =	vshll.u32 v7, $0xF  }
0x92: {  	v5 =	vadd.s32 v5, v6;
	v4 =	vadd.s32 v4, v7;
	v49 =	vshrl.u32 v8, $0x11  }
0x93: {  	v52 =	vshll.u32 v8, $0xF;
	v9 =	vor.u32 v47, v48;
	v53 =	vor.u32 v50, v51  }
0x94: {  	v3 =	vadd.s32 v3, v8;
	v11 =	vor.u32 v49, v52;
	v6 =	vxor.u32 v5, v9  }
0x95: {  	v7 =	vxor.u32 v4, v53;
	v8 =	vxor.u32 v3, v11;
	v9 =	vshrl.u32 v6, $0x6  }
0x96: {  	v54 =	vshll.u32 v6, $0x1A;
	v55 =	vshrl.u32 v7, $0x6;
	v56 =	vshll.u32 v7, $0x1A  }
0x97: {  	v5 =	vadd.s32 v5, v6;
	v4 =	vadd.s32 v4, v7;
	v11 =	vshrl.u32 v8, $0x6  }
0x98: {  	v57 =	vshll.u32 v8, $0x1A;
	v9 =	vor.u32 v9, v54;
	v58 =	vor.u32 v55, v56  }
0x99: {  	v3 =	vadd.s32 v3, v8;
	v11 =	vor.u32 v11, v57;
	v6 =	vxor.u32 v5, v9  }
0x9a: {  	v7 =	vxor.u32 v4, v58;
	v8 =	vxor.u32 v3, v11;
	v9 =	vshrl.u32 v6, $0x1A  }
0x9b: {  	v59 =	vshll.u32 v6, $0x6;
	v60 =	vshrl.u32 v7, $0x1A;
	v61 =	vshll.u32 v7, $0x6  }
0x9c: {  	v5 =	vadd.s32 v5, v6;
	v4 =	vadd.s32 v4, v7;
	v11 =	vshrl.u32 v8, $0x1A  }
0x9d: {  	s10 =	simm.s32 $0xA0;
	v62 =	vshll.u32 v8, $0x6;
	v9 =	vor.u32 v9, v59;
	v63 =	vor.u32 v60, v61  }
0x9e: {  	[tilespmem:s10+$0x10] =	vst v2;
	v3 =	vadd.s32 v3, v8;
	v2 =	vadd.s32 $0x1BD11BF0, v4;
	v11 =	vor.u32 v11, v62  }
0x9f: {  	v6 =	vxor.u32 v5, v9;
	v7 =	vxor.u32 v4, v63;
	v5 =	vadd.s32 $0x1BD11BF0, v5  }
0xa0: {  	v4 =	vadd.s32 $0x1BD11BF0, v3;
	v8 =	vxor.u32 v3, v11;
	v6 =	vadd.s32 $0x5, v6  }
0xa1: {  	v7 =	vadd.s32 $0x5, v7;
	v8 =	vadd.s32 $0x5, v8;
	v5 =	vxor.u32 v5, v6  }
0xa2: {  	s11 =	simm.s32 $0x0;
	v3 =	vxor.u32 v2, v7;
	v2 =	vxor.u32 v4, v8;
	[tilespmem:s10+$0xFFFFFFF0] =	vst v5;
	v4 =	vadd.s32 $0x40, v1  }
.LBB2_2:
0xa3: {  	v1 =	vmov v4  }
0xa4: {  	v5 =	vadd.s32 $0x10, v4;
	v6 =	vadd.s32 $0x20, v4;
	v7 =	vadd.s32 $0x30, v4;
	s11 =	sadd.s32 $0x4, s11;
	[tilespmem:s10+$0x0] =	vst v3  }
0xa5: {  	v3 =	vshrl.u32 v5, $0x13;
	v8 =	vshrl.u32 v7, $0x13;
	v9 =	vshll.u32 v7, $0xD;
	p0 =	slt.u32 s11, $0x1F0C;
	[tilespmem:s10+$0xFFFFFFE0] =	vst v2  }
0xa6: {  	v10 =	vshrl.u32 v6, $0x13;
	v2 =	vshll.u32 v5, $0xD;
	v8 =	vor.u32 v8, v9  }
0xa7: {  	v11 =	vshll.u32 v6, $0xD;
	v9 =	vshll.u32 v4, $0xD;
	v8 =	vxor.u32 v7, v8  }
0xa8: {  	v12 =	vshrl.u32 v4, $0x13;
	v13 =	vshrl.u32 v8, $0x11;
	v14 =	vshll.u32 v8, $0xF  }
0xa9: {  	v2 =	vor.u32 v3, v2;
	v3 =	vadd.s32 v7, v8;
	v7 =	vor.u32 v13, v14  }
0xaa: {  	v8 =	vor.u32 v12, v9;
	v9 =	vor.u32 v10, v11;
	v7 =	vxor.u32 v3, v7  }
0xab: {  	v2 =	vxor.u32 v5, v2;
	v10 =	vshrl.u32 v7, $0x6;
	v11 =	vshll.u32 v7, $0x1A  }
0xac: {  	v9 =	vxor.u32 v6, v9;
	v3 =	vadd.s32 v3, v7;
	v7 =	vor.u32 v10, v11  }
0xad: {  	v8 =	vxor.u32 v4, v8;
	v10 =	vshrl.u32 v2, $0x11;
	v7 =	vxor.u32 v3, v7  }
0xae: {  	v11 =	vshll.u32 v2, $0xF;
	v12 =	vshrl.u32 v7, $0x1A;
	v13 =	vshll.u32 v7, $0x6  }
0xaf: {  	v14 =	vshrl.u32 v9, $0x11;
	v3 =	vadd.s32 v3, v7;
	v7 =	vor.u32 v12, v13  }
0xb0: {  	v12 =	vshrl.u32 v8, $0x11;
	v13 =	vshll.u32 v9, $0xF;
	v7 =	vxor.u32 v3, v7  }
0xb1: {  	v15 =	vshll.u32 v8, $0xF;
	v10 =	vor.u32 v10, v11;
	v7 =	vadd.s32 $0x1BD11BF1, v7  }
0xb2: {  	v3 =	vadd.s32 v7, v3;
	v11 =	vshrl.u32 v7, $0xF;
	v7 =	vshll.u32 v7, $0x11  }
0xb3: {  	v13 =	vor.u32 v14, v13;
	v3 =	vadd.s32 $0x2A, v3;
	v7 =	vor.u32 v11, v7  }
0xb4: {  	v2 =	vadd.s32 v5, v2;
	v11 =	vor.u32 v12, v15;
	v5 =	vxor.u32 v3, v7  }
0xb5: {  	v6 =	vadd.s32 v6, v9;
	v7 =	vshrl.u32 v5, $0x3;
	v9 =	vshll.u32 v5, $0x1D  }
0xb6: {  	v8 =	vadd.s32 v4, v8;
	v3 =	vadd.s32 v3, v5;
	v5 =	vor.u32 v7, v9  }
0xb7: {  	v7 =	vxor.u32 v2, v10;
	v9 =	vxor.u32 v6, v13;
	v5 =	vxor.u32 v3, v5  }
0xb8: {  	v10 =	vxor.u32 v8, v11;
	v11 =	vshrl.u32 v5, $0x10;
	v12 =	vshll.u32 v5, $0x10  }
0xb9: {  	v13 =	vshrl.u32 v7, $0x6;
	v3 =	vadd.s32 v3, v5;
	v5 =	vor.u32 v11, v12  }
0xba: {  	v11 =	vshll.u32 v7, $0x1A;
	v12 =	vshrl.u32 v9, $0x6;
	v5 =	vxor.u32 v3, v5  }
0xbb: {  	v14 =	vshll.u32 v9, $0x1A;
	v15 =	vshrl.u32 v5, $0x8;
	v16 =	vshll.u32 v5, $0x18  }
0xbc: {  	v17 =	vshrl.u32 v10, $0x6;
	v3 =	vadd.s32 v3, v5;
	v5 =	vor.u32 v15, v16  }
0xbd: {  	v11 =	vor.u32 v13, v11;
	v15 =	vshll.u32 v10, $0x1A;
	v5 =	vxor.u32 v3, v5  }
0xbe: {  	v12 =	vor.u32 v12, v14;
	v13 =	vor.u32 v17, v15;
	v5 =	vadd.s32 $0x2, v5  }
0xbf: {  	v3 =	vadd.s32 v5, v3;
	v14 =	vshrl.u32 v5, $0x13;
	v5 =	vshll.u32 v5, $0xD  }
0xc0: {  	v2 =	vadd.s32 v2, v7;
	v3 =	vadd.s32 $0x1BD11BF0, v3;
	v5 =	vor.u32 v14, v5  }
0xc1: {  	v6 =	vadd.s32 v6, v9;
	v7 =	vadd.s32 v8, v10;
	v5 =	vxor.u32 v3, v5  }
0xc2: {  	v8 =	vxor.u32 v2, v11;
	v9 =	vshrl.u32 v5, $0x11;
	v10 =	vshll.u32 v5, $0xF  }
0xc3: {  	v11 =	vxor.u32 v6, v12;
	v3 =	vadd.s32 v3, v5;
	v5 =	vor.u32 v9, v10  }
0xc4: {  	v9 =	vxor.u32 v7, v13;
	v10 =	vshrl.u32 v8, $0x1A;
	v5 =	vxor.u32 v3, v5  }
0xc5: {  	v12 =	vshll.u32 v8, $0x6;
	v13 =	vshrl.u32 v5, $0x6;
	v14 =	vshll.u32 v5, $0x1A  }
0xc6: {  	v15 =	vshrl.u32 v11, $0x1A;
	v3 =	vadd.s32 v3, v5;
	v5 =	vor.u32 v13, v14  }
0xc7: {  	v13 =	vshrl.u32 v9, $0x1A;
	v14 =	vshll.u32 v11, $0x6;
	v5 =	vxor.u32 v3, v5  }
0xc8: {  	v16 =	vshll.u32 v9, $0x6;
	v17 =	vshrl.u32 v5, $0x1A;
	v18 =	vshll.u32 v5, $0x6  }
0xc9: {  	v10 =	vor.u32 v10, v12;
	v3 =	vadd.s32 v3, v5;
	v5 =	vor.u32 v17, v18  }
0xca: {  	v12 =	vor.u32 v13, v16;
	v13 =	vor.u32 v15, v14;
	v5 =	vxor.u32 v3, v5  }
0xcb: {  	v2 =	vadd.s32 v2, v8;
	v6 =	vadd.s32 v6, v11;
	v5 =	vadd.s32 $0x2D, v5  }
0xcc: {  	v7 =	vadd.s32 v7, v9;
	v8 =	vshrl.u32 v5, $0xF;
	v9 =	vshll.u32 v5, $0x11  }
0xcd: {  	v10 =	vxor.u32 v2, v10;
	v3 =	vadd.s32 v3, v5;
	v5 =	vor.u32 v8, v9  }
0xce: {  	v8 =	vxor.u32 v7, v12;
	v9 =	vxor.u32 v6, v13;
	v5 =	vxor.u32 v3, v5  }
0xcf: {  	v10 =	vadd.s32 $0x1BD11BF1, v10;
	v11 =	vshrl.u32 v5, $0x3;
	v12 =	vshll.u32 v5, $0x1D  }
0xd0: {  	v9 =	vadd.s32 $0x1BD11BF1, v9;
	v3 =	vadd.s32 v3, v5;
	v5 =	vor.u32 v11, v12  }
0xd1: {  	v2 =	vadd.s32 v10, v2;
	v8 =	vadd.s32 $0x1BD11BF1, v8;
	v5 =	vxor.u32 v3, v5  }
0xd2: {  	v11 =	vshrl.u32 v10, $0xF;
	v12 =	vshrl.u32 v5, $0x10;
	v13 =	vshll.u32 v5, $0x10  }
0xd3: {  	v10 =	vshll.u32 v10, $0x11;
	v3 =	vadd.s32 v3, v5;
	v5 =	vor.u32 v12, v13  }
0xd4: {  	v6 =	vadd.s32 v9, v6;
	v12 =	vshrl.u32 v9, $0xF;
	v5 =	vxor.u32 v3, v5  }
0xd5: {  	v9 =	vshll.u32 v9, $0x11;
	v13 =	vshrl.u32 v5, $0x8;
	v14 =	vshll.u32 v5, $0x18  }
0xd6: {  	v7 =	vadd.s32 v8, v7;
	v3 =	vadd.s32 v3, v5;
	v5 =	vor.u32 v13, v14  }
0xd7: {  	v13 =	vshrl.u32 v8, $0xF;
	v8 =	vshll.u32 v8, $0x11;
	v5 =	vxor.u32 v3, v5  }
0xd8: {  	v2 =	vadd.s32 $0x2A, v2;
	v10 =	vor.u32 v11, v10;
	v5 =	vadd.s32 $0x1BD11BF4, v5  }
0xd9: {  	v3 =	vadd.s32 v5, v3;
	v11 =	vshrl.u32 v5, $0x13;
	v5 =	vshll.u32 v5, $0xD  }
0xda: {  	v6 =	vadd.s32 $0x2A, v6;
	v3 =	vadd.s32 $0x2A, v3;
	v5 =	vor.u32 v11, v5  }
0xdb: {  	v7 =	vadd.s32 $0x2A, v7;
	v9 =	vor.u32 v12, v9;
	v5 =	vxor.u32 v3, v5  }
0xdc: {  	v8 =	vor.u32 v13, v8;
	v11 =	vshrl.u32 v5, $0x11;
	v12 =	vshll.u32 v5, $0xF  }
0xdd: {  	v10 =	vxor.u32 v2, v10;
	v3 =	vadd.s32 v3, v5;
	v5 =	vor.u32 v11, v12  }
0xde: {  	v9 =	vxor.u32 v6, v9;
	v8 =	vxor.u32 v7, v8;
	v5 =	vxor.u32 v3, v5  }
0xdf: {  	v11 =	vshrl.u32 v10, $0x3;
	v12 =	vshrl.u32 v5, $0x6;
	v13 =	vshll.u32 v5, $0x1A  }
0xe0: {  	v14 =	vshll.u32 v10, $0x1D;
	v3 =	vadd.s32 v3, v5;
	v5 =	vor.u32 v12, v13  }
0xe1: {  	v12 =	vshrl.u32 v9, $0x3;
	v13 =	vshll.u32 v9, $0x1D;
	v5 =	vxor.u32 v3, v5  }
0xe2: {  	v15 =	vshrl.u32 v8, $0x3;
	v16 =	vshrl.u32 v5, $0x1A;
	v17 =	vshll.u32 v5, $0x6  }
0xe3: {  	v18 =	vshll.u32 v8, $0x1D;
	v3 =	vadd.s32 v3, v5;
	v5 =	vor.u32 v16, v17  }
0xe4: {  	v11 =	vor.u32 v11, v14;
	v12 =	vor.u32 v12, v13;
	v5 =	vxor.u32 v3, v5  }
0xe5: {  	v13 =	vor.u32 v15, v18;
	v3 =	vadd.s32 $0x1BD11BF0, v3;
	v5 =	vadd.s32 $0x5, v5  }
0xe6: {  	s10 =	sadd.s32 $0x40, s10;
	v2 =	vadd.s32 v2, v10;
	v6 =	vadd.s32 v6, v9;
	v3 =	vxor.u32 v3, v5  }
0xe7: {  	v5 =	vadd.s32 v7, v8;
	v7 =	vxor.u32 v2, v11;
	v8 =	vxor.u32 v6, v12;
	[tilespmem:s10+$0x10] =	vst v3  }
0xe8: {  	v9 =	vshrl.u32 v7, $0x10;
	v10 =	vshll.u32 v7, $0x10;
	v3 =	vxor.u32 v5, v13  }
0xe9: {  	v12 =	vshrl.u32 v8, $0x10;
	v13 =	vshll.u32 v8, $0x10;
	v11 =	vshrl.u32 v3, $0x10  }
0xea: {  	v9 =	vor.u32 v9, v10;
	v14 =	vshll.u32 v3, $0x10;
	v10 =	vor.u32 v12, v13  }
0xeb: {  	v2 =	vadd.s32 v2, v7;
	v6 =	vadd.s32 v6, v8;
	v11 =	vor.u32 v11, v14  }
0xec: {  	v3 =	vadd.s32 v5, v3;
	v5 =	vxor.u32 v2, v9;
	v7 =	vxor.u32 v6, v10  }
0xed: {  	v9 =	vshrl.u32 v5, $0x8;
	v10 =	vshll.u32 v5, $0x18;
	v8 =	vxor.u32 v3, v11  }
0xee: {  	v12 =	vshrl.u32 v7, $0x8;
	v13 =	vshll.u32 v7, $0x18;
	v11 =	vshrl.u32 v8, $0x8  }
0xef: {  	v9 =	vor.u32 v9, v10;
	v14 =	vshll.u32 v8, $0x18;
	v10 =	vor.u32 v12, v13  }
0xf0: {  	v2 =	vadd.s32 v2, v5;
	v5 =	vadd.s32 v6, v7;
	v11 =	vor.u32 v11, v14  }
0xf1: {  	v3 =	vadd.s32 v3, v8;
	v6 =	vxor.u32 v2, v9;
	v7 =	vxor.u32 v5, v10  }
0xf2: {  	v6 =	vadd.s32 $0x2, v6;
	v8 =	vxor.u32 v3, v11;
	v7 =	vadd.s32 $0x2, v7  }
0xf3: {  	v2 =	vadd.s32 v6, v2;
	v9 =	vshrl.u32 v6, $0x13;
	v8 =	vadd.s32 $0x2, v8  }
0xf4: {  	v6 =	vshll.u32 v6, $0xD;
	v5 =	vadd.s32 v7, v5;
	v10 =	vshrl.u32 v7, $0x13  }
0xf5: {  	v7 =	vshll.u32 v7, $0xD;
	v3 =	vadd.s32 v8, v3;
	v11 =	vshrl.u32 v8, $0x13  }
0xf6: {  	v2 =	vadd.s32 $0x1BD11BF0, v2;
	v6 =	vor.u32 v9, v6;
	v8 =	vshll.u32 v8, $0xD  }
0xf7: {  	v5 =	vadd.s32 $0x1BD11BF0, v5;
	v7 =	vor.u32 v10, v7;
	v3 =	vadd.s32 $0x1BD11BF0, v3  }
0xf8: {  	v6 =	vxor.u32 v2, v6;
	v8 =	vor.u32 v11, v8;
	v7 =	vxor.u32 v5, v7  }
0xf9: {  	v9 =	vshrl.u32 v6, $0x11;
	v10 =	vshll.u32 v6, $0xF;
	v8 =	vxor.u32 v3, v8  }
0xfa: {  	v12 =	vshrl.u32 v7, $0x11;
	v13 =	vshll.u32 v7, $0xF;
	v11 =	vshrl.u32 v8, $0x11  }
0xfb: {  	v9 =	vor.u32 v9, v10;
	v14 =	vshll.u32 v8, $0xF;
	v10 =	vor.u32 v12, v13  }
0xfc: {  	v2 =	vadd.s32 v2, v6;
	v5 =	vadd.s32 v5, v7;
	v11 =	vor.u32 v11, v14  }
0xfd: {  	v3 =	vadd.s32 v3, v8;
	v6 =	vxor.u32 v2, v9;
	v7 =	vxor.u32 v5, v10  }
0xfe: {  	v9 =	vshrl.u32 v6, $0x6;
	v10 =	vshll.u32 v6, $0x1A;
	v8 =	vxor.u32 v3, v11  }
0xff: {  	v12 =	vshrl.u32 v7, $0x6;
	v13 =	vshll.u32 v7, $0x1A;
	v11 =	vshrl.u32 v8, $0x6  }
0x100: {  	v9 =	vor.u32 v9, v10;
	v14 =	vshll.u32 v8, $0x1A;
	v10 =	vor.u32 v12, v13  }
0x101: {  	v2 =	vadd.s32 v2, v6;
	v5 =	vadd.s32 v5, v7;
	v11 =	vor.u32 v11, v14  }
0x102: {  	v3 =	vadd.s32 v3, v8;
	v6 =	vxor.u32 v2, v9;
	v7 =	vxor.u32 v5, v10  }
0x103: {  	v9 =	vshrl.u32 v6, $0x1A;
	v10 =	vshll.u32 v6, $0x6;
	v8 =	vxor.u32 v3, v11  }
0x104: {  	v12 =	vshrl.u32 v7, $0x1A;
	v13 =	vshll.u32 v7, $0x6;
	v11 =	vshrl.u32 v8, $0x1A  }
0x105: {  	v9 =	vor.u32 v9, v10;
	v14 =	vshll.u32 v8, $0x6;
	v10 =	vor.u32 v12, v13  }
0x106: {  	v2 =	vadd.s32 v2, v6;
	v5 =	vadd.s32 v5, v7;
	v11 =	vor.u32 v11, v14  }
0x107: {  	v3 =	vadd.s32 v3, v8;
	v6 =	vxor.u32 v2, v9;
	v7 =	vxor.u32 v5, v10  }
0x108: {  	v6 =	vadd.s32 $0x2D, v6;
	v8 =	vxor.u32 v3, v11;
	v7 =	vadd.s32 $0x2D, v7  }
0x109: {  	v9 =	vshrl.u32 v6, $0xF;
	v10 =	vshll.u32 v6, $0x11;
	v8 =	vadd.s32 $0x2D, v8  }
0x10a: {  	v12 =	vshrl.u32 v7, $0xF;
	v13 =	vshll.u32 v7, $0x11;
	v11 =	vshrl.u32 v8, $0xF  }
0x10b: {  	v9 =	vor.u32 v9, v10;
	v14 =	vshll.u32 v8, $0x11;
	v10 =	vor.u32 v12, v13  }
0x10c: {  	v2 =	vadd.s32 v2, v6;
	v5 =	vadd.s32 v5, v7;
	v11 =	vor.u32 v11, v14  }
0x10d: {  	v3 =	vadd.s32 v3, v8;
	v6 =	vxor.u32 v2, v9;
	v7 =	vxor.u32 v5, v10  }
0x10e: {  	v9 =	vshrl.u32 v6, $0x3;
	v10 =	vshll.u32 v6, $0x1D;
	v8 =	vxor.u32 v3, v11  }
0x10f: {  	v12 =	vshrl.u32 v7, $0x3;
	v13 =	vshll.u32 v7, $0x1D;
	v11 =	vshrl.u32 v8, $0x3  }
0x110: {  	v9 =	vor.u32 v9, v10;
	v14 =	vshll.u32 v8, $0x1D;
	v10 =	vor.u32 v12, v13  }
0x111: {  	v2 =	vadd.s32 v2, v6;
	v5 =	vadd.s32 v5, v7;
	v11 =	vor.u32 v11, v14  }
0x112: {  	v3 =	vadd.s32 v3, v8;
	v6 =	vxor.u32 v2, v9;
	v7 =	vxor.u32 v5, v10  }
0x113: {  	v9 =	vshrl.u32 v6, $0x10;
	v10 =	vshll.u32 v6, $0x10;
	v8 =	vxor.u32 v3, v11  }
0x114: {  	v12 =	vshrl.u32 v7, $0x10;
	v13 =	vshll.u32 v7, $0x10;
	v11 =	vshrl.u32 v8, $0x10  }
0x115: {  	v9 =	vor.u32 v9, v10;
	v14 =	vshll.u32 v8, $0x10;
	v10 =	vor.u32 v12, v13  }
0x116: {  	v2 =	vadd.s32 v2, v6;
	v5 =	vadd.s32 v5, v7;
	v11 =	vor.u32 v11, v14  }
0x117: {  	v3 =	vadd.s32 v3, v8;
	v6 =	vxor.u32 v2, v9;
	v7 =	vxor.u32 v5, v10  }
0x118: {  	v9 =	vshrl.u32 v6, $0x8;
	v10 =	vshll.u32 v6, $0x18;
	v8 =	vxor.u32 v3, v11  }
0x119: {  	v12 =	vshrl.u32 v7, $0x8;
	v13 =	vshll.u32 v7, $0x18;
	v11 =	vshrl.u32 v8, $0x8  }
0x11a: {  	v9 =	vor.u32 v9, v10;
	v14 =	vshll.u32 v8, $0x18;
	v10 =	vor.u32 v12, v13  }
0x11b: {  	v2 =	vadd.s32 v2, v6;
	v5 =	vadd.s32 v5, v7;
	v11 =	vor.u32 v11, v14  }
0x11c: {  	v3 =	vadd.s32 v3, v8;
	v6 =	vxor.u32 v2, v9;
	v7 =	vxor.u32 v5, v10  }
0x11d: {  	v6 =	vadd.s32 $0x1BD11BF4, v6;
	v8 =	vxor.u32 v3, v11;
	v7 =	vadd.s32 $0x1BD11BF4, v7  }
0x11e: {  	v2 =	vadd.s32 v6, v2;
	v9 =	vshrl.u32 v6, $0x13;
	v8 =	vadd.s32 $0x1BD11BF4, v8  }
0x11f: {  	v6 =	vshll.u32 v6, $0xD;
	v5 =	vadd.s32 v7, v5;
	v10 =	vshrl.u32 v7, $0x13  }
0x120: {  	v7 =	vshll.u32 v7, $0xD;
	v3 =	vadd.s32 v8, v3;
	v11 =	vshrl.u32 v8, $0x13  }
0x121: {  	v2 =	vadd.s32 $0x2A, v2;
	v6 =	vor.u32 v9, v6;
	v8 =	vshll.u32 v8, $0xD  }
0x122: {  	v5 =	vadd.s32 $0x2A, v5;
	v7 =	vor.u32 v10, v7;
	v3 =	vadd.s32 $0x2A, v3  }
0x123: {  	v6 =	vxor.u32 v2, v6;
	v8 =	vor.u32 v11, v8;
	v7 =	vxor.u32 v5, v7  }
0x124: {  	v9 =	vshrl.u32 v6, $0x11;
	v10 =	vshll.u32 v6, $0xF;
	v8 =	vxor.u32 v3, v8  }
0x125: {  	v12 =	vshrl.u32 v7, $0x11;
	v13 =	vshll.u32 v7, $0xF;
	v11 =	vshrl.u32 v8, $0x11  }
0x126: {  	v9 =	vor.u32 v9, v10;
	v14 =	vshll.u32 v8, $0xF;
	v10 =	vor.u32 v12, v13  }
0x127: {  	v2 =	vadd.s32 v2, v6;
	v5 =	vadd.s32 v5, v7;
	v11 =	vor.u32 v11, v14  }
0x128: {  	v3 =	vadd.s32 v3, v8;
	v6 =	vxor.u32 v2, v9;
	v7 =	vxor.u32 v5, v10  }
0x129: {  	v9 =	vshrl.u32 v6, $0x6;
	v10 =	vshll.u32 v6, $0x1A;
	v8 =	vxor.u32 v3, v11  }
0x12a: {  	v12 =	vshrl.u32 v7, $0x6;
	v13 =	vshll.u32 v7, $0x1A;
	v11 =	vshrl.u32 v8, $0x6  }
0x12b: {  	v9 =	vor.u32 v9, v10;
	v14 =	vshll.u32 v8, $0x1A;
	v10 =	vor.u32 v12, v13  }
0x12c: {  	v2 =	vadd.s32 v2, v6;
	v5 =	vadd.s32 v5, v7;
	v11 =	vor.u32 v11, v14  }
0x12d: {  	v3 =	vadd.s32 v3, v8;
	v6 =	vxor.u32 v2, v9;
	v7 =	vxor.u32 v5, v10  }
0x12e: {  	v9 =	vshrl.u32 v6, $0x1A;
	v10 =	vshll.u32 v6, $0x6;
	v8 =	vxor.u32 v3, v11  }
0x12f: {  	v12 =	vshrl.u32 v7, $0x1A;
	v13 =	vshll.u32 v7, $0x6;
	v11 =	vshrl.u32 v8, $0x1A  }
0x130: {  	v9 =	vor.u32 v9, v10;
	v14 =	vshll.u32 v8, $0x6;
	v10 =	vor.u32 v12, v13  }
0x131: {  	v2 =	vadd.s32 v2, v6;
	v5 =	vadd.s32 v5, v7;
	v11 =	vor.u32 v11, v14  }
.Ltmp0:
0x132: {  	v3 =	vadd.s32 v3, v8;
	v6 =	vxor.u32 v2, v9;
	v7 =	vxor.u32 v5, v10;
	(pc) =	sbr.rel @p0 .LBB2_2-.Ltmp0, $4  }
0x133: {  	v6 =	vadd.s32 $0x5, v6;
	v8 =	vxor.u32 v3, v11;
	v7 =	vadd.s32 $0x5, v7  }
0x134: {  	v2 =	vadd.s32 $0x1BD11BF0, v2;
	v5 =	vadd.s32 $0x1BD11BF0, v5;
	v8 =	vadd.s32 $0x5, v8  }
0x135: {  	v9 =	vadd.s32 $0x1BD11BF0, v3;
	v6 =	vxor.u32 v2, v6;
	v3 =	vxor.u32 v5, v7  }
0x136: {  	v4 =	vadd.s32 $0x40, v4;
	v2 =	vxor.u32 v9, v8;
	[tilespmem:s10+$0xFFFFFFF0] =	vst v6  }
0x137: {  	v5 =	vshrl.u32 v4, $0x13;
	v6 =	vshll.u32 v4, $0xD  }
0x138: {  	v5 =	vor.u32 v5, v6  }
0x139: {  	v5 =	vxor.u32 v4, v5  }
0x13a: {  	v6 =	vshrl.u32 v5, $0x11;
	v7 =	vshll.u32 v5, $0xF  }
0x13b: {  	v4 =	vadd.s32 v4, v5;
	v5 =	vor.u32 v6, v7  }
0x13c: {  	v5 =	vxor.u32 v4, v5  }
0x13d: {  	v6 =	vshrl.u32 v5, $0x6;
	v7 =	vshll.u32 v5, $0x1A  }
0x13e: {  	v4 =	vadd.s32 v4, v5;
	v5 =	vor.u32 v6, v7  }
0x13f: {  	v5 =	vxor.u32 v4, v5  }
0x140: {  	v6 =	vshrl.u32 v5, $0x1A;
	v7 =	vshll.u32 v5, $0x6  }
0x141: {  	v4 =	vadd.s32 v4, v5;
	v5 =	vor.u32 v6, v7  }
0x142: {  	v5 =	vxor.u32 v4, v5  }
0x143: {  	v5 =	vadd.s32 $0x1BD11BF1, v5  }
0x144: {  	v4 =	vadd.s32 v5, v4;
	v6 =	vshrl.u32 v5, $0xF;
	v5 =	vshll.u32 v5, $0x11  }
0x145: {  	v4 =	vadd.s32 $0x2A, v4;
	v5 =	vor.u32 v6, v5  }
0x146: {  	v5 =	vxor.u32 v4, v5  }
0x147: {  	v6 =	vshrl.u32 v5, $0x3;
	v7 =	vshll.u32 v5, $0x1D  }
0x148: {  	v4 =	vadd.s32 v4, v5;
	v5 =	vor.u32 v6, v7  }
0x149: {  	v5 =	vxor.u32 v4, v5  }
0x14a: {  	v6 =	vshrl.u32 v5, $0x10;
	v7 =	vshll.u32 v5, $0x10  }
0x14b: {  	v4 =	vadd.s32 v4, v5;
	v5 =	vor.u32 v6, v7;
	v6 =	vadd.s32 $0x50, v1  }
0x14c: {  	v5 =	vxor.u32 v4, v5;
	v7 =	vshrl.u32 v6, $0x13;
	v8 =	vshll.u32 v6, $0xD  }
0x14d: {  	v4 =	vadd.s32 v4, v5;
	v7 =	vor.u32 v7, v8  }
0x14e: {  	v44 =	vshrl.u32 v5, $0x8;
	v5 =	vshll.u32 v5, $0x18;
	v7 =	vxor.u32 v6, v7  }
0x14f: {  	v5 =	vor.u32 v44, v5;
	v45 =	vshrl.u32 v7, $0x11;
	v9 =	vshll.u32 v7, $0xF  }
0x150: {  	v5 =	vxor.u32 v4, v5;
	v6 =	vadd.s32 v6, v7;
	v7 =	vor.u32 v45, v9  }
0x151: {  	v5 =	vadd.s32 $0x2, v5;
	v7 =	vxor.u32 v6, v7  }
0x152: {  	v4 =	vadd.s32 v5, v4;
	v48 =	vshrl.u32 v5, $0x13;
	v5 =	vshll.u32 v5, $0xD  }
0x153: {  	v46 =	vshrl.u32 v7, $0x6;
	v47 =	vshll.u32 v7, $0x1A;
	v4 =	vadd.s32 $0x1BD11BF0, v4  }
0x154: {  	v6 =	vadd.s32 v6, v7;
	v5 =	vor.u32 v48, v5;
	v7 =	vor.u32 v46, v47  }
0x155: {  	v5 =	vxor.u32 v4, v5;
	v7 =	vxor.u32 v6, v7  }
0x156: {  	v51 =	vshrl.u32 v5, $0x11;
	v52 =	vshll.u32 v5, $0xF;
	v4 =	vadd.s32 v4, v5  }
0x157: {  	v49 =	vshrl.u32 v7, $0x1A;
	v50 =	vshll.u32 v7, $0x6;
	v5 =	vor.u32 v51, v52  }
0x158: {  	v6 =	vadd.s32 v6, v7;
	v7 =	vor.u32 v49, v50;
	v5 =	vxor.u32 v4, v5  }
0x159: {  	v1 =	vadd.s32 $0x60, v1;
	v7 =	vxor.u32 v6, v7;
	v4 =	vadd.s32 v4, v5  }
0x15a: {  	v54 =	vshrl.u32 v5, $0x6;
	v5 =	vshll.u32 v5, $0x1A;
	v7 =	vadd.s32 $0x1BD11BF1, v7  }
0x15b: {  	v5 =	vor.u32 v54, v5;
	v6 =	vadd.s32 v7, v6;
	v53 =	vshrl.u32 v7, $0xF  }
0x15c: {  	v7 =	vshll.u32 v7, $0x11;
	v5 =	vxor.u32 v4, v5;
	v6 =	vadd.s32 $0x2A, v6  }
0x15d: {  	v7 =	vor.u32 v53, v7;
	v56 =	vshrl.u32 v5, $0x1A;
	v11 =	vshll.u32 v5, $0x6  }
0x15e: {  	v4 =	vadd.s32 v4, v5;
	v7 =	vxor.u32 v6, v7;
	v5 =	vor.u32 v56, v11  }
0x15f: {  	v55 =	vshrl.u32 v7, $0x3;
	v10 =	vshll.u32 v7, $0x1D;
	v5 =	vxor.u32 v4, v5  }
0x160: {  	v6 =	vadd.s32 v6, v7;
	v7 =	vor.u32 v55, v10;
	v5 =	vadd.s32 $0x2D, v5  }
0x161: {  	v7 =	vxor.u32 v6, v7;
	v4 =	vadd.s32 v4, v5;
	v61 =	vshrl.u32 v5, $0xF  }
0x162: {  	v5 =	vshll.u32 v5, $0x11;
	v57 =	vshrl.u32 v7, $0x10;
	v58 =	vshll.u32 v7, $0x10  }
0x163: {  	v6 =	vadd.s32 v6, v7;
	v5 =	vor.u32 v61, v5;
	v7 =	vor.u32 v57, v58  }
0x164: {  	v42 =	vadd.s32 $0x20, v1;
	v5 =	vxor.u32 v4, v5;
	v7 =	vxor.u32 v6, v7  }
0x165: {  	v63 =	vshrl.u32 v5, $0x3;
	v59 =	vshrl.u32 v7, $0x8;
	v60 =	vshll.u32 v7, $0x18  }
0x166: {  	v14 =	vshll.u32 v5, $0x1D;
	v6 =	vadd.s32 v6, v7;
	v7 =	vor.u32 v59, v60  }
0x167: {  	v4 =	vadd.s32 v4, v5;
	v5 =	vor.u32 v63, v14;
	v7 =	vxor.u32 v6, v7  }
0x168: {  	v46 =	vshll.u32 v1, $0xD;
	v5 =	vxor.u32 v4, v5;
	v7 =	vadd.s32 $0x2, v7  }
0x169: {  	v6 =	vadd.s32 v7, v6;
	v62 =	vshrl.u32 v7, $0x13;
	v7 =	vshll.u32 v7, $0xD  }
0x16a: {  	v4 =	vadd.s32 v4, v5;
	v6 =	vadd.s32 $0x1BD11BF0, v6;
	v7 =	vor.u32 v62, v7  }
0x16b: {  	v17 =	vshrl.u32 v5, $0x10;
	v5 =	vshll.u32 v5, $0x10;
	v7 =	vxor.u32 v6, v7  }
0x16c: {  	v5 =	vor.u32 v17, v5;
	v12 =	vshrl.u32 v7, $0x11;
	v13 =	vshll.u32 v7, $0xF  }
0x16d: {  	v5 =	vxor.u32 v4, v5;
	v6 =	vadd.s32 v6, v7;
	v7 =	vor.u32 v12, v13  }
0x16e: {  	v47 =	vshll.u32 v42, $0xD;
	v4 =	vadd.s32 v4, v5;
	v7 =	vxor.u32 v6, v7  }
0x16f: {  	v20 =	vshrl.u32 v5, $0x8;
	v15 =	vshrl.u32 v7, $0x6;
	v16 =	vshll.u32 v7, $0x1A  }
0x170: {  	v5 =	vshll.u32 v5, $0x18;
	v6 =	vadd.s32 v6, v7;
	v7 =	vor.u32 v15, v16  }
0x171: {  	v14 =	vshrl.u32 v42, $0x13;
	v5 =	vor.u32 v20, v5;
	v7 =	vxor.u32 v6, v7  }
0x172: {  	v5 =	vxor.u32 v4, v5;
	v18 =	vshrl.u32 v7, $0x1A;
	v19 =	vshll.u32 v7, $0x6  }
0x173: {  	v5 =	vadd.s32 $0x1BD11BF4, v5;
	v6 =	vadd.s32 v6, v7;
	v7 =	vor.u32 v18, v19  }
0x174: {  	v50 =	vor.u32 v14, v47;
	v4 =	vadd.s32 v5, v4;
	v7 =	vxor.u32 v6, v7  }
0x175: {  	v25 =	vshrl.u32 v5, $0x13;
	v5 =	vshll.u32 v5, $0xD;
	v7 =	vadd.s32 $0x2D, v7  }
0x176: {  	v4 =	vadd.s32 $0x2A, v4;
	v21 =	vshrl.u32 v7, $0xF;
	v22 =	vshll.u32 v7, $0x11  }
0x177: {  	v5 =	vor.u32 v25, v5;
	v6 =	vadd.s32 v6, v7;
	v7 =	vor.u32 v21, v22  }
0x178: {  	v5 =	vxor.u32 v4, v5;
	v15 =	vshrl.u32 v1, $0x13;
	v7 =	vxor.u32 v6, v7  }
0x179: {  	v4 =	vadd.s32 v4, v5;
	v23 =	vshrl.u32 v7, $0x3;
	v24 =	vshll.u32 v7, $0x1D  }
0x17a: {  	v28 =	vshrl.u32 v5, $0x11;
	v6 =	vadd.s32 v6, v7;
	v7 =	vor.u32 v23, v24  }
0x17b: {  	v5 =	vshll.u32 v5, $0xF;
	v49 =	vor.u32 v15, v46;
	v7 =	vxor.u32 v6, v7  }
0x17c: {  	v5 =	vor.u32 v28, v5;
	v26 =	vshrl.u32 v7, $0x10;
	v27 =	vshll.u32 v7, $0x10  }
0x17d: {  	v11 =	vxor.u32 v1, v49;
	v6 =	vadd.s32 v6, v7;
	v7 =	vor.u32 v26, v27  }
0x17e: {  	v5 =	vxor.u32 v4, v5;
	v58 =	vshrl.u32 v11, $0x11;
	v7 =	vxor.u32 v6, v7  }
0x17f: {  	v18 =	vshll.u32 v11, $0xF;
	v29 =	vshrl.u32 v7, $0x8;
	v30 =	vshll.u32 v7, $0x18  }
0x180: {  	v11 =	vadd.s32 v1, v11;
	v6 =	vadd.s32 v6, v7;
	v7 =	vor.u32 v29, v30  }
0x181: {  	v31 =	vshrl.u32 v5, $0x6;
	v33 =	vshll.u32 v5, $0x1A;
	v7 =	vxor.u32 v6, v7  }
0x182: {  	v4 =	vadd.s32 v4, v5;
	v5 =	vor.u32 v31, v33;
	v7 =	vadd.s32 $0x1BD11BF4, v7  }
0x183: {  	v6 =	vadd.s32 v7, v6;
	v32 =	vshrl.u32 v7, $0x13;
	v7 =	vshll.u32 v7, $0xD  }
0x184: {  	v5 =	vxor.u32 v4, v5;
	v6 =	vadd.s32 $0x2A, v6;
	v7 =	vor.u32 v32, v7  }
0x185: {  	v4 =	vadd.s32 v4, v5;
	v36 =	vshrl.u32 v5, $0x1A;
	v7 =	vxor.u32 v6, v7  }
0x186: {  	v5 =	vshll.u32 v5, $0x6;
	v34 =	vshrl.u32 v7, $0x11;
	v35 =	vshll.u32 v7, $0xF  }
0x187: {  	v5 =	vor.u32 v36, v5;
	v6 =	vadd.s32 v6, v7;
	v7 =	vor.u32 v34, v35  }
0x188: {  	v18 =	vor.u32 v58, v18;
	v5 =	vxor.u32 v4, v5;
	v7 =	vxor.u32 v6, v7  }
0x189: {  	v4 =	vadd.s32 $0x1BD11BF0, v4;
	v37 =	vshrl.u32 v7, $0x6;
	v38 =	vshll.u32 v7, $0x1A  }
0x18a: {  	v5 =	vadd.s32 $0x5, v5;
	v6 =	vadd.s32 v6, v7;
	v7 =	vor.u32 v37, v38  }
0x18b: {  	v24 =	vxor.u32 v11, v18;
	v4 =	vxor.u32 v4, v5;
	v7 =	vxor.u32 v6, v7  }
0x18c: {  	v31 =	vshrl.u32 v24, $0x6;
	v33 =	vshll.u32 v24, $0x1A;
	v5 =	vshrl.u32 v7, $0x1A  }
0x18d: {  	v39 =	vshll.u32 v7, $0x6;
	v6 =	vadd.s32 v6, v7;
	v7 =	vadd.s32 $0x30, v1  }
0x18e: {  	v5 =	vor.u32 v5, v39;
	v40 =	vshrl.u32 v7, $0x13;
	v41 =	vshll.u32 v7, $0xD  }
0x18f: {  	v38 =	vadd.s32 v11, v24;
	v5 =	vxor.u32 v6, v5;
	v8 =	vor.u32 v40, v41  }
0x190: {  	v6 =	vadd.s32 $0x1BD11BF0, v6;
	v5 =	vadd.s32 $0x5, v5;
	v8 =	vxor.u32 v7, v8  }
0x191: {  	v5 =	vxor.u32 v6, v5;
	v12 =	vshrl.u32 v8, $0x11;
	v13 =	vshll.u32 v8, $0xF  }
0x192: {  	v6 =	vadd.s32 $0x10, v1;
	v7 =	vadd.s32 v7, v8;
	v45 =	vor.u32 v12, v13  }
0x193: {  	v43 =	vshrl.u32 v6, $0x13;
	v44 =	vshll.u32 v6, $0xD;
	v8 =	vxor.u32 v7, v45  }
0x194: {  	v12 =	vxor.u32 v42, v50;
	v16 =	vshrl.u32 v8, $0x6;
	v17 =	vshll.u32 v8, $0x1A  }
0x195: {  	v10 =	vor.u32 v43, v44;
	v7 =	vadd.s32 v7, v8;
	v48 =	vor.u32 v16, v17  }
0x196: {  	v56 =	vshrl.u32 v12, $0x11;
	v59 =	vshll.u32 v12, $0xF;
	v8 =	vxor.u32 v7, v48  }
0x197: {  	v9 =	vadd.s32 v42, v12;
	v51 =	vshrl.u32 v8, $0x1A;
	v52 =	vshll.u32 v8, $0x6  }
0x198: {  	v10 =	vxor.u32 v6, v10;
	v7 =	vadd.s32 v7, v8;
	v53 =	vor.u32 v51, v52  }
0x199: {  	v60 =	vor.u32 v56, v59;
	v54 =	vshrl.u32 v10, $0x11;
	v8 =	vxor.u32 v7, v53  }
0x19a: {  	v55 =	vshll.u32 v10, $0xF;
	v6 =	vadd.s32 v6, v10;
	v8 =	vadd.s32 $0x1BD11BF1, v8  }
0x19b: {  	v7 =	vadd.s32 v8, v7;
	v57 =	vshrl.u32 v8, $0xF;
	v8 =	vshll.u32 v8, $0x11  }
0x19c: {  	v23 =	vxor.u32 v9, v60;
	v7 =	vadd.s32 $0x2A, v7;
	v8 =	vor.u32 v57, v8  }
0x19d: {  	v17 =	vor.u32 v31, v33;
	v13 =	vor.u32 v54, v55;
	v8 =	vxor.u32 v7, v8  }
0x19e: {  	v30 =	vshrl.u32 v23, $0x6;
	v61 =	vshrl.u32 v8, $0x3;
	v62 =	vshll.u32 v8, $0x1D  }
0x19f: {  	v34 =	vshll.u32 v23, $0x1A;
	v7 =	vadd.s32 v7, v8;
	v63 =	vor.u32 v61, v62  }
0x1a0: {  	v9 =	vadd.s32 v9, v23;
	v44 =	vxor.u32 v38, v17;
	v8 =	vxor.u32 v7, v63  }
0x1a1: {  	v22 =	vxor.u32 v6, v13;
	v19 =	vshrl.u32 v8, $0x10;
	v20 =	vshll.u32 v8, $0x10  }
0x1a2: {  	v15 =	vor.u32 v30, v34;
	v7 =	vadd.s32 v7, v8;
	v21 =	vor.u32 v19, v20  }
0x1a3: {  	v50 =	vshrl.u32 v44, $0x1A;
	v10 =	vadd.s32 v38, v44;
	v8 =	vxor.u32 v7, v21  }
0x1a4: {  	v27 =	vshrl.u32 v22, $0x6;
	v25 =	vshrl.u32 v8, $0x8;
	v26 =	vshll.u32 v8, $0x18  }
0x1a5: {  	v29 =	vshll.u32 v22, $0x1A;
	v7 =	vadd.s32 v7, v8;
	v28 =	vor.u32 v25, v26  }
0x1a6: {  	v6 =	vadd.s32 v6, v22;
	v42 =	vxor.u32 v9, v15;
	v8 =	vxor.u32 v7, v28  }
0x1a7: {  	v51 =	vshll.u32 v44, $0x6;
	v14 =	vor.u32 v27, v29;
	v8 =	vadd.s32 $0x2, v8  }
0x1a8: {  	v7 =	vadd.s32 v8, v7;
	v32 =	vshrl.u32 v8, $0x13;
	v8 =	vshll.u32 v8, $0xD  }
0x1a9: {  	v47 =	vshrl.u32 v42, $0x1A;
	v7 =	vadd.s32 $0x1BD11BF0, v7;
	v8 =	vor.u32 v32, v8  }
0x1aa: {  	v52 =	vshll.u32 v42, $0x6;
	v9 =	vadd.s32 v9, v42;
	v8 =	vxor.u32 v7, v8  }
0x1ab: {  	v39 =	vxor.u32 v6, v14;
	v35 =	vshrl.u32 v8, $0x11;
	v36 =	vshll.u32 v8, $0xF  }
0x1ac: {  	v16 =	vor.u32 v47, v52;
	v7 =	vadd.s32 v7, v8;
	v37 =	vor.u32 v35, v36  }
0x1ad: {  	v45 =	vshrl.u32 v39, $0x1A;
	v46 =	vshll.u32 v39, $0x6;
	v8 =	vxor.u32 v7, v37  }
0x1ae: {  	v6 =	vadd.s32 v6, v39;
	v40 =	vshrl.u32 v8, $0x6;
	v41 =	vshll.u32 v8, $0x1A  }
0x1af: {  	v13 =	vor.u32 v45, v46;
	v7 =	vadd.s32 v7, v8;
	v43 =	vor.u32 v40, v41  }
0x1b0: {  	v57 =	vxor.u32 v9, v16;
	v56 =	vxor.u32 v6, v13;
	v8 =	vxor.u32 v7, v43  }
0x1b1: {  	v13 =	vadd.s32 $0x1BD11BF1, v57;
	v48 =	vshrl.u32 v8, $0x1A;
	v49 =	vshll.u32 v8, $0x6  }
0x1b2: {  	v12 =	vadd.s32 $0x1BD11BF1, v56;
	v7 =	vadd.s32 v7, v8;
	v15 =	vor.u32 v48, v49  }
0x1b3: {  	v9 =	vadd.s32 v13, v9;
	v6 =	vadd.s32 v12, v6;
	v15 =	vxor.u32 v7, v15  }
0x1b4: {  	v9 =	vadd.s32 $0x2A, v9;
	v63 =	vshrl.u32 v12, $0xF;
	v53 =	vadd.s32 $0x2D, v15  }
0x1b5: {  	v12 =	vshll.u32 v12, $0x11;
	v54 =	vshrl.u32 v53, $0xF;
	v15 =	vshll.u32 v53, $0x11  }
0x1b6: {  	v6 =	vadd.s32 $0x2A, v6;
	v7 =	vadd.s32 v7, v53;
	v55 =	vor.u32 v54, v15  }
0x1b7: {  	v12 =	vor.u32 v63, v12;
	v20 =	vshrl.u32 v13, $0xF;
	v11 =	vxor.u32 v7, v55  }
0x1b8: {  	v13 =	vshll.u32 v13, $0x11;
	v58 =	vshrl.u32 v11, $0x3;
	v59 =	vshll.u32 v11, $0x1D  }
0x1b9: {  	v12 =	vxor.u32 v6, v12;
	v7 =	vadd.s32 v7, v11;
	v60 =	vor.u32 v58, v59  }
0x1ba: {  	v13 =	vor.u32 v20, v13;
	v31 =	vshrl.u32 v12, $0x3;
	v11 =	vxor.u32 v7, v60  }
0x1bb: {  	v33 =	vshll.u32 v12, $0x1D;
	v61 =	vshrl.u32 v11, $0x10;
	v62 =	vshll.u32 v11, $0x10  }
0x1bc: {  	v12 =	vadd.s32 v6, v12;
	v7 =	vadd.s32 v7, v11;
	v19 =	vor.u32 v61, v62  }
0x1bd: {  	v13 =	vxor.u32 v9, v13;
	v14 =	vor.u32 v31, v33;
	v11 =	vxor.u32 v7, v19  }
0x1be: {  	v34 =	vshrl.u32 v13, $0x3;
	v21 =	vshrl.u32 v11, $0x8;
	v22 =	vshll.u32 v11, $0x18  }
0x1bf: {  	v39 =	vxor.u32 v12, v14;
	v7 =	vadd.s32 v7, v11;
	v23 =	vor.u32 v21, v22  }
0x1c0: {  	v9 =	vadd.s32 v9, v13;
	v42 =	vshrl.u32 v39, $0x10;
	v11 =	vxor.u32 v7, v23  }
0x1c1: {  	v14 =	vshll.u32 v39, $0x10;
	v36 =	vshll.u32 v13, $0x1D;
	v11 =	vadd.s32 $0x1BD11BF4, v11  }
0x1c2: {  	v7 =	vadd.s32 v11, v7;
	v25 =	vshrl.u32 v11, $0x13;
	v11 =	vshll.u32 v11, $0xD  }
0x1c3: {  	v8 =	vor.u32 v50, v51;
	v7 =	vadd.s32 $0x2A, v7;
	v11 =	vor.u32 v25, v11  }
0x1c4: {  	v13 =	vor.u32 v42, v14;
	v8 =	vxor.u32 v10, v8;
	v11 =	vxor.u32 v7, v11  }
0x1c5: {  	v8 =	vadd.s32 $0x1BD11BF1, v8;
	v26 =	vshrl.u32 v11, $0x11;
	v27 =	vshll.u32 v11, $0xF  }
0x1c6: {  	v10 =	vadd.s32 v8, v10;
	v7 =	vadd.s32 v7, v11;
	v28 =	vor.u32 v26, v27  }
0x1c7: {  	v24 =	vshrl.u32 v8, $0xF;
	v8 =	vshll.u32 v8, $0x11;
	v11 =	vxor.u32 v7, v28  }
0x1c8: {  	v10 =	vadd.s32 $0x2A, v10;
	v29 =	vshrl.u32 v11, $0x6;
	v30 =	vshll.u32 v11, $0x1A  }
0x1c9: {  	v8 =	vor.u32 v24, v8;
	v7 =	vadd.s32 v7, v11;
	v32 =	vor.u32 v29, v30  }
0x1ca: {  	v8 =	vxor.u32 v10, v8;
	v15 =	vor.u32 v34, v36;
	v11 =	vxor.u32 v7, v32  }
0x1cb: {  	v35 =	vshrl.u32 v11, $0x1A;
	v7 =	vadd.s32 v7, v11;
	v11 =	vshll.u32 v11, $0x6  }
0x1cc: {  	v37 =	vshrl.u32 v8, $0x3;
	v38 =	vshll.u32 v8, $0x1D;
	v11 =	vor.u32 v35, v11  }
0x1cd: {  	v40 =	vxor.u32 v9, v15;
	v16 =	vor.u32 v37, v38;
	v11 =	vxor.u32 v7, v11  }
0x1ce: {  	v44 =	vshrl.u32 v40, $0x10;
	v7 =	vadd.s32 $0x1BD11BF0, v7;
	v11 =	vadd.s32 $0x5, v11  }
0x1cf: {  	v45 =	vshll.u32 v40, $0x10;
	v6 =	vxor.u32 v7, v11;
	v7 =	vadd.s32 v10, v8  }
0x1d0: {  	v9 =	vadd.s32 v9, v40;
	v8 =	vadd.s32 v12, v39;
	v41 =	vxor.u32 v7, v16  }
0x1d1: {  	v16 =	vor.u32 v44, v45;
	v47 =	vxor.u32 v8, v13;
	v43 =	vshrl.u32 v41, $0x10  }
0x1d2: {  	v46 =	vshll.u32 v41, $0x10;
	v7 =	vadd.s32 v7, v41;
	v48 =	vxor.u32 v9, v16  }
0x1d3: {  	v13 =	vshrl.u32 v47, $0x8;
	v50 =	vshll.u32 v47, $0x18;
	v8 =	vadd.s32 v8, v47  }
0x1d4: {  	v14 =	vor.u32 v43, v46;
	v16 =	vshrl.u32 v48, $0x8;
	v52 =	vshll.u32 v48, $0x18  }
0x1d5: {  	v13 =	vor.u32 v13, v50;
	v9 =	vadd.s32 v9, v48;
	v49 =	vxor.u32 v7, v14  }
0x1d6: {  	v16 =	vor.u32 v16, v52;
	v10 =	vxor.u32 v8, v13;
	v51 =	vshrl.u32 v49, $0x8  }
0x1d7: {  	v53 =	vshll.u32 v49, $0x18;
	v7 =	vadd.s32 v7, v49;
	v11 =	vxor.u32 v9, v16  }
0x1d8: {  	v10 =	vadd.s32 $0x2, v10;
	v14 =	vor.u32 v51, v53;
	v11 =	vadd.s32 $0x2, v11  }
0x1d9: {  	v8 =	vadd.s32 v10, v8;
	v54 =	vshrl.u32 v10, $0x13;
	v10 =	vshll.u32 v10, $0xD  }
0x1da: {  	v12 =	vxor.u32 v7, v14;
	v9 =	vadd.s32 v11, v9;
	v55 =	vshrl.u32 v11, $0x13  }
0x1db: {  	v11 =	vshll.u32 v11, $0xD;
	v8 =	vadd.s32 $0x1BD11BF0, v8;
	v10 =	vor.u32 v54, v10  }
0x1dc: {  	v12 =	vadd.s32 $0x2, v12;
	v9 =	vadd.s32 $0x1BD11BF0, v9;
	v11 =	vor.u32 v55, v11  }
0x1dd: {  	v10 =	vxor.u32 v8, v10;
	v7 =	vadd.s32 v12, v7;
	v56 =	vshrl.u32 v12, $0x13  }
0x1de: {  	v12 =	vshll.u32 v12, $0xD;
	v11 =	vxor.u32 v9, v11;
	v57 =	vshrl.u32 v10, $0x11  }
0x1df: {  	v58 =	vshll.u32 v10, $0xF;
	v8 =	vadd.s32 v8, v10;
	v7 =	vadd.s32 $0x1BD11BF0, v7  }
0x1e0: {  	v12 =	vor.u32 v56, v12;
	v60 =	vshrl.u32 v11, $0x11;
	v61 =	vshll.u32 v11, $0xF  }
0x1e1: {  	v13 =	vor.u32 v57, v58;
	v9 =	vadd.s32 v9, v11;
	v12 =	vxor.u32 v7, v12  }
0x1e2: {  	v16 =	vor.u32 v60, v61;
	v10 =	vxor.u32 v8, v13;
	v59 =	vshrl.u32 v12, $0x11  }
0x1e3: {  	v62 =	vshll.u32 v12, $0xF;
	v7 =	vadd.s32 v7, v12;
	v11 =	vxor.u32 v9, v16  }
0x1e4: {  	v13 =	vshrl.u32 v10, $0x6;
	v63 =	vshll.u32 v10, $0x1A;
	v8 =	vadd.s32 v8, v10  }
0x1e5: {  	v14 =	vor.u32 v59, v62;
	v16 =	vshrl.u32 v11, $0x6;
	v21 =	vshll.u32 v11, $0x1A  }
0x1e6: {  	v13 =	vor.u32 v13, v63;
	v9 =	vadd.s32 v9, v11;
	v12 =	vxor.u32 v7, v14  }
0x1e7: {  	v16 =	vor.u32 v16, v21;
	v10 =	vxor.u32 v8, v13;
	v20 =	vshrl.u32 v12, $0x6  }
0x1e8: {  	v22 =	vshll.u32 v12, $0x1A;
	v7 =	vadd.s32 v7, v12;
	v11 =	vxor.u32 v9, v16  }
0x1e9: {  	v13 =	vshrl.u32 v10, $0x1A;
	v23 =	vshll.u32 v10, $0x6;
	v8 =	vadd.s32 v8, v10  }
0x1ea: {  	v14 =	vor.u32 v20, v22;
	v16 =	vshrl.u32 v11, $0x1A;
	v25 =	vshll.u32 v11, $0x6  }
0x1eb: {  	v13 =	vor.u32 v13, v23;
	v9 =	vadd.s32 v9, v11;
	v12 =	vxor.u32 v7, v14  }
0x1ec: {  	v16 =	vor.u32 v16, v25;
	v10 =	vxor.u32 v8, v13;
	v24 =	vshrl.u32 v12, $0x1A  }
0x1ed: {  	v26 =	vshll.u32 v12, $0x6;
	v7 =	vadd.s32 v7, v12;
	v11 =	vxor.u32 v9, v16  }
0x1ee: {  	v10 =	vadd.s32 $0x2D, v10;
	v14 =	vor.u32 v24, v26;
	v11 =	vadd.s32 $0x2D, v11  }
0x1ef: {  	v27 =	vshrl.u32 v10, $0xF;
	v28 =	vshll.u32 v10, $0x11;
	v8 =	vadd.s32 v8, v10  }
0x1f0: {  	v12 =	vxor.u32 v7, v14;
	v30 =	vshrl.u32 v11, $0xF;
	v31 =	vshll.u32 v11, $0x11  }
0x1f1: {  	v13 =	vor.u32 v27, v28;
	v9 =	vadd.s32 v9, v11;
	v12 =	vadd.s32 $0x2D, v12  }
0x1f2: {  	v16 =	vor.u32 v30, v31;
	v10 =	vxor.u32 v8, v13;
	v29 =	vshrl.u32 v12, $0xF  }
0x1f3: {  	v32 =	vshll.u32 v12, $0x11;
	v7 =	vadd.s32 v7, v12;
	v11 =	vxor.u32 v9, v16  }
0x1f4: {  	v13 =	vshrl.u32 v10, $0x3;
	v33 =	vshll.u32 v10, $0x1D;
	v8 =	vadd.s32 v8, v10  }
0x1f5: {  	v14 =	vor.u32 v29, v32;
	v16 =	vshrl.u32 v11, $0x3;
	v35 =	vshll.u32 v11, $0x1D  }
0x1f6: {  	v13 =	vor.u32 v13, v33;
	v9 =	vadd.s32 v9, v11;
	v12 =	vxor.u32 v7, v14  }
0x1f7: {  	v16 =	vor.u32 v16, v35;
	v10 =	vxor.u32 v8, v13;
	v34 =	vshrl.u32 v12, $0x3  }
0x1f8: {  	v36 =	vshll.u32 v12, $0x1D;
	v7 =	vadd.s32 v7, v12;
	v11 =	vxor.u32 v9, v16  }
0x1f9: {  	v13 =	vshrl.u32 v10, $0x10;
	v37 =	vshll.u32 v10, $0x10;
	v8 =	vadd.s32 v8, v10  }
0x1fa: {  	v14 =	vor.u32 v34, v36;
	v16 =	vshrl.u32 v11, $0x10;
	v39 =	vshll.u32 v11, $0x10  }
0x1fb: {  	v13 =	vor.u32 v13, v37;
	v9 =	vadd.s32 v9, v11;
	v12 =	vxor.u32 v7, v14  }
0x1fc: {  	v16 =	vor.u32 v16, v39;
	v10 =	vxor.u32 v8, v13;
	v38 =	vshrl.u32 v12, $0x10  }
0x1fd: {  	v40 =	vshll.u32 v12, $0x10;
	v7 =	vadd.s32 v7, v12;
	v11 =	vxor.u32 v9, v16  }
0x1fe: {  	v13 =	vshrl.u32 v10, $0x8;
	v41 =	vshll.u32 v10, $0x18;
	v8 =	vadd.s32 v8, v10  }
0x1ff: {  	v14 =	vor.u32 v38, v40;
	v16 =	vshrl.u32 v11, $0x8;
	v43 =	vshll.u32 v11, $0x18  }
0x200: {  	v13 =	vor.u32 v13, v41;
	v9 =	vadd.s32 v9, v11;
	v12 =	vxor.u32 v7, v14  }
0x201: {  	v16 =	vor.u32 v16, v43;
	v10 =	vxor.u32 v8, v13;
	v42 =	vshrl.u32 v12, $0x8  }
0x202: {  	v44 =	vshll.u32 v12, $0x18;
	v7 =	vadd.s32 v7, v12;
	v11 =	vxor.u32 v9, v16  }
0x203: {  	v10 =	vadd.s32 $0x1BD11BF4, v10;
	v14 =	vor.u32 v42, v44;
	v11 =	vadd.s32 $0x1BD11BF4, v11  }
0x204: {  	v8 =	vadd.s32 v10, v8;
	v45 =	vshrl.u32 v10, $0x13;
	v10 =	vshll.u32 v10, $0xD  }
0x205: {  	v12 =	vxor.u32 v7, v14;
	v9 =	vadd.s32 v11, v9;
	v46 =	vshrl.u32 v11, $0x13  }
0x206: {  	v11 =	vshll.u32 v11, $0xD;
	v8 =	vadd.s32 $0x2A, v8;
	v10 =	vor.u32 v45, v10  }
0x207: {  	v12 =	vadd.s32 $0x1BD11BF4, v12;
	v9 =	vadd.s32 $0x2A, v9;
	v11 =	vor.u32 v46, v11  }
0x208: {  	v10 =	vxor.u32 v8, v10;
	v7 =	vadd.s32 v12, v7;
	v47 =	vshrl.u32 v12, $0x13  }
0x209: {  	v12 =	vshll.u32 v12, $0xD;
	v11 =	vxor.u32 v9, v11;
	v48 =	vshrl.u32 v10, $0x11  }
0x20a: {  	v49 =	vshll.u32 v10, $0xF;
	v8 =	vadd.s32 v8, v10;
	v7 =	vadd.s32 $0x2A, v7  }
0x20b: {  	v12 =	vor.u32 v47, v12;
	v51 =	vshrl.u32 v11, $0x11;
	v52 =	vshll.u32 v11, $0xF  }
0x20c: {  	v13 =	vor.u32 v48, v49;
	v9 =	vadd.s32 v9, v11;
	v12 =	vxor.u32 v7, v12  }
0x20d: {  	v16 =	vor.u32 v51, v52;
	v10 =	vxor.u32 v8, v13;
	v50 =	vshrl.u32 v12, $0x11  }
0x20e: {  	v53 =	vshll.u32 v12, $0xF;
	v7 =	vadd.s32 v7, v12;
	v11 =	vxor.u32 v9, v16  }
0x20f: {  	v13 =	vshrl.u32 v10, $0x6;
	v54 =	vshll.u32 v10, $0x1A;
	v8 =	vadd.s32 v8, v10  }
0x210: {  	v14 =	vor.u32 v50, v53;
	v16 =	vshrl.u32 v11, $0x6;
	v56 =	vshll.u32 v11, $0x1A  }
0x211: {  	[tilespmem:s10+$0x0] =	vst v3;
	v13 =	vor.u32 v13, v54;
	v3 =	vadd.s32 v9, v11;
	v12 =	vxor.u32 v7, v14  }
0x212: {  	v16 =	vor.u32 v16, v56;
	v58 =	vxor.u32 v8, v13;
	v55 =	vshrl.u32 v12, $0x6  }
0x213: {  	[tilespmem:s10+$0xFFFFFFE0] =	vst v2;
	v57 =	vshll.u32 v12, $0x1A;
	v7 =	vadd.s32 v7, v12;
	v2 =	vxor.u32 v3, v16  }
0x214: {  	[tilespmem:$0x1F180] =	vst v4;
	v60 =	vshrl.u32 v58, $0x1A;
	v4 =	vshll.u32 v58, $0x6;
	v8 =	vadd.s32 v8, v58  }
0x215: {  	[tilespmem:$0x1F190] =	vst v5;
	v14 =	vor.u32 v55, v57;
	v62 =	vshrl.u32 v2, $0x1A;
	v5 =	vshll.u32 v2, $0x6  }
0x216: {  	v4 =	vor.u32 v60, v4;
	v2 =	vadd.s32 v3, v2;
	v59 =	vxor.u32 v7, v14  }
0x217: {  	[hbm4b:s4+s3] =	stream.linear.scatter [tilespmem:s8], [sflag:$0x1], $0x1F120, $0x38;
	v5 =	vor.u32 v62, v5;
	v4 =	vxor.u32 v8, v4;
	v8 =	vadd.s32 $0x1BD11BF0, v8;
	[tilespmem:$0x1F200] =	vst v63  }
0x218: {  	_ =	swait.ge [sflag:s7], $0x1F120;
	v61 =	vshrl.u32 v59, $0x1A;
	v14 =	vshll.u32 v59, $0x6;
	v3 =	vadd.s32 v7, v59  }
0x219: {  	[sflag:s7] =	ssyncset.done $0x0;
	v5 =	vxor.u32 v2, v5;
	v4 =	vadd.s32 $0x5, v4;
	v63 =	vor.u32 v61, v14  }
0x21a: {  	s10 =	simm.s32 $0xA0;
	[sflag:s7] =	ssyncadd.s32 $0xFFFE0EE0;
	v2 =	vadd.s32 $0x1BD11BF0, v2;
	v5 =	vadd.s32 $0x5, v5;
	v7 =	vxor.u32 v3, v63  }
0x21b: {  	[tilespmem:s10+$0x10] =	vst v6;
	v6 =	vxor.u32 v8, v4;
	v3 =	vadd.s32 $0x1BD11BF0, v3;
	v7 =	vadd.s32 $0x5, v7  }
0x21c: {  	s11 =	simm.s32 $0x0;
	v4 =	vxor.u32 v2, v5;
	[tilespmem:s10+$0xFFFFFFF0] =	vst v6;
	v2 =	vadd.s32 $0x40, v1;
	v3 =	vxor.u32 v3, v7  }
.LBB2_4:
0x21d: {  	v1 =	vmov v2  }
0x21e: {  	v5 =	vadd.s32 $0x10, v2;
	v6 =	vadd.s32 $0x20, v2;
	v7 =	vadd.s32 $0x30, v2;
	s11 =	sadd.s32 $0x4, s11;
	[tilespmem:s10+$0x0] =	vst v4  }
0x21f: {  	v4 =	vshrl.u32 v5, $0x13;
	v8 =	vshrl.u32 v7, $0x13;
	v9 =	vshll.u32 v7, $0xD;
	p0 =	slt.u32 s11, $0x1F0C;
	[tilespmem:s10+$0xFFFFFFE0] =	vst v3  }
0x220: {  	v10 =	vshrl.u32 v6, $0x13;
	v3 =	vshll.u32 v5, $0xD;
	v8 =	vor.u32 v8, v9  }
0x221: {  	v11 =	vshll.u32 v6, $0xD;
	v9 =	vshll.u32 v2, $0xD;
	v8 =	vxor.u32 v7, v8  }
0x222: {  	v12 =	vshrl.u32 v2, $0x13;
	v13 =	vshrl.u32 v8, $0x11;
	v14 =	vshll.u32 v8, $0xF  }
0x223: {  	v3 =	vor.u32 v4, v3;
	v4 =	vadd.s32 v7, v8;
	v7 =	vor.u32 v13, v14  }
0x224: {  	v8 =	vor.u32 v12, v9;
	v9 =	vor.u32 v10, v11;
	v7 =	vxor.u32 v4, v7  }
0x225: {  	v3 =	vxor.u32 v5, v3;
	v10 =	vshrl.u32 v7, $0x6;
	v11 =	vshll.u32 v7, $0x1A  }
0x226: {  	v9 =	vxor.u32 v6, v9;
	v4 =	vadd.s32 v4, v7;
	v7 =	vor.u32 v10, v11  }
0x227: {  	v8 =	vxor.u32 v2, v8;
	v10 =	vshrl.u32 v3, $0x11;
	v7 =	vxor.u32 v4, v7  }
0x228: {  	v11 =	vshll.u32 v3, $0xF;
	v12 =	vshrl.u32 v7, $0x1A;
	v13 =	vshll.u32 v7, $0x6  }
0x229: {  	v14 =	vshrl.u32 v9, $0x11;
	v4 =	vadd.s32 v4, v7;
	v7 =	vor.u32 v12, v13  }
0x22a: {  	v12 =	vshrl.u32 v8, $0x11;
	v13 =	vshll.u32 v9, $0xF;
	v7 =	vxor.u32 v4, v7  }
0x22b: {  	v15 =	vshll.u32 v8, $0xF;
	v10 =	vor.u32 v10, v11;
	v7 =	vadd.s32 $0x1BD11BF1, v7  }
0x22c: {  	v4 =	vadd.s32 v7, v4;
	v11 =	vshrl.u32 v7, $0xF;
	v7 =	vshll.u32 v7, $0x11  }
0x22d: {  	v13 =	vor.u32 v14, v13;
	v4 =	vadd.s32 $0x2A, v4;
	v7 =	vor.u32 v11, v7  }
0x22e: {  	v3 =	vadd.s32 v5, v3;
	v11 =	vor.u32 v12, v15;
	v5 =	vxor.u32 v4, v7  }
0x22f: {  	v6 =	vadd.s32 v6, v9;
	v7 =	vshrl.u32 v5, $0x3;
	v9 =	vshll.u32 v5, $0x1D  }
0x230: {  	v8 =	vadd.s32 v2, v8;
	v4 =	vadd.s32 v4, v5;
	v5 =	vor.u32 v7, v9  }
0x231: {  	v7 =	vxor.u32 v3, v10;
	v9 =	vxor.u32 v6, v13;
	v5 =	vxor.u32 v4, v5  }
0x232: {  	v10 =	vxor.u32 v8, v11;
	v11 =	vshrl.u32 v5, $0x10;
	v12 =	vshll.u32 v5, $0x10  }
0x233: {  	v13 =	vshrl.u32 v7, $0x6;
	v4 =	vadd.s32 v4, v5;
	v5 =	vor.u32 v11, v12  }
0x234: {  	v11 =	vshll.u32 v7, $0x1A;
	v12 =	vshrl.u32 v9, $0x6;
	v5 =	vxor.u32 v4, v5  }
0x235: {  	v14 =	vshll.u32 v9, $0x1A;
	v15 =	vshrl.u32 v5, $0x8;
	v16 =	vshll.u32 v5, $0x18  }
0x236: {  	v17 =	vshrl.u32 v10, $0x6;
	v4 =	vadd.s32 v4, v5;
	v5 =	vor.u32 v15, v16  }
0x237: {  	v11 =	vor.u32 v13, v11;
	v15 =	vshll.u32 v10, $0x1A;
	v5 =	vxor.u32 v4, v5  }
0x238: {  	v12 =	vor.u32 v12, v14;
	v13 =	vor.u32 v17, v15;
	v5 =	vadd.s32 $0x2, v5  }
0x239: {  	v4 =	vadd.s32 v5, v4;
	v14 =	vshrl.u32 v5, $0x13;
	v5 =	vshll.u32 v5, $0xD  }
0x23a: {  	v3 =	vadd.s32 v3, v7;
	v4 =	vadd.s32 $0x1BD11BF0, v4;
	v5 =	vor.u32 v14, v5  }
0x23b: {  	v6 =	vadd.s32 v6, v9;
	v7 =	vadd.s32 v8, v10;
	v5 =	vxor.u32 v4, v5  }
0x23c: {  	v8 =	vxor.u32 v3, v11;
	v9 =	vshrl.u32 v5, $0x11;
	v10 =	vshll.u32 v5, $0xF  }
0x23d: {  	v11 =	vxor.u32 v6, v12;
	v4 =	vadd.s32 v4, v5;
	v5 =	vor.u32 v9, v10  }
0x23e: {  	v9 =	vxor.u32 v7, v13;
	v10 =	vshrl.u32 v8, $0x1A;
	v5 =	vxor.u32 v4, v5  }
0x23f: {  	v12 =	vshll.u32 v8, $0x6;
	v13 =	vshrl.u32 v5, $0x6;
	v14 =	vshll.u32 v5, $0x1A  }
0x240: {  	v15 =	vshrl.u32 v11, $0x1A;
	v4 =	vadd.s32 v4, v5;
	v5 =	vor.u32 v13, v14  }
0x241: {  	v13 =	vshrl.u32 v9, $0x1A;
	v14 =	vshll.u32 v11, $0x6;
	v5 =	vxor.u32 v4, v5  }
0x242: {  	v16 =	vshll.u32 v9, $0x6;
	v17 =	vshrl.u32 v5, $0x1A;
	v18 =	vshll.u32 v5, $0x6  }
0x243: {  	v10 =	vor.u32 v10, v12;
	v4 =	vadd.s32 v4, v5;
	v5 =	vor.u32 v17, v18  }
0x244: {  	v12 =	vor.u32 v13, v16;
	v13 =	vor.u32 v15, v14;
	v5 =	vxor.u32 v4, v5  }
0x245: {  	v3 =	vadd.s32 v3, v8;
	v6 =	vadd.s32 v6, v11;
	v5 =	vadd.s32 $0x2D, v5  }
0x246: {  	v7 =	vadd.s32 v7, v9;
	v8 =	vshrl.u32 v5, $0xF;
	v9 =	vshll.u32 v5, $0x11  }
0x247: {  	v10 =	vxor.u32 v3, v10;
	v4 =	vadd.s32 v4, v5;
	v5 =	vor.u32 v8, v9  }
0x248: {  	v8 =	vxor.u32 v7, v12;
	v9 =	vxor.u32 v6, v13;
	v5 =	vxor.u32 v4, v5  }
0x249: {  	v10 =	vadd.s32 $0x1BD11BF1, v10;
	v11 =	vshrl.u32 v5, $0x3;
	v12 =	vshll.u32 v5, $0x1D  }
0x24a: {  	v9 =	vadd.s32 $0x1BD11BF1, v9;
	v4 =	vadd.s32 v4, v5;
	v5 =	vor.u32 v11, v12  }
0x24b: {  	v3 =	vadd.s32 v10, v3;
	v8 =	vadd.s32 $0x1BD11BF1, v8;
	v5 =	vxor.u32 v4, v5  }
0x24c: {  	v11 =	vshrl.u32 v10, $0xF;
	v12 =	vshrl.u32 v5, $0x10;
	v13 =	vshll.u32 v5, $0x10  }
0x24d: {  	v10 =	vshll.u32 v10, $0x11;
	v4 =	vadd.s32 v4, v5;
	v5 =	vor.u32 v12, v13  }
0x24e: {  	v6 =	vadd.s32 v9, v6;
	v12 =	vshrl.u32 v9, $0xF;
	v5 =	vxor.u32 v4, v5  }
0x24f: {  	v9 =	vshll.u32 v9, $0x11;
	v13 =	vshrl.u32 v5, $0x8;
	v14 =	vshll.u32 v5, $0x18  }
0x250: {  	v7 =	vadd.s32 v8, v7;
	v4 =	vadd.s32 v4, v5;
	v5 =	vor.u32 v13, v14  }
0x251: {  	v13 =	vshrl.u32 v8, $0xF;
	v8 =	vshll.u32 v8, $0x11;
	v5 =	vxor.u32 v4, v5  }
0x252: {  	v3 =	vadd.s32 $0x2A, v3;
	v10 =	vor.u32 v11, v10;
	v5 =	vadd.s32 $0x1BD11BF4, v5  }
0x253: {  	v4 =	vadd.s32 v5, v4;
	v11 =	vshrl.u32 v5, $0x13;
	v5 =	vshll.u32 v5, $0xD  }
0x254: {  	v6 =	vadd.s32 $0x2A, v6;
	v4 =	vadd.s32 $0x2A, v4;
	v5 =	vor.u32 v11, v5  }
0x255: {  	v7 =	vadd.s32 $0x2A, v7;
	v9 =	vor.u32 v12, v9;
	v5 =	vxor.u32 v4, v5  }
0x256: {  	v8 =	vor.u32 v13, v8;
	v11 =	vshrl.u32 v5, $0x11;
	v12 =	vshll.u32 v5, $0xF  }
0x257: {  	v10 =	vxor.u32 v3, v10;
	v4 =	vadd.s32 v4, v5;
	v5 =	vor.u32 v11, v12  }
0x258: {  	v9 =	vxor.u32 v6, v9;
	v8 =	vxor.u32 v7, v8;
	v5 =	vxor.u32 v4, v5  }
0x259: {  	v11 =	vshrl.u32 v10, $0x3;
	v12 =	vshrl.u32 v5, $0x6;
	v13 =	vshll.u32 v5, $0x1A  }
0x25a: {  	v14 =	vshll.u32 v10, $0x1D;
	v4 =	vadd.s32 v4, v5;
	v5 =	vor.u32 v12, v13  }
0x25b: {  	v12 =	vshrl.u32 v9, $0x3;
	v13 =	vshll.u32 v9, $0x1D;
	v5 =	vxor.u32 v4, v5  }
0x25c: {  	v15 =	vshrl.u32 v8, $0x3;
	v16 =	vshrl.u32 v5, $0x1A;
	v17 =	vshll.u32 v5, $0x6  }
0x25d: {  	v18 =	vshll.u32 v8, $0x1D;
	v4 =	vadd.s32 v4, v5;
	v5 =	vor.u32 v16, v17  }
0x25e: {  	v11 =	vor.u32 v11, v14;
	v12 =	vor.u32 v12, v13;
	v5 =	vxor.u32 v4, v5  }
0x25f: {  	v13 =	vor.u32 v15, v18;
	v4 =	vadd.s32 $0x1BD11BF0, v4;
	v5 =	vadd.s32 $0x5, v5  }
0x260: {  	s10 =	sadd.s32 $0x40, s10;
	v3 =	vadd.s32 v3, v10;
	v6 =	vadd.s32 v6, v9;
	v4 =	vxor.u32 v4, v5  }
0x261: {  	v5 =	vadd.s32 v7, v8;
	v7 =	vxor.u32 v3, v11;
	v8 =	vxor.u32 v6, v12;
	[tilespmem:s10+$0x10] =	vst v4  }
0x262: {  	v9 =	vshrl.u32 v7, $0x10;
	v10 =	vshll.u32 v7, $0x10;
	v4 =	vxor.u32 v5, v13  }
0x263: {  	v12 =	vshrl.u32 v8, $0x10;
	v13 =	vshll.u32 v8, $0x10;
	v11 =	vshrl.u32 v4, $0x10  }
0x264: {  	v9 =	vor.u32 v9, v10;
	v14 =	vshll.u32 v4, $0x10;
	v10 =	vor.u32 v12, v13  }
0x265: {  	v3 =	vadd.s32 v3, v7;
	v6 =	vadd.s32 v6, v8;
	v11 =	vor.u32 v11, v14  }
0x266: {  	v4 =	vadd.s32 v5, v4;
	v5 =	vxor.u32 v3, v9;
	v7 =	vxor.u32 v6, v10  }
0x267: {  	v9 =	vshrl.u32 v5, $0x8;
	v10 =	vshll.u32 v5, $0x18;
	v8 =	vxor.u32 v4, v11  }
0x268: {  	v12 =	vshrl.u32 v7, $0x8;
	v13 =	vshll.u32 v7, $0x18;
	v11 =	vshrl.u32 v8, $0x8  }
0x269: {  	v9 =	vor.u32 v9, v10;
	v14 =	vshll.u32 v8, $0x18;
	v10 =	vor.u32 v12, v13  }
0x26a: {  	v3 =	vadd.s32 v3, v5;
	v5 =	vadd.s32 v6, v7;
	v11 =	vor.u32 v11, v14  }
0x26b: {  	v4 =	vadd.s32 v4, v8;
	v6 =	vxor.u32 v3, v9;
	v7 =	vxor.u32 v5, v10  }
0x26c: {  	v6 =	vadd.s32 $0x2, v6;
	v8 =	vxor.u32 v4, v11;
	v7 =	vadd.s32 $0x2, v7  }
0x26d: {  	v3 =	vadd.s32 v6, v3;
	v9 =	vshrl.u32 v6, $0x13;
	v8 =	vadd.s32 $0x2, v8  }
0x26e: {  	v6 =	vshll.u32 v6, $0xD;
	v5 =	vadd.s32 v7, v5;
	v10 =	vshrl.u32 v7, $0x13  }
0x26f: {  	v7 =	vshll.u32 v7, $0xD;
	v4 =	vadd.s32 v8, v4;
	v11 =	vshrl.u32 v8, $0x13  }
0x270: {  	v3 =	vadd.s32 $0x1BD11BF0, v3;
	v6 =	vor.u32 v9, v6;
	v8 =	vshll.u32 v8, $0xD  }
0x271: {  	v5 =	vadd.s32 $0x1BD11BF0, v5;
	v7 =	vor.u32 v10, v7;
	v4 =	vadd.s32 $0x1BD11BF0, v4  }
0x272: {  	v6 =	vxor.u32 v3, v6;
	v8 =	vor.u32 v11, v8;
	v7 =	vxor.u32 v5, v7  }
0x273: {  	v9 =	vshrl.u32 v6, $0x11;
	v10 =	vshll.u32 v6, $0xF;
	v8 =	vxor.u32 v4, v8  }
0x274: {  	v12 =	vshrl.u32 v7, $0x11;
	v13 =	vshll.u32 v7, $0xF;
	v11 =	vshrl.u32 v8, $0x11  }
0x275: {  	v9 =	vor.u32 v9, v10;
	v14 =	vshll.u32 v8, $0xF;
	v10 =	vor.u32 v12, v13  }
0x276: {  	v3 =	vadd.s32 v3, v6;
	v5 =	vadd.s32 v5, v7;
	v11 =	vor.u32 v11, v14  }
0x277: {  	v4 =	vadd.s32 v4, v8;
	v6 =	vxor.u32 v3, v9;
	v7 =	vxor.u32 v5, v10  }
0x278: {  	v9 =	vshrl.u32 v6, $0x6;
	v10 =	vshll.u32 v6, $0x1A;
	v8 =	vxor.u32 v4, v11  }
0x279: {  	v12 =	vshrl.u32 v7, $0x6;
	v13 =	vshll.u32 v7, $0x1A;
	v11 =	vshrl.u32 v8, $0x6  }
0x27a: {  	v9 =	vor.u32 v9, v10;
	v14 =	vshll.u32 v8, $0x1A;
	v10 =	vor.u32 v12, v13  }
0x27b: {  	v3 =	vadd.s32 v3, v6;
	v5 =	vadd.s32 v5, v7;
	v11 =	vor.u32 v11, v14  }
0x27c: {  	v4 =	vadd.s32 v4, v8;
	v6 =	vxor.u32 v3, v9;
	v7 =	vxor.u32 v5, v10  }
0x27d: {  	v9 =	vshrl.u32 v6, $0x1A;
	v10 =	vshll.u32 v6, $0x6;
	v8 =	vxor.u32 v4, v11  }
0x27e: {  	v12 =	vshrl.u32 v7, $0x1A;
	v13 =	vshll.u32 v7, $0x6;
	v11 =	vshrl.u32 v8, $0x1A  }
0x27f: {  	v9 =	vor.u32 v9, v10;
	v14 =	vshll.u32 v8, $0x6;
	v10 =	vor.u32 v12, v13  }
0x280: {  	v3 =	vadd.s32 v3, v6;
	v5 =	vadd.s32 v5, v7;
	v11 =	vor.u32 v11, v14  }
0x281: {  	v4 =	vadd.s32 v4, v8;
	v6 =	vxor.u32 v3, v9;
	v7 =	vxor.u32 v5, v10  }
0x282: {  	v6 =	vadd.s32 $0x2D, v6;
	v8 =	vxor.u32 v4, v11;
	v7 =	vadd.s32 $0x2D, v7  }
0x283: {  	v9 =	vshrl.u32 v6, $0xF;
	v10 =	vshll.u32 v6, $0x11;
	v8 =	vadd.s32 $0x2D, v8  }
0x284: {  	v12 =	vshrl.u32 v7, $0xF;
	v13 =	vshll.u32 v7, $0x11;
	v11 =	vshrl.u32 v8, $0xF  }
0x285: {  	v9 =	vor.u32 v9, v10;
	v14 =	vshll.u32 v8, $0x11;
	v10 =	vor.u32 v12, v13  }
0x286: {  	v3 =	vadd.s32 v3, v6;
	v5 =	vadd.s32 v5, v7;
	v11 =	vor.u32 v11, v14  }
0x287: {  	v4 =	vadd.s32 v4, v8;
	v6 =	vxor.u32 v3, v9;
	v7 =	vxor.u32 v5, v10  }
0x288: {  	v9 =	vshrl.u32 v6, $0x3;
	v10 =	vshll.u32 v6, $0x1D;
	v8 =	vxor.u32 v4, v11  }
0x289: {  	v12 =	vshrl.u32 v7, $0x3;
	v13 =	vshll.u32 v7, $0x1D;
	v11 =	vshrl.u32 v8, $0x3  }
0x28a: {  	v9 =	vor.u32 v9, v10;
	v14 =	vshll.u32 v8, $0x1D;
	v10 =	vor.u32 v12, v13  }
0x28b: {  	v3 =	vadd.s32 v3, v6;
	v5 =	vadd.s32 v5, v7;
	v11 =	vor.u32 v11, v14  }
0x28c: {  	v4 =	vadd.s32 v4, v8;
	v6 =	vxor.u32 v3, v9;
	v7 =	vxor.u32 v5, v10  }
0x28d: {  	v9 =	vshrl.u32 v6, $0x10;
	v10 =	vshll.u32 v6, $0x10;
	v8 =	vxor.u32 v4, v11  }
0x28e: {  	v12 =	vshrl.u32 v7, $0x10;
	v13 =	vshll.u32 v7, $0x10;
	v11 =	vshrl.u32 v8, $0x10  }
0x28f: {  	v9 =	vor.u32 v9, v10;
	v14 =	vshll.u32 v8, $0x10;
	v10 =	vor.u32 v12, v13  }
0x290: {  	v3 =	vadd.s32 v3, v6;
	v5 =	vadd.s32 v5, v7;
	v11 =	vor.u32 v11, v14  }
0x291: {  	v4 =	vadd.s32 v4, v8;
	v6 =	vxor.u32 v3, v9;
	v7 =	vxor.u32 v5, v10  }
0x292: {  	v9 =	vshrl.u32 v6, $0x8;
	v10 =	vshll.u32 v6, $0x18;
	v8 =	vxor.u32 v4, v11  }
0x293: {  	v12 =	vshrl.u32 v7, $0x8;
	v13 =	vshll.u32 v7, $0x18;
	v11 =	vshrl.u32 v8, $0x8  }
0x294: {  	v9 =	vor.u32 v9, v10;
	v14 =	vshll.u32 v8, $0x18;
	v10 =	vor.u32 v12, v13  }
0x295: {  	v3 =	vadd.s32 v3, v6;
	v5 =	vadd.s32 v5, v7;
	v11 =	vor.u32 v11, v14  }
0x296: {  	v4 =	vadd.s32 v4, v8;
	v6 =	vxor.u32 v3, v9;
	v7 =	vxor.u32 v5, v10  }
0x297: {  	v6 =	vadd.s32 $0x1BD11BF4, v6;
	v8 =	vxor.u32 v4, v11;
	v7 =	vadd.s32 $0x1BD11BF4, v7  }
0x298: {  	v3 =	vadd.s32 v6, v3;
	v9 =	vshrl.u32 v6, $0x13;
	v8 =	vadd.s32 $0x1BD11BF4, v8  }
0x299: {  	v6 =	vshll.u32 v6, $0xD;
	v5 =	vadd.s32 v7, v5;
	v10 =	vshrl.u32 v7, $0x13  }
0x29a: {  	v7 =	vshll.u32 v7, $0xD;
	v4 =	vadd.s32 v8, v4;
	v11 =	vshrl.u32 v8, $0x13  }
0x29b: {  	v3 =	vadd.s32 $0x2A, v3;
	v6 =	vor.u32 v9, v6;
	v8 =	vshll.u32 v8, $0xD  }
0x29c: {  	v5 =	vadd.s32 $0x2A, v5;
	v7 =	vor.u32 v10, v7;
	v4 =	vadd.s32 $0x2A, v4  }
0x29d: {  	v6 =	vxor.u32 v3, v6;
	v8 =	vor.u32 v11, v8;
	v7 =	vxor.u32 v5, v7  }
0x29e: {  	v9 =	vshrl.u32 v6, $0x11;
	v10 =	vshll.u32 v6, $0xF;
	v8 =	vxor.u32 v4, v8  }
0x29f: {  	v12 =	vshrl.u32 v7, $0x11;
	v13 =	vshll.u32 v7, $0xF;
	v11 =	vshrl.u32 v8, $0x11  }
0x2a0: {  	v9 =	vor.u32 v9, v10;
	v14 =	vshll.u32 v8, $0xF;
	v10 =	vor.u32 v12, v13  }
0x2a1: {  	v3 =	vadd.s32 v3, v6;
	v5 =	vadd.s32 v5, v7;
	v11 =	vor.u32 v11, v14  }
0x2a2: {  	v4 =	vadd.s32 v4, v8;
	v6 =	vxor.u32 v3, v9;
	v7 =	vxor.u32 v5, v10  }
0x2a3: {  	v9 =	vshrl.u32 v6, $0x6;
	v10 =	vshll.u32 v6, $0x1A;
	v8 =	vxor.u32 v4, v11  }
0x2a4: {  	v12 =	vshrl.u32 v7, $0x6;
	v13 =	vshll.u32 v7, $0x1A;
	v11 =	vshrl.u32 v8, $0x6  }
0x2a5: {  	v9 =	vor.u32 v9, v10;
	v14 =	vshll.u32 v8, $0x1A;
	v10 =	vor.u32 v12, v13  }
0x2a6: {  	v3 =	vadd.s32 v3, v6;
	v5 =	vadd.s32 v5, v7;
	v11 =	vor.u32 v11, v14  }
0x2a7: {  	v4 =	vadd.s32 v4, v8;
	v6 =	vxor.u32 v3, v9;
	v7 =	vxor.u32 v5, v10  }
0x2a8: {  	v9 =	vshrl.u32 v6, $0x1A;
	v10 =	vshll.u32 v6, $0x6;
	v8 =	vxor.u32 v4, v11  }
0x2a9: {  	v12 =	vshrl.u32 v7, $0x1A;
	v13 =	vshll.u32 v7, $0x6;
	v11 =	vshrl.u32 v8, $0x1A  }
0x2aa: {  	v9 =	vor.u32 v9, v10;
	v14 =	vshll.u32 v8, $0x6;
	v10 =	vor.u32 v12, v13  }
0x2ab: {  	v3 =	vadd.s32 v3, v6;
	v5 =	vadd.s32 v5, v7;
	v11 =	vor.u32 v11, v14  }
.Ltmp1:
0x2ac: {  	v4 =	vadd.s32 v4, v8;
	v6 =	vxor.u32 v3, v9;
	v7 =	vxor.u32 v5, v10;
	(pc) =	sbr.rel @p0 .LBB2_4-.Ltmp1, $4  }
0x2ad: {  	v6 =	vadd.s32 $0x5, v6;
	v8 =	vxor.u32 v4, v11;
	v7 =	vadd.s32 $0x5, v7  }
0x2ae: {  	v3 =	vadd.s32 $0x1BD11BF0, v3;
	v5 =	vadd.s32 $0x1BD11BF0, v5;
	v8 =	vadd.s32 $0x5, v8  }
0x2af: {  	v9 =	vadd.s32 $0x1BD11BF0, v4;
	v6 =	vxor.u32 v3, v6;
	v4 =	vxor.u32 v5, v7  }
0x2b0: {  	v2 =	vadd.s32 $0x40, v2;
	v3 =	vxor.u32 v9, v8;
	[tilespmem:s10+$0xFFFFFFF0] =	vst v6  }
0x2b1: {  	v5 =	vshrl.u32 v2, $0x13;
	v6 =	vshll.u32 v2, $0xD  }
0x2b2: {  	v1 =	vadd.s32 $0x50, v1;
	v5 =	vor.u32 v5, v6  }
0x2b3: {  	v45 =	vshrl.u32 v1, $0x13;
	v46 =	vshll.u32 v1, $0xD;
	v5 =	vxor.u32 v2, v5  }
0x2b4: {  	v6 =	vor.u32 v45, v46;
	v33 =	vshrl.u32 v5, $0x11  }
0x2b5: {  	v7 =	vshll.u32 v5, $0xF;
	v2 =	vadd.s32 v2, v5;
	v6 =	vxor.u32 v1, v6  }
0x2b6: {  	v34 =	vor.u32 v33, v7;
	v48 =	vshrl.u32 v6, $0x11;
	v8 =	vshll.u32 v6, $0xF  }
0x2b7: {  	v1 =	vadd.s32 v1, v6;
	v5 =	vxor.u32 v2, v34;
	v49 =	vor.u32 v48, v8  }
0x2b8: {  	v35 =	vshrl.u32 v5, $0x6;
	v36 =	vshll.u32 v5, $0x1A;
	v6 =	vxor.u32 v1, v49  }
0x2b9: {  	v2 =	vadd.s32 v2, v5;
	v37 =	vor.u32 v35, v36;
	v51 =	vshrl.u32 v6, $0x6  }
0x2ba: {  	v9 =	vshll.u32 v6, $0x1A;
	v1 =	vadd.s32 v1, v6;
	v5 =	vxor.u32 v2, v37  }
0x2bb: {  	v52 =	vor.u32 v51, v9;
	v38 =	vshrl.u32 v5, $0x1A;
	v39 =	vshll.u32 v5, $0x6  }
0x2bc: {  	v2 =	vadd.s32 v2, v5;
	v6 =	vxor.u32 v1, v52;
	v40 =	vor.u32 v38, v39  }
0x2bd: {  	v53 =	vshrl.u32 v6, $0x1A;
	v54 =	vshll.u32 v6, $0x6;
	v5 =	vxor.u32 v2, v40  }
0x2be: {  	v1 =	vadd.s32 v1, v6;
	v55 =	vor.u32 v53, v54;
	v5 =	vadd.s32 $0x1BD11BF1, v5  }
0x2bf: {  	v6 =	vxor.u32 v1, v55;
	v2 =	vadd.s32 v5, v2;
	v41 =	vshrl.u32 v5, $0xF  }
0x2c0: {  	v5 =	vshll.u32 v5, $0x11;
	v6 =	vadd.s32 $0x1BD11BF1, v6;
	v2 =	vadd.s32 $0x2A, v2  }
0x2c1: {  	v5 =	vor.u32 v41, v5;
	v1 =	vadd.s32 v6, v1;
	v57 =	vshrl.u32 v6, $0xF  }
0x2c2: {  	v6 =	vshll.u32 v6, $0x11;
	v5 =	vxor.u32 v2, v5;
	v1 =	vadd.s32 $0x2A, v1  }
0x2c3: {  	v6 =	vor.u32 v57, v6;
	v42 =	vshrl.u32 v5, $0x3;
	v43 =	vshll.u32 v5, $0x1D  }
0x2c4: {  	v2 =	vadd.s32 v2, v5;
	v6 =	vxor.u32 v1, v6;
	v44 =	vor.u32 v42, v43  }
0x2c5: {  	v1 =	vadd.s32 v1, v6;
	v58 =	vshrl.u32 v6, $0x3;
	v6 =	vshll.u32 v6, $0x1D  }
0x2c6: {  	v5 =	vxor.u32 v2, v44;
	v6 =	vor.u32 v58, v6  }
0x2c7: {  	v2 =	vadd.s32 v2, v5;
	v47 =	vshrl.u32 v5, $0x10;
	v5 =	vshll.u32 v5, $0x10  }
0x2c8: {  	v6 =	vxor.u32 v1, v6;
	v5 =	vor.u32 v47, v5  }
0x2c9: {  	v62 =	vshrl.u32 v6, $0x10;
	v63 =	vshll.u32 v6, $0x10;
	v5 =	vxor.u32 v2, v5  }
0x2ca: {  	v1 =	vadd.s32 v1, v6;
	v12 =	vor.u32 v62, v63;
	v2 =	vadd.s32 v2, v5  }
0x2cb: {  	v50 =	vshrl.u32 v5, $0x8;
	v5 =	vshll.u32 v5, $0x18;
	v6 =	vxor.u32 v1, v12  }
0x2cc: {  	v5 =	vor.u32 v50, v5;
	v14 =	vshrl.u32 v6, $0x8;
	v15 =	vshll.u32 v6, $0x18  }
0x2cd: {  	v1 =	vadd.s32 v1, v6;
	v5 =	vxor.u32 v2, v5;
	v16 =	vor.u32 v14, v15  }
0x2ce: {  	v5 =	vadd.s32 $0x2, v5;
	v6 =	vxor.u32 v1, v16  }
0x2cf: {  	v2 =	vadd.s32 v5, v2;
	v56 =	vshrl.u32 v5, $0x13;
	v5 =	vshll.u32 v5, $0xD  }
0x2d0: {  	v6 =	vadd.s32 $0x2, v6;
	v2 =	vadd.s32 $0x1BD11BF0, v2;
	v5 =	vor.u32 v56, v5  }
0x2d1: {  	v1 =	vadd.s32 v6, v1;
	v20 =	vshrl.u32 v6, $0x13;
	v6 =	vshll.u32 v6, $0xD  }
0x2d2: {  	v5 =	vxor.u32 v2, v5;
	v1 =	vadd.s32 $0x1BD11BF0, v1;
	v6 =	vor.u32 v20, v6  }
0x2d3: {  	v59 =	vshrl.u32 v5, $0x11;
	v60 =	vshll.u32 v5, $0xF;
	v6 =	vxor.u32 v1, v6  }
0x2d4: {  	v2 =	vadd.s32 v2, v5;
	v61 =	vor.u32 v59, v60;
	v1 =	vadd.s32 v1, v6  }
0x2d5: {  	v21 =	vshrl.u32 v6, $0x11;
	v6 =	vshll.u32 v6, $0xF;
	v5 =	vxor.u32 v2, v61  }
0x2d6: {  	v6 =	vor.u32 v21, v6;
	v2 =	vadd.s32 v2, v5  }
0x2d7: {  	v13 =	vshrl.u32 v5, $0x6;
	v5 =	vshll.u32 v5, $0x1A;
	v6 =	vxor.u32 v1, v6  }
0x2d8: {  	v5 =	vor.u32 v13, v5;
	v25 =	vshrl.u32 v6, $0x6  }
0x2d9: {  	v26 =	vshll.u32 v6, $0x1A;
	v1 =	vadd.s32 v1, v6;
	v5 =	vxor.u32 v2, v5  }
0x2da: {  	v27 =	vor.u32 v25, v26;
	v17 =	vshrl.u32 v5, $0x1A;
	v18 =	vshll.u32 v5, $0x6  }
0x2db: {  	v2 =	vadd.s32 v2, v5;
	v6 =	vxor.u32 v1, v27;
	v19 =	vor.u32 v17, v18  }
0x2dc: {  	v29 =	vshrl.u32 v6, $0x1A;
	v30 =	vshll.u32 v6, $0x6;
	v5 =	vxor.u32 v2, v19  }
0x2dd: {  	v1 =	vadd.s32 v1, v6;
	v31 =	vor.u32 v29, v30;
	v5 =	vadd.s32 $0x2D, v5  }
0x2de: {  	v6 =	vxor.u32 v1, v31;
	v22 =	vshrl.u32 v5, $0xF  }
0x2df: {  	v23 =	vshll.u32 v5, $0x11;
	v2 =	vadd.s32 v2, v5;
	v6 =	vadd.s32 $0x2D, v6  }
0x2e0: {  	v24 =	vor.u32 v22, v23;
	v35 =	vshrl.u32 v6, $0xF;
	v36 =	vshll.u32 v6, $0x11  }
0x2e1: {  	v1 =	vadd.s32 v1, v6;
	v5 =	vxor.u32 v2, v24;
	v37 =	vor.u32 v35, v36  }
0x2e2: {  	v2 =	vadd.s32 v2, v5;
	v28 =	vshrl.u32 v5, $0x3;
	v5 =	vshll.u32 v5, $0x1D  }
0x2e3: {  	v6 =	vxor.u32 v1, v37;
	v5 =	vor.u32 v28, v5  }
0x2e4: {  	v39 =	vshrl.u32 v6, $0x3;
	v40 =	vshll.u32 v6, $0x1D;
	v5 =	vxor.u32 v2, v5  }
0x2e5: {  	v1 =	vadd.s32 v1, v6;
	v41 =	vor.u32 v39, v40;
	v32 =	vshrl.u32 v5, $0x10  }
0x2e6: {  	v33 =	vshll.u32 v5, $0x10;
	v2 =	vadd.s32 v2, v5;
	v6 =	vxor.u32 v1, v41  }
0x2e7: {  	v34 =	vor.u32 v32, v33;
	v42 =	vshrl.u32 v6, $0x10;
	v43 =	vshll.u32 v6, $0x10  }
0x2e8: {  	v1 =	vadd.s32 v1, v6;
	v5 =	vxor.u32 v2, v34;
	v44 =	vor.u32 v42, v43  }
0x2e9: {  	v2 =	vadd.s32 v2, v5;
	v38 =	vshrl.u32 v5, $0x8;
	v5 =	vshll.u32 v5, $0x18  }
0x2ea: {  	v6 =	vxor.u32 v1, v44;
	v5 =	vor.u32 v38, v5  }
0x2eb: {  	v46 =	vshrl.u32 v6, $0x8;
	v47 =	vshll.u32 v6, $0x18;
	v5 =	vxor.u32 v2, v5  }
0x2ec: {  	v1 =	vadd.s32 v1, v6;
	v48 =	vor.u32 v46, v47;
	v5 =	vadd.s32 $0x1BD11BF4, v5  }
0x2ed: {  	v6 =	vxor.u32 v1, v48;
	v2 =	vadd.s32 v5, v2  }
0x2ee: {  	v45 =	vshrl.u32 v5, $0x13;
	v5 =	vshll.u32 v5, $0xD;
	v6 =	vadd.s32 $0x1BD11BF4, v6  }
0x2ef: {  	v2 =	vadd.s32 $0x2A, v2;
	v5 =	vor.u32 v45, v5;
	v1 =	vadd.s32 v6, v1  }
0x2f0: {  	v50 =	vshrl.u32 v6, $0x13;
	v6 =	vshll.u32 v6, $0xD;
	v5 =	vxor.u32 v2, v5  }
0x2f1: {  	v1 =	vadd.s32 $0x2A, v1;
	v6 =	vor.u32 v50, v6;
	v2 =	vadd.s32 v2, v5  }
0x2f2: {  	v49 =	vshrl.u32 v5, $0x11;
	v5 =	vshll.u32 v5, $0xF;
	v6 =	vxor.u32 v1, v6  }
0x2f3: {  	v5 =	vor.u32 v49, v5;
	v1 =	vadd.s32 v1, v6  }
0x2f4: {  	v51 =	vshrl.u32 v6, $0x11;
	v6 =	vshll.u32 v6, $0xF;
	v5 =	vxor.u32 v2, v5  }
0x2f5: {  	v6 =	vor.u32 v51, v6;
	v52 =	vshrl.u32 v5, $0x6;
	v53 =	vshll.u32 v5, $0x1A  }
0x2f6: {  	v2 =	vadd.s32 v2, v5;
	v6 =	vxor.u32 v1, v6;
	v54 =	vor.u32 v52, v53  }
0x2f7: {  	v55 =	vshrl.u32 v6, $0x6;
	v56 =	vshll.u32 v6, $0x1A;
	v5 =	vxor.u32 v2, v54  }
0x2f8: {  	v1 =	vadd.s32 v1, v6;
	v57 =	vor.u32 v55, v56;
	v2 =	vadd.s32 v2, v5  }
0x2f9: {  	v58 =	vshrl.u32 v5, $0x1A;
	v5 =	vshll.u32 v5, $0x6;
	v6 =	vxor.u32 v1, v57  }
0x2fa: {  	v5 =	vor.u32 v58, v5;
	v59 =	vshrl.u32 v6, $0x1A;
	v60 =	vshll.u32 v6, $0x6  }
0x2fb: {  	v1 =	vadd.s32 v1, v6;
	v61 =	vor.u32 v59, v60;
	v5 =	vxor.u32 v2, v5  }
0x2fc: {  	[tilespmem:s10+$0x0] =	vst v4;
	v2 =	vadd.s32 $0x1BD11BF0, v2;
	v62 =	vadd.s32 $0x5, v5;
	v63 =	vxor.u32 v1, v61  }
0x2fd: {  	[tilespmem:s10+$0xFFFFFFE0] =	vst v3;
	s9 =	sadd.s32 $0x1, s9;
	v1 =	vadd.s32 $0x1BD11BF0, v1;
	v2 =	vxor.u32 v2, v62;
	v3 =	vadd.s32 $0x5, v63  }
0x2fe: {  	p0 =	sne.s32 s9, s6;
	[tilespmem:$0x1F180] =	vst v2;
	v1 =	vxor.u32 v1, v3  }
.Ltmp2:
0x2ff: {  	[tilespmem:$0x1F190] =	vst v1;
	(pc) =	sbr.rel @p0 .LBB2_1-.Ltmp2, $4  }
0x300: {  	[hbm4b:s5+s3] =	stream.linear.scatter [tilespmem:s8], [sflag:$0x1], $0x1F120, $0x38;
	[tilespmem:$0x1F200] =	vst v63  }
0x301: {  	_ =	swait.ge [sflag:s7], $0x1F120  }
0x302: {  	[sflag:s7] =	ssyncset.done $0x0  }
0x303: {  	[sflag:s7] =	ssyncadd.s32 $0xFFFE0EE0  }
0x304: {  	_ =	sfence.sel $0x180000  }
0x305: {  	[bflag:$0x0] =	sbarrier.arrive $0xFFFF  }
0x306: {  	p0 =	sne.s32 s0, $0x0;
	_ =	strace $0x90000047  }
0x307: {  	s0 =	sadd.s32 @!p0 $0x100000, s1;
	[bflag:$0x2] =	sbarrier.arrive $0xFFFF  }
0x308: {  	[sflag:s0] =	ssyncadd.tile.s32 @!p0 $0x1;
	_ =	shalt  }
.Lfunc_end2:
_tile_overlayer_lowered:
.L_overlay_start_2:
0x309: {  	(tag) =	ssettag $0x2  }
0x30a: {  	s0 =	rddreg [dreg:$0x0];
	s2 =	stileid.u32  }
0x30b: {  	s1 =	rddreg [dreg:$0x1];
	p0 =	sne.s32 s2, $0x0  }
0x30c: {  	s3 =	rddreg [dreg:$0x2];
	[bflag:$0x3] =	sbarrier.arrive $0xFFFF;
	s2 =	simm.s32 @!p0 $0x1C01  }
0x30d: {  	[timem:s3], [sflag:s2] =	dma.local @!p0 [hbm:s0], s1  }
0x30e: {  	s0 =	simm.s32 @!p0 $0x1  }
0x30f: {  	_ =	swait.ge @!p0 [sflag:s0], s1  }
0x310: {  	s1 =	ssub.s32 @!p0 $0x0, s1;
	[sflag:s0] =	ssyncset.done @!p0 $0x0  }
0x311: {  	[sflag:s0] =	ssyncadd.s32 @!p0 s1  }
0x312: {  	[bflag:$0x3] =	sbarrier.arrive $0xFFFF  }
0x313: {  	_ =	shalt  }

</sc_bundles>
